<compile_context>
chip_gen: v7x
topology: tpu7x:2x2x1
jax: 0.10.2.dev20260603
libtpu: 0.0.44.dev20260713+nightly
codegen_flags: <defaults>
</compile_context>

<pallas_src>
import functools

import jax
import jax.numpy as jnp
from jax import lax
from jax.experimental import pallas as pl
from jax.experimental.pallas import tpu as pltpu
from jax.experimental.pallas import tpu_sc as plsc

N_NODES = 10000
N_EDGES = 320000
D_IN = 128
D_HID = 128
N_CLS = 40

NP = 10240
EP = 327680
NC, NS = 2, 16
K = 128
RT = NP // NS
D3 = 48
N_CHUNK = (EP // K) // NS

_MESH = plsc.VectorSubcoreMesh(core_axis_name="c", subcore_axis_name="s")


def _zero_fill(buf, nrows, d):
    zv = jnp.zeros((16,), jnp.float32)

    def rowbody(j, carry):
        for k2 in range(d // 16):
            buf[j, pl.ds(k2 * 16, 16)] = zv
        return carry

    lax.fori_loop(0, nrows, rowbody, 0)


def _staged_writeback(acc_sh, out_ref, stage, s):
    for t in range(RT // K):
        pltpu.sync_copy(acc_sh.at[pl.ds(s * RT + t * K, K)], stage)
        pltpu.sync_copy(stage, out_ref.at[pl.ds(s * RT + t * K, K)])



def _make_deg_kernel():

    @functools.partial(
        pl.kernel,
        out_type=jax.ShapeDtypeStruct((NC, NP, 16), jnp.float32),
        mesh=_MESH,
        compiler_params=pltpu.CompilerParams(use_tc_tiling_on_sc=False),
        scratch_types=[
            pltpu.VMEM((K,), jnp.int32),
            pltpu.VMEM((K, 16), jnp.float32),
            pltpu.VMEM((K, 16), jnp.float32),
            pltpu.VMEM_SHARED((NP, 16), jnp.float32),
            pltpu.SemaphoreType.DMA,
        ],
    )
    def deg_kernel(dst_hbm, ones_hbm, out_hbm, dst_v, ones_v, zb, acc_sh, sem):
        c = lax.axis_index("c")
        s = lax.axis_index("s")
        wid = c * NS + s
        ew = EP // (NC * NS)
        _zero_fill(zb, K, 16)
        for t in range(RT // K):
            pltpu.sync_copy(zb, acc_sh.at[pl.ds(s * RT + t * K, K)])
        pltpu.sync_copy(ones_hbm, ones_v)
        plsc.subcore_barrier()
        base = wid * ew

        def body(j, carry):
            off = base + j * K
            pltpu.sync_copy(dst_hbm.at[pl.ds(off, K)], dst_v)
            pltpu.sync_copy(ones_v, acc_sh.at[dst_v], add=True)
            return carry

        lax.fori_loop(0, ew // K, body, 0)
        plsc.subcore_barrier()
        _staged_writeback(acc_sh, out_hbm.at[c], ones_v, s)

    return deg_kernel


def _make_prop_kernel(D):
    n = N_CHUNK
    assert n % 4 == 0

    @functools.partial(
        pl.kernel,
        out_type=jax.ShapeDtypeStruct((NP, D), jnp.float32),
        mesh=_MESH,
        compiler_params=pltpu.CompilerParams(use_tc_tiling_on_sc=False),
        scratch_types=[
            pltpu.VMEM((2, K), jnp.int32),
            pltpu.VMEM((2, K), jnp.int32),
            pltpu.VMEM((2, K), jnp.int32),
            pltpu.VMEM((2, K), jnp.int32),
            pltpu.VMEM((K, D), jnp.float32),
            pltpu.VMEM((K, D), jnp.float32),
            pltpu.VMEM_SHARED((NP, D), jnp.float32),
            pltpu.SemaphoreType.DMA,
            pltpu.SemaphoreType.DMA,
            pltpu.SemaphoreType.DMA,
            pltpu.SemaphoreType.DMA,
            pltpu.SemaphoreType.DMA,
            pltpu.SemaphoreType.DMA,
        ],
    )
    def prop_kernel(g_hbm, ei_hbm, out_hbm,
                    ei0, ei1, ei2, ei3, rows0, rows1, acc_sh,
                    is0, is1, is2, is3, gs0, gs1):
        c = lax.axis_index("c")
        s = lax.axis_index("s")
        cbase = s * n

        @pl.when(c == 0)
        def _core0():
            _zero_fill(rows0, K, D)
            for t in range(RT // K):
                pltpu.sync_copy(rows0, acc_sh.at[pl.ds(s * RT + t * K, K)])
            plsc.subcore_barrier()
            eib = (ei0, ei1, ei2, ei3)
            isems = (is0, is1, is2, is3)
            rb = (rows0, rows1)
            gsems = (gs0, gs1)

            def idx_start(j, u):
                pltpu.async_copy(ei_hbm.at[cbase + j], eib[u], isems[u])

            def idx_wait(j, u):
                pltpu.make_async_copy(ei_hbm.at[cbase + j], eib[u], isems[u]).wait()

            def g_start(u, ur):
                pltpu.async_copy(g_hbm.at[eib[u].at[0]], rb[ur], gsems[ur])

            def g_wait(u, ur):
                pltpu.make_async_copy(g_hbm.at[eib[u].at[0]], rb[ur], gsems[ur]).wait()

            for u in range(4):
                idx_start(u, u)
            idx_wait(0, 0)
            g_start(0, 0)
            idx_wait(1, 1)
            g_start(1, 1)

            def step(j, u):
                ur = u % 2
                g_wait(u, ur)
                pltpu.sync_copy(rb[ur], acc_sh.at[eib[u].at[1]], add=True)

                @pl.when(j + 4 < n)
                def _():
                    idx_start(j + 4, u)

                @pl.when(j + 2 < n)
                def _():
                    idx_wait(j + 2, (u + 2) % 4)
                    g_start((u + 2) % 4, ur)

            def body(i, carry):
                for u in range(4):
                    step(4 * i + u, u)
                return carry

            lax.fori_loop(0, n // 4, body, 0)
            plsc.subcore_barrier()
            _staged_writeback(acc_sh, out_hbm, rows0, s)

    return prop_kernel



_BLK = 2048
_GRID = NP // _BLK


def _dinv_block(degp):
    deg = degp[0, :, 0] + degp[1, :, 0] + 1.0
    return lax.rsqrt(deg)


def _mat1_body(x_ref, w_ref, degp_ref, out_ref):
    dinv = _dinv_block(degp_ref[...])
    h = jnp.dot(x_ref[...], w_ref[...], preferred_element_type=jnp.float32)
    out_ref[...] = dinv[:, None] * h


def _ep_mat_body(sp_ref, g_ref, degp_ref, b_ref, w_ref, out_ref):
    dinv = _dinv_block(degp_ref[...])
    h = dinv[:, None] * (sp_ref[...] + g_ref[...]) + b_ref[...]
    h = jnp.maximum(h, 0.0)
    out_ref[...] = dinv[:, None] * jnp.dot(h, w_ref[...],
                                           preferred_element_type=jnp.float32)


def _final_body(sp_ref, g_ref, degp_ref, b_ref, out_ref):
    dinv = _dinv_block(degp_ref[...])
    z = dinv[:, None] * (sp_ref[...] + g_ref[...]) + b_ref[...]
    m = jnp.max(z, axis=1, keepdims=True)
    lse = jnp.log(jnp.sum(jnp.exp(z - m), axis=1, keepdims=True)) + m
    out_ref[...] = (z - lse)[:, :N_CLS]


def _degp_spec():
    return pl.BlockSpec((2, _BLK, 16), lambda i: (0, i, 0))


def _full_spec(shape):
    return pl.BlockSpec(shape, lambda i: tuple(0 for _ in shape))


def _tc_mat1(xpad, W1, degp):
    return pl.pallas_call(
        _mat1_body,
        grid=(_GRID,),
        in_specs=[
            pl.BlockSpec((_BLK, D_IN), lambda i: (i, 0)),
            _full_spec((D_IN, D_HID)),
            _degp_spec(),
        ],
        out_specs=pl.BlockSpec((_BLK, D_HID), lambda i: (i, 0)),
        out_shape=jax.ShapeDtypeStruct((NP, D_HID), jnp.float32),
    )(xpad, W1, degp)


def _tc_ep_mat(sp, g, degp, b, W, d_out):
    return pl.pallas_call(
        _ep_mat_body,
        grid=(_GRID,),
        in_specs=[
            pl.BlockSpec((_BLK, D_HID), lambda i: (i, 0)),
            pl.BlockSpec((_BLK, D_HID), lambda i: (i, 0)),
            _degp_spec(),
            _full_spec((1, D_HID)),
            _full_spec((D_HID, d_out)),
        ],
        out_specs=pl.BlockSpec((_BLK, d_out), lambda i: (i, 0)),
        out_shape=jax.ShapeDtypeStruct((NP, d_out), jnp.float32),
    )(sp, g, degp, b, W)


def _tc_final(sp, g, degp, b):
    return pl.pallas_call(
        _final_body,
        grid=(_GRID,),
        in_specs=[
            pl.BlockSpec((_BLK, D3), lambda i: (i, 0)),
            pl.BlockSpec((_BLK, D3), lambda i: (i, 0)),
            _degp_spec(),
            _full_spec((1, D3)),
        ],
        out_specs=pl.BlockSpec((_BLK, N_CLS), lambda i: (i, 0)),
        out_shape=jax.ShapeDtypeStruct((NP, N_CLS), jnp.float32),
    )(sp, g, degp, b)



def kernel(x, edge_index, W1, b1, W2, b2, W3, b3):
    src = edge_index[0].astype(jnp.int32)
    dst = edge_index[1].astype(jnp.int32)
    pad_e = (N_NODES +
             jnp.arange(EP - N_EDGES, dtype=jnp.int32) % (NP - N_NODES))
    src_p = jnp.concatenate([src, pad_e])
    dst_p = jnp.concatenate([dst, pad_e])
    ei = jnp.stack([src_p.reshape(-1, K), dst_p.reshape(-1, K)], axis=1)
    xpad = jnp.zeros((NP, D_IN), jnp.float32).at[:N_NODES].set(x)

    ones16 = jnp.ones((K, 16), jnp.float32)

    W3p = jnp.zeros((D_HID, D3), jnp.float32).at[:, :N_CLS].set(W3)
    b1r = b1.reshape(1, D_HID)
    b2r = b2.reshape(1, D_HID)
    b3r = jnp.full((1, D3), -1e30, jnp.float32).at[0, :N_CLS].set(b3)

    deg_k = _make_deg_kernel()
    prop128 = _make_prop_kernel(D_HID)
    prop48 = _make_prop_kernel(D3)

    degp = deg_k(dst_p, ones16)

    g1 = _tc_mat1(xpad, W1, degp)
    s1 = prop128(g1, ei)
    g2 = _tc_ep_mat(s1, g1, degp, b1r, W2, D_HID)
    s2 = prop128(g2, ei)
    g3 = _tc_ep_mat(s2, g2, degp, b2r, W3p, D3)
    s3 = prop48(g3, ei)
    out = _tc_final(s3, g3, degp, b3r)
    return out[:N_NODES]

# --- scband reference (transcript-rebuilt; emitter-appended) ---
"""Pipeline reference for scband-gcn3-14061722927349 (READ-ONLY COPY).

The authoritative reference and input builder live on the scoring server;
editing this copy changes nothing except your own understanding.
"""

import jax, jax.numpy as jnp
import numpy as np

N_NODES = 10000
N_EDGES = 320000
D_IN = 128
D_HID = 128
N_CLS = 40


def gcn_conv(x, src, dst, W, b):
    n = x.shape[0]
    h = x @ W
    # add self-loops
    loop = jnp.arange(n, dtype=src.dtype)
    s = jnp.concatenate([src, loop])
    d = jnp.concatenate([dst, loop])
    deg = jnp.zeros((n,), dtype=h.dtype).at[d].add(1.0)
    dinv = jnp.where(deg > 0, 1.0 / jnp.sqrt(deg), 0.0)
    norm = dinv[s] * dinv[d]
    msg = h[s] * norm[:, None]
    out = jax.ops.segment_sum(msg, d, num_segments=n)
    return out + b


def setup_inputs(seed: int = 0) -> dict:
    key = jax.random.key(seed)
    ks = [jax.random.fold_in(key, i) for i in range(8)]
    x = jax.random.normal(ks[0], (N_NODES, D_IN), dtype=jnp.float32)
    edge_index = jax.random.randint(ks[1], (2, N_EDGES), 0, N_NODES, dtype=jnp.int64)
    W1 = jax.random.normal(ks[2], (D_IN, D_HID), dtype=jnp.float32) * 0.05
    b1 = jnp.zeros((D_HID,), dtype=jnp.float32)
    W2 = jax.random.normal(ks[3], (D_HID, D_HID), dtype=jnp.float32) * 0.05
    b2 = jnp.zeros((D_HID,), dtype=jnp.float32)
    W3 = jax.random.normal(ks[4], (D_HID, N_CLS), dtype=jnp.float32) * 0.05
    b3 = jnp.zeros((N_CLS,), dtype=jnp.float32)
    return {"x": x, "edge_index": edge_index, "W1": W1, "b1": b1, "W2": W2, "b2": b2, "W3": W3, "b3": b3}


def reference(x, edge_index, W1, b1, W2, b2, W3, b3):
    src, dst = edge_index[0], edge_index[1]
    h = gcn_conv(x, src, dst, W1, b1)
    h = jax.nn.relu(h)
    # dropout is identity in eval mode
    h = gcn_conv(h, src, dst, W2, b2)
    h = jax.nn.relu(h)
    h = gcn_conv(h, src, dst, W3, b3)
    return jax.nn.log_softmax(h, axis=1)

if __name__ == "__main__":
    import jax
    _d = setup_inputs()
    print(jax.jit(kernel)(*tuple(_d.values())))

</pallas_src>

<mosaic_0001>
#map = affine_map<(d0, d1) -> (0, 0)>
#map1 = affine_map<(d0, d1) -> (0, 0, 0)>
module attributes {stable_mosaic.version = 14 : i64} {
  func.func @prop_kernel(%arg0: i32, %arg1: i32, %arg2: memref<10240x128xf32, #tpu.memory_space<hbm>>, %arg3: memref<2560x2x128xi32, #tpu.memory_space<hbm>>, %arg4: memref<10240x128xf32, #tpu.memory_space<hbm>>, %arg5: memref<2x128xi32, #tpu.memory_space<vmem>>, %arg6: memref<2x128xi32, #tpu.memory_space<vmem>>, %arg7: memref<2x128xi32, #tpu.memory_space<vmem>>, %arg8: memref<2x128xi32, #tpu.memory_space<vmem>>, %arg9: memref<128x128xf32, #tpu.memory_space<vmem>>, %arg10: memref<128x128xf32, #tpu.memory_space<vmem>>, %arg11: memref<10240x128xf32, #tpu.memory_space<vmem_shared>>, %arg12: memref<!tpu.dma_semaphore, #tpu.memory_space<semaphore_mem>>, %arg13: memref<!tpu.dma_semaphore, #tpu.memory_space<semaphore_mem>>, %arg14: memref<!tpu.dma_semaphore, #tpu.memory_space<semaphore_mem>>, %arg15: memref<!tpu.dma_semaphore, #tpu.memory_space<semaphore_mem>>, %arg16: memref<!tpu.dma_semaphore, #tpu.memory_space<semaphore_mem>>, %arg17: memref<!tpu.dma_semaphore, #tpu.memory_space<semaphore_mem>>) attributes {dimension_semantics = [#tpu.dimension_semantics<core_parallel>, #tpu.dimension_semantics<subcore_parallel>], iteration_bounds = array<i64: 2, 16>, scalar_prefetch = 0 : i64, scratch_operands = 13 : i64, tpu.core_type = #tpu.core_type<sc_vector_subcore>, window_params = [{transform_indices = #map}, {transform_indices = #map1}, {transform_indices = #map}]} {
    %mul3A = arith.constant 160 : i32
    %mul3A_0 = arith.muli %arg1, %mul3A : i32
    %eq3A = arith.constant 0 : i32
    %eq3A_1 = arith.cmpi eq, %arg0, %eq3A : i32
    %convert_element_type3A = arith.extui %eq3A_1 : i1 to i32
    %cond3A = arith.constant 0 : i32
    %cond3A_2 = arith.cmpi ne, %convert_element_type3A, %cond3A : i32
    scf.if %cond3A_2 {
      %broadcast_in_dim3A = arith.constant 0.000000e+00 : f32
      %broadcast_in_dim3A_3 = vector.broadcast %broadcast_in_dim3A : f32 to vector<16xf32>
      %scan3A = arith.constant 0 : i32
      %scan3A_4 = arith.constant 0 : i32
      %scan3A_5 = arith.constant 128 : i32
      %scan3A_6 = arith.addi %scan3A_4, %scan3A_5 : i32
      %scan3A_7 = arith.constant 1 : i32
      scf.for %scan3A_147 = %scan3A_4 to %scan3A_6 step %scan3A_7  : i32 {
        %swap3A = arith.index_cast %scan3A_147 : i32 to index
        %swap3A_148 = arith.constant 0 : index
        %swap3A_149 = tpu.vector_load %arg9[%swap3A, %swap3A_148] {strides = array<i32>} : memref<128x128xf32, #tpu.memory_space<vmem>>, vector<1x16xf32>,
        %swap3A_150 = vector.shape_cast %swap3A_149 : vector<1x16xf32> to vector<16xf32>
        %swap3A_151 = vector.shape_cast %broadcast_in_dim3A_3 : vector<16xf32> to vector<1x16xf32>
        tpu.vector_store %arg9[%swap3A, %swap3A_148], %swap3A_151 {strides = array<i32>} : memref<128x128xf32, #tpu.memory_space<vmem>>, vector<1x16xf32>,
        %swap3A_152 = arith.index_cast %scan3A_147 : i32 to index
        %swap3A_153 = arith.constant 16 : index
        %swap3A_154 = tpu.vector_load %arg9[%swap3A_152, %swap3A_153] {strides = array<i32>} : memref<128x128xf32, #tpu.memory_space<vmem>>, vector<1x16xf32>,
        %swap3A_155 = vector.shape_cast %swap3A_154 : vector<1x16xf32> to vector<16xf32>
        %swap3A_156 = vector.shape_cast %broadcast_in_dim3A_3 : vector<16xf32> to vector<1x16xf32>
        tpu.vector_store %arg9[%swap3A_152, %swap3A_153], %swap3A_156 {strides = array<i32>} : memref<128x128xf32, #tpu.memory_space<vmem>>, vector<1x16xf32>,
        %swap3A_157 = arith.index_cast %scan3A_147 : i32 to index
        %swap3A_158 = arith.constant 32 : index
        %swap3A_159 = tpu.vector_load %arg9[%swap3A_157, %swap3A_158] {strides = array<i32>} : memref<128x128xf32, #tpu.memory_space<vmem>>, vector<1x16xf32>,
        %swap3A_160 = vector.shape_cast %swap3A_159 : vector<1x16xf32> to vector<16xf32>
        %swap3A_161 = vector.shape_cast %broadcast_in_dim3A_3 : vector<16xf32> to vector<1x16xf32>
        tpu.vector_store %arg9[%swap3A_157, %swap3A_158], %swap3A_161 {strides = array<i32>} : memref<128x128xf32, #tpu.memory_space<vmem>>, vector<1x16xf32>,
        %swap3A_162 = arith.index_cast %scan3A_147 : i32 to index
        %swap3A_163 = arith.constant 48 : index
        %swap3A_164 = tpu.vector_load %arg9[%swap3A_162, %swap3A_163] {strides = array<i32>} : memref<128x128xf32, #tpu.memory_space<vmem>>, vector<1x16xf32>,
        %swap3A_165 = vector.shape_cast %swap3A_164 : vector<1x16xf32> to vector<16xf32>
        %swap3A_166 = vector.shape_cast %broadcast_in_dim3A_3 : vector<16xf32> to vector<1x16xf32>
        tpu.vector_store %arg9[%swap3A_162, %swap3A_163], %swap3A_166 {strides = array<i32>} : memref<128x128xf32, #tpu.memory_space<vmem>>, vector<1x16xf32>,
        %swap3A_167 = arith.index_cast %scan3A_147 : i32 to index
        %swap3A_168 = arith.constant 64 : index
        %swap3A_169 = tpu.vector_load %arg9[%swap3A_167, %swap3A_168] {strides = array<i32>} : memref<128x128xf32, #tpu.memory_space<vmem>>, vector<1x16xf32>,
        %swap3A_170 = vector.shape_cast %swap3A_169 : vector<1x16xf32> to vector<16xf32>
        %swap3A_171 = vector.shape_cast %broadcast_in_dim3A_3 : vector<16xf32> to vector<1x16xf32>
        tpu.vector_store %arg9[%swap3A_167, %swap3A_168], %swap3A_171 {strides = array<i32>} : memref<128x128xf32, #tpu.memory_space<vmem>>, vector<1x16xf32>,
        %swap3A_172 = arith.index_cast %scan3A_147 : i32 to index
        %swap3A_173 = arith.constant 80 : index
        %swap3A_174 = tpu.vector_load %arg9[%swap3A_172, %swap3A_173] {strides = array<i32>} : memref<128x128xf32, #tpu.memory_space<vmem>>, vector<1x16xf32>,
        %swap3A_175 = vector.shape_cast %swap3A_174 : vector<1x16xf32> to vector<16xf32>
        %swap3A_176 = vector.shape_cast %broadcast_in_dim3A_3 : vector<16xf32> to vector<1x16xf32>
        tpu.vector_store %arg9[%swap3A_172, %swap3A_173], %swap3A_176 {strides = array<i32>} : memref<128x128xf32, #tpu.memory_space<vmem>>, vector<1x16xf32>,
        %swap3A_177 = arith.index_cast %scan3A_147 : i32 to index
        %swap3A_178 = arith.constant 96 : index
        %swap3A_179 = tpu.vector_load %arg9[%swap3A_177, %swap3A_178] {strides = array<i32>} : memref<128x128xf32, #tpu.memory_space<vmem>>, vector<1x16xf32>,
        %swap3A_180 = vector.shape_cast %swap3A_179 : vector<1x16xf32> to vector<16xf32>
        %swap3A_181 = vector.shape_cast %broadcast_in_dim3A_3 : vector<16xf32> to vector<1x16xf32>
        tpu.vector_store %arg9[%swap3A_177, %swap3A_178], %swap3A_181 {strides = array<i32>} : memref<128x128xf32, #tpu.memory_space<vmem>>, vector<1x16xf32>,
        %swap3A_182 = arith.index_cast %scan3A_147 : i32 to index
        %swap3A_183 = arith.constant 112 : index
        %swap3A_184 = tpu.vector_load %arg9[%swap3A_182, %swap3A_183] {strides = array<i32>} : memref<128x128xf32, #tpu.memory_space<vmem>>, vector<1x16xf32>,
        %swap3A_185 = vector.shape_cast %swap3A_184 : vector<1x16xf32> to vector<16xf32>
        %swap3A_186 = vector.shape_cast %broadcast_in_dim3A_3 : vector<16xf32> to vector<1x16xf32>
        tpu.vector_store %arg9[%swap3A_182, %swap3A_183], %swap3A_186 {strides = array<i32>} : memref<128x128xf32, #tpu.memory_space<vmem>>, vector<1x16xf32>,
      }
      %scan3A_8 = arith.constant 128 : i32
      %mul3A_9 = arith.constant 640 : i32
      %mul3A_10 = arith.muli %arg1, %mul3A_9 : i32
      %add3A = arith.constant 0 : i32
      %add3A_11 = arith.addi %mul3A_10, %add3A : i32
      "tpu.region"() ({
        %run_scoped3A = tpu.sem_alloc : memref<!tpu.dma_semaphore, #tpu.memory_space<semaphore_mem>>
        %dma_start3A_147 = arith.constant 0 : i32
        %dma_start3A_148 = tpu.memref_slice %arg11[%add3A_11, %dma_start3A_147] : memref<10240x128xf32, #tpu.memory_space<vmem_shared>> -> memref<128x128xf32, #tpu.memory_space<vmem_shared>>
        %dma_start3A_149 = arith.constant 0 : i32
        %dma_start3A_150 = tpu.memref_slice %arg11[%add3A_11, %dma_start3A_149] : memref<10240x128xf32, #tpu.memory_space<vmem_shared>> -> memref<128x128xf32, #tpu.memory_space<vmem_shared>>
        tpu.enqueue_dma source(%arg9 : memref<128x128xf32, #tpu.memory_space<vmem>>) target(%dma_start3A_150 : memref<128x128xf32, #tpu.memory_space<vmem_shared>>) target_semaphore(%run_scoped3A : memref<!tpu.dma_semaphore, #tpu.memory_space<semaphore_mem>>)
        %dma_wait3A_151 = arith.constant 0 : i32
        %dma_wait3A_152 = tpu.memref_slice %arg11[%add3A_11, %dma_wait3A_151] : memref<10240x128xf32, #tpu.memory_space<vmem_shared>> -> memref<128x128xf32, #tpu.memory_space<vmem_shared>>
        %dma_wait3A_153 = arith.constant 0 : i32
        %dma_wait3A_154 = tpu.memref_slice %arg11[%add3A_11, %dma_wait3A_153] : memref<10240x128xf32, #tpu.memory_space<vmem_shared>> -> memref<128x128xf32, #tpu.memory_space<vmem_shared>>
        tpu.wait_dma2 semaphore(%run_scoped3A : memref<!tpu.dma_semaphore, #tpu.memory_space<semaphore_mem>>) src(%arg9 : memref<128x128xf32, #tpu.memory_space<vmem>>) dst(%dma_wait3A_154 : memref<128x128xf32, #tpu.memory_space<vmem_shared>>)
        tpu.yield
      }) : () -> ()
      %mul3A_12 = arith.constant 640 : i32
      %mul3A_13 = arith.muli %arg1, %mul3A_12 : i32
      %add3A_14 = arith.constant 128 : i32
      %add3A_15 = arith.addi %mul3A_13, %add3A_14 : i32
      "tpu.region"() ({
        %run_scoped3A = tpu.sem_alloc : memref<!tpu.dma_semaphore, #tpu.memory_space<semaphore_mem>>
        %dma_start3A_147 = arith.constant 0 : i32
        %dma_start3A_148 = tpu.memref_slice %arg11[%add3A_15, %dma_start3A_147] : memref<10240x128xf32, #tpu.memory_space<vmem_shared>> -> memref<128x128xf32, #tpu.memory_space<vmem_shared>>
        %dma_start3A_149 = arith.constant 0 : i32
        %dma_start3A_150 = tpu.memref_slice %arg11[%add3A_15, %dma_start3A_149] : memref<10240x128xf32, #tpu.memory_space<vmem_shared>> -> memref<128x128xf32, #tpu.memory_space<vmem_shared>>
        tpu.enqueue_dma source(%arg9 : memref<128x128xf32, #tpu.memory_space<vmem>>) target(%dma_start3A_150 : memref<128x128xf32, #tpu.memory_space<vmem_shared>>) target_semaphore(%run_scoped3A : memref<!tpu.dma_semaphore, #tpu.memory_space<semaphore_mem>>)
        %dma_wait3A_151 = arith.constant 0 : i32
        %dma_wait3A_152 = tpu.memref_slice %arg11[%add3A_15, %dma_wait3A_151] : memref<10240x128xf32, #tpu.memory_space<vmem_shared>> -> memref<128x128xf32, #tpu.memory_space<vmem_shared>>
        %dma_wait3A_153 = arith.constant 0 : i32
        %dma_wait3A_154 = tpu.memref_slice %arg11[%add3A_15, %dma_wait3A_153] : memref<10240x128xf32, #tpu.memory_space<vmem_shared>> -> memref<128x128xf32, #tpu.memory_space<vmem_shared>>
        tpu.wait_dma2 semaphore(%run_scoped3A : memref<!tpu.dma_semaphore, #tpu.memory_space<semaphore_mem>>) src(%arg9 : memref<128x128xf32, #tpu.memory_space<vmem>>) dst(%dma_wait3A_154 : memref<128x128xf32, #tpu.memory_space<vmem_shared>>)
        tpu.yield
      }) : () -> ()
      %mul3A_16 = arith.constant 640 : i32
      %mul3A_17 = arith.muli %arg1, %mul3A_16 : i32
      %add3A_18 = arith.constant 256 : i32
      %add3A_19 = arith.addi %mul3A_17, %add3A_18 : i32
      "tpu.region"() ({
        %run_scoped3A = tpu.sem_alloc : memref<!tpu.dma_semaphore, #tpu.memory_space<semaphore_mem>>
        %dma_start3A_147 = arith.constant 0 : i32
        %dma_start3A_148 = tpu.memref_slice %arg11[%add3A_19, %dma_start3A_147] : memref<10240x128xf32, #tpu.memory_space<vmem_shared>> -> memref<128x128xf32, #tpu.memory_space<vmem_shared>>
        %dma_start3A_149 = arith.constant 0 : i32
        %dma_start3A_150 = tpu.memref_slice %arg11[%add3A_19, %dma_start3A_149] : memref<10240x128xf32, #tpu.memory_space<vmem_shared>> -> memref<128x128xf32, #tpu.memory_space<vmem_shared>>
        tpu.enqueue_dma source(%arg9 : memref<128x128xf32, #tpu.memory_space<vmem>>) target(%dma_start3A_150 : memref<128x128xf32, #tpu.memory_space<vmem_shared>>) target_semaphore(%run_scoped3A : memref<!tpu.dma_semaphore, #tpu.memory_space<semaphore_mem>>)
        %dma_wait3A_151 = arith.constant 0 : i32
        %dma_wait3A_152 = tpu.memref_slice %arg11[%add3A_19, %dma_wait3A_151] : memref<10240x128xf32, #tpu.memory_space<vmem_shared>> -> memref<128x128xf32, #tpu.memory_space<vmem_shared>>
        %dma_wait3A_153 = arith.constant 0 : i32
        %dma_wait3A_154 = tpu.memref_slice %arg11[%add3A_19, %dma_wait3A_153] : memref<10240x128xf32, #tpu.memory_space<vmem_shared>> -> memref<128x128xf32, #tpu.memory_space<vmem_shared>>
        tpu.wait_dma2 semaphore(%run_scoped3A : memref<!tpu.dma_semaphore, #tpu.memory_space<semaphore_mem>>) src(%arg9 : memref<128x128xf32, #tpu.memory_space<vmem>>) dst(%dma_wait3A_154 : memref<128x128xf32, #tpu.memory_space<vmem_shared>>)
        tpu.yield
      }) : () -> ()
      %mul3A_20 = arith.constant 640 : i32
      %mul3A_21 = arith.muli %arg1, %mul3A_20 : i32
      %add3A_22 = arith.constant 384 : i32
      %add3A_23 = arith.addi %mul3A_21, %add3A_22 : i32
      "tpu.region"() ({
        %run_scoped3A = tpu.sem_alloc : memref<!tpu.dma_semaphore, #tpu.memory_space<semaphore_mem>>
        %dma_start3A_147 = arith.constant 0 : i32
        %dma_start3A_148 = tpu.memref_slice %arg11[%add3A_23, %dma_start3A_147] : memref<10240x128xf32, #tpu.memory_space<vmem_shared>> -> memref<128x128xf32, #tpu.memory_space<vmem_shared>>
        %dma_start3A_149 = arith.constant 0 : i32
        %dma_start3A_150 = tpu.memref_slice %arg11[%add3A_23, %dma_start3A_149] : memref<10240x128xf32, #tpu.memory_space<vmem_shared>> -> memref<128x128xf32, #tpu.memory_space<vmem_shared>>
        tpu.enqueue_dma source(%arg9 : memref<128x128xf32, #tpu.memory_space<vmem>>) target(%dma_start3A_150 : memref<128x128xf32, #tpu.memory_space<vmem_shared>>) target_semaphore(%run_scoped3A : memref<!tpu.dma_semaphore, #tpu.memory_space<semaphore_mem>>)
        %dma_wait3A_151 = arith.constant 0 : i32
        %dma_wait3A_152 = tpu.memref_slice %arg11[%add3A_23, %dma_wait3A_151] : memref<10240x128xf32, #tpu.memory_space<vmem_shared>> -> memref<128x128xf32, #tpu.memory_space<vmem_shared>>
        %dma_wait3A_153 = arith.constant 0 : i32
        %dma_wait3A_154 = tpu.memref_slice %arg11[%add3A_23, %dma_wait3A_153] : memref<10240x128xf32, #tpu.memory_space<vmem_shared>> -> memref<128x128xf32, #tpu.memory_space<vmem_shared>>
        tpu.wait_dma2 semaphore(%run_scoped3A : memref<!tpu.dma_semaphore, #tpu.memory_space<semaphore_mem>>) src(%arg9 : memref<128x128xf32, #tpu.memory_space<vmem>>) dst(%dma_wait3A_154 : memref<128x128xf32, #tpu.memory_space<vmem_shared>>)
        tpu.yield
      }) : () -> ()
      %mul3A_24 = arith.constant 640 : i32
      %mul3A_25 = arith.muli %arg1, %mul3A_24 : i32
      %add3A_26 = arith.constant 512 : i32
      %add3A_27 = arith.addi %mul3A_25, %add3A_26 : i32
      "tpu.region"() ({
        %run_scoped3A = tpu.sem_alloc : memref<!tpu.dma_semaphore, #tpu.memory_space<semaphore_mem>>
        %dma_start3A_147 = arith.constant 0 : i32
        %dma_start3A_148 = tpu.memref_slice %arg11[%add3A_27, %dma_start3A_147] : memref<10240x128xf32, #tpu.memory_space<vmem_shared>> -> memref<128x128xf32, #tpu.memory_space<vmem_shared>>
        %dma_start3A_149 = arith.constant 0 : i32
        %dma_start3A_150 = tpu.memref_slice %arg11[%add3A_27, %dma_start3A_149] : memref<10240x128xf32, #tpu.memory_space<vmem_shared>> -> memref<128x128xf32, #tpu.memory_space<vmem_shared>>
        tpu.enqueue_dma source(%arg9 : memref<128x128xf32, #tpu.memory_space<vmem>>) target(%dma_start3A_150 : memref<128x128xf32, #tpu.memory_space<vmem_shared>>) target_semaphore(%run_scoped3A : memref<!tpu.dma_semaphore, #tpu.memory_space<semaphore_mem>>)
        %dma_wait3A_151 = arith.constant 0 : i32
        %dma_wait3A_152 = tpu.memref_slice %arg11[%add3A_27, %dma_wait3A_151] : memref<10240x128xf32, #tpu.memory_space<vmem_shared>> -> memref<128x128xf32, #tpu.memory_space<vmem_shared>>
        %dma_wait3A_153 = arith.constant 0 : i32
        %dma_wait3A_154 = tpu.memref_slice %arg11[%add3A_27, %dma_wait3A_153] : memref<10240x128xf32, #tpu.memory_space<vmem_shared>> -> memref<128x128xf32, #tpu.memory_space<vmem_shared>>
        tpu.wait_dma2 semaphore(%run_scoped3A : memref<!tpu.dma_semaphore, #tpu.memory_space<semaphore_mem>>) src(%arg9 : memref<128x128xf32, #tpu.memory_space<vmem>>) dst(%dma_wait3A_154 : memref<128x128xf32, #tpu.memory_space<vmem_shared>>)
        tpu.yield
      }) : () -> ()
      %barrier3A = arith.constant 0 : index
      tpu.barrier barrier_id(%barrier3A)
      %add3A_28 = arith.constant 0 : i32
      %add3A_29 = arith.addi %mul3A_0, %add3A_28 : i32
      %dma_start3A = arith.constant 0 : i32
      %dma_start3A_30 = arith.constant 0 : i32
      %dma_start3A_31 = tpu.memref_slice %arg3[%add3A_29, %dma_start3A, %dma_start3A_30] : memref<2560x2x128xi32, #tpu.memory_space<hbm>> -> memref<1x2x128xi32, #tpu.memory_space<hbm>>
      %dma_start3A_32 = tpu.memref_squeeze %dma_start3A_31 : memref<1x2x128xi32, #tpu.memory_space<hbm>> -> memref<2x128xi32, #tpu.memory_space<hbm>>
      %dma_start3A_33 = arith.constant 0 : i32
      %dma_start3A_34 = arith.constant 0 : i32
      %dma_start3A_35 = tpu.memref_slice %arg3[%add3A_29, %dma_start3A_33, %dma_start3A_34] : memref<2560x2x128xi32, #tpu.memory_space<hbm>> -> memref<1x2x128xi32, #tpu.memory_space<hbm>>
      %dma_start3A_36 = tpu.memref_squeeze %dma_start3A_35 : memref<1x2x128xi32, #tpu.memory_space<hbm>> -> memref<2x128xi32, #tpu.memory_space<hbm>>
      tpu.enqueue_dma source(%dma_start3A_36 : memref<2x128xi32, #tpu.memory_space<hbm>>) target(%arg5 : memref<2x128xi32, #tpu.memory_space<vmem>>) target_semaphore(%arg12 : memref<!tpu.dma_semaphore, #tpu.memory_space<semaphore_mem>>)
      %add3A_37 = arith.constant 1 : i32
      %add3A_38 = arith.addi %mul3A_0, %add3A_37 : i32
      %dma_start3A_39 = arith.constant 0 : i32
      %dma_start3A_40 = arith.constant 0 : i32
      %dma_start3A_41 = tpu.memref_slice %arg3[%add3A_38, %dma_start3A_39, %dma_start3A_40] : memref<2560x2x128xi32, #tpu.memory_space<hbm>> -> memref<1x2x128xi32, #tpu.memory_space<hbm>>
      %dma_start3A_42 = tpu.memref_squeeze %dma_start3A_41 : memref<1x2x128xi32, #tpu.memory_space<hbm>> -> memref<2x128xi32, #tpu.memory_space<hbm>>
      %dma_start3A_43 = arith.constant 0 : i32
      %dma_start3A_44 = arith.constant 0 : i32
      %dma_start3A_45 = tpu.memref_slice %arg3[%add3A_38, %dma_start3A_43, %dma_start3A_44] : memref<2560x2x128xi32, #tpu.memory_space<hbm>> -> memref<1x2x128xi32, #tpu.memory_space<hbm>>
      %dma_start3A_46 = tpu.memref_squeeze %dma_start3A_45 : memref<1x2x128xi32, #tpu.memory_space<hbm>> -> memref<2x128xi32, #tpu.memory_space<hbm>>
      tpu.enqueue_dma source(%dma_start3A_46 : memref<2x128xi32, #tpu.memory_space<hbm>>) target(%arg6 : memref<2x128xi32, #tpu.memory_space<vmem>>) target_semaphore(%arg13 : memref<!tpu.dma_semaphore, #tpu.memory_space<semaphore_mem>>)
      %add3A_47 = arith.constant 2 : i32
      %add3A_48 = arith.addi %mul3A_0, %add3A_47 : i32
      %dma_start3A_49 = arith.constant 0 : i32
      %dma_start3A_50 = arith.constant 0 : i32
      %dma_start3A_51 = tpu.memref_slice %arg3[%add3A_48, %dma_start3A_49, %dma_start3A_50] : memref<2560x2x128xi32, #tpu.memory_space<hbm>> -> memref<1x2x128xi32, #tpu.memory_space<hbm>>
      %dma_start3A_52 = tpu.memref_squeeze %dma_start3A_51 : memref<1x2x128xi32, #tpu.memory_space<hbm>> -> memref<2x128xi32, #tpu.memory_space<hbm>>
      %dma_start3A_53 = arith.constant 0 : i32
      %dma_start3A_54 = arith.constant 0 : i32
      %dma_start3A_55 = tpu.memref_slice %arg3[%add3A_48, %dma_start3A_53, %dma_start3A_54] : memref<2560x2x128xi32, #tpu.memory_space<hbm>> -> memref<1x2x128xi32, #tpu.memory_space<hbm>>
      %dma_start3A_56 = tpu.memref_squeeze %dma_start3A_55 : memref<1x2x128xi32, #tpu.memory_space<hbm>> -> memref<2x128xi32, #tpu.memory_space<hbm>>
      tpu.enqueue_dma source(%dma_start3A_56 : memref<2x128xi32, #tpu.memory_space<hbm>>) target(%arg7 : memref<2x128xi32, #tpu.memory_space<vmem>>) target_semaphore(%arg14 : memref<!tpu.dma_semaphore, #tpu.memory_space<semaphore_mem>>)
      %add3A_57 = arith.constant 3 : i32
      %add3A_58 = arith.addi %mul3A_0, %add3A_57 : i32
      %dma_start3A_59 = arith.constant 0 : i32
      %dma_start3A_60 = arith.constant 0 : i32
      %dma_start3A_61 = tpu.memref_slice %arg3[%add3A_58, %dma_start3A_59, %dma_start3A_60] : memref<2560x2x128xi32, #tpu.memory_space<hbm>> -> memref<1x2x128xi32, #tpu.memory_space<hbm>>
      %dma_start3A_62 = tpu.memref_squeeze %dma_start3A_61 : memref<1x2x128xi32, #tpu.memory_space<hbm>> -> memref<2x128xi32, #tpu.memory_space<hbm>>
      %dma_start3A_63 = arith.constant 0 : i32
      %dma_start3A_64 = arith.constant 0 : i32
      %dma_start3A_65 = tpu.memref_slice %arg3[%add3A_58, %dma_start3A_63, %dma_start3A_64] : memref<2560x2x128xi32, #tpu.memory_space<hbm>> -> memref<1x2x128xi32, #tpu.memory_space<hbm>>
      %dma_start3A_66 = tpu.memref_squeeze %dma_start3A_65 : memref<1x2x128xi32, #tpu.memory_space<hbm>> -> memref<2x128xi32, #tpu.memory_space<hbm>>
      tpu.enqueue_dma source(%dma_start3A_66 : memref<2x128xi32, #tpu.memory_space<hbm>>) target(%arg8 : memref<2x128xi32, #tpu.memory_space<vmem>>) target_semaphore(%arg15 : memref<!tpu.dma_semaphore, #tpu.memory_space<semaphore_mem>>)
      %add3A_67 = arith.constant 0 : i32
      %add3A_68 = arith.addi %mul3A_0, %add3A_67 : i32
      %dma_wait3A = arith.constant 0 : i32
      %dma_wait3A_69 = arith.constant 0 : i32
      %dma_wait3A_70 = tpu.memref_slice %arg3[%add3A_68, %dma_wait3A, %dma_wait3A_69] : memref<2560x2x128xi32, #tpu.memory_space<hbm>> -> memref<1x2x128xi32, #tpu.memory_space<hbm>>
      %dma_wait3A_71 = tpu.memref_squeeze %dma_wait3A_70 : memref<1x2x128xi32, #tpu.memory_space<hbm>> -> memref<2x128xi32, #tpu.memory_space<hbm>>
      %dma_wait3A_72 = arith.constant 0 : i32
      %dma_wait3A_73 = arith.constant 0 : i32
      %dma_wait3A_74 = tpu.memref_slice %arg3[%add3A_68, %dma_wait3A_72, %dma_wait3A_73] : memref<2560x2x128xi32, #tpu.memory_space<hbm>> -> memref<1x2x128xi32, #tpu.memory_space<hbm>>
      %dma_wait3A_75 = tpu.memref_squeeze %dma_wait3A_74 : memref<1x2x128xi32, #tpu.memory_space<hbm>> -> memref<2x128xi32, #tpu.memory_space<hbm>>
      tpu.wait_dma2 semaphore(%arg12 : memref<!tpu.dma_semaphore, #tpu.memory_space<semaphore_mem>>) src(%dma_wait3A_75 : memref<2x128xi32, #tpu.memory_space<hbm>>) dst(%arg5 : memref<2x128xi32, #tpu.memory_space<vmem>>)
      %dma_start3A_76 = arith.constant 0 : i32
      %dma_start3A_77 = arith.constant 0 : i32
      %dma_start3A_78 = tpu.memref_slice %arg5[%dma_start3A_76, %dma_start3A_77] : memref<2x128xi32, #tpu.memory_space<vmem>> -> memref<1x128xi32, #tpu.memory_space<vmem>>
      %dma_start3A_79 = tpu.memref_squeeze %dma_start3A_78 : memref<1x128xi32, #tpu.memory_space<vmem>> -> memref<128xi32, #tpu.memory_space<vmem>>
      %dma_start3A_80 = arith.constant 0 : i32
      %dma_start3A_81 = arith.constant 0 : i32
      %dma_start3A_82 = tpu.memref_slice %arg2[%dma_start3A_80, %dma_start3A_81] : memref<10240x128xf32, #tpu.memory_space<hbm>> -> memref<10240x128xf32, #tpu.memory_space<hbm>>
      tpu.enqueue_indirect_dma source(%dma_start3A_82 : memref<10240x128xf32, #tpu.memory_space<hbm>>) target(%arg9 : memref<128x128xf32, #tpu.memory_space<vmem>>) offsets(%dma_start3A_79 : memref<128xi32, #tpu.memory_space<vmem>>) semaphore(%arg16 : memref<!tpu.dma_semaphore, #tpu.memory_space<semaphore_mem>>)
      %add3A_83 = arith.constant 1 : i32
      %add3A_84 = arith.addi %mul3A_0, %add3A_83 : i32
      %dma_wait3A_85 = arith.constant 0 : i32
      %dma_wait3A_86 = arith.constant 0 : i32
      %dma_wait3A_87 = tpu.memref_slice %arg3[%add3A_84, %dma_wait3A_85, %dma_wait3A_86] : memref<2560x2x128xi32, #tpu.memory_space<hbm>> -> memref<1x2x128xi32, #tpu.memory_space<hbm>>
      %dma_wait3A_88 = tpu.memref_squeeze %dma_wait3A_87 : memref<1x2x128xi32, #tpu.memory_space<hbm>> -> memref<2x128xi32, #tpu.memory_space<hbm>>
      %dma_wait3A_89 = arith.constant 0 : i32
      %dma_wait3A_90 = arith.constant 0 : i32
      %dma_wait3A_91 = tpu.memref_slice %arg3[%add3A_84, %dma_wait3A_89, %dma_wait3A_90] : memref<2560x2x128xi32, #tpu.memory_space<hbm>> -> memref<1x2x128xi32, #tpu.memory_space<hbm>>
      %dma_wait3A_92 = tpu.memref_squeeze %dma_wait3A_91 : memref<1x2x128xi32, #tpu.memory_space<hbm>> -> memref<2x128xi32, #tpu.memory_space<hbm>>
      tpu.wait_dma2 semaphore(%arg13 : memref<!tpu.dma_semaphore, #tpu.memory_space<semaphore_mem>>) src(%dma_wait3A_92 : memref<2x128xi32, #tpu.memory_space<hbm>>) dst(%arg6 : memref<2x128xi32, #tpu.memory_space<vmem>>)
      %dma_start3A_93 = arith.constant 0 : i32
      %dma_start3A_94 = arith.constant 0 : i32
      %dma_start3A_95 = tpu.memref_slice %arg6[%dma_start3A_93, %dma_start3A_94] : memref<2x128xi32, #tpu.memory_space<vmem>> -> memref<1x128xi32, #tpu.memory_space<vmem>>
      %dma_start3A_96 = tpu.memref_squeeze %dma_start3A_95 : memref<1x128xi32, #tpu.memory_space<vmem>> -> memref<128xi32, #tpu.memory_space<vmem>>
      %dma_start3A_97 = arith.constant 0 : i32
      %dma_start3A_98 = arith.constant 0 : i32
      %dma_start3A_99 = tpu.memref_slice %arg2[%dma_start3A_97, %dma_start3A_98] : memref<10240x128xf32, #tpu.memory_space<hbm>> -> memref<10240x128xf32, #tpu.memory_space<hbm>>
      tpu.enqueue_indirect_dma source(%dma_start3A_99 : memref<10240x128xf32, #tpu.memory_space<hbm>>) target(%arg10 : memref<128x128xf32, #tpu.memory_space<vmem>>) offsets(%dma_start3A_96 : memref<128xi32, #tpu.memory_space<vmem>>) semaphore(%arg17 : memref<!tpu.dma_semaphore, #tpu.memory_space<semaphore_mem>>)
      %scan3A_100 = arith.constant 0 : i32
      %scan3A_101 = arith.constant 0 : i32
      %scan3A_102 = arith.constant 40 : i32
      %scan3A_103 = arith.addi %scan3A_101, %scan3A_102 : i32
      %scan3A_104 = arith.constant 1 : i32
      scf.for %scan3A_147 = %scan3A_101 to %scan3A_103 step %scan3A_104  : i32 {
        %mul3A_148 = arith.constant 4 : i32
        %mul3A_149 = arith.muli %mul3A_148, %scan3A_147 : i32
        %add3A_150 = arith.constant 0 : i32
        %add3A_151 = arith.addi %mul3A_149, %add3A_150 : i32
        %dma_wait3A_152 = arith.constant 0 : i32
        %dma_wait3A_153 = arith.constant 0 : i32
        %dma_wait3A_154 = tpu.memref_slice %arg5[%dma_wait3A_152, %dma_wait3A_153] : memref<2x128xi32, #tpu.memory_space<vmem>> -> memref<1x128xi32, #tpu.memory_space<vmem>>
        %dma_wait3A_155 = tpu.memref_squeeze %dma_wait3A_154 : memref<1x128xi32, #tpu.memory_space<vmem>> -> memref<128xi32, #tpu.memory_space<vmem>>
        %dma_wait3A_156 = arith.constant 0 : i32
        %dma_wait3A_157 = arith.constant 0 : i32
        %dma_wait3A_158 = tpu.memref_slice %arg2[%dma_wait3A_156, %dma_wait3A_157] : memref<10240x128xf32, #tpu.memory_space<hbm>> -> memref<10240x128xf32, #tpu.memory_space<hbm>>
        tpu.wait_indirect_dma semaphore(%arg16 : memref<!tpu.dma_semaphore, #tpu.memory_space<semaphore_mem>>) src(%dma_wait3A_158 : memref<10240x128xf32, #tpu.memory_space<hbm>>) dst(%arg9 : memref<128x128xf32, #tpu.memory_space<vmem>>)
        %run_scoped3A = arith.constant 1 : i32
        "tpu.region"() ({
          %run_scoped3A_250 = tpu.sem_alloc : memref<!tpu.dma_semaphore, #tpu.memory_space<semaphore_mem>>
          %dma_start3A_251 = arith.constant 0 : i32
          %dma_start3A_252 = tpu.memref_slice %arg5[%run_scoped3A, %dma_start3A_251] : memref<2x128xi32, #tpu.memory_space<vmem>> -> memref<1x128xi32, #tpu.memory_space<vmem>>
          %dma_start3A_253 = tpu.memref_squeeze %dma_start3A_252 : memref<1x128xi32, #tpu.memory_space<vmem>> -> memref<128xi32, #tpu.memory_space<vmem>>
          %dma_start3A_254 = arith.constant 0 : i32
          %dma_start3A_255 = arith.constant 0 : i32
          %dma_start3A_256 = tpu.memref_slice %arg11[%dma_start3A_254, %dma_start3A_255] : memref<10240x128xf32, #tpu.memory_space<vmem_shared>> -> memref<10240x128xf32, #tpu.memory_space<vmem_shared>>
          tpu.enqueue_indirect_dma source(%arg9 : memref<128x128xf32, #tpu.memory_space<vmem>>) target(%dma_start3A_256 : memref<10240x128xf32, #tpu.memory_space<vmem_shared>>) offsets(%dma_start3A_253 : memref<128xi32, #tpu.memory_space<vmem>>) semaphore(%run_scoped3A_250 : memref<!tpu.dma_semaphore, #tpu.memory_space<semaphore_mem>>) {add = true}
          %dma_wait3A_257 = arith.constant 0 : i32
          %dma_wait3A_258 = tpu.memref_slice %arg5[%run_scoped3A, %dma_wait3A_257] : memref<2x128xi32, #tpu.memory_space<vmem>> -> memref<1x128xi32, #tpu.memory_space<vmem>>
          %dma_wait3A_259 = tpu.memref_squeeze %dma_wait3A_258 : memref<1x128xi32, #tpu.memory_space<vmem>> -> memref<128xi32, #tpu.memory_space<vmem>>
          %dma_wait3A_260 = arith.constant 0 : i32
          %dma_wait3A_261 = arith.constant 0 : i32
          %dma_wait3A_262 = tpu.memref_slice %arg11[%dma_wait3A_260, %dma_wait3A_261] : memref<10240x128xf32, #tpu.memory_space<vmem_shared>> -> memref<10240x128xf32, #tpu.memory_space<vmem_shared>>
          tpu.wait_indirect_dma semaphore(%run_scoped3A_250 : memref<!tpu.dma_semaphore, #tpu.memory_space<semaphore_mem>>) src(%arg9 : memref<128x128xf32, #tpu.memory_space<vmem>>) dst(%dma_wait3A_262 : memref<10240x128xf32, #tpu.memory_space<vmem_shared>>)
          tpu.yield
        }) : () -> ()
        %add3A_159 = arith.constant 4 : i32
        %add3A_160 = arith.addi %add3A_151, %add3A_159 : i32
        %lt3A = arith.constant 160 : i32
        %lt3A_161 = arith.cmpi slt, %add3A_160, %lt3A : i32
        %convert_element_type3A_162 = arith.extui %lt3A_161 : i1 to i32
        %cond3A_163 = arith.constant 0 : i32
        %cond3A_164 = arith.cmpi ne, %convert_element_type3A_162, %cond3A_163 : i32
        scf.if %cond3A_164 {
          %add3A_250 = arith.constant 4 : i32
          %add3A_251 = arith.addi %add3A_151, %add3A_250 : i32
          %add3A_252 = arith.addi %mul3A_0, %add3A_251 : i32
          %dma_start3A_253 = arith.constant 0 : i32
          %dma_start3A_254 = arith.constant 0 : i32
          %dma_start3A_255 = tpu.memref_slice %arg3[%add3A_252, %dma_start3A_253, %dma_start3A_254] : memref<2560x2x128xi32, #tpu.memory_space<hbm>> -> memref<1x2x128xi32, #tpu.memory_space<hbm>>
          %dma_start3A_256 = tpu.memref_squeeze %dma_start3A_255 : memref<1x2x128xi32, #tpu.memory_space<hbm>> -> memref<2x128xi32, #tpu.memory_space<hbm>>
          %dma_start3A_257 = arith.constant 0 : i32
          %dma_start3A_258 = arith.constant 0 : i32
          %dma_start3A_259 = tpu.memref_slice %arg3[%add3A_252, %dma_start3A_257, %dma_start3A_258] : memref<2560x2x128xi32, #tpu.memory_space<hbm>> -> memref<1x2x128xi32, #tpu.memory_space<hbm>>
          %dma_start3A_260 = tpu.memref_squeeze %dma_start3A_259 : memref<1x2x128xi32, #tpu.memory_space<hbm>> -> memref<2x128xi32, #tpu.memory_space<hbm>>
          tpu.enqueue_dma source(%dma_start3A_260 : memref<2x128xi32, #tpu.memory_space<hbm>>) target(%arg5 : memref<2x128xi32, #tpu.memory_space<vmem>>) target_semaphore(%arg12 : memref<!tpu.dma_semaphore, #tpu.memory_space<semaphore_mem>>)
        } else {
        }
        %add3A_165 = arith.constant 2 : i32
        %add3A_166 = arith.addi %add3A_151, %add3A_165 : i32
        %lt3A_167 = arith.constant 160 : i32
        %lt3A_168 = arith.cmpi slt, %add3A_166, %lt3A_167 : i32
        %convert_element_type3A_169 = arith.extui %lt3A_168 : i1 to i32
        %cond3A_170 = arith.constant 0 : i32
        %cond3A_171 = arith.cmpi ne, %convert_element_type3A_169, %cond3A_170 : i32
        scf.if %cond3A_171 {
          %add3A_250 = arith.constant 2 : i32
          %add3A_251 = arith.addi %add3A_151, %add3A_250 : i32
          %add3A_252 = arith.addi %mul3A_0, %add3A_251 : i32
          %dma_wait3A_253 = arith.constant 0 : i32
          %dma_wait3A_254 = arith.constant 0 : i32
          %dma_wait3A_255 = tpu.memref_slice %arg3[%add3A_252, %dma_wait3A_253, %dma_wait3A_254] : memref<2560x2x128xi32, #tpu.memory_space<hbm>> -> memref<1x2x128xi32, #tpu.memory_space<hbm>>
          %dma_wait3A_256 = tpu.memref_squeeze %dma_wait3A_255 : memref<1x2x128xi32, #tpu.memory_space<hbm>> -> memref<2x128xi32, #tpu.memory_space<hbm>>
          %dma_wait3A_257 = arith.constant 0 : i32
          %dma_wait3A_258 = arith.constant 0 : i32
          %dma_wait3A_259 = tpu.memref_slice %arg3[%add3A_252, %dma_wait3A_257, %dma_wait3A_258] : memref<2560x2x128xi32, #tpu.memory_space<hbm>> -> memref<1x2x128xi32, #tpu.memory_space<hbm>>
          %dma_wait3A_260 = tpu.memref_squeeze %dma_wait3A_259 : memref<1x2x128xi32, #tpu.memory_space<hbm>> -> memref<2x128xi32, #tpu.memory_space<hbm>>
          tpu.wait_dma2 semaphore(%arg14 : memref<!tpu.dma_semaphore, #tpu.memory_space<semaphore_mem>>) src(%dma_wait3A_260 : memref<2x128xi32, #tpu.memory_space<hbm>>) dst(%arg7 : memref<2x128xi32, #tpu.memory_space<vmem>>)
          %dma_start3A_261 = arith.constant 0 : i32
          %dma_start3A_262 = arith.constant 0 : i32
          %dma_start3A_263 = tpu.memref_slice %arg7[%dma_start3A_261, %dma_start3A_262] : memref<2x128xi32, #tpu.memory_space<vmem>> -> memref<1x128xi32, #tpu.memory_space<vmem>>
          %dma_start3A_264 = tpu.memref_squeeze %dma_start3A_263 : memref<1x128xi32, #tpu.memory_space<vmem>> -> memref<128xi32, #tpu.memory_space<vmem>>
          %dma_start3A_265 = arith.constant 0 : i32
          %dma_start3A_266 = arith.constant 0 : i32
          %dma_start3A_267 = tpu.memref_slice %arg2[%dma_start3A_265, %dma_start3A_266] : memref<10240x128xf32, #tpu.memory_space<hbm>> -> memref<10240x128xf32, #tpu.memory_space<hbm>>
          tpu.enqueue_indirect_dma source(%dma_start3A_267 : memref<10240x128xf32, #tpu.memory_space<hbm>>) target(%arg9 : memref<128x128xf32, #tpu.memory_space<vmem>>) offsets(%dma_start3A_264 : memref<128xi32, #tpu.memory_space<vmem>>) semaphore(%arg16 : memref<!tpu.dma_semaphore, #tpu.memory_space<semaphore_mem>>)
        } else {
        }
        %mul3A_172 = arith.constant 4 : i32
        %mul3A_173 = arith.muli %mul3A_172, %scan3A_147 : i32
        %add3A_174 = arith.constant 1 : i32
        %add3A_175 = arith.addi %mul3A_173, %add3A_174 : i32
        %dma_wait3A_176 = arith.constant 0 : i32
        %dma_wait3A_177 = arith.constant 0 : i32
        %dma_wait3A_178 = tpu.memref_slice %arg6[%dma_wait3A_176, %dma_wait3A_177] : memref<2x128xi32, #tpu.memory_space<vmem>> -> memref<1x128xi32, #tpu.memory_space<vmem>>
        %dma_wait3A_179 = tpu.memref_squeeze %dma_wait3A_178 : memref<1x128xi32, #tpu.memory_space<vmem>> -> memref<128xi32, #tpu.memory_space<vmem>>
        %dma_wait3A_180 = arith.constant 0 : i32
        %dma_wait3A_181 = arith.constant 0 : i32
        %dma_wait3A_182 = tpu.memref_slice %arg2[%dma_wait3A_180, %dma_wait3A_181] : memref<10240x128xf32, #tpu.memory_space<hbm>> -> memref<10240x128xf32, #tpu.memory_space<hbm>>
        tpu.wait_indirect_dma semaphore(%arg17 : memref<!tpu.dma_semaphore, #tpu.memory_space<semaphore_mem>>) src(%dma_wait3A_182 : memref<10240x128xf32, #tpu.memory_space<hbm>>) dst(%arg10 : memref<128x128xf32, #tpu.memory_space<vmem>>)
        %run_scoped3A_183 = arith.constant 1 : i32
        "tpu.region"() ({
          %run_scoped3A_250 = tpu.sem_alloc : memref<!tpu.dma_semaphore, #tpu.memory_space<semaphore_mem>>
          %dma_start3A_251 = arith.constant 0 : i32
          %dma_start3A_252 = tpu.memref_slice %arg6[%run_scoped3A_183, %dma_start3A_251] : memref<2x128xi32, #tpu.memory_space<vmem>> -> memref<1x128xi32, #tpu.memory_space<vmem>>
          %dma_start3A_253 = tpu.memref_squeeze %dma_start3A_252 : memref<1x128xi32, #tpu.memory_space<vmem>> -> memref<128xi32, #tpu.memory_space<vmem>>
          %dma_start3A_254 = arith.constant 0 : i32
          %dma_start3A_255 = arith.constant 0 : i32
          %dma_start3A_256 = tpu.memref_slice %arg11[%dma_start3A_254, %dma_start3A_255] : memref<10240x128xf32, #tpu.memory_space<vmem_shared>> -> memref<10240x128xf32, #tpu.memory_space<vmem_shared>>
          tpu.enqueue_indirect_dma source(%arg10 : memref<128x128xf32, #tpu.memory_space<vmem>>) target(%dma_start3A_256 : memref<10240x128xf32, #tpu.memory_space<vmem_shared>>) offsets(%dma_start3A_253 : memref<128xi32, #tpu.memory_space<vmem>>) semaphore(%run_scoped3A_250 : memref<!tpu.dma_semaphore, #tpu.memory_space<semaphore_mem>>) {add = true}
          %dma_wait3A_257 = arith.constant 0 : i32
          %dma_wait3A_258 = tpu.memref_slice %arg6[%run_scoped3A_183, %dma_wait3A_257] : memref<2x128xi32, #tpu.memory_space<vmem>> -> memref<1x128xi32, #tpu.memory_space<vmem>>
          %dma_wait3A_259 = tpu.memref_squeeze %dma_wait3A_258 : memref<1x128xi32, #tpu.memory_space<vmem>> -> memref<128xi32, #tpu.memory_space<vmem>>
          %dma_wait3A_260 = arith.constant 0 : i32
          %dma_wait3A_261 = arith.constant 0 : i32
          %dma_wait3A_262 = tpu.memref_slice %arg11[%dma_wait3A_260, %dma_wait3A_261] : memref<10240x128xf32, #tpu.memory_space<vmem_shared>> -> memref<10240x128xf32, #tpu.memory_space<vmem_shared>>
          tpu.wait_indirect_dma semaphore(%run_scoped3A_250 : memref<!tpu.dma_semaphore, #tpu.memory_space<semaphore_mem>>) src(%arg10 : memref<128x128xf32, #tpu.memory_space<vmem>>) dst(%dma_wait3A_262 : memref<10240x128xf32, #tpu.memory_space<vmem_shared>>)
          tpu.yield
        }) : () -> ()
        %add3A_184 = arith.constant 4 : i32
        %add3A_185 = arith.addi %add3A_175, %add3A_184 : i32
        %lt3A_186 = arith.constant 160 : i32
        %lt3A_187 = arith.cmpi slt, %add3A_185, %lt3A_186 : i32
        %convert_element_type3A_188 = arith.extui %lt3A_187 : i1 to i32
        %cond3A_189 = arith.constant 0 : i32
        %cond3A_190 = arith.cmpi ne, %convert_element_type3A_188, %cond3A_189 : i32
        scf.if %cond3A_190 {
          %add3A_250 = arith.constant 4 : i32
          %add3A_251 = arith.addi %add3A_175, %add3A_250 : i32
          %add3A_252 = arith.addi %mul3A_0, %add3A_251 : i32
          %dma_start3A_253 = arith.constant 0 : i32
          %dma_start3A_254 = arith.constant 0 : i32
          %dma_start3A_255 = tpu.memref_slice %arg3[%add3A_252, %dma_start3A_253, %dma_start3A_254] : memref<2560x2x128xi32, #tpu.memory_space<hbm>> -> memref<1x2x128xi32, #tpu.memory_space<hbm>>
          %dma_start3A_256 = tpu.memref_squeeze %dma_start3A_255 : memref<1x2x128xi32, #tpu.memory_space<hbm>> -> memref<2x128xi32, #tpu.memory_space<hbm>>
          %dma_start3A_257 = arith.constant 0 : i32
          %dma_start3A_258 = arith.constant 0 : i32
          %dma_start3A_259 = tpu.memref_slice %arg3[%add3A_252, %dma_start3A_257, %dma_start3A_258] : memref<2560x2x128xi32, #tpu.memory_space<hbm>> -> memref<1x2x128xi32, #tpu.memory_space<hbm>>
          %dma_start3A_260 = tpu.memref_squeeze %dma_start3A_259 : memref<1x2x128xi32, #tpu.memory_space<hbm>> -> memref<2x128xi32, #tpu.memory_space<hbm>>
          tpu.enqueue_dma source(%dma_start3A_260 : memref<2x128xi32, #tpu.memory_space<hbm>>) target(%arg6 : memref<2x128xi32, #tpu.memory_space<vmem>>) target_semaphore(%arg13 : memref<!tpu.dma_semaphore, #tpu.memory_space<semaphore_mem>>)
        } else {
        }
        %add3A_191 = arith.constant 2 : i32
        %add3A_192 = arith.addi %add3A_175, %add3A_191 : i32
        %lt3A_193 = arith.constant 160 : i32
        %lt3A_194 = arith.cmpi slt, %add3A_192, %lt3A_193 : i32
        %convert_element_type3A_195 = arith.extui %lt3A_194 : i1 to i32
        %cond3A_196 = arith.constant 0 : i32
        %cond3A_197 = arith.cmpi ne, %convert_element_type3A_195, %cond3A_196 : i32
        scf.if %cond3A_197 {
          %add3A_250 = arith.constant 2 : i32
          %add3A_251 = arith.addi %add3A_175, %add3A_250 : i32
          %add3A_252 = arith.addi %mul3A_0, %add3A_251 : i32
          %dma_wait3A_253 = arith.constant 0 : i32
          %dma_wait3A_254 = arith.constant 0 : i32
          %dma_wait3A_255 = tpu.memref_slice %arg3[%add3A_252, %dma_wait3A_253, %dma_wait3A_254] : memref<2560x2x128xi32, #tpu.memory_space<hbm>> -> memref<1x2x128xi32, #tpu.memory_space<hbm>>
          %dma_wait3A_256 = tpu.memref_squeeze %dma_wait3A_255 : memref<1x2x128xi32, #tpu.memory_space<hbm>> -> memref<2x128xi32, #tpu.memory_space<hbm>>
          %dma_wait3A_257 = arith.constant 0 : i32
          %dma_wait3A_258 = arith.constant 0 : i32
          %dma_wait3A_259 = tpu.memref_slice %arg3[%add3A_252, %dma_wait3A_257, %dma_wait3A_258] : memref<2560x2x128xi32, #tpu.memory_space<hbm>> -> memref<1x2x128xi32, #tpu.memory_space<hbm>>
          %dma_wait3A_260 = tpu.memref_squeeze %dma_wait3A_259 : memref<1x2x128xi32, #tpu.memory_space<hbm>> -> memref<2x128xi32, #tpu.memory_space<hbm>>
          tpu.wait_dma2 semaphore(%arg15 : memref<!tpu.dma_semaphore, #tpu.memory_space<semaphore_mem>>) src(%dma_wait3A_260 : memref<2x128xi32, #tpu.memory_space<hbm>>) dst(%arg8 : memref<2x128xi32, #tpu.memory_space<vmem>>)
          %dma_start3A_261 = arith.constant 0 : i32
          %dma_start3A_262 = arith.constant 0 : i32
          %dma_start3A_263 = tpu.memref_slice %arg8[%dma_start3A_261, %dma_start3A_262] : memref<2x128xi32, #tpu.memory_space<vmem>> -> memref<1x128xi32, #tpu.memory_space<vmem>>
          %dma_start3A_264 = tpu.memref_squeeze %dma_start3A_263 : memref<1x128xi32, #tpu.memory_space<vmem>> -> memref<128xi32, #tpu.memory_space<vmem>>
          %dma_start3A_265 = arith.constant 0 : i32
          %dma_start3A_266 = arith.constant 0 : i32
          %dma_start3A_267 = tpu.memref_slice %arg2[%dma_start3A_265, %dma_start3A_266] : memref<10240x128xf32, #tpu.memory_space<hbm>> -> memref<10240x128xf32, #tpu.memory_space<hbm>>
          tpu.enqueue_indirect_dma source(%dma_start3A_267 : memref<10240x128xf32, #tpu.memory_space<hbm>>) target(%arg10 : memref<128x128xf32, #tpu.memory_space<vmem>>) offsets(%dma_start3A_264 : memref<128xi32, #tpu.memory_space<vmem>>) semaphore(%arg17 : memref<!tpu.dma_semaphore, #tpu.memory_space<semaphore_mem>>)
        } else {
        }
        %mul3A_198 = arith.constant 4 : i32
        %mul3A_199 = arith.muli %mul3A_198, %scan3A_147 : i32
        %add3A_200 = arith.constant 2 : i32
        %add3A_201 = arith.addi %mul3A_199, %add3A_200 : i32
        %dma_wait3A_202 = arith.constant 0 : i32
        %dma_wait3A_203 = arith.constant 0 : i32
        %dma_wait3A_204 = tpu.memref_slice %arg7[%dma_wait3A_202, %dma_wait3A_203] : memref<2x128xi32, #tpu.memory_space<vmem>> -> memref<1x128xi32, #tpu.memory_space<vmem>>
        %dma_wait3A_205 = tpu.memref_squeeze %dma_wait3A_204 : memref<1x128xi32, #tpu.memory_space<vmem>> -> memref<128xi32, #tpu.memory_space<vmem>>
        %dma_wait3A_206 = arith.constant 0 : i32
        %dma_wait3A_207 = arith.constant 0 : i32
        %dma_wait3A_208 = tpu.memref_slice %arg2[%dma_wait3A_206, %dma_wait3A_207] : memref<10240x128xf32, #tpu.memory_space<hbm>> -> memref<10240x128xf32, #tpu.memory_space<hbm>>
        tpu.wait_indirect_dma semaphore(%arg16 : memref<!tpu.dma_semaphore, #tpu.memory_space<semaphore_mem>>) src(%dma_wait3A_208 : memref<10240x128xf32, #tpu.memory_space<hbm>>) dst(%arg9 : memref<128x128xf32, #tpu.memory_space<vmem>>)
        %run_scoped3A_209 = arith.constant 1 : i32
        "tpu.region"() ({
          %run_scoped3A_250 = tpu.sem_alloc : memref<!tpu.dma_semaphore, #tpu.memory_space<semaphore_mem>>
          %dma_start3A_251 = arith.constant 0 : i32
          %dma_start3A_252 = tpu.memref_slice %arg7[%run_scoped3A_209, %dma_start3A_251] : memref<2x128xi32, #tpu.memory_space<vmem>> -> memref<1x128xi32, #tpu.memory_space<vmem>>
          %dma_start3A_253 = tpu.memref_squeeze %dma_start3A_252 : memref<1x128xi32, #tpu.memory_space<vmem>> -> memref<128xi32, #tpu.memory_space<vmem>>
          %dma_start3A_254 = arith.constant 0 : i32
          %dma_start3A_255 = arith.constant 0 : i32
          %dma_start3A_256 = tpu.memref_slice %arg11[%dma_start3A_254, %dma_start3A_255] : memref<10240x128xf32, #tpu.memory_space<vmem_shared>> -> memref<10240x128xf32, #tpu.memory_space<vmem_shared>>
          tpu.enqueue_indirect_dma source(%arg9 : memref<128x128xf32, #tpu.memory_space<vmem>>) target(%dma_start3A_256 : memref<10240x128xf32, #tpu.memory_space<vmem_shared>>) offsets(%dma_start3A_253 : memref<128xi32, #tpu.memory_space<vmem>>) semaphore(%run_scoped3A_250 : memref<!tpu.dma_semaphore, #tpu.memory_space<semaphore_mem>>) {add = true}
          %dma_wait3A_257 = arith.constant 0 : i32
          %dma_wait3A_258 = tpu.memref_slice %arg7[%run_scoped3A_209, %dma_wait3A_257] : memref<2x128xi32, #tpu.memory_space<vmem>> -> memref<1x128xi32, #tpu.memory_space<vmem>>
          %dma_wait3A_259 = tpu.memref_squeeze %dma_wait3A_258 : memref<1x128xi32, #tpu.memory_space<vmem>> -> memref<128xi32, #tpu.memory_space<vmem>>
          %dma_wait3A_260 = arith.constant 0 : i32
          %dma_wait3A_261 = arith.constant 0 : i32
          %dma_wait3A_262 = tpu.memref_slice %arg11[%dma_wait3A_260, %dma_wait3A_261] : memref<10240x128xf32, #tpu.memory_space<vmem_shared>> -> memref<10240x128xf32, #tpu.memory_space<vmem_shared>>
          tpu.wait_indirect_dma semaphore(%run_scoped3A_250 : memref<!tpu.dma_semaphore, #tpu.memory_space<semaphore_mem>>) src(%arg9 : memref<128x128xf32, #tpu.memory_space<vmem>>) dst(%dma_wait3A_262 : memref<10240x128xf32, #tpu.memory_space<vmem_shared>>)
          tpu.yield
        }) : () -> ()
        %add3A_210 = arith.constant 4 : i32
        %add3A_211 = arith.addi %add3A_201, %add3A_210 : i32
        %lt3A_212 = arith.constant 160 : i32
        %lt3A_213 = arith.cmpi slt, %add3A_211, %lt3A_212 : i32
        %convert_element_type3A_214 = arith.extui %lt3A_213 : i1 to i32
        %cond3A_215 = arith.constant 0 : i32
        %cond3A_216 = arith.cmpi ne, %convert_element_type3A_214, %cond3A_215 : i32
        scf.if %cond3A_216 {
          %add3A_250 = arith.constant 4 : i32
          %add3A_251 = arith.addi %add3A_201, %add3A_250 : i32
          %add3A_252 = arith.addi %mul3A_0, %add3A_251 : i32
          %dma_start3A_253 = arith.constant 0 : i32
          %dma_start3A_254 = arith.constant 0 : i32
          %dma_start3A_255 = tpu.memref_slice %arg3[%add3A_252, %dma_start3A_253, %dma_start3A_254] : memref<2560x2x128xi32, #tpu.memory_space<hbm>> -> memref<1x2x128xi32, #tpu.memory_space<hbm>>
          %dma_start3A_256 = tpu.memref_squeeze %dma_start3A_255 : memref<1x2x128xi32, #tpu.memory_space<hbm>> -> memref<2x128xi32, #tpu.memory_space<hbm>>
          %dma_start3A_257 = arith.constant 0 : i32
          %dma_start3A_258 = arith.constant 0 : i32
          %dma_start3A_259 = tpu.memref_slice %arg3[%add3A_252, %dma_start3A_257, %dma_start3A_258] : memref<2560x2x128xi32, #tpu.memory_space<hbm>> -> memref<1x2x128xi32, #tpu.memory_space<hbm>>
          %dma_start3A_260 = tpu.memref_squeeze %dma_start3A_259 : memref<1x2x128xi32, #tpu.memory_space<hbm>> -> memref<2x128xi32, #tpu.memory_space<hbm>>
          tpu.enqueue_dma source(%dma_start3A_260 : memref<2x128xi32, #tpu.memory_space<hbm>>) target(%arg7 : memref<2x128xi32, #tpu.memory_space<vmem>>) target_semaphore(%arg14 : memref<!tpu.dma_semaphore, #tpu.memory_space<semaphore_mem>>)
        } else {
        }
        %add3A_217 = arith.constant 2 : i32
        %add3A_218 = arith.addi %add3A_201, %add3A_217 : i32
        %lt3A_219 = arith.constant 160 : i32
        %lt3A_220 = arith.cmpi slt, %add3A_218, %lt3A_219 : i32
        %convert_element_type3A_221 = arith.extui %lt3A_220 : i1 to i32
        %cond3A_222 = arith.constant 0 : i32
        %cond3A_223 = arith.cmpi ne, %convert_element_type3A_221, %cond3A_222 : i32
        scf.if %cond3A_223 {
          %add3A_250 = arith.constant 2 : i32
          %add3A_251 = arith.addi %add3A_201, %add3A_250 : i32
          %add3A_252 = arith.addi %mul3A_0, %add3A_251 : i32
          %dma_wait3A_253 = arith.constant 0 : i32
          %dma_wait3A_254 = arith.constant 0 : i32
          %dma_wait3A_255 = tpu.memref_slice %arg3[%add3A_252, %dma_wait3A_253, %dma_wait3A_254] : memref<2560x2x128xi32, #tpu.memory_space<hbm>> -> memref<1x2x128xi32, #tpu.memory_space<hbm>>
          %dma_wait3A_256 = tpu.memref_squeeze %dma_wait3A_255 : memref<1x2x128xi32, #tpu.memory_space<hbm>> -> memref<2x128xi32, #tpu.memory_space<hbm>>
          %dma_wait3A_257 = arith.constant 0 : i32
          %dma_wait3A_258 = arith.constant 0 : i32
          %dma_wait3A_259 = tpu.memref_slice %arg3[%add3A_252, %dma_wait3A_257, %dma_wait3A_258] : memref<2560x2x128xi32, #tpu.memory_space<hbm>> -> memref<1x2x128xi32, #tpu.memory_space<hbm>>
          %dma_wait3A_260 = tpu.memref_squeeze %dma_wait3A_259 : memref<1x2x128xi32, #tpu.memory_space<hbm>> -> memref<2x128xi32, #tpu.memory_space<hbm>>
          tpu.wait_dma2 semaphore(%arg12 : memref<!tpu.dma_semaphore, #tpu.memory_space<semaphore_mem>>) src(%dma_wait3A_260 : memref<2x128xi32, #tpu.memory_space<hbm>>) dst(%arg5 : memref<2x128xi32, #tpu.memory_space<vmem>>)
          %dma_start3A_261 = arith.constant 0 : i32
          %dma_start3A_262 = arith.constant 0 : i32
          %dma_start3A_263 = tpu.memref_slice %arg5[%dma_start3A_261, %dma_start3A_262] : memref<2x128xi32, #tpu.memory_space<vmem>> -> memref<1x128xi32, #tpu.memory_space<vmem>>
          %dma_start3A_264 = tpu.memref_squeeze %dma_start3A_263 : memref<1x128xi32, #tpu.memory_space<vmem>> -> memref<128xi32, #tpu.memory_space<vmem>>
          %dma_start3A_265 = arith.constant 0 : i32
          %dma_start3A_266 = arith.constant 0 : i32
          %dma_start3A_267 = tpu.memref_slice %arg2[%dma_start3A_265, %dma_start3A_266] : memref<10240x128xf32, #tpu.memory_space<hbm>> -> memref<10240x128xf32, #tpu.memory_space<hbm>>
          tpu.enqueue_indirect_dma source(%dma_start3A_267 : memref<10240x128xf32, #tpu.memory_space<hbm>>) target(%arg9 : memref<128x128xf32, #tpu.memory_space<vmem>>) offsets(%dma_start3A_264 : memref<128xi32, #tpu.memory_space<vmem>>) semaphore(%arg16 : memref<!tpu.dma_semaphore, #tpu.memory_space<semaphore_mem>>)
        } else {
        }
        %mul3A_224 = arith.constant 4 : i32
        %mul3A_225 = arith.muli %mul3A_224, %scan3A_147 : i32
        %add3A_226 = arith.constant 3 : i32
        %add3A_227 = arith.addi %mul3A_225, %add3A_226 : i32
        %dma_wait3A_228 = arith.constant 0 : i32
        %dma_wait3A_229 = arith.constant 0 : i32
        %dma_wait3A_230 = tpu.memref_slice %arg8[%dma_wait3A_228, %dma_wait3A_229] : memref<2x128xi32, #tpu.memory_space<vmem>> -> memref<1x128xi32, #tpu.memory_space<vmem>>
        %dma_wait3A_231 = tpu.memref_squeeze %dma_wait3A_230 : memref<1x128xi32, #tpu.memory_space<vmem>> -> memref<128xi32, #tpu.memory_space<vmem>>
        %dma_wait3A_232 = arith.constant 0 : i32
        %dma_wait3A_233 = arith.constant 0 : i32
        %dma_wait3A_234 = tpu.memref_slice %arg2[%dma_wait3A_232, %dma_wait3A_233] : memref<10240x128xf32, #tpu.memory_space<hbm>> -> memref<10240x128xf32, #tpu.memory_space<hbm>>
        tpu.wait_indirect_dma semaphore(%arg17 : memref<!tpu.dma_semaphore, #tpu.memory_space<semaphore_mem>>) src(%dma_wait3A_234 : memref<10240x128xf32, #tpu.memory_space<hbm>>) dst(%arg10 : memref<128x128xf32, #tpu.memory_space<vmem>>)
        %run_scoped3A_235 = arith.constant 1 : i32
        "tpu.region"() ({
          %run_scoped3A_250 = tpu.sem_alloc : memref<!tpu.dma_semaphore, #tpu.memory_space<semaphore_mem>>
          %dma_start3A_251 = arith.constant 0 : i32
          %dma_start3A_252 = tpu.memref_slice %arg8[%run_scoped3A_235, %dma_start3A_251] : memref<2x128xi32, #tpu.memory_space<vmem>> -> memref<1x128xi32, #tpu.memory_space<vmem>>
          %dma_start3A_253 = tpu.memref_squeeze %dma_start3A_252 : memref<1x128xi32, #tpu.memory_space<vmem>> -> memref<128xi32, #tpu.memory_space<vmem>>
          %dma_start3A_254 = arith.constant 0 : i32
          %dma_start3A_255 = arith.constant 0 : i32
          %dma_start3A_256 = tpu.memref_slice %arg11[%dma_start3A_254, %dma_start3A_255] : memref<10240x128xf32, #tpu.memory_space<vmem_shared>> -> memref<10240x128xf32, #tpu.memory_space<vmem_shared>>
          tpu.enqueue_indirect_dma source(%arg10 : memref<128x128xf32, #tpu.memory_space<vmem>>) target(%dma_start3A_256 : memref<10240x128xf32, #tpu.memory_space<vmem_shared>>) offsets(%dma_start3A_253 : memref<128xi32, #tpu.memory_space<vmem>>) semaphore(%run_scoped3A_250 : memref<!tpu.dma_semaphore, #tpu.memory_space<semaphore_mem>>) {add = true}
          %dma_wait3A_257 = arith.constant 0 : i32
          %dma_wait3A_258 = tpu.memref_slice %arg8[%run_scoped3A_235, %dma_wait3A_257] : memref<2x128xi32, #tpu.memory_space<vmem>> -> memref<1x128xi32, #tpu.memory_space<vmem>>
          %dma_wait3A_259 = tpu.memref_squeeze %dma_wait3A_258 : memref<1x128xi32, #tpu.memory_space<vmem>> -> memref<128xi32, #tpu.memory_space<vmem>>
          %dma_wait3A_260 = arith.constant 0 : i32
          %dma_wait3A_261 = arith.constant 0 : i32
          %dma_wait3A_262 = tpu.memref_slice %arg11[%dma_wait3A_260, %dma_wait3A_261] : memref<10240x128xf32, #tpu.memory_space<vmem_shared>> -> memref<10240x128xf32, #tpu.memory_space<vmem_shared>>
          tpu.wait_indirect_dma semaphore(%run_scoped3A_250 : memref<!tpu.dma_semaphore, #tpu.memory_space<semaphore_mem>>) src(%arg10 : memref<128x128xf32, #tpu.memory_space<vmem>>) dst(%dma_wait3A_262 : memref<10240x128xf32, #tpu.memory_space<vmem_shared>>)
          tpu.yield
        }) : () -> ()
        %add3A_236 = arith.constant 4 : i32
        %add3A_237 = arith.addi %add3A_227, %add3A_236 : i32
        %lt3A_238 = arith.constant 160 : i32
        %lt3A_239 = arith.cmpi slt, %add3A_237, %lt3A_238 : i32
        %convert_element_type3A_240 = arith.extui %lt3A_239 : i1 to i32
        %cond3A_241 = arith.constant 0 : i32
        %cond3A_242 = arith.cmpi ne, %convert_element_type3A_240, %cond3A_241 : i32
        scf.if %cond3A_242 {
          %add3A_250 = arith.constant 4 : i32
          %add3A_251 = arith.addi %add3A_227, %add3A_250 : i32
          %add3A_252 = arith.addi %mul3A_0, %add3A_251 : i32
          %dma_start3A_253 = arith.constant 0 : i32
          %dma_start3A_254 = arith.constant 0 : i32
          %dma_start3A_255 = tpu.memref_slice %arg3[%add3A_252, %dma_start3A_253, %dma_start3A_254] : memref<2560x2x128xi32, #tpu.memory_space<hbm>> -> memref<1x2x128xi32, #tpu.memory_space<hbm>>
          %dma_start3A_256 = tpu.memref_squeeze %dma_start3A_255 : memref<1x2x128xi32, #tpu.memory_space<hbm>> -> memref<2x128xi32, #tpu.memory_space<hbm>>
          %dma_start3A_257 = arith.constant 0 : i32
          %dma_start3A_258 = arith.constant 0 : i32
          %dma_start3A_259 = tpu.memref_slice %arg3[%add3A_252, %dma_start3A_257, %dma_start3A_258] : memref<2560x2x128xi32, #tpu.memory_space<hbm>> -> memref<1x2x128xi32, #tpu.memory_space<hbm>>
          %dma_start3A_260 = tpu.memref_squeeze %dma_start3A_259 : memref<1x2x128xi32, #tpu.memory_space<hbm>> -> memref<2x128xi32, #tpu.memory_space<hbm>>
          tpu.enqueue_dma source(%dma_start3A_260 : memref<2x128xi32, #tpu.memory_space<hbm>>) target(%arg8 : memref<2x128xi32, #tpu.memory_space<vmem>>) target_semaphore(%arg15 : memref<!tpu.dma_semaphore, #tpu.memory_space<semaphore_mem>>)
        } else {
        }
        %add3A_243 = arith.constant 2 : i32
        %add3A_244 = arith.addi %add3A_227, %add3A_243 : i32
        %lt3A_245 = arith.constant 160 : i32
        %lt3A_246 = arith.cmpi slt, %add3A_244, %lt3A_245 : i32
        %convert_element_type3A_247 = arith.extui %lt3A_246 : i1 to i32
        %cond3A_248 = arith.constant 0 : i32
        %cond3A_249 = arith.cmpi ne, %convert_element_type3A_247, %cond3A_248 : i32
        scf.if %cond3A_249 {
          %add3A_250 = arith.constant 2 : i32
          %add3A_251 = arith.addi %add3A_227, %add3A_250 : i32
          %add3A_252 = arith.addi %mul3A_0, %add3A_251 : i32
          %dma_wait3A_253 = arith.constant 0 : i32
          %dma_wait3A_254 = arith.constant 0 : i32
          %dma_wait3A_255 = tpu.memref_slice %arg3[%add3A_252, %dma_wait3A_253, %dma_wait3A_254] : memref<2560x2x128xi32, #tpu.memory_space<hbm>> -> memref<1x2x128xi32, #tpu.memory_space<hbm>>
          %dma_wait3A_256 = tpu.memref_squeeze %dma_wait3A_255 : memref<1x2x128xi32, #tpu.memory_space<hbm>> -> memref<2x128xi32, #tpu.memory_space<hbm>>
          %dma_wait3A_257 = arith.constant 0 : i32
          %dma_wait3A_258 = arith.constant 0 : i32
          %dma_wait3A_259 = tpu.memref_slice %arg3[%add3A_252, %dma_wait3A_257, %dma_wait3A_258] : memref<2560x2x128xi32, #tpu.memory_space<hbm>> -> memref<1x2x128xi32, #tpu.memory_space<hbm>>
          %dma_wait3A_260 = tpu.memref_squeeze %dma_wait3A_259 : memref<1x2x128xi32, #tpu.memory_space<hbm>> -> memref<2x128xi32, #tpu.memory_space<hbm>>
          tpu.wait_dma2 semaphore(%arg13 : memref<!tpu.dma_semaphore, #tpu.memory_space<semaphore_mem>>) src(%dma_wait3A_260 : memref<2x128xi32, #tpu.memory_space<hbm>>) dst(%arg6 : memref<2x128xi32, #tpu.memory_space<vmem>>)
          %dma_start3A_261 = arith.constant 0 : i32
          %dma_start3A_262 = arith.constant 0 : i32
          %dma_start3A_263 = tpu.memref_slice %arg6[%dma_start3A_261, %dma_start3A_262] : memref<2x128xi32, #tpu.memory_space<vmem>> -> memref<1x128xi32, #tpu.memory_space<vmem>>
          %dma_start3A_264 = tpu.memref_squeeze %dma_start3A_263 : memref<1x128xi32, #tpu.memory_space<vmem>> -> memref<128xi32, #tpu.memory_space<vmem>>
          %dma_start3A_265 = arith.constant 0 : i32
          %dma_start3A_266 = arith.constant 0 : i32
          %dma_start3A_267 = tpu.memref_slice %arg2[%dma_start3A_265, %dma_start3A_266] : memref<10240x128xf32, #tpu.memory_space<hbm>> -> memref<10240x128xf32, #tpu.memory_space<hbm>>
          tpu.enqueue_indirect_dma source(%dma_start3A_267 : memref<10240x128xf32, #tpu.memory_space<hbm>>) target(%arg10 : memref<128x128xf32, #tpu.memory_space<vmem>>) offsets(%dma_start3A_264 : memref<128xi32, #tpu.memory_space<vmem>>) semaphore(%arg17 : memref<!tpu.dma_semaphore, #tpu.memory_space<semaphore_mem>>)
        } else {
        }
      }
      %scan3A_105 = arith.constant 40 : i32
      %barrier3A_106 = arith.constant 0 : index
      tpu.barrier barrier_id(%barrier3A_106)
      %mul3A_107 = arith.constant 640 : i32
      %mul3A_108 = arith.muli %arg1, %mul3A_107 : i32
      %add3A_109 = arith.constant 0 : i32
      %add3A_110 = arith.addi %mul3A_108, %add3A_109 : i32
      "tpu.region"() ({
        %run_scoped3A = tpu.sem_alloc : memref<!tpu.dma_semaphore, #tpu.memory_space<semaphore_mem>>
        %dma_start3A_147 = arith.constant 0 : i32
        %dma_start3A_148 = tpu.memref_slice %arg11[%add3A_110, %dma_start3A_147] : memref<10240x128xf32, #tpu.memory_space<vmem_shared>> -> memref<128x128xf32, #tpu.memory_space<vmem_shared>>
        %dma_start3A_149 = arith.constant 0 : i32
        %dma_start3A_150 = tpu.memref_slice %arg11[%add3A_110, %dma_start3A_149] : memref<10240x128xf32, #tpu.memory_space<vmem_shared>> -> memref<128x128xf32, #tpu.memory_space<vmem_shared>>
        tpu.enqueue_dma source(%dma_start3A_150 : memref<128x128xf32, #tpu.memory_space<vmem_shared>>) target(%arg9 : memref<128x128xf32, #tpu.memory_space<vmem>>) target_semaphore(%run_scoped3A : memref<!tpu.dma_semaphore, #tpu.memory_space<semaphore_mem>>)
        %dma_wait3A_151 = arith.constant 0 : i32
        %dma_wait3A_152 = tpu.memref_slice %arg11[%add3A_110, %dma_wait3A_151] : memref<10240x128xf32, #tpu.memory_space<vmem_shared>> -> memref<128x128xf32, #tpu.memory_space<vmem_shared>>
        %dma_wait3A_153 = arith.constant 0 : i32
        %dma_wait3A_154 = tpu.memref_slice %arg11[%add3A_110, %dma_wait3A_153] : memref<10240x128xf32, #tpu.memory_space<vmem_shared>> -> memref<128x128xf32, #tpu.memory_space<vmem_shared>>
        tpu.wait_dma2 semaphore(%run_scoped3A : memref<!tpu.dma_semaphore, #tpu.memory_space<semaphore_mem>>) src(%dma_wait3A_154 : memref<128x128xf32, #tpu.memory_space<vmem_shared>>) dst(%arg9 : memref<128x128xf32, #tpu.memory_space<vmem>>)
        tpu.yield
      }) : () -> ()
      %mul3A_111 = arith.constant 640 : i32
      %mul3A_112 = arith.muli %arg1, %mul3A_111 : i32
      %add3A_113 = arith.constant 0 : i32
      %add3A_114 = arith.addi %mul3A_112, %add3A_113 : i32
      "tpu.region"() ({
        %run_scoped3A = tpu.sem_alloc : memref<!tpu.dma_semaphore, #tpu.memory_space<semaphore_mem>>
        %dma_start3A_147 = arith.constant 0 : i32
        %dma_start3A_148 = tpu.memref_slice %arg4[%add3A_114, %dma_start3A_147] : memref<10240x128xf32, #tpu.memory_space<hbm>> -> memref<128x128xf32, #tpu.memory_space<hbm>>
        %dma_start3A_149 = arith.constant 0 : i32
        %dma_start3A_150 = tpu.memref_slice %arg4[%add3A_114, %dma_start3A_149] : memref<10240x128xf32, #tpu.memory_space<hbm>> -> memref<128x128xf32, #tpu.memory_space<hbm>>
        tpu.enqueue_dma source(%arg9 : memref<128x128xf32, #tpu.memory_space<vmem>>) target(%dma_start3A_150 : memref<128x128xf32, #tpu.memory_space<hbm>>) target_semaphore(%run_scoped3A : memref<!tpu.dma_semaphore, #tpu.memory_space<semaphore_mem>>)
        %dma_wait3A_151 = arith.constant 0 : i32
        %dma_wait3A_152 = tpu.memref_slice %arg4[%add3A_114, %dma_wait3A_151] : memref<10240x128xf32, #tpu.memory_space<hbm>> -> memref<128x128xf32, #tpu.memory_space<hbm>>
        %dma_wait3A_153 = arith.constant 0 : i32
        %dma_wait3A_154 = tpu.memref_slice %arg4[%add3A_114, %dma_wait3A_153] : memref<10240x128xf32, #tpu.memory_space<hbm>> -> memref<128x128xf32, #tpu.memory_space<hbm>>
        tpu.wait_dma2 semaphore(%run_scoped3A : memref<!tpu.dma_semaphore, #tpu.memory_space<semaphore_mem>>) src(%arg9 : memref<128x128xf32, #tpu.memory_space<vmem>>) dst(%dma_wait3A_154 : memref<128x128xf32, #tpu.memory_space<hbm>>)
        tpu.yield
      }) : () -> ()
      %mul3A_115 = arith.constant 640 : i32
      %mul3A_116 = arith.muli %arg1, %mul3A_115 : i32
      %add3A_117 = arith.constant 128 : i32
      %add3A_118 = arith.addi %mul3A_116, %add3A_117 : i32
      "tpu.region"() ({
        %run_scoped3A = tpu.sem_alloc : memref<!tpu.dma_semaphore, #tpu.memory_space<semaphore_mem>>
        %dma_start3A_147 = arith.constant 0 : i32
        %dma_start3A_148 = tpu.memref_slice %arg11[%add3A_118, %dma_start3A_147] : memref<10240x128xf32, #tpu.memory_space<vmem_shared>> -> memref<128x128xf32, #tpu.memory_space<vmem_shared>>
        %dma_start3A_149 = arith.constant 0 : i32
        %dma_start3A_150 = tpu.memref_slice %arg11[%add3A_118, %dma_start3A_149] : memref<10240x128xf32, #tpu.memory_space<vmem_shared>> -> memref<128x128xf32, #tpu.memory_space<vmem_shared>>
        tpu.enqueue_dma source(%dma_start3A_150 : memref<128x128xf32, #tpu.memory_space<vmem_shared>>) target(%arg9 : memref<128x128xf32, #tpu.memory_space<vmem>>) target_semaphore(%run_scoped3A : memref<!tpu.dma_semaphore, #tpu.memory_space<semaphore_mem>>)
        %dma_wait3A_151 = arith.constant 0 : i32
        %dma_wait3A_152 = tpu.memref_slice %arg11[%add3A_118, %dma_wait3A_151] : memref<10240x128xf32, #tpu.memory_space<vmem_shared>> -> memref<128x128xf32, #tpu.memory_space<vmem_shared>>
        %dma_wait3A_153 = arith.constant 0 : i32
        %dma_wait3A_154 = tpu.memref_slice %arg11[%add3A_118, %dma_wait3A_153] : memref<10240x128xf32, #tpu.memory_space<vmem_shared>> -> memref<128x128xf32, #tpu.memory_space<vmem_shared>>
        tpu.wait_dma2 semaphore(%run_scoped3A : memref<!tpu.dma_semaphore, #tpu.memory_space<semaphore_mem>>) src(%dma_wait3A_154 : memref<128x128xf32, #tpu.memory_space<vmem_shared>>) dst(%arg9 : memref<128x128xf32, #tpu.memory_space<vmem>>)
        tpu.yield
      }) : () -> ()
      %mul3A_119 = arith.constant 640 : i32
      %mul3A_120 = arith.muli %arg1, %mul3A_119 : i32
      %add3A_121 = arith.constant 128 : i32
      %add3A_122 = arith.addi %mul3A_120, %add3A_121 : i32
      "tpu.region"() ({
        %run_scoped3A = tpu.sem_alloc : memref<!tpu.dma_semaphore, #tpu.memory_space<semaphore_mem>>
        %dma_start3A_147 = arith.constant 0 : i32
        %dma_start3A_148 = tpu.memref_slice %arg4[%add3A_122, %dma_start3A_147] : memref<10240x128xf32, #tpu.memory_space<hbm>> -> memref<128x128xf32, #tpu.memory_space<hbm>>
        %dma_start3A_149 = arith.constant 0 : i32
        %dma_start3A_150 = tpu.memref_slice %arg4[%add3A_122, %dma_start3A_149] : memref<10240x128xf32, #tpu.memory_space<hbm>> -> memref<128x128xf32, #tpu.memory_space<hbm>>
        tpu.enqueue_dma source(%arg9 : memref<128x128xf32, #tpu.memory_space<vmem>>) target(%dma_start3A_150 : memref<128x128xf32, #tpu.memory_space<hbm>>) target_semaphore(%run_scoped3A : memref<!tpu.dma_semaphore, #tpu.memory_space<semaphore_mem>>)
        %dma_wait3A_151 = arith.constant 0 : i32
        %dma_wait3A_152 = tpu.memref_slice %arg4[%add3A_122, %dma_wait3A_151] : memref<10240x128xf32, #tpu.memory_space<hbm>> -> memref<128x128xf32, #tpu.memory_space<hbm>>
        %dma_wait3A_153 = arith.constant 0 : i32
        %dma_wait3A_154 = tpu.memref_slice %arg4[%add3A_122, %dma_wait3A_153] : memref<10240x128xf32, #tpu.memory_space<hbm>> -> memref<128x128xf32, #tpu.memory_space<hbm>>
        tpu.wait_dma2 semaphore(%run_scoped3A : memref<!tpu.dma_semaphore, #tpu.memory_space<semaphore_mem>>) src(%arg9 : memref<128x128xf32, #tpu.memory_space<vmem>>) dst(%dma_wait3A_154 : memref<128x128xf32, #tpu.memory_space<hbm>>)
        tpu.yield
      }) : () -> ()
      %mul3A_123 = arith.constant 640 : i32
      %mul3A_124 = arith.muli %arg1, %mul3A_123 : i32
      %add3A_125 = arith.constant 256 : i32
      %add3A_126 = arith.addi %mul3A_124, %add3A_125 : i32
      "tpu.region"() ({
        %run_scoped3A = tpu.sem_alloc : memref<!tpu.dma_semaphore, #tpu.memory_space<semaphore_mem>>
        %dma_start3A_147 = arith.constant 0 : i32
        %dma_start3A_148 = tpu.memref_slice %arg11[%add3A_126, %dma_start3A_147] : memref<10240x128xf32, #tpu.memory_space<vmem_shared>> -> memref<128x128xf32, #tpu.memory_space<vmem_shared>>
        %dma_start3A_149 = arith.constant 0 : i32
        %dma_start3A_150 = tpu.memref_slice %arg11[%add3A_126, %dma_start3A_149] : memref<10240x128xf32, #tpu.memory_space<vmem_shared>> -> memref<128x128xf32, #tpu.memory_space<vmem_shared>>
        tpu.enqueue_dma source(%dma_start3A_150 : memref<128x128xf32, #tpu.memory_space<vmem_shared>>) target(%arg9 : memref<128x128xf32, #tpu.memory_space<vmem>>) target_semaphore(%run_scoped3A : memref<!tpu.dma_semaphore, #tpu.memory_space<semaphore_mem>>)
        %dma_wait3A_151 = arith.constant 0 : i32
        %dma_wait3A_152 = tpu.memref_slice %arg11[%add3A_126, %dma_wait3A_151] : memref<10240x128xf32, #tpu.memory_space<vmem_shared>> -> memref<128x128xf32, #tpu.memory_space<vmem_shared>>
        %dma_wait3A_153 = arith.constant 0 : i32
        %dma_wait3A_154 = tpu.memref_slice %arg11[%add3A_126, %dma_wait3A_153] : memref<10240x128xf32, #tpu.memory_space<vmem_shared>> -> memref<128x128xf32, #tpu.memory_space<vmem_shared>>
        tpu.wait_dma2 semaphore(%run_scoped3A : memref<!tpu.dma_semaphore, #tpu.memory_space<semaphore_mem>>) src(%dma_wait3A_154 : memref<128x128xf32, #tpu.memory_space<vmem_shared>>) dst(%arg9 : memref<128x128xf32, #tpu.memory_space<vmem>>)
        tpu.yield
      }) : () -> ()
      %mul3A_127 = arith.constant 640 : i32
      %mul3A_128 = arith.muli %arg1, %mul3A_127 : i32
      %add3A_129 = arith.constant 256 : i32
      %add3A_130 = arith.addi %mul3A_128, %add3A_129 : i32
      "tpu.region"() ({
        %run_scoped3A = tpu.sem_alloc : memref<!tpu.dma_semaphore, #tpu.memory_space<semaphore_mem>>
        %dma_start3A_147 = arith.constant 0 : i32
        %dma_start3A_148 = tpu.memref_slice %arg4[%add3A_130, %dma_start3A_147] : memref<10240x128xf32, #tpu.memory_space<hbm>> -> memref<128x128xf32, #tpu.memory_space<hbm>>
        %dma_start3A_149 = arith.constant 0 : i32
        %dma_start3A_150 = tpu.memref_slice %arg4[%add3A_130, %dma_start3A_149] : memref<10240x128xf32, #tpu.memory_space<hbm>> -> memref<128x128xf32, #tpu.memory_space<hbm>>
        tpu.enqueue_dma source(%arg9 : memref<128x128xf32, #tpu.memory_space<vmem>>) target(%dma_start3A_150 : memref<128x128xf32, #tpu.memory_space<hbm>>) target_semaphore(%run_scoped3A : memref<!tpu.dma_semaphore, #tpu.memory_space<semaphore_mem>>)
        %dma_wait3A_151 = arith.constant 0 : i32
        %dma_wait3A_152 = tpu.memref_slice %arg4[%add3A_130, %dma_wait3A_151] : memref<10240x128xf32, #tpu.memory_space<hbm>> -> memref<128x128xf32, #tpu.memory_space<hbm>>
        %dma_wait3A_153 = arith.constant 0 : i32
        %dma_wait3A_154 = tpu.memref_slice %arg4[%add3A_130, %dma_wait3A_153] : memref<10240x128xf32, #tpu.memory_space<hbm>> -> memref<128x128xf32, #tpu.memory_space<hbm>>
        tpu.wait_dma2 semaphore(%run_scoped3A : memref<!tpu.dma_semaphore, #tpu.memory_space<semaphore_mem>>) src(%arg9 : memref<128x128xf32, #tpu.memory_space<vmem>>) dst(%dma_wait3A_154 : memref<128x128xf32, #tpu.memory_space<hbm>>)
        tpu.yield
      }) : () -> ()
      %mul3A_131 = arith.constant 640 : i32
      %mul3A_132 = arith.muli %arg1, %mul3A_131 : i32
      %add3A_133 = arith.constant 384 : i32
      %add3A_134 = arith.addi %mul3A_132, %add3A_133 : i32
      "tpu.region"() ({
        %run_scoped3A = tpu.sem_alloc : memref<!tpu.dma_semaphore, #tpu.memory_space<semaphore_mem>>
        %dma_start3A_147 = arith.constant 0 : i32
        %dma_start3A_148 = tpu.memref_slice %arg11[%add3A_134, %dma_start3A_147] : memref<10240x128xf32, #tpu.memory_space<vmem_shared>> -> memref<128x128xf32, #tpu.memory_space<vmem_shared>>
        %dma_start3A_149 = arith.constant 0 : i32
        %dma_start3A_150 = tpu.memref_slice %arg11[%add3A_134, %dma_start3A_149] : memref<10240x128xf32, #tpu.memory_space<vmem_shared>> -> memref<128x128xf32, #tpu.memory_space<vmem_shared>>
        tpu.enqueue_dma source(%dma_start3A_150 : memref<128x128xf32, #tpu.memory_space<vmem_shared>>) target(%arg9 : memref<128x128xf32, #tpu.memory_space<vmem>>) target_semaphore(%run_scoped3A : memref<!tpu.dma_semaphore, #tpu.memory_space<semaphore_mem>>)
        %dma_wait3A_151 = arith.constant 0 : i32
        %dma_wait3A_152 = tpu.memref_slice %arg11[%add3A_134, %dma_wait3A_151] : memref<10240x128xf32, #tpu.memory_space<vmem_shared>> -> memref<128x128xf32, #tpu.memory_space<vmem_shared>>
        %dma_wait3A_153 = arith.constant 0 : i32
        %dma_wait3A_154 = tpu.memref_slice %arg11[%add3A_134, %dma_wait3A_153] : memref<10240x128xf32, #tpu.memory_space<vmem_shared>> -> memref<128x128xf32, #tpu.memory_space<vmem_shared>>
        tpu.wait_dma2 semaphore(%run_scoped3A : memref<!tpu.dma_semaphore, #tpu.memory_space<semaphore_mem>>) src(%dma_wait3A_154 : memref<128x128xf32, #tpu.memory_space<vmem_shared>>) dst(%arg9 : memref<128x128xf32, #tpu.memory_space<vmem>>)
        tpu.yield
      }) : () -> ()
      %mul3A_135 = arith.constant 640 : i32
      %mul3A_136 = arith.muli %arg1, %mul3A_135 : i32
      %add3A_137 = arith.constant 384 : i32
      %add3A_138 = arith.addi %mul3A_136, %add3A_137 : i32
      "tpu.region"() ({
        %run_scoped3A = tpu.sem_alloc : memref<!tpu.dma_semaphore, #tpu.memory_space<semaphore_mem>>
        %dma_start3A_147 = arith.constant 0 : i32
        %dma_start3A_148 = tpu.memref_slice %arg4[%add3A_138, %dma_start3A_147] : memref<10240x128xf32, #tpu.memory_space<hbm>> -> memref<128x128xf32, #tpu.memory_space<hbm>>
        %dma_start3A_149 = arith.constant 0 : i32
        %dma_start3A_150 = tpu.memref_slice %arg4[%add3A_138, %dma_start3A_149] : memref<10240x128xf32, #tpu.memory_space<hbm>> -> memref<128x128xf32, #tpu.memory_space<hbm>>
        tpu.enqueue_dma source(%arg9 : memref<128x128xf32, #tpu.memory_space<vmem>>) target(%dma_start3A_150 : memref<128x128xf32, #tpu.memory_space<hbm>>) target_semaphore(%run_scoped3A : memref<!tpu.dma_semaphore, #tpu.memory_space<semaphore_mem>>)
        %dma_wait3A_151 = arith.constant 0 : i32
        %dma_wait3A_152 = tpu.memref_slice %arg4[%add3A_138, %dma_wait3A_151] : memref<10240x128xf32, #tpu.memory_space<hbm>> -> memref<128x128xf32, #tpu.memory_space<hbm>>
        %dma_wait3A_153 = arith.constant 0 : i32
        %dma_wait3A_154 = tpu.memref_slice %arg4[%add3A_138, %dma_wait3A_153] : memref<10240x128xf32, #tpu.memory_space<hbm>> -> memref<128x128xf32, #tpu.memory_space<hbm>>
        tpu.wait_dma2 semaphore(%run_scoped3A : memref<!tpu.dma_semaphore, #tpu.memory_space<semaphore_mem>>) src(%arg9 : memref<128x128xf32, #tpu.memory_space<vmem>>) dst(%dma_wait3A_154 : memref<128x128xf32, #tpu.memory_space<hbm>>)
        tpu.yield
      }) : () -> ()
      %mul3A_139 = arith.constant 640 : i32
      %mul3A_140 = arith.muli %arg1, %mul3A_139 : i32
      %add3A_141 = arith.constant 512 : i32
      %add3A_142 = arith.addi %mul3A_140, %add3A_141 : i32
      "tpu.region"() ({
        %run_scoped3A = tpu.sem_alloc : memref<!tpu.dma_semaphore, #tpu.memory_space<semaphore_mem>>
        %dma_start3A_147 = arith.constant 0 : i32
        %dma_start3A_148 = tpu.memref_slice %arg11[%add3A_142, %dma_start3A_147] : memref<10240x128xf32, #tpu.memory_space<vmem_shared>> -> memref<128x128xf32, #tpu.memory_space<vmem_shared>>
        %dma_start3A_149 = arith.constant 0 : i32
        %dma_start3A_150 = tpu.memref_slice %arg11[%add3A_142, %dma_start3A_149] : memref<10240x128xf32, #tpu.memory_space<vmem_shared>> -> memref<128x128xf32, #tpu.memory_space<vmem_shared>>
        tpu.enqueue_dma source(%dma_start3A_150 : memref<128x128xf32, #tpu.memory_space<vmem_shared>>) target(%arg9 : memref<128x128xf32, #tpu.memory_space<vmem>>) target_semaphore(%run_scoped3A : memref<!tpu.dma_semaphore, #tpu.memory_space<semaphore_mem>>)
        %dma_wait3A_151 = arith.constant 0 : i32
        %dma_wait3A_152 = tpu.memref_slice %arg11[%add3A_142, %dma_wait3A_151] : memref<10240x128xf32, #tpu.memory_space<vmem_shared>> -> memref<128x128xf32, #tpu.memory_space<vmem_shared>>
        %dma_wait3A_153 = arith.constant 0 : i32
        %dma_wait3A_154 = tpu.memref_slice %arg11[%add3A_142, %dma_wait3A_153] : memref<10240x128xf32, #tpu.memory_space<vmem_shared>> -> memref<128x128xf32, #tpu.memory_space<vmem_shared>>
        tpu.wait_dma2 semaphore(%run_scoped3A : memref<!tpu.dma_semaphore, #tpu.memory_space<semaphore_mem>>) src(%dma_wait3A_154 : memref<128x128xf32, #tpu.memory_space<vmem_shared>>) dst(%arg9 : memref<128x128xf32, #tpu.memory_space<vmem>>)
        tpu.yield
      }) : () -> ()
      %mul3A_143 = arith.constant 640 : i32
      %mul3A_144 = arith.muli %arg1, %mul3A_143 : i32
      %add3A_145 = arith.constant 512 : i32
      %add3A_146 = arith.addi %mul3A_144, %add3A_145 : i32
      "tpu.region"() ({
        %run_scoped3A = tpu.sem_alloc : memref<!tpu.dma_semaphore, #tpu.memory_space<semaphore_mem>>
        %dma_start3A_147 = arith.constant 0 : i32
        %dma_start3A_148 = tpu.memref_slice %arg4[%add3A_146, %dma_start3A_147] : memref<10240x128xf32, #tpu.memory_space<hbm>> -> memref<128x128xf32, #tpu.memory_space<hbm>>
        %dma_start3A_149 = arith.constant 0 : i32
        %dma_start3A_150 = tpu.memref_slice %arg4[%add3A_146, %dma_start3A_149] : memref<10240x128xf32, #tpu.memory_space<hbm>> -> memref<128x128xf32, #tpu.memory_space<hbm>>
        tpu.enqueue_dma source(%arg9 : memref<128x128xf32, #tpu.memory_space<vmem>>) target(%dma_start3A_150 : memref<128x128xf32, #tpu.memory_space<hbm>>) target_semaphore(%run_scoped3A : memref<!tpu.dma_semaphore, #tpu.memory_space<semaphore_mem>>)
        %dma_wait3A_151 = arith.constant 0 : i32
        %dma_wait3A_152 = tpu.memref_slice %arg4[%add3A_146, %dma_wait3A_151] : memref<10240x128xf32, #tpu.memory_space<hbm>> -> memref<128x128xf32, #tpu.memory_space<hbm>>
        %dma_wait3A_153 = arith.constant 0 : i32
        %dma_wait3A_154 = tpu.memref_slice %arg4[%add3A_146, %dma_wait3A_153] : memref<10240x128xf32, #tpu.memory_space<hbm>> -> memref<128x128xf32, #tpu.memory_space<hbm>>
        tpu.wait_dma2 semaphore(%run_scoped3A : memref<!tpu.dma_semaphore, #tpu.memory_space<semaphore_mem>>) src(%arg9 : memref<128x128xf32, #tpu.memory_space<vmem>>) dst(%dma_wait3A_154 : memref<128x128xf32, #tpu.memory_space<hbm>>)
        tpu.yield
      }) : () -> ()
    } else {
    }
    return
  }
}

#map = affine_map<(d0, d1) -> (0, 0)>
#map1 = affine_map<(d0, d1) -> (0, 0, 0)>
module attributes {stable_mosaic.version = 14 : i64} {
  func.func @prop_kernel(%arg0: i32, %arg1: i32, %arg2: memref<10240x128xf32, #tpu.memory_space<hbm>>, %arg3: memref<2560x2x128xi32, #tpu.memory_space<hbm>>, %arg4: memref<10240x128xf32, #tpu.memory_space<hbm>>, %arg5: memref<2x128xi32, #tpu.memory_space<vmem>>, %arg6: memref<2x128xi32, #tpu.memory_space<vmem>>, %arg7: memref<2x128xi32, #tpu.memory_space<vmem>>, %arg8: memref<2x128xi32, #tpu.memory_space<vmem>>, %arg9: memref<128x128xf32, #tpu.memory_space<vmem>>, %arg10: memref<128x128xf32, #tpu.memory_space<vmem>>, %arg11: memref<10240x128xf32, #tpu.memory_space<vmem_shared>>, %arg12: memref<!tpu.dma_semaphore, #tpu.memory_space<semaphore_mem>>, %arg13: memref<!tpu.dma_semaphore, #tpu.memory_space<semaphore_mem>>, %arg14: memref<!tpu.dma_semaphore, #tpu.memory_space<semaphore_mem>>, %arg15: memref<!tpu.dma_semaphore, #tpu.memory_space<semaphore_mem>>, %arg16: memref<!tpu.dma_semaphore, #tpu.memory_space<semaphore_mem>>, %arg17: memref<!tpu.dma_semaphore, #tpu.memory_space<semaphore_mem>>) attributes {dimension_semantics = [#tpu.dimension_semantics<core_parallel>, #tpu.dimension_semantics<subcore_parallel>], iteration_bounds = array<i64: 2, 16>, scalar_prefetch = 0 : i64, scratch_operands = 13 : i64, tpu.core_type = #tpu.core_type<sc_vector_subcore>, window_params = [{transform_indices = #map}, {transform_indices = #map1}, {transform_indices = #map}]} {
    %mul3A = arith.constant 160 : i32
    %mul3A_0 = arith.muli %arg1, %mul3A : i32
    %eq3A = arith.constant 0 : i32
    %eq3A_1 = arith.cmpi eq, %arg0, %eq3A : i32
    %convert_element_type3A = arith.extui %eq3A_1 : i1 to i32
    %cond3A = arith.constant 0 : i32
    %cond3A_2 = arith.cmpi ne, %convert_element_type3A, %cond3A : i32
    scf.if %cond3A_2 {
      %broadcast_in_dim3A = arith.constant 0.000000e+00 : f32
      %broadcast_in_dim3A_3 = vector.broadcast %broadcast_in_dim3A : f32 to vector<16xf32>
      %scan3A = arith.constant 0 : i32
      %scan3A_4 = arith.constant 0 : i32
      %scan3A_5 = arith.constant 128 : i32
      %scan3A_6 = arith.addi %scan3A_4, %scan3A_5 : i32
      %scan3A_7 = arith.constant 1 : i32
      scf.for %scan3A_147 = %scan3A_4 to %scan3A_6 step %scan3A_7  : i32 {
        %swap3A = arith.index_cast %scan3A_147 : i32 to index
        %swap3A_148 = arith.constant 0 : index
        %swap3A_149 = tpu.vector_load %arg9[%swap3A, %swap3A_148] {strides = array<i32>} : memref<128x128xf32, #tpu.memory_space<vmem>>, vector<1x16xf32>,
        %swap3A_150 = vector.shape_cast %swap3A_149 : vector<1x16xf32> to vector<16xf32>
        %swap3A_151 = vector.shape_cast %broadcast_in_dim3A_3 : vector<16xf32> to vector<1x16xf32>
        tpu.vector_store %arg9[%swap3A, %swap3A_148], %swap3A_151 {strides = array<i32>} : memref<128x128xf32, #tpu.memory_space<vmem>>, vector<1x16xf32>,
        %swap3A_152 = arith.index_cast %scan3A_147 : i32 to index
        %swap3A_153 = arith.constant 16 : index
        %swap3A_154 = tpu.vector_load %arg9[%swap3A_152, %swap3A_153] {strides = array<i32>} : memref<128x128xf32, #tpu.memory_space<vmem>>, vector<1x16xf32>,
        %swap3A_155 = vector.shape_cast %swap3A_154 : vector<1x16xf32> to vector<16xf32>
        %swap3A_156 = vector.shape_cast %broadcast_in_dim3A_3 : vector<16xf32> to vector<1x16xf32>
        tpu.vector_store %arg9[%swap3A_152, %swap3A_153], %swap3A_156 {strides = array<i32>} : memref<128x128xf32, #tpu.memory_space<vmem>>, vector<1x16xf32>,
        %swap3A_157 = arith.index_cast %scan3A_147 : i32 to index
        %swap3A_158 = arith.constant 32 : index
        %swap3A_159 = tpu.vector_load %arg9[%swap3A_157, %swap3A_158] {strides = array<i32>} : memref<128x128xf32, #tpu.memory_space<vmem>>, vector<1x16xf32>,
        %swap3A_160 = vector.shape_cast %swap3A_159 : vector<1x16xf32> to vector<16xf32>
        %swap3A_161 = vector.shape_cast %broadcast_in_dim3A_3 : vector<16xf32> to vector<1x16xf32>
        tpu.vector_store %arg9[%swap3A_157, %swap3A_158], %swap3A_161 {strides = array<i32>} : memref<128x128xf32, #tpu.memory_space<vmem>>, vector<1x16xf32>,
        %swap3A_162 = arith.index_cast %scan3A_147 : i32 to index
        %swap3A_163 = arith.constant 48 : index
        %swap3A_164 = tpu.vector_load %arg9[%swap3A_162, %swap3A_163] {strides = array<i32>} : memref<128x128xf32, #tpu.memory_space<vmem>>, vector<1x16xf32>,
        %swap3A_165 = vector.shape_cast %swap3A_164 : vector<1x16xf32> to vector<16xf32>
        %swap3A_166 = vector.shape_cast %broadcast_in_dim3A_3 : vector<16xf32> to vector<1x16xf32>
        tpu.vector_store %arg9[%swap3A_162, %swap3A_163], %swap3A_166 {strides = array<i32>} : memref<128x128xf32, #tpu.memory_space<vmem>>, vector<1x16xf32>,
        %swap3A_167 = arith.index_cast %scan3A_147 : i32 to index
        %swap3A_168 = arith.constant 64 : index
        %swap3A_169 = tpu.vector_load %arg9[%swap3A_167, %swap3A_168] {strides = array<i32>} : memref<128x128xf32, #tpu.memory_space<vmem>>, vector<1x16xf32>,
        %swap3A_170 = vector.shape_cast %swap3A_169 : vector<1x16xf32> to vector<16xf32>
        %swap3A_171 = vector.shape_cast %broadcast_in_dim3A_3 : vector<16xf32> to vector<1x16xf32>
        tpu.vector_store %arg9[%swap3A_167, %swap3A_168], %swap3A_171 {strides = array<i32>} : memref<128x128xf32, #tpu.memory_space<vmem>>, vector<1x16xf32>,
        %swap3A_172 = arith.index_cast %scan3A_147 : i32 to index
        %swap3A_173 = arith.constant 80 : index
        %swap3A_174 = tpu.vector_load %arg9[%swap3A_172, %swap3A_173] {strides = array<i32>} : memref<128x128xf32, #tpu.memory_space<vmem>>, vector<1x16xf32>,
        %swap3A_175 = vector.shape_cast %swap3A_174 : vector<1x16xf32> to vector<16xf32>
        %swap3A_176 = vector.shape_cast %broadcast_in_dim3A_3 : vector<16xf32> to vector<1x16xf32>
        tpu.vector_store %arg9[%swap3A_172, %swap3A_173], %swap3A_176 {strides = array<i32>} : memref<128x128xf32, #tpu.memory_space<vmem>>, vector<1x16xf32>,
        %swap3A_177 = arith.index_cast %scan3A_147 : i32 to index
        %swap3A_178 = arith.constant 96 : index
        %swap3A_179 = tpu.vector_load %arg9[%swap3A_177, %swap3A_178] {strides = array<i32>} : memref<128x128xf32, #tpu.memory_space<vmem>>, vector<1x16xf32>,
        %swap3A_180 = vector.shape_cast %swap3A_179 : vector<1x16xf32> to vector<16xf32>
        %swap3A_181 = vector.shape_cast %broadcast_in_dim3A_3 : vector<16xf32> to vector<1x16xf32>
        tpu.vector_store %arg9[%swap3A_177, %swap3A_178], %swap3A_181 {strides = array<i32>} : memref<128x128xf32, #tpu.memory_space<vmem>>, vector<1x16xf32>,
        %swap3A_182 = arith.index_cast %scan3A_147 : i32 to index
        %swap3A_183 = arith.constant 112 : index
        %swap3A_184 = tpu.vector_load %arg9[%swap3A_182, %swap3A_183] {strides = array<i32>} : memref<128x128xf32, #tpu.memory_space<vmem>>, vector<1x16xf32>,
        %swap3A_185 = vector.shape_cast %swap3A_184 : vector<1x16xf32> to vector<16xf32>
        %swap3A_186 = vector.shape_cast %broadcast_in_dim3A_3 : vector<16xf32> to vector<1x16xf32>
        tpu.vector_store %arg9[%swap3A_182, %swap3A_183], %swap3A_186 {strides = array<i32>} : memref<128x128xf32, #tpu.memory_space<vmem>>, vector<1x16xf32>,
      }
      %scan3A_8 = arith.constant 128 : i32
      %mul3A_9 = arith.constant 640 : i32
      %mul3A_10 = arith.muli %arg1, %mul3A_9 : i32
      %add3A = arith.constant 0 : i32
      %add3A_11 = arith.addi %mul3A_10, %add3A : i32
      "tpu.region"() ({
        %run_scoped3A = tpu.sem_alloc : memref<!tpu.dma_semaphore, #tpu.memory_space<semaphore_mem>>
        %dma_start3A_147 = arith.constant 0 : i32
        %dma_start3A_148 = tpu.memref_slice %arg11[%add3A_11, %dma_start3A_147] : memref<10240x128xf32, #tpu.memory_space<vmem_shared>> -> memref<128x128xf32, #tpu.memory_space<vmem_shared>>
        %dma_start3A_149 = arith.constant 0 : i32
        %dma_start3A_150 = tpu.memref_slice %arg11[%add3A_11, %dma_start3A_149] : memref<10240x128xf32, #tpu.memory_space<vmem_shared>> -> memref<128x128xf32, #tpu.memory_space<vmem_shared>>
        tpu.enqueue_dma source(%arg9 : memref<128x128xf32, #tpu.memory_space<vmem>>) target(%dma_start3A_150 : memref<128x128xf32, #tpu.memory_space<vmem_shared>>) target_semaphore(%run_scoped3A : memref<!tpu.dma_semaphore, #tpu.memory_space<semaphore_mem>>)
        %dma_wait3A_151 = arith.constant 0 : i32
        %dma_wait3A_152 = tpu.memref_slice %arg11[%add3A_11, %dma_wait3A_151] : memref<10240x128xf32, #tpu.memory_space<vmem_shared>> -> memref<128x128xf32, #tpu.memory_space<vmem_shared>>
        %dma_wait3A_153 = arith.constant 0 : i32
        %dma_wait3A_154 = tpu.memref_slice %arg11[%add3A_11, %dma_wait3A_153] : memref<10240x128xf32, #tpu.memory_space<vmem_shared>> -> memref<128x128xf32, #tpu.memory_space<vmem_shared>>
        tpu.wait_dma2 semaphore(%run_scoped3A : memref<!tpu.dma_semaphore, #tpu.memory_space<semaphore_mem>>) src(%arg9 : memref<128x128xf32, #tpu.memory_space<vmem>>) dst(%dma_wait3A_154 : memref<128x128xf32, #tpu.memory_space<vmem_shared>>)
        tpu.yield
      }) : () -> ()
      %mul3A_12 = arith.constant 640 : i32
      %mul3A_13 = arith.muli %arg1, %mul3A_12 : i32
      %add3A_14 = arith.constant 128 : i32
      %add3A_15 = arith.addi %mul3A_13, %add3A_14 : i32
      "tpu.region"() ({
        %run_scoped3A = tpu.sem_alloc : memref<!tpu.dma_semaphore, #tpu.memory_space<semaphore_mem>>
        %dma_start3A_147 = arith.constant 0 : i32
        %dma_start3A_148 = tpu.memref_slice %arg11[%add3A_15, %dma_start3A_147] : memref<10240x128xf32, #tpu.memory_space<vmem_shared>> -> memref<128x128xf32, #tpu.memory_space<vmem_shared>>
        %dma_start3A_149 = arith.constant 0 : i32
        %dma_start3A_150 = tpu.memref_slice %arg11[%add3A_15, %dma_start3A_149] : memref<10240x128xf32, #tpu.memory_space<vmem_shared>> -> memref<128x128xf32, #tpu.memory_space<vmem_shared>>
        tpu.enqueue_dma source(%arg9 : memref<128x128xf32, #tpu.memory_space<vmem>>) target(%dma_start3A_150 : memref<128x128xf32, #tpu.memory_space<vmem_shared>>) target_semaphore(%run_scoped3A : memref<!tpu.dma_semaphore, #tpu.memory_space<semaphore_mem>>)
        %dma_wait3A_151 = arith.constant 0 : i32
        %dma_wait3A_152 = tpu.memref_slice %arg11[%add3A_15, %dma_wait3A_151] : memref<10240x128xf32, #tpu.memory_space<vmem_shared>> -> memref<128x128xf32, #tpu.memory_space<vmem_shared>>
        %dma_wait3A_153 = arith.constant 0 : i32
        %dma_wait3A_154 = tpu.memref_slice %arg11[%add3A_15, %dma_wait3A_153] : memref<10240x128xf32, #tpu.memory_space<vmem_shared>> -> memref<128x128xf32, #tpu.memory_space<vmem_shared>>
        tpu.wait_dma2 semaphore(%run_scoped3A : memref<!tpu.dma_semaphore, #tpu.memory_space<semaphore_mem>>) src(%arg9 : memref<128x128xf32, #tpu.memory_space<vmem>>) dst(%dma_wait3A_154 : memref<128x128xf32, #tpu.memory_space<vmem_shared>>)
        tpu.yield
      }) : () -> ()
      %mul3A_16 = arith.constant 640 : i32
      %mul3A_17 = arith.muli %arg1, %mul3A_16 : i32
      %add3A_18 = arith.constant 256 : i32
      %add3A_19 = arith.addi %mul3A_17, %add3A_18 : i32
      "tpu.region"() ({
        %run_scoped3A = tpu.sem_alloc : memref<!tpu.dma_semaphore, #tpu.memory_space<semaphore_mem>>
        %dma_start3A_147 = arith.constant 0 : i32
        %dma_start3A_148 = tpu.memref_slice %arg11[%add3A_19, %dma_start3A_147] : memref<10240x128xf32, #tpu.memory_space<vmem_shared>> -> memref<128x128xf32, #tpu.memory_space<vmem_shared>>
        %dma_start3A_149 = arith.constant 0 : i32
        %dma_start3A_150 = tpu.memref_slice %arg11[%add3A_19, %dma_start3A_149] : memref<10240x128xf32, #tpu.memory_space<vmem_shared>> -> memref<128x128xf32, #tpu.memory_space<vmem_shared>>
        tpu.enqueue_dma source(%arg9 : memref<128x128xf32, #tpu.memory_space<vmem>>) target(%dma_start3A_150 : memref<128x128xf32, #tpu.memory_space<vmem_shared>>) target_semaphore(%run_scoped3A : memref<!tpu.dma_semaphore, #tpu.memory_space<semaphore_mem>>)
        %dma_wait3A_151 = arith.constant 0 : i32
        %dma_wait3A_152 = tpu.memref_slice %arg11[%add3A_19, %dma_wait3A_151] : memref<10240x128xf32, #tpu.memory_space<vmem_shared>> -> memref<128x128xf32, #tpu.memory_space<vmem_shared>>
        %dma_wait3A_153 = arith.constant 0 : i32
        %dma_wait3A_154 = tpu.memref_slice %arg11[%add3A_19, %dma_wait3A_153] : memref<10240x128xf32, #tpu.memory_space<vmem_shared>> -> memref<128x128xf32, #tpu.memory_space<vmem_shared>>
        tpu.wait_dma2 semaphore(%run_scoped3A : memref<!tpu.dma_semaphore, #tpu.memory_space<semaphore_mem>>) src(%arg9 : memref<128x128xf32, #tpu.memory_space<vmem>>) dst(%dma_wait3A_154 : memref<128x128xf32, #tpu.memory_space<vmem_shared>>)
        tpu.yield
      }) : () -> ()
      %mul3A_20 = arith.constant 640 : i32
      %mul3A_21 = arith.muli %arg1, %mul3A_20 : i32
      %add3A_22 = arith.constant 384 : i32
      %add3A_23 = arith.addi %mul3A_21, %add3A_22 : i32
      "tpu.region"() ({
        %run_scoped3A = tpu.sem_alloc : memref<!tpu.dma_semaphore, #tpu.memory_space<semaphore_mem>>
        %dma_start3A_147 = arith.constant 0 : i32
        %dma_start3A_148 = tpu.memref_slice %arg11[%add3A_23, %dma_start3A_147] : memref<10240x128xf32, #tpu.memory_space<vmem_shared>> -> memref<128x128xf32, #tpu.memory_space<vmem_shared>>
        %dma_start3A_149 = arith.constant 0 : i32
        %dma_start3A_150 = tpu.memref_slice %arg11[%add3A_23, %dma_start3A_149] : memref<10240x128xf32, #tpu.memory_space<vmem_shared>> -> memref<128x128xf32, #tpu.memory_space<vmem_shared>>
        tpu.enqueue_dma source(%arg9 : memref<128x128xf32, #tpu.memory_space<vmem>>) target(%dma_start3A_150 : memref<128x128xf32, #tpu.memory_space<vmem_shared>>) target_semaphore(%run_scoped3A : memref<!tpu.dma_semaphore, #tpu.memory_space<semaphore_mem>>)
        %dma_wait3A_151 = arith.constant 0 : i32
        %dma_wait3A_152 = tpu.memref_slice %arg11[%add3A_23, %dma_wait3A_151] : memref<10240x128xf32, #tpu.memory_space<vmem_shared>> -> memref<128x128xf32, #tpu.memory_space<vmem_shared>>
        %dma_wait3A_153 = arith.constant 0 : i32
        %dma_wait3A_154 = tpu.memref_slice %arg11[%add3A_23, %dma_wait3A_153] : memref<10240x128xf32, #tpu.memory_space<vmem_shared>> -> memref<128x128xf32, #tpu.memory_space<vmem_shared>>
        tpu.wait_dma2 semaphore(%run_scoped3A : memref<!tpu.dma_semaphore, #tpu.memory_space<semaphore_mem>>) src(%arg9 : memref<128x128xf32, #tpu.memory_space<vmem>>) dst(%dma_wait3A_154 : memref<128x128xf32, #tpu.memory_space<vmem_shared>>)
        tpu.yield
      }) : () -> ()
      %mul3A_24 = arith.constant 640 : i32
      %mul3A_25 = arith.muli %arg1, %mul3A_24 : i32
      %add3A_26 = arith.constant 512 : i32
      %add3A_27 = arith.addi %mul3A_25, %add3A_26 : i32
      "tpu.region"() ({
        %run_scoped3A = tpu.sem_alloc : memref<!tpu.dma_semaphore, #tpu.memory_space<semaphore_mem>>
        %dma_start3A_147 = arith.constant 0 : i32
        %dma_start3A_148 = tpu.memref_slice %arg11[%add3A_27, %dma_start3A_147] : memref<10240x128xf32, #tpu.memory_space<vmem_shared>> -> memref<128x128xf32, #tpu.memory_space<vmem_shared>>
        %dma_start3A_149 = arith.constant 0 : i32
        %dma_start3A_150 = tpu.memref_slice %arg11[%add3A_27, %dma_start3A_149] : memref<10240x128xf32, #tpu.memory_space<vmem_shared>> -> memref<128x128xf32, #tpu.memory_space<vmem_shared>>
        tpu.enqueue_dma source(%arg9 : memref<128x128xf32, #tpu.memory_space<vmem>>) target(%dma_start3A_150 : memref<128x128xf32, #tpu.memory_space<vmem_shared>>) target_semaphore(%run_scoped3A : memref<!tpu.dma_semaphore, #tpu.memory_space<semaphore_mem>>)
        %dma_wait3A_151 = arith.constant 0 : i32
        %dma_wait3A_152 = tpu.memref_slice %arg11[%add3A_27, %dma_wait3A_151] : memref<10240x128xf32, #tpu.memory_space<vmem_shared>> -> memref<128x128xf32, #tpu.memory_space<vmem_shared>>
        %dma_wait3A_153 = arith.constant 0 : i32
        %dma_wait3A_154 = tpu.memref_slice %arg11[%add3A_27, %dma_wait3A_153] : memref<10240x128xf32, #tpu.memory_space<vmem_shared>> -> memref<128x128xf32, #tpu.memory_space<vmem_shared>>
        tpu.wait_dma2 semaphore(%run_scoped3A : memref<!tpu.dma_semaphore, #tpu.memory_space<semaphore_mem>>) src(%arg9 : memref<128x128xf32, #tpu.memory_space<vmem>>) dst(%dma_wait3A_154 : memref<128x128xf32, #tpu.memory_space<vmem_shared>>)
        tpu.yield
      }) : () -> ()
      %barrier3A = arith.constant 0 : index
      tpu.barrier barrier_id(%barrier3A)
      %add3A_28 = arith.constant 0 : i32
      %add3A_29 = arith.addi %mul3A_0, %add3A_28 : i32
      %dma_start3A = arith.constant 0 : i32
      %dma_start3A_30 = arith.constant 0 : i32
      %dma_start3A_31 = tpu.memref_slice %arg3[%add3A_29, %dma_start3A, %dma_start3A_30] : memref<2560x2x128xi32, #tpu.memory_space<hbm>> -> memref<1x2x128xi32, #tpu.memory_space<hbm>>
      %dma_start3A_32 = tpu.memref_squeeze %dma_start3A_31 : memref<1x2x128xi32, #tpu.memory_space<hbm>> -> memref<2x128xi32, #tpu.memory_space<hbm>>
      %dma_start3A_33 = arith.constant 0 : i32
      %dma_start3A_34 = arith.constant 0 : i32
      %dma_start3A_35 = tpu.memref_slice %arg3[%add3A_29, %dma_start3A_33, %dma_start3A_34] : memref<2560x2x128xi32, #tpu.memory_space<hbm>> -> memref<1x2x128xi32, #tpu.memory_space<hbm>>
      %dma_start3A_36 = tpu.memref_squeeze %dma_start3A_35 : memref<1x2x128xi32, #tpu.memory_space<hbm>> -> memref<2x128xi32, #tpu.memory_space<hbm>>
      tpu.enqueue_dma source(%dma_start3A_36 : memref<2x128xi32, #tpu.memory_space<hbm>>) target(%arg5 : memref<2x128xi32, #tpu.memory_space<vmem>>) target_semaphore(%arg12 : memref<!tpu.dma_semaphore, #tpu.memory_space<semaphore_mem>>)
      %add3A_37 = arith.constant 1 : i32
      %add3A_38 = arith.addi %mul3A_0, %add3A_37 : i32
      %dma_start3A_39 = arith.constant 0 : i32
      %dma_start3A_40 = arith.constant 0 : i32
      %dma_start3A_41 = tpu.memref_slice %arg3[%add3A_38, %dma_start3A_39, %dma_start3A_40] : memref<2560x2x128xi32, #tpu.memory_space<hbm>> -> memref<1x2x128xi32, #tpu.memory_space<hbm>>
      %dma_start3A_42 = tpu.memref_squeeze %dma_start3A_41 : memref<1x2x128xi32, #tpu.memory_space<hbm>> -> memref<2x128xi32, #tpu.memory_space<hbm>>
      %dma_start3A_43 = arith.constant 0 : i32
      %dma_start3A_44 = arith.constant 0 : i32
      %dma_start3A_45 = tpu.memref_slice %arg3[%add3A_38, %dma_start3A_43, %dma_start3A_44] : memref<2560x2x128xi32, #tpu.memory_space<hbm>> -> memref<1x2x128xi32, #tpu.memory_space<hbm>>
      %dma_start3A_46 = tpu.memref_squeeze %dma_start3A_45 : memref<1x2x128xi32, #tpu.memory_space<hbm>> -> memref<2x128xi32, #tpu.memory_space<hbm>>
      tpu.enqueue_dma source(%dma_start3A_46 : memref<2x128xi32, #tpu.memory_space<hbm>>) target(%arg6 : memref<2x128xi32, #tpu.memory_space<vmem>>) target_semaphore(%arg13 : memref<!tpu.dma_semaphore, #tpu.memory_space<semaphore_mem>>)
      %add3A_47 = arith.constant 2 : i32
      %add3A_48 = arith.addi %mul3A_0, %add3A_47 : i32
      %dma_start3A_49 = arith.constant 0 : i32
      %dma_start3A_50 = arith.constant 0 : i32
      %dma_start3A_51 = tpu.memref_slice %arg3[%add3A_48, %dma_start3A_49, %dma_start3A_50] : memref<2560x2x128xi32, #tpu.memory_space<hbm>> -> memref<1x2x128xi32, #tpu.memory_space<hbm>>
      %dma_start3A_52 = tpu.memref_squeeze %dma_start3A_51 : memref<1x2x128xi32, #tpu.memory_space<hbm>> -> memref<2x128xi32, #tpu.memory_space<hbm>>
      %dma_start3A_53 = arith.constant 0 : i32
      %dma_start3A_54 = arith.constant 0 : i32
      %dma_start3A_55 = tpu.memref_slice %arg3[%add3A_48, %dma_start3A_53, %dma_start3A_54] : memref<2560x2x128xi32, #tpu.memory_space<hbm>> -> memref<1x2x128xi32, #tpu.memory_space<hbm>>
      %dma_start3A_56 = tpu.memref_squeeze %dma_start3A_55 : memref<1x2x128xi32, #tpu.memory_space<hbm>> -> memref<2x128xi32, #tpu.memory_space<hbm>>
      tpu.enqueue_dma source(%dma_start3A_56 : memref<2x128xi32, #tpu.memory_space<hbm>>) target(%arg7 : memref<2x128xi32, #tpu.memory_space<vmem>>) target_semaphore(%arg14 : memref<!tpu.dma_semaphore, #tpu.memory_space<semaphore_mem>>)
      %add3A_57 = arith.constant 3 : i32
      %add3A_58 = arith.addi %mul3A_0, %add3A_57 : i32
      %dma_start3A_59 = arith.constant 0 : i32
      %dma_start3A_60 = arith.constant 0 : i32
      %dma_start3A_61 = tpu.memref_slice %arg3[%add3A_58, %dma_start3A_59, %dma_start3A_60] : memref<2560x2x128xi32, #tpu.memory_space<hbm>> -> memref<1x2x128xi32, #tpu.memory_space<hbm>>
      %dma_start3A_62 = tpu.memref_squeeze %dma_start3A_61 : memref<1x2x128xi32, #tpu.memory_space<hbm>> -> memref<2x128xi32, #tpu.memory_space<hbm>>
      %dma_start3A_63 = arith.constant 0 : i32
      %dma_start3A_64 = arith.constant 0 : i32
      %dma_start3A_65 = tpu.memref_slice %arg3[%add3A_58, %dma_start3A_63, %dma_start3A_64] : memref<2560x2x128xi32, #tpu.memory_space<hbm>> -> memref<1x2x128xi32, #tpu.memory_space<hbm>>
      %dma_start3A_66 = tpu.memref_squeeze %dma_start3A_65 : memref<1x2x128xi32, #tpu.memory_space<hbm>> -> memref<2x128xi32, #tpu.memory_space<hbm>>
      tpu.enqueue_dma source(%dma_start3A_66 : memref<2x128xi32, #tpu.memory_space<hbm>>) target(%arg8 : memref<2x128xi32, #tpu.memory_space<vmem>>) target_semaphore(%arg15 : memref<!tpu.dma_semaphore, #tpu.memory_space<semaphore_mem>>)
      %add3A_67 = arith.constant 0 : i32
      %add3A_68 = arith.addi %mul3A_0, %add3A_67 : i32
      %dma_wait3A = arith.constant 0 : i32
      %dma_wait3A_69 = arith.constant 0 : i32
      %dma_wait3A_70 = tpu.memref_slice %arg3[%add3A_68, %dma_wait3A, %dma_wait3A_69] : memref<2560x2x128xi32, #tpu.memory_space<hbm>> -> memref<1x2x128xi32, #tpu.memory_space<hbm>>
      %dma_wait3A_71 = tpu.memref_squeeze %dma_wait3A_70 : memref<1x2x128xi32, #tpu.memory_space<hbm>> -> memref<2x128xi32, #tpu.memory_space<hbm>>
      %dma_wait3A_72 = arith.constant 0 : i32
      %dma_wait3A_73 = arith.constant 0 : i32
      %dma_wait3A_74 = tpu.memref_slice %arg3[%add3A_68, %dma_wait3A_72, %dma_wait3A_73] : memref<2560x2x128xi32, #tpu.memory_space<hbm>> -> memref<1x2x128xi32, #tpu.memory_space<hbm>>
      %dma_wait3A_75 = tpu.memref_squeeze %dma_wait3A_74 : memref<1x2x128xi32, #tpu.memory_space<hbm>> -> memref<2x128xi32, #tpu.memory_space<hbm>>
      tpu.wait_dma2 semaphore(%arg12 : memref<!tpu.dma_semaphore, #tpu.memory_space<semaphore_mem>>) src(%dma_wait3A_75 : memref<2x128xi32, #tpu.memory_space<hbm>>) dst(%arg5 : memref<2x128xi32, #tpu.memory_space<vmem>>)
      %dma_start3A_76 = arith.constant 0 : i32
      %dma_start3A_77 = arith.constant 0 : i32
      %dma_start3A_78 = tpu.memref_slice %arg5[%dma_start3A_76, %dma_start3A_77] : memref<2x128xi32, #tpu.memory_space<vmem>> -> memref<1x128xi32, #tpu.memory_space<vmem>>
      %dma_start3A_79 = tpu.memref_squeeze %dma_start3A_78 : memref<1x128xi32, #tpu.memory_space<vmem>> -> memref<128xi32, #tpu.memory_space<vmem>>
      %dma_start3A_80 = arith.constant 0 : i32
      %dma_start3A_81 = arith.constant 0 : i32
      %dma_start3A_82 = tpu.memref_slice %arg2[%dma_start3A_80, %dma_start3A_81] : memref<10240x128xf32, #tpu.memory_space<hbm>> -> memref<10240x128xf32, #tpu.memory_space<hbm>>
      tpu.enqueue_indirect_dma source(%dma_start3A_82 : memref<10240x128xf32, #tpu.memory_space<hbm>>) target(%arg9 : memref<128x128xf32, #tpu.memory_space<vmem>>) offsets(%dma_start3A_79 : memref<128xi32, #tpu.memory_space<vmem>>) semaphore(%arg16 : memref<!tpu.dma_semaphore, #tpu.memory_space<semaphore_mem>>)
      %add3A_83 = arith.constant 1 : i32
      %add3A_84 = arith.addi %mul3A_0, %add3A_83 : i32
      %dma_wait3A_85 = arith.constant 0 : i32
      %dma_wait3A_86 = arith.constant 0 : i32
      %dma_wait3A_87 = tpu.memref_slice %arg3[%add3A_84, %dma_wait3A_85, %dma_wait3A_86] : memref<2560x2x128xi32, #tpu.memory_space<hbm>> -> memref<1x2x128xi32, #tpu.memory_space<hbm>>
      %dma_wait3A_88 = tpu.memref_squeeze %dma_wait3A_87 : memref<1x2x128xi32, #tpu.memory_space<hbm>> -> memref<2x128xi32, #tpu.memory_space<hbm>>
      %dma_wait3A_89 = arith.constant 0 : i32
      %dma_wait3A_90 = arith.constant 0 : i32
      %dma_wait3A_91 = tpu.memref_slice %arg3[%add3A_84, %dma_wait3A_89, %dma_wait3A_90] : memref<2560x2x128xi32, #tpu.memory_space<hbm>> -> memref<1x2x128xi32, #tpu.memory_space<hbm>>
      %dma_wait3A_92 = tpu.memref_squeeze %dma_wait3A_91 : memref<1x2x128xi32, #tpu.memory_space<hbm>> -> memref<2x128xi32, #tpu.memory_space<hbm>>
      tpu.wait_dma2 semaphore(%arg13 : memref<!tpu.dma_semaphore, #tpu.memory_space<semaphore_mem>>) src(%dma_wait3A_92 : memref<2x128xi32, #tpu.memory_space<hbm>>) dst(%arg6 : memref<2x128xi32, #tpu.memory_space<vmem>>)
      %dma_start3A_93 = arith.constant 0 : i32
      %dma_start3A_94 = arith.constant 0 : i32
      %dma_start3A_95 = tpu.memref_slice %arg6[%dma_start3A_93, %dma_start3A_94] : memref<2x128xi32, #tpu.memory_space<vmem>> -> memref<1x128xi32, #tpu.memory_space<vmem>>
      %dma_start3A_96 = tpu.memref_squeeze %dma_start3A_95 : memref<1x128xi32, #tpu.memory_space<vmem>> -> memref<128xi32, #tpu.memory_space<vmem>>
      %dma_start3A_97 = arith.constant 0 : i32
      %dma_start3A_98 = arith.constant 0 : i32
      %dma_start3A_99 = tpu.memref_slice %arg2[%dma_start3A_97, %dma_start3A_98] : memref<10240x128xf32, #tpu.memory_space<hbm>> -> memref<10240x128xf32, #tpu.memory_space<hbm>>
      tpu.enqueue_indirect_dma source(%dma_start3A_99 : memref<10240x128xf32, #tpu.memory_space<hbm>>) target(%arg10 : memref<128x128xf32, #tpu.memory_space<vmem>>) offsets(%dma_start3A_96 : memref<128xi32, #tpu.memory_space<vmem>>) semaphore(%arg17 : memref<!tpu.dma_semaphore, #tpu.memory_space<semaphore_mem>>)
      %scan3A_100 = arith.constant 0 : i32
      %scan3A_101 = arith.constant 0 : i32
      %scan3A_102 = arith.constant 40 : i32
      %scan3A_103 = arith.addi %scan3A_101, %scan3A_102 : i32
      %scan3A_104 = arith.constant 1 : i32
      scf.for %scan3A_147 = %scan3A_101 to %scan3A_103 step %scan3A_104  : i32 {
        %mul3A_148 = arith.constant 4 : i32
        %mul3A_149 = arith.muli %mul3A_148, %scan3A_147 : i32
        %add3A_150 = arith.constant 0 : i32
        %add3A_151 = arith.addi %mul3A_149, %add3A_150 : i32
        %dma_wait3A_152 = arith.constant 0 : i32
        %dma_wait3A_153 = arith.constant 0 : i32
        %dma_wait3A_154 = tpu.memref_slice %arg5[%dma_wait3A_152, %dma_wait3A_153] : memref<2x128xi32, #tpu.memory_space<vmem>> -> memref<1x128xi32, #tpu.memory_space<vmem>>
        %dma_wait3A_155 = tpu.memref_squeeze %dma_wait3A_154 : memref<1x128xi32, #tpu.memory_space<vmem>> -> memref<128xi32, #tpu.memory_space<vmem>>
        %dma_wait3A_156 = arith.constant 0 : i32
        %dma_wait3A_157 = arith.constant 0 : i32
        %dma_wait3A_158 = tpu.memref_slice %arg2[%dma_wait3A_156, %dma_wait3A_157] : memref<10240x128xf32, #tpu.memory_space<hbm>> -> memref<10240x128xf32, #tpu.memory_space<hbm>>
        tpu.wait_indirect_dma semaphore(%arg16 : memref<!tpu.dma_semaphore, #tpu.memory_space<semaphore_mem>>) src(%dma_wait3A_158 : memref<10240x128xf32, #tpu.memory_space<hbm>>) dst(%arg9 : memref<128x128xf32, #tpu.memory_space<vmem>>)
        %run_scoped3A = arith.constant 1 : i32
        "tpu.region"() ({
          %run_scoped3A_250 = tpu.sem_alloc : memref<!tpu.dma_semaphore, #tpu.memory_space<semaphore_mem>>
          %dma_start3A_251 = arith.constant 0 : i32
          %dma_start3A_252 = tpu.memref_slice %arg5[%run_scoped3A, %dma_start3A_251] : memref<2x128xi32, #tpu.memory_space<vmem>> -> memref<1x128xi32, #tpu.memory_space<vmem>>
          %dma_start3A_253 = tpu.memref_squeeze %dma_start3A_252 : memref<1x128xi32, #tpu.memory_space<vmem>> -> memref<128xi32, #tpu.memory_space<vmem>>
          %dma_start3A_254 = arith.constant 0 : i32
          %dma_start3A_255 = arith.constant 0 : i32
          %dma_start3A_256 = tpu.memref_slice %arg11[%dma_start3A_254, %dma_start3A_255] : memref<10240x128xf32, #tpu.memory_space<vmem_shared>> -> memref<10240x128xf32, #tpu.memory_space<vmem_shared>>
          tpu.enqueue_indirect_dma source(%arg9 : memref<128x128xf32, #tpu.memory_space<vmem>>) target(%dma_start3A_256 : memref<10240x128xf32, #tpu.memory_space<vmem_shared>>) offsets(%dma_start3A_253 : memref<128xi32, #tpu.memory_space<vmem>>) semaphore(%run_scoped3A_250 : memref<!tpu.dma_semaphore, #tpu.memory_space<semaphore_mem>>) {add = true}
          %dma_wait3A_257 = arith.constant 0 : i32
          %dma_wait3A_258 = tpu.memref_slice %arg5[%run_scoped3A, %dma_wait3A_257] : memref<2x128xi32, #tpu.memory_space<vmem>> -> memref<1x128xi32, #tpu.memory_space<vmem>>
          %dma_wait3A_259 = tpu.memref_squeeze %dma_wait3A_258 : memref<1x128xi32, #tpu.memory_space<vmem>> -> memref<128xi32, #tpu.memory_space<vmem>>
          %dma_wait3A_260 = arith.constant 0 : i32
          %dma_wait3A_261 = arith.constant 0 : i32
          %dma_wait3A_262 = tpu.memref_slice %arg11[%dma_wait3A_260, %dma_wait3A_261] : memref<10240x128xf32, #tpu.memory_space<vmem_shared>> -> memref<10240x128xf32, #tpu.memory_space<vmem_shared>>
          tpu.wait_indirect_dma semaphore(%run_scoped3A_250 : memref<!tpu.dma_semaphore, #tpu.memory_space<semaphore_mem>>) src(%arg9 : memref<128x128xf32, #tpu.memory_space<vmem>>) dst(%dma_wait3A_262 : memref<10240x128xf32, #tpu.memory_space<vmem_shared>>)
          tpu.yield
        }) : () -> ()
        %add3A_159 = arith.constant 4 : i32
        %add3A_160 = arith.addi %add3A_151, %add3A_159 : i32
        %lt3A = arith.constant 160 : i32
        %lt3A_161 = arith.cmpi slt, %add3A_160, %lt3A : i32
        %convert_element_type3A_162 = arith.extui %lt3A_161 : i1 to i32
        %cond3A_163 = arith.constant 0 : i32
        %cond3A_164 = arith.cmpi ne, %convert_element_type3A_162, %cond3A_163 : i32
        scf.if %cond3A_164 {
          %add3A_250 = arith.constant 4 : i32
          %add3A_251 = arith.addi %add3A_151, %add3A_250 : i32
          %add3A_252 = arith.addi %mul3A_0, %add3A_251 : i32
          %dma_start3A_253 = arith.constant 0 : i32
          %dma_start3A_254 = arith.constant 0 : i32
          %dma_start3A_255 = tpu.memref_slice %arg3[%add3A_252, %dma_start3A_253, %dma_start3A_254] : memref<2560x2x128xi32, #tpu.memory_space<hbm>> -> memref<1x2x128xi32, #tpu.memory_space<hbm>>
          %dma_start3A_256 = tpu.memref_squeeze %dma_start3A_255 : memref<1x2x128xi32, #tpu.memory_space<hbm>> -> memref<2x128xi32, #tpu.memory_space<hbm>>
          %dma_start3A_257 = arith.constant 0 : i32
          %dma_start3A_258 = arith.constant 0 : i32
          %dma_start3A_259 = tpu.memref_slice %arg3[%add3A_252, %dma_start3A_257, %dma_start3A_258] : memref<2560x2x128xi32, #tpu.memory_space<hbm>> -> memref<1x2x128xi32, #tpu.memory_space<hbm>>
          %dma_start3A_260 = tpu.memref_squeeze %dma_start3A_259 : memref<1x2x128xi32, #tpu.memory_space<hbm>> -> memref<2x128xi32, #tpu.memory_space<hbm>>
          tpu.enqueue_dma source(%dma_start3A_260 : memref<2x128xi32, #tpu.memory_space<hbm>>) target(%arg5 : memref<2x128xi32, #tpu.memory_space<vmem>>) target_semaphore(%arg12 : memref<!tpu.dma_semaphore, #tpu.memory_space<semaphore_mem>>)
        } else {
        }
        %add3A_165 = arith.constant 2 : i32
        %add3A_166 = arith.addi %add3A_151, %add3A_165 : i32
        %lt3A_167 = arith.constant 160 : i32
        %lt3A_168 = arith.cmpi slt, %add3A_166, %lt3A_167 : i32
        %convert_element_type3A_169 = arith.extui %lt3A_168 : i1 to i32
        %cond3A_170 = arith.constant 0 : i32
        %cond3A_171 = arith.cmpi ne, %convert_element_type3A_169, %cond3A_170 : i32
        scf.if %cond3A_171 {
          %add3A_250 = arith.constant 2 : i32
          %add3A_251 = arith.addi %add3A_151, %add3A_250 : i32
          %add3A_252 = arith.addi %mul3A_0, %add3A_251 : i32
          %dma_wait3A_253 = arith.constant 0 : i32
          %dma_wait3A_254 = arith.constant 0 : i32
          %dma_wait3A_255 = tpu.memref_slice %arg3[%add3A_252, %dma_wait3A_253, %dma_wait3A_254] : memref<2560x2x128xi32, #tpu.memory_space<hbm>> -> memref<1x2x128xi32, #tpu.memory_space<hbm>>
          %dma_wait3A_256 = tpu.memref_squeeze %dma_wait3A_255 : memref<1x2x128xi32, #tpu.memory_space<hbm>> -> memref<2x128xi32, #tpu.memory_space<hbm>>
          %dma_wait3A_257 = arith.constant 0 : i32
          %dma_wait3A_258 = arith.constant 0 : i32
          %dma_wait3A_259 = tpu.memref_slice %arg3[%add3A_252, %dma_wait3A_257, %dma_wait3A_258] : memref<2560x2x128xi32, #tpu.memory_space<hbm>> -> memref<1x2x128xi32, #tpu.memory_space<hbm>>
          %dma_wait3A_260 = tpu.memref_squeeze %dma_wait3A_259 : memref<1x2x128xi32, #tpu.memory_space<hbm>> -> memref<2x128xi32, #tpu.memory_space<hbm>>
          tpu.wait_dma2 semaphore(%arg14 : memref<!tpu.dma_semaphore, #tpu.memory_space<semaphore_mem>>) src(%dma_wait3A_260 : memref<2x128xi32, #tpu.memory_space<hbm>>) dst(%arg7 : memref<2x128xi32, #tpu.memory_space<vmem>>)
          %dma_start3A_261 = arith.constant 0 : i32
          %dma_start3A_262 = arith.constant 0 : i32
          %dma_start3A_263 = tpu.memref_slice %arg7[%dma_start3A_261, %dma_start3A_262] : memref<2x128xi32, #tpu.memory_space<vmem>> -> memref<1x128xi32, #tpu.memory_space<vmem>>
          %dma_start3A_264 = tpu.memref_squeeze %dma_start3A_263 : memref<1x128xi32, #tpu.memory_space<vmem>> -> memref<128xi32, #tpu.memory_space<vmem>>
          %dma_start3A_265 = arith.constant 0 : i32
          %dma_start3A_266 = arith.constant 0 : i32
          %dma_start3A_267 = tpu.memref_slice %arg2[%dma_start3A_265, %dma_start3A_266] : memref<10240x128xf32, #tpu.memory_space<hbm>> -> memref<10240x128xf32, #tpu.memory_space<hbm>>
          tpu.enqueue_indirect_dma source(%dma_start3A_267 : memref<10240x128xf32, #tpu.memory_space<hbm>>) target(%arg9 : memref<128x128xf32, #tpu.memory_space<vmem>>) offsets(%dma_start3A_264 : memref<128xi32, #tpu.memory_space<vmem>>) semaphore(%arg16 : memref<!tpu.dma_semaphore, #tpu.memory_space<semaphore_mem>>)
        } else {
        }
        %mul3A_172 = arith.constant 4 : i32
        %mul3A_173 = arith.muli %mul3A_172, %scan3A_147 : i32
        %add3A_174 = arith.constant 1 : i32
        %add3A_175 = arith.addi %mul3A_173, %add3A_174 : i32
        %dma_wait3A_176 = arith.constant 0 : i32
        %dma_wait3A_177 = arith.constant 0 : i32
        %dma_wait3A_178 = tpu.memref_slice %arg6[%dma_wait3A_176, %dma_wait3A_177] : memref<2x128xi32, #tpu.memory_space<vmem>> -> memref<1x128xi32, #tpu.memory_space<vmem>>
        %dma_wait3A_179 = tpu.memref_squeeze %dma_wait3A_178 : memref<1x128xi32, #tpu.memory_space<vmem>> -> memref<128xi32, #tpu.memory_space<vmem>>
        %dma_wait3A_180 = arith.constant 0 : i32
        %dma_wait3A_181 = arith.constant 0 : i32
        %dma_wait3A_182 = tpu.memref_slice %arg2[%dma_wait3A_180, %dma_wait3A_181] : memref<10240x128xf32, #tpu.memory_space<hbm>> -> memref<10240x128xf32, #tpu.memory_space<hbm>>
        tpu.wait_indirect_dma semaphore(%arg17 : memref<!tpu.dma_semaphore, #tpu.memory_space<semaphore_mem>>) src(%dma_wait3A_182 : memref<10240x128xf32, #tpu.memory_space<hbm>>) dst(%arg10 : memref<128x128xf32, #tpu.memory_space<vmem>>)
        %run_scoped3A_183 = arith.constant 1 : i32
        "tpu.region"() ({
          %run_scoped3A_250 = tpu.sem_alloc : memref<!tpu.dma_semaphore, #tpu.memory_space<semaphore_mem>>
          %dma_start3A_251 = arith.constant 0 : i32
          %dma_start3A_252 = tpu.memref_slice %arg6[%run_scoped3A_183, %dma_start3A_251] : memref<2x128xi32, #tpu.memory_space<vmem>> -> memref<1x128xi32, #tpu.memory_space<vmem>>
          %dma_start3A_253 = tpu.memref_squeeze %dma_start3A_252 : memref<1x128xi32, #tpu.memory_space<vmem>> -> memref<128xi32, #tpu.memory_space<vmem>>
          %dma_start3A_254 = arith.constant 0 : i32
          %dma_start3A_255 = arith.constant 0 : i32
          %dma_start3A_256 = tpu.memref_slice %arg11[%dma_start3A_254, %dma_start3A_255] : memref<10240x128xf32, #tpu.memory_space<vmem_shared>> -> memref<10240x128xf32, #tpu.memory_space<vmem_shared>>
          tpu.enqueue_indirect_dma source(%arg10 : memref<128x128xf32, #tpu.memory_space<vmem>>) target(%dma_start3A_256 : memref<10240x128xf32, #tpu.memory_space<vmem_shared>>) offsets(%dma_start3A_253 : memref<128xi32, #tpu.memory_space<vmem>>) semaphore(%run_scoped3A_250 : memref<!tpu.dma_semaphore, #tpu.memory_space<semaphore_mem>>) {add = true}
          %dma_wait3A_257 = arith.constant 0 : i32
          %dma_wait3A_258 = tpu.memref_slice %arg6[%run_scoped3A_183, %dma_wait3A_257] : memref<2x128xi32, #tpu.memory_space<vmem>> -> memref<1x128xi32, #tpu.memory_space<vmem>>
          %dma_wait3A_259 = tpu.memref_squeeze %dma_wait3A_258 : memref<1x128xi32, #tpu.memory_space<vmem>> -> memref<128xi32, #tpu.memory_space<vmem>>
          %dma_wait3A_260 = arith.constant 0 : i32
          %dma_wait3A_261 = arith.constant 0 : i32
          %dma_wait3A_262 = tpu.memref_slice %arg11[%dma_wait3A_260, %dma_wait3A_261] : memref<10240x128xf32, #tpu.memory_space<vmem_shared>> -> memref<10240x128xf32, #tpu.memory_space<vmem_shared>>
          tpu.wait_indirect_dma semaphore(%run_scoped3A_250 : memref<!tpu.dma_semaphore, #tpu.memory_space<semaphore_mem>>) src(%arg10 : memref<128x128xf32, #tpu.memory_space<vmem>>) dst(%dma_wait3A_262 : memref<10240x128xf32, #tpu.memory_space<vmem_shared>>)
          tpu.yield
        }) : () -> ()
        %add3A_184 = arith.constant 4 : i32
        %add3A_185 = arith.addi %add3A_175, %add3A_184 : i32
        %lt3A_186 = arith.constant 160 : i32
        %lt3A_187 = arith.cmpi slt, %add3A_185, %lt3A_186 : i32
        %convert_element_type3A_188 = arith.extui %lt3A_187 : i1 to i32
        %cond3A_189 = arith.constant 0 : i32
        %cond3A_190 = arith.cmpi ne, %convert_element_type3A_188, %cond3A_189 : i32
        scf.if %cond3A_190 {
          %add3A_250 = arith.constant 4 : i32
          %add3A_251 = arith.addi %add3A_175, %add3A_250 : i32
          %add3A_252 = arith.addi %mul3A_0, %add3A_251 : i32
          %dma_start3A_253 = arith.constant 0 : i32
          %dma_start3A_254 = arith.constant 0 : i32
          %dma_start3A_255 = tpu.memref_slice %arg3[%add3A_252, %dma_start3A_253, %dma_start3A_254] : memref<2560x2x128xi32, #tpu.memory_space<hbm>> -> memref<1x2x128xi32, #tpu.memory_space<hbm>>
          %dma_start3A_256 = tpu.memref_squeeze %dma_start3A_255 : memref<1x2x128xi32, #tpu.memory_space<hbm>> -> memref<2x128xi32, #tpu.memory_space<hbm>>
          %dma_start3A_257 = arith.constant 0 : i32
          %dma_start3A_258 = arith.constant 0 : i32
          %dma_start3A_259 = tpu.memref_slice %arg3[%add3A_252, %dma_start3A_257, %dma_start3A_258] : memref<2560x2x128xi32, #tpu.memory_space<hbm>> -> memref<1x2x128xi32, #tpu.memory_space<hbm>>
          %dma_start3A_260 = tpu.memref_squeeze %dma_start3A_259 : memref<1x2x128xi32, #tpu.memory_space<hbm>> -> memref<2x128xi32, #tpu.memory_space<hbm>>
          tpu.enqueue_dma source(%dma_start3A_260 : memref<2x128xi32, #tpu.memory_space<hbm>>) target(%arg6 : memref<2x128xi32, #tpu.memory_space<vmem>>) target_semaphore(%arg13 : memref<!tpu.dma_semaphore, #tpu.memory_space<semaphore_mem>>)
        } else {
        }
        %add3A_191 = arith.constant 2 : i32
        %add3A_192 = arith.addi %add3A_175, %add3A_191 : i32
        %lt3A_193 = arith.constant 160 : i32
        %lt3A_194 = arith.cmpi slt, %add3A_192, %lt3A_193 : i32
        %convert_element_type3A_195 = arith.extui %lt3A_194 : i1 to i32
        %cond3A_196 = arith.constant 0 : i32
        %cond3A_197 = arith.cmpi ne, %convert_element_type3A_195, %cond3A_196 : i32
        scf.if %cond3A_197 {
          %add3A_250 = arith.constant 2 : i32
          %add3A_251 = arith.addi %add3A_175, %add3A_250 : i32
          %add3A_252 = arith.addi %mul3A_0, %add3A_251 : i32
          %dma_wait3A_253 = arith.constant 0 : i32
          %dma_wait3A_254 = arith.constant 0 : i32
          %dma_wait3A_255 = tpu.memref_slice %arg3[%add3A_252, %dma_wait3A_253, %dma_wait3A_254] : memref<2560x2x128xi32, #tpu.memory_space<hbm>> -> memref<1x2x128xi32, #tpu.memory_space<hbm>>
          %dma_wait3A_256 = tpu.memref_squeeze %dma_wait3A_255 : memref<1x2x128xi32, #tpu.memory_space<hbm>> -> memref<2x128xi32, #tpu.memory_space<hbm>>
          %dma_wait3A_257 = arith.constant 0 : i32
          %dma_wait3A_258 = arith.constant 0 : i32
          %dma_wait3A_259 = tpu.memref_slice %arg3[%add3A_252, %dma_wait3A_257, %dma_wait3A_258] : memref<2560x2x128xi32, #tpu.memory_space<hbm>> -> memref<1x2x128xi32, #tpu.memory_space<hbm>>
          %dma_wait3A_260 = tpu.memref_squeeze %dma_wait3A_259 : memref<1x2x128xi32, #tpu.memory_space<hbm>> -> memref<2x128xi32, #tpu.memory_space<hbm>>
          tpu.wait_dma2 semaphore(%arg15 : memref<!tpu.dma_semaphore, #tpu.memory_space<semaphore_mem>>) src(%dma_wait3A_260 : memref<2x128xi32, #tpu.memory_space<hbm>>) dst(%arg8 : memref<2x128xi32, #tpu.memory_space<vmem>>)
          %dma_start3A_261 = arith.constant 0 : i32
          %dma_start3A_262 = arith.constant 0 : i32
          %dma_start3A_263 = tpu.memref_slice %arg8[%dma_start3A_261, %dma_start3A_262] : memref<2x128xi32, #tpu.memory_space<vmem>> -> memref<1x128xi32, #tpu.memory_space<vmem>>
          %dma_start3A_264 = tpu.memref_squeeze %dma_start3A_263 : memref<1x128xi32, #tpu.memory_space<vmem>> -> memref<128xi32, #tpu.memory_space<vmem>>
          %dma_start3A_265 = arith.constant 0 : i32
          %dma_start3A_266 = arith.constant 0 : i32
          %dma_start3A_267 = tpu.memref_slice %arg2[%dma_start3A_265, %dma_start3A_266] : memref<10240x128xf32, #tpu.memory_space<hbm>> -> memref<10240x128xf32, #tpu.memory_space<hbm>>
          tpu.enqueue_indirect_dma source(%dma_start3A_267 : memref<10240x128xf32, #tpu.memory_space<hbm>>) target(%arg10 : memref<128x128xf32, #tpu.memory_space<vmem>>) offsets(%dma_start3A_264 : memref<128xi32, #tpu.memory_space<vmem>>) semaphore(%arg17 : memref<!tpu.dma_semaphore, #tpu.memory_space<semaphore_mem>>)
        } else {
        }
        %mul3A_198 = arith.constant 4 : i32
        %mul3A_199 = arith.muli %mul3A_198, %scan3A_147 : i32
        %add3A_200 = arith.constant 2 : i32
        %add3A_201 = arith.addi %mul3A_199, %add3A_200 : i32
        %dma_wait3A_202 = arith.constant 0 : i32
        %dma_wait3A_203 = arith.constant 0 : i32
        %dma_wait3A_204 = tpu.memref_slice %arg7[%dma_wait3A_202, %dma_wait3A_203] : memref<2x128xi32, #tpu.memory_space<vmem>> -> memref<1x128xi32, #tpu.memory_space<vmem>>
        %dma_wait3A_205 = tpu.memref_squeeze %dma_wait3A_204 : memref<1x128xi32, #tpu.memory_space<vmem>> -> memref<128xi32, #tpu.memory_space<vmem>>
        %dma_wait3A_206 = arith.constant 0 : i32
        %dma_wait3A_207 = arith.constant 0 : i32
        %dma_wait3A_208 = tpu.memref_slice %arg2[%dma_wait3A_206, %dma_wait3A_207] : memref<10240x128xf32, #tpu.memory_space<hbm>> -> memref<10240x128xf32, #tpu.memory_space<hbm>>
        tpu.wait_indirect_dma semaphore(%arg16 : memref<!tpu.dma_semaphore, #tpu.memory_space<semaphore_mem>>) src(%dma_wait3A_208 : memref<10240x128xf32, #tpu.memory_space<hbm>>) dst(%arg9 : memref<128x128xf32, #tpu.memory_space<vmem>>)
        %run_scoped3A_209 = arith.constant 1 : i32
        "tpu.region"() ({
          %run_scoped3A_250 = tpu.sem_alloc : memref<!tpu.dma_semaphore, #tpu.memory_space<semaphore_mem>>
          %dma_start3A_251 = arith.constant 0 : i32
          %dma_start3A_252 = tpu.memref_slice %arg7[%run_scoped3A_209, %dma_start3A_251] : memref<2x128xi32, #tpu.memory_space<vmem>> -> memref<1x128xi32, #tpu.memory_space<vmem>>
          %dma_start3A_253 = tpu.memref_squeeze %dma_start3A_252 : memref<1x128xi32, #tpu.memory_space<vmem>> -> memref<128xi32, #tpu.memory_space<vmem>>
          %dma_start3A_254 = arith.constant 0 : i32
          %dma_start3A_255 = arith.constant 0 : i32
          %dma_start3A_256 = tpu.memref_slice %arg11[%dma_start3A_254, %dma_start3A_255] : memref<10240x128xf32, #tpu.memory_space<vmem_shared>> -> memref<10240x128xf32, #tpu.memory_space<vmem_shared>>
          tpu.enqueue_indirect_dma source(%arg9 : memref<128x128xf32, #tpu.memory_space<vmem>>) target(%dma_start3A_256 : memref<10240x128xf32, #tpu.memory_space<vmem_shared>>) offsets(%dma_start3A_253 : memref<128xi32, #tpu.memory_space<vmem>>) semaphore(%run_scoped3A_250 : memref<!tpu.dma_semaphore, #tpu.memory_space<semaphore_mem>>) {add = true}
          %dma_wait3A_257 = arith.constant 0 : i32
          %dma_wait3A_258 = tpu.memref_slice %arg7[%run_scoped3A_209, %dma_wait3A_257] : memref<2x128xi32, #tpu.memory_space<vmem>> -> memref<1x128xi32, #tpu.memory_space<vmem>>
          %dma_wait3A_259 = tpu.memref_squeeze %dma_wait3A_258 : memref<1x128xi32, #tpu.memory_space<vmem>> -> memref<128xi32, #tpu.memory_space<vmem>>
          %dma_wait3A_260 = arith.constant 0 : i32
          %dma_wait3A_261 = arith.constant 0 : i32
          %dma_wait3A_262 = tpu.memref_slice %arg11[%dma_wait3A_260, %dma_wait3A_261] : memref<10240x128xf32, #tpu.memory_space<vmem_shared>> -> memref<10240x128xf32, #tpu.memory_space<vmem_shared>>
          tpu.wait_indirect_dma semaphore(%run_scoped3A_250 : memref<!tpu.dma_semaphore, #tpu.memory_space<semaphore_mem>>) src(%arg9 : memref<128x128xf32, #tpu.memory_space<vmem>>) dst(%dma_wait3A_262 : memref<10240x128xf32, #tpu.memory_space<vmem_shared>>)
          tpu.yield
        }) : () -> ()
        %add3A_210 = arith.constant 4 : i32
        %add3A_211 = arith.addi %add3A_201, %add3A_210 : i32
        %lt3A_212 = arith.constant 160 : i32
        %lt3A_213 = arith.cmpi slt, %add3A_211, %lt3A_212 : i32
        %convert_element_type3A_214 = arith.extui %lt3A_213 : i1 to i32
        %cond3A_215 = arith.constant 0 : i32
        %cond3A_216 = arith.cmpi ne, %convert_element_type3A_214, %cond3A_215 : i32
        scf.if %cond3A_216 {
          %add3A_250 = arith.constant 4 : i32
          %add3A_251 = arith.addi %add3A_201, %add3A_250 : i32
          %add3A_252 = arith.addi %mul3A_0, %add3A_251 : i32
          %dma_start3A_253 = arith.constant 0 : i32
          %dma_start3A_254 = arith.constant 0 : i32
          %dma_start3A_255 = tpu.memref_slice %arg3[%add3A_252, %dma_start3A_253, %dma_start3A_254] : memref<2560x2x128xi32, #tpu.memory_space<hbm>> -> memref<1x2x128xi32, #tpu.memory_space<hbm>>
          %dma_start3A_256 = tpu.memref_squeeze %dma_start3A_255 : memref<1x2x128xi32, #tpu.memory_space<hbm>> -> memref<2x128xi32, #tpu.memory_space<hbm>>
          %dma_start3A_257 = arith.constant 0 : i32
          %dma_start3A_258 = arith.constant 0 : i32
          %dma_start3A_259 = tpu.memref_slice %arg3[%add3A_252, %dma_start3A_257, %dma_start3A_258] : memref<2560x2x128xi32, #tpu.memory_space<hbm>> -> memref<1x2x128xi32, #tpu.memory_space<hbm>>
          %dma_start3A_260 = tpu.memref_squeeze %dma_start3A_259 : memref<1x2x128xi32, #tpu.memory_space<hbm>> -> memref<2x128xi32, #tpu.memory_space<hbm>>
          tpu.enqueue_dma source(%dma_start3A_260 : memref<2x128xi32, #tpu.memory_space<hbm>>) target(%arg7 : memref<2x128xi32, #tpu.memory_space<vmem>>) target_semaphore(%arg14 : memref<!tpu.dma_semaphore, #tpu.memory_space<semaphore_mem>>)
        } else {
        }
        %add3A_217 = arith.constant 2 : i32
        %add3A_218 = arith.addi %add3A_201, %add3A_217 : i32
        %lt3A_219 = arith.constant 160 : i32
        %lt3A_220 = arith.cmpi slt, %add3A_218, %lt3A_219 : i32
        %convert_element_type3A_221 = arith.extui %lt3A_220 : i1 to i32
        %cond3A_222 = arith.constant 0 : i32
        %cond3A_223 = arith.cmpi ne, %convert_element_type3A_221, %cond3A_222 : i32
        scf.if %cond3A_223 {
          %add3A_250 = arith.constant 2 : i32
          %add3A_251 = arith.addi %add3A_201, %add3A_250 : i32
          %add3A_252 = arith.addi %mul3A_0, %add3A_251 : i32
          %dma_wait3A_253 = arith.constant 0 : i32
          %dma_wait3A_254 = arith.constant 0 : i32
          %dma_wait3A_255 = tpu.memref_slice %arg3[%add3A_252, %dma_wait3A_253, %dma_wait3A_254] : memref<2560x2x128xi32, #tpu.memory_space<hbm>> -> memref<1x2x128xi32, #tpu.memory_space<hbm>>
          %dma_wait3A_256 = tpu.memref_squeeze %dma_wait3A_255 : memref<1x2x128xi32, #tpu.memory_space<hbm>> -> memref<2x128xi32, #tpu.memory_space<hbm>>
          %dma_wait3A_257 = arith.constant 0 : i32
          %dma_wait3A_258 = arith.constant 0 : i32
          %dma_wait3A_259 = tpu.memref_slice %arg3[%add3A_252, %dma_wait3A_257, %dma_wait3A_258] : memref<2560x2x128xi32, #tpu.memory_space<hbm>> -> memref<1x2x128xi32, #tpu.memory_space<hbm>>
          %dma_wait3A_260 = tpu.memref_squeeze %dma_wait3A_259 : memref<1x2x128xi32, #tpu.memory_space<hbm>> -> memref<2x128xi32, #tpu.memory_space<hbm>>
          tpu.wait_dma2 semaphore(%arg12 : memref<!tpu.dma_semaphore, #tpu.memory_space<semaphore_mem>>) src(%dma_wait3A_260 : memref<2x128xi32, #tpu.memory_space<hbm>>) dst(%arg5 : memref<2x128xi32, #tpu.memory_space<vmem>>)
          %dma_start3A_261 = arith.constant 0 : i32
          %dma_start3A_262 = arith.constant 0 : i32
          %dma_start3A_263 = tpu.memref_slice %arg5[%dma_start3A_261, %dma_start3A_262] : memref<2x128xi32, #tpu.memory_space<vmem>> -> memref<1x128xi32, #tpu.memory_space<vmem>>
          %dma_start3A_264 = tpu.memref_squeeze %dma_start3A_263 : memref<1x128xi32, #tpu.memory_space<vmem>> -> memref<128xi32, #tpu.memory_space<vmem>>
          %dma_start3A_265 = arith.constant 0 : i32
          %dma_start3A_266 = arith.constant 0 : i32
          %dma_start3A_267 = tpu.memref_slice %arg2[%dma_start3A_265, %dma_start3A_266] : memref<10240x128xf32, #tpu.memory_space<hbm>> -> memref<10240x128xf32, #tpu.memory_space<hbm>>
          tpu.enqueue_indirect_dma source(%dma_start3A_267 : memref<10240x128xf32, #tpu.memory_space<hbm>>) target(%arg9 : memref<128x128xf32, #tpu.memory_space<vmem>>) offsets(%dma_start3A_264 : memref<128xi32, #tpu.memory_space<vmem>>) semaphore(%arg16 : memref<!tpu.dma_semaphore, #tpu.memory_space<semaphore_mem>>)
        } else {
        }
        %mul3A_224 = arith.constant 4 : i32
        %mul3A_225 = arith.muli %mul3A_224, %scan3A_147 : i32
        %add3A_226 = arith.constant 3 : i32
        %add3A_227 = arith.addi %mul3A_225, %add3A_226 : i32
        %dma_wait3A_228 = arith.constant 0 : i32
        %dma_wait3A_229 = arith.constant 0 : i32
        %dma_wait3A_230 = tpu.memref_slice %arg8[%dma_wait3A_228, %dma_wait3A_229] : memref<2x128xi32, #tpu.memory_space<vmem>> -> memref<1x128xi32, #tpu.memory_space<vmem>>
        %dma_wait3A_231 = tpu.memref_squeeze %dma_wait3A_230 : memref<1x128xi32, #tpu.memory_space<vmem>> -> memref<128xi32, #tpu.memory_space<vmem>>
        %dma_wait3A_232 = arith.constant 0 : i32
        %dma_wait3A_233 = arith.constant 0 : i32
        %dma_wait3A_234 = tpu.memref_slice %arg2[%dma_wait3A_232, %dma_wait3A_233] : memref<10240x128xf32, #tpu.memory_space<hbm>> -> memref<10240x128xf32, #tpu.memory_space<hbm>>
        tpu.wait_indirect_dma semaphore(%arg17 : memref<!tpu.dma_semaphore, #tpu.memory_space<semaphore_mem>>) src(%dma_wait3A_234 : memref<10240x128xf32, #tpu.memory_space<hbm>>) dst(%arg10 : memref<128x128xf32, #tpu.memory_space<vmem>>)
        %run_scoped3A_235 = arith.constant 1 : i32
        "tpu.region"() ({
          %run_scoped3A_250 = tpu.sem_alloc : memref<!tpu.dma_semaphore, #tpu.memory_space<semaphore_mem>>
          %dma_start3A_251 = arith.constant 0 : i32
          %dma_start3A_252 = tpu.memref_slice %arg8[%run_scoped3A_235, %dma_start3A_251] : memref<2x128xi32, #tpu.memory_space<vmem>> -> memref<1x128xi32, #tpu.memory_space<vmem>>
          %dma_start3A_253 = tpu.memref_squeeze %dma_start3A_252 : memref<1x128xi32, #tpu.memory_space<vmem>> -> memref<128xi32, #tpu.memory_space<vmem>>
          %dma_start3A_254 = arith.constant 0 : i32
          %dma_start3A_255 = arith.constant 0 : i32
          %dma_start3A_256 = tpu.memref_slice %arg11[%dma_start3A_254, %dma_start3A_255] : memref<10240x128xf32, #tpu.memory_space<vmem_shared>> -> memref<10240x128xf32, #tpu.memory_space<vmem_shared>>
          tpu.enqueue_indirect_dma source(%arg10 : memref<128x128xf32, #tpu.memory_space<vmem>>) target(%dma_start3A_256 : memref<10240x128xf32, #tpu.memory_space<vmem_shared>>) offsets(%dma_start3A_253 : memref<128xi32, #tpu.memory_space<vmem>>) semaphore(%run_scoped3A_250 : memref<!tpu.dma_semaphore, #tpu.memory_space<semaphore_mem>>) {add = true}
          %dma_wait3A_257 = arith.constant 0 : i32
          %dma_wait3A_258 = tpu.memref_slice %arg8[%run_scoped3A_235, %dma_wait3A_257] : memref<2x128xi32, #tpu.memory_space<vmem>> -> memref<1x128xi32, #tpu.memory_space<vmem>>
          %dma_wait3A_259 = tpu.memref_squeeze %dma_wait3A_258 : memref<1x128xi32, #tpu.memory_space<vmem>> -> memref<128xi32, #tpu.memory_space<vmem>>
          %dma_wait3A_260 = arith.constant 0 : i32
          %dma_wait3A_261 = arith.constant 0 : i32
          %dma_wait3A_262 = tpu.memref_slice %arg11[%dma_wait3A_260, %dma_wait3A_261] : memref<10240x128xf32, #tpu.memory_space<vmem_shared>> -> memref<10240x128xf32, #tpu.memory_space<vmem_shared>>
          tpu.wait_indirect_dma semaphore(%run_scoped3A_250 : memref<!tpu.dma_semaphore, #tpu.memory_space<semaphore_mem>>) src(%arg10 : memref<128x128xf32, #tpu.memory_space<vmem>>) dst(%dma_wait3A_262 : memref<10240x128xf32, #tpu.memory_space<vmem_shared>>)
          tpu.yield
        }) : () -> ()
        %add3A_236 = arith.constant 4 : i32
        %add3A_237 = arith.addi %add3A_227, %add3A_236 : i32
        %lt3A_238 = arith.constant 160 : i32
        %lt3A_239 = arith.cmpi slt, %add3A_237, %lt3A_238 : i32
        %convert_element_type3A_240 = arith.extui %lt3A_239 : i1 to i32
        %cond3A_241 = arith.constant 0 : i32
        %cond3A_242 = arith.cmpi ne, %convert_element_type3A_240, %cond3A_241 : i32
        scf.if %cond3A_242 {
          %add3A_250 = arith.constant 4 : i32
          %add3A_251 = arith.addi %add3A_227, %add3A_250 : i32
          %add3A_252 = arith.addi %mul3A_0, %add3A_251 : i32
          %dma_start3A_253 = arith.constant 0 : i32
          %dma_start3A_254 = arith.constant 0 : i32
          %dma_start3A_255 = tpu.memref_slice %arg3[%add3A_252, %dma_start3A_253, %dma_start3A_254] : memref<2560x2x128xi32, #tpu.memory_space<hbm>> -> memref<1x2x128xi32, #tpu.memory_space<hbm>>
          %dma_start3A_256 = tpu.memref_squeeze %dma_start3A_255 : memref<1x2x128xi32, #tpu.memory_space<hbm>> -> memref<2x128xi32, #tpu.memory_space<hbm>>
          %dma_start3A_257 = arith.constant 0 : i32
          %dma_start3A_258 = arith.constant 0 : i32
          %dma_start3A_259 = tpu.memref_slice %arg3[%add3A_252, %dma_start3A_257, %dma_start3A_258] : memref<2560x2x128xi32, #tpu.memory_space<hbm>> -> memref<1x2x128xi32, #tpu.memory_space<hbm>>
          %dma_start3A_260 = tpu.memref_squeeze %dma_start3A_259 : memref<1x2x128xi32, #tpu.memory_space<hbm>> -> memref<2x128xi32, #tpu.memory_space<hbm>>
          tpu.enqueue_dma source(%dma_start3A_260 : memref<2x128xi32, #tpu.memory_space<hbm>>) target(%arg8 : memref<2x128xi32, #tpu.memory_space<vmem>>) target_semaphore(%arg15 : memref<!tpu.dma_semaphore, #tpu.memory_space<semaphore_mem>>)
        } else {
        }
        %add3A_243 = arith.constant 2 : i32
        %add3A_244 = arith.addi %add3A_227, %add3A_243 : i32
        %lt3A_245 = arith.constant 160 : i32
        %lt3A_246 = arith.cmpi slt, %add3A_244, %lt3A_245 : i32
        %convert_element_type3A_247 = arith.extui %lt3A_246 : i1 to i32
        %cond3A_248 = arith.constant 0 : i32
        %cond3A_249 = arith.cmpi ne, %convert_element_type3A_247, %cond3A_248 : i32
        scf.if %cond3A_249 {
          %add3A_250 = arith.constant 2 : i32
          %add3A_251 = arith.addi %add3A_227, %add3A_250 : i32
          %add3A_252 = arith.addi %mul3A_0, %add3A_251 : i32
          %dma_wait3A_253 = arith.constant 0 : i32
          %dma_wait3A_254 = arith.constant 0 : i32
          %dma_wait3A_255 = tpu.memref_slice %arg3[%add3A_252, %dma_wait3A_253, %dma_wait3A_254] : memref<2560x2x128xi32, #tpu.memory_space<hbm>> -> memref<1x2x128xi32, #tpu.memory_space<hbm>>
          %dma_wait3A_256 = tpu.memref_squeeze %dma_wait3A_255 : memref<1x2x128xi32, #tpu.memory_space<hbm>> -> memref<2x128xi32, #tpu.memory_space<hbm>>
          %dma_wait3A_257 = arith.constant 0 : i32
          %dma_wait3A_258 = arith.constant 0 : i32
          %dma_wait3A_259 = tpu.memref_slice %arg3[%add3A_252, %dma_wait3A_257, %dma_wait3A_258] : memref<2560x2x128xi32, #tpu.memory_space<hbm>> -> memref<1x2x128xi32, #tpu.memory_space<hbm>>
          %dma_wait3A_260 = tpu.memref_squeeze %dma_wait3A_259 : memref<1x2x128xi32, #tpu.memory_space<hbm>> -> memref<2x128xi32, #tpu.memory_space<hbm>>
          tpu.wait_dma2 semaphore(%arg13 : memref<!tpu.dma_semaphore, #tpu.memory_space<semaphore_mem>>) src(%dma_wait3A_260 : memref<2x128xi32, #tpu.memory_space<hbm>>) dst(%arg6 : memref<2x128xi32, #tpu.memory_space<vmem>>)
          %dma_start3A_261 = arith.constant 0 : i32
          %dma_start3A_262 = arith.constant 0 : i32
          %dma_start3A_263 = tpu.memref_slice %arg6[%dma_start3A_261, %dma_start3A_262] : memref<2x128xi32, #tpu.memory_space<vmem>> -> memref<1x128xi32, #tpu.memory_space<vmem>>
          %dma_start3A_264 = tpu.memref_squeeze %dma_start3A_263 : memref<1x128xi32, #tpu.memory_space<vmem>> -> memref<128xi32, #tpu.memory_space<vmem>>
          %dma_start3A_265 = arith.constant 0 : i32
          %dma_start3A_266 = arith.constant 0 : i32
          %dma_start3A_267 = tpu.memref_slice %arg2[%dma_start3A_265, %dma_start3A_266] : memref<10240x128xf32, #tpu.memory_space<hbm>> -> memref<10240x128xf32, #tpu.memory_space<hbm>>
          tpu.enqueue_indirect_dma source(%dma_start3A_267 : memref<10240x128xf32, #tpu.memory_space<hbm>>) target(%arg10 : memref<128x128xf32, #tpu.memory_space<vmem>>) offsets(%dma_start3A_264 : memref<128xi32, #tpu.memory_space<vmem>>) semaphore(%arg17 : memref<!tpu.dma_semaphore, #tpu.memory_space<semaphore_mem>>)
        } else {
        }
      }
      %scan3A_105 = arith.constant 40 : i32
      %barrier3A_106 = arith.constant 0 : index
      tpu.barrier barrier_id(%barrier3A_106)
      %mul3A_107 = arith.constant 640 : i32
      %mul3A_108 = arith.muli %arg1, %mul3A_107 : i32
      %add3A_109 = arith.constant 0 : i32
      %add3A_110 = arith.addi %mul3A_108, %add3A_109 : i32
      "tpu.region"() ({
        %run_scoped3A = tpu.sem_alloc : memref<!tpu.dma_semaphore, #tpu.memory_space<semaphore_mem>>
        %dma_start3A_147 = arith.constant 0 : i32
        %dma_start3A_148 = tpu.memref_slice %arg11[%add3A_110, %dma_start3A_147] : memref<10240x128xf32, #tpu.memory_space<vmem_shared>> -> memref<128x128xf32, #tpu.memory_space<vmem_shared>>
        %dma_start3A_149 = arith.constant 0 : i32
        %dma_start3A_150 = tpu.memref_slice %arg11[%add3A_110, %dma_start3A_149] : memref<10240x128xf32, #tpu.memory_space<vmem_shared>> -> memref<128x128xf32, #tpu.memory_space<vmem_shared>>
        tpu.enqueue_dma source(%dma_start3A_150 : memref<128x128xf32, #tpu.memory_space<vmem_shared>>) target(%arg9 : memref<128x128xf32, #tpu.memory_space<vmem>>) target_semaphore(%run_scoped3A : memref<!tpu.dma_semaphore, #tpu.memory_space<semaphore_mem>>)
        %dma_wait3A_151 = arith.constant 0 : i32
        %dma_wait3A_152 = tpu.memref_slice %arg11[%add3A_110, %dma_wait3A_151] : memref<10240x128xf32, #tpu.memory_space<vmem_shared>> -> memref<128x128xf32, #tpu.memory_space<vmem_shared>>
        %dma_wait3A_153 = arith.constant 0 : i32
        %dma_wait3A_154 = tpu.memref_slice %arg11[%add3A_110, %dma_wait3A_153] : memref<10240x128xf32, #tpu.memory_space<vmem_shared>> -> memref<128x128xf32, #tpu.memory_space<vmem_shared>>
        tpu.wait_dma2 semaphore(%run_scoped3A : memref<!tpu.dma_semaphore, #tpu.memory_space<semaphore_mem>>) src(%dma_wait3A_154 : memref<128x128xf32, #tpu.memory_space<vmem_shared>>) dst(%arg9 : memref<128x128xf32, #tpu.memory_space<vmem>>)
        tpu.yield
      }) : () -> ()
      %mul3A_111 = arith.constant 640 : i32
      %mul3A_112 = arith.muli %arg1, %mul3A_111 : i32
      %add3A_113 = arith.constant 0 : i32
      %add3A_114 = arith.addi %mul3A_112, %add3A_113 : i32
      "tpu.region"() ({
        %run_scoped3A = tpu.sem_alloc : memref<!tpu.dma_semaphore, #tpu.memory_space<semaphore_mem>>
        %dma_start3A_147 = arith.constant 0 : i32
        %dma_start3A_148 = tpu.memref_slice %arg4[%add3A_114, %dma_start3A_147] : memref<10240x128xf32, #tpu.memory_space<hbm>> -> memref<128x128xf32, #tpu.memory_space<hbm>>
        %dma_start3A_149 = arith.constant 0 : i32
        %dma_start3A_150 = tpu.memref_slice %arg4[%add3A_114, %dma_start3A_149] : memref<10240x128xf32, #tpu.memory_space<hbm>> -> memref<128x128xf32, #tpu.memory_space<hbm>>
        tpu.enqueue_dma source(%arg9 : memref<128x128xf32, #tpu.memory_space<vmem>>) target(%dma_start3A_150 : memref<128x128xf32, #tpu.memory_space<hbm>>) target_semaphore(%run_scoped3A : memref<!tpu.dma_semaphore, #tpu.memory_space<semaphore_mem>>)
        %dma_wait3A_151 = arith.constant 0 : i32
        %dma_wait3A_152 = tpu.memref_slice %arg4[%add3A_114, %dma_wait3A_151] : memref<10240x128xf32, #tpu.memory_space<hbm>> -> memref<128x128xf32, #tpu.memory_space<hbm>>
        %dma_wait3A_153 = arith.constant 0 : i32
        %dma_wait3A_154 = tpu.memref_slice %arg4[%add3A_114, %dma_wait3A_153] : memref<10240x128xf32, #tpu.memory_space<hbm>> -> memref<128x128xf32, #tpu.memory_space<hbm>>
        tpu.wait_dma2 semaphore(%run_scoped3A : memref<!tpu.dma_semaphore, #tpu.memory_space<semaphore_mem>>) src(%arg9 : memref<128x128xf32, #tpu.memory_space<vmem>>) dst(%dma_wait3A_154 : memref<128x128xf32, #tpu.memory_space<hbm>>)
        tpu.yield
      }) : () -> ()
      %mul3A_115 = arith.constant 640 : i32
      %mul3A_116 = arith.muli %arg1, %mul3A_115 : i32
      %add3A_117 = arith.constant 128 : i32
      %add3A_118 = arith.addi %mul3A_116, %add3A_117 : i32
      "tpu.region"() ({
        %run_scoped3A = tpu.sem_alloc : memref<!tpu.dma_semaphore, #tpu.memory_space<semaphore_mem>>
        %dma_start3A_147 = arith.constant 0 : i32
        %dma_start3A_148 = tpu.memref_slice %arg11[%add3A_118, %dma_start3A_147] : memref<10240x128xf32, #tpu.memory_space<vmem_shared>> -> memref<128x128xf32, #tpu.memory_space<vmem_shared>>
        %dma_start3A_149 = arith.constant 0 : i32
        %dma_start3A_150 = tpu.memref_slice %arg11[%add3A_118, %dma_start3A_149] : memref<10240x128xf32, #tpu.memory_space<vmem_shared>> -> memref<128x128xf32, #tpu.memory_space<vmem_shared>>
        tpu.enqueue_dma source(%dma_start3A_150 : memref<128x128xf32, #tpu.memory_space<vmem_shared>>) target(%arg9 : memref<128x128xf32, #tpu.memory_space<vmem>>) target_semaphore(%run_scoped3A : memref<!tpu.dma_semaphore, #tpu.memory_space<semaphore_mem>>)
        %dma_wait3A_151 = arith.constant 0 : i32
        %dma_wait3A_152 = tpu.memref_slice %arg11[%add3A_118, %dma_wait3A_151] : memref<10240x128xf32, #tpu.memory_space<vmem_shared>> -> memref<128x128xf32, #tpu.memory_space<vmem_shared>>
        %dma_wait3A_153 = arith.constant 0 : i32
        %dma_wait3A_154 = tpu.memref_slice %arg11[%add3A_118, %dma_wait3A_153] : memref<10240x128xf32, #tpu.memory_space<vmem_shared>> -> memref<128x128xf32, #tpu.memory_space<vmem_shared>>
        tpu.wait_dma2 semaphore(%run_scoped3A : memref<!tpu.dma_semaphore, #tpu.memory_space<semaphore_mem>>) src(%dma_wait3A_154 : memref<128x128xf32, #tpu.memory_space<vmem_shared>>) dst(%arg9 : memref<128x128xf32, #tpu.memory_space<vmem>>)
        tpu.yield
      }) : () -> ()
      %mul3A_119 = arith.constant 640 : i32
      %mul3A_120 = arith.muli %arg1, %mul3A_119 : i32
      %add3A_121 = arith.constant 128 : i32
      %add3A_122 = arith.addi %mul3A_120, %add3A_121 : i32
      "tpu.region"() ({
        %run_scoped3A = tpu.sem_alloc : memref<!tpu.dma_semaphore, #tpu.memory_space<semaphore_mem>>
        %dma_start3A_147 = arith.constant 0 : i32
        %dma_start3A_148 = tpu.memref_slice %arg4[%add3A_122, %dma_start3A_147] : memref<10240x128xf32, #tpu.memory_space<hbm>> -> memref<128x128xf32, #tpu.memory_space<hbm>>
        %dma_start3A_149 = arith.constant 0 : i32
        %dma_start3A_150 = tpu.memref_slice %arg4[%add3A_122, %dma_start3A_149] : memref<10240x128xf32, #tpu.memory_space<hbm>> -> memref<128x128xf32, #tpu.memory_space<hbm>>
        tpu.enqueue_dma source(%arg9 : memref<128x128xf32, #tpu.memory_space<vmem>>) target(%dma_start3A_150 : memref<128x128xf32, #tpu.memory_space<hbm>>) target_semaphore(%run_scoped3A : memref<!tpu.dma_semaphore, #tpu.memory_space<semaphore_mem>>)
        %dma_wait3A_151 = arith.constant 0 : i32
        %dma_wait3A_152 = tpu.memref_slice %arg4[%add3A_122, %dma_wait3A_151] : memref<10240x128xf32, #tpu.memory_space<hbm>> -> memref<128x128xf32, #tpu.memory_space<hbm>>
        %dma_wait3A_153 = arith.constant 0 : i32
        %dma_wait3A_154 = tpu.memref_slice %arg4[%add3A_122, %dma_wait3A_153] : memref<10240x128xf32, #tpu.memory_space<hbm>> -> memref<128x128xf32, #tpu.memory_space<hbm>>
        tpu.wait_dma2 semaphore(%run_scoped3A : memref<!tpu.dma_semaphore, #tpu.memory_space<semaphore_mem>>) src(%arg9 : memref<128x128xf32, #tpu.memory_space<vmem>>) dst(%dma_wait3A_154 : memref<128x128xf32, #tpu.memory_space<hbm>>)
        tpu.yield
      }) : () -> ()
      %mul3A_123 = arith.constant 640 : i32
      %mul3A_124 = arith.muli %arg1, %mul3A_123 : i32
      %add3A_125 = arith.constant 256 : i32
      %add3A_126 = arith.addi %mul3A_124, %add3A_125 : i32
      "tpu.region"() ({
        %run_scoped3A = tpu.sem_alloc : memref<!tpu.dma_semaphore, #tpu.memory_space<semaphore_mem>>
        %dma_start3A_147 = arith.constant 0 : i32
        %dma_start3A_148 = tpu.memref_slice %arg11[%add3A_126, %dma_start3A_147] : memref<10240x128xf32, #tpu.memory_space<vmem_shared>> -> memref<128x128xf32, #tpu.memory_space<vmem_shared>>
        %dma_start3A_149 = arith.constant 0 : i32
        %dma_start3A_150 = tpu.memref_slice %arg11[%add3A_126, %dma_start3A_149] : memref<10240x128xf32, #tpu.memory_space<vmem_shared>> -> memref<128x128xf32, #tpu.memory_space<vmem_shared>>
        tpu.enqueue_dma source(%dma_start3A_150 : memref<128x128xf32, #tpu.memory_space<vmem_shared>>) target(%arg9 : memref<128x128xf32, #tpu.memory_space<vmem>>) target_semaphore(%run_scoped3A : memref<!tpu.dma_semaphore, #tpu.memory_space<semaphore_mem>>)
        %dma_wait3A_151 = arith.constant 0 : i32
        %dma_wait3A_152 = tpu.memref_slice %arg11[%add3A_126, %dma_wait3A_151] : memref<10240x128xf32, #tpu.memory_space<vmem_shared>> -> memref<128x128xf32, #tpu.memory_space<vmem_shared>>
        %dma_wait3A_153 = arith.constant 0 : i32
        %dma_wait3A_154 = tpu.memref_slice %arg11[%add3A_126, %dma_wait3A_153] : memref<10240x128xf32, #tpu.memory_space<vmem_shared>> -> memref<128x128xf32, #tpu.memory_space<vmem_shared>>
        tpu.wait_dma2 semaphore(%run_scoped3A : memref<!tpu.dma_semaphore, #tpu.memory_space<semaphore_mem>>) src(%dma_wait3A_154 : memref<128x128xf32, #tpu.memory_space<vmem_shared>>) dst(%arg9 : memref<128x128xf32, #tpu.memory_space<vmem>>)
        tpu.yield
      }) : () -> ()
      %mul3A_127 = arith.constant 640 : i32
      %mul3A_128 = arith.muli %arg1, %mul3A_127 : i32
      %add3A_129 = arith.constant 256 : i32
      %add3A_130 = arith.addi %mul3A_128, %add3A_129 : i32
      "tpu.region"() ({
        %run_scoped3A = tpu.sem_alloc : memref<!tpu.dma_semaphore, #tpu.memory_space<semaphore_mem>>
        %dma_start3A_147 = arith.constant 0 : i32
        %dma_start3A_148 = tpu.memref_slice %arg4[%add3A_130, %dma_start3A_147] : memref<10240x128xf32, #tpu.memory_space<hbm>> -> memref<128x128xf32, #tpu.memory_space<hbm>>
        %dma_start3A_149 = arith.constant 0 : i32
        %dma_start3A_150 = tpu.memref_slice %arg4[%add3A_130, %dma_start3A_149] : memref<10240x128xf32, #tpu.memory_space<hbm>> -> memref<128x128xf32, #tpu.memory_space<hbm>>
        tpu.enqueue_dma source(%arg9 : memref<128x128xf32, #tpu.memory_space<vmem>>) target(%dma_start3A_150 : memref<128x128xf32, #tpu.memory_space<hbm>>) target_semaphore(%run_scoped3A : memref<!tpu.dma_semaphore, #tpu.memory_space<semaphore_mem>>)
        %dma_wait3A_151 = arith.constant 0 : i32
        %dma_wait3A_152 = tpu.memref_slice %arg4[%add3A_130, %dma_wait3A_151] : memref<10240x128xf32, #tpu.memory_space<hbm>> -> memref<128x128xf32, #tpu.memory_space<hbm>>
        %dma_wait3A_153 = arith.constant 0 : i32
        %dma_wait3A_154 = tpu.memref_slice %arg4[%add3A_130, %dma_wait3A_153] : memref<10240x128xf32, #tpu.memory_space<hbm>> -> memref<128x128xf32, #tpu.memory_space<hbm>>
        tpu.wait_dma2 semaphore(%run_scoped3A : memref<!tpu.dma_semaphore, #tpu.memory_space<semaphore_mem>>) src(%arg9 : memref<128x128xf32, #tpu.memory_space<vmem>>) dst(%dma_wait3A_154 : memref<128x128xf32, #tpu.memory_space<hbm>>)
        tpu.yield
      }) : () -> ()
      %mul3A_131 = arith.constant 640 : i32
      %mul3A_132 = arith.muli %arg1, %mul3A_131 : i32
      %add3A_133 = arith.constant 384 : i32
      %add3A_134 = arith.addi %mul3A_132, %add3A_133 : i32
      "tpu.region"() ({
        %run_scoped3A = tpu.sem_alloc : memref<!tpu.dma_semaphore, #tpu.memory_space<semaphore_mem>>
        %dma_start3A_147 = arith.constant 0 : i32
        %dma_start3A_148 = tpu.memref_slice %arg11[%add3A_134, %dma_start3A_147] : memref<10240x128xf32, #tpu.memory_space<vmem_shared>> -> memref<128x128xf32, #tpu.memory_space<vmem_shared>>
        %dma_start3A_149 = arith.constant 0 : i32
        %dma_start3A_150 = tpu.memref_slice %arg11[%add3A_134, %dma_start3A_149] : memref<10240x128xf32, #tpu.memory_space<vmem_shared>> -> memref<128x128xf32, #tpu.memory_space<vmem_shared>>
        tpu.enqueue_dma source(%dma_start3A_150 : memref<128x128xf32, #tpu.memory_space<vmem_shared>>) target(%arg9 : memref<128x128xf32, #tpu.memory_space<vmem>>) target_semaphore(%run_scoped3A : memref<!tpu.dma_semaphore, #tpu.memory_space<semaphore_mem>>)
        %dma_wait3A_151 = arith.constant 0 : i32
        %dma_wait3A_152 = tpu.memref_slice %arg11[%add3A_134, %dma_wait3A_151] : memref<10240x128xf32, #tpu.memory_space<vmem_shared>> -> memref<128x128xf32, #tpu.memory_space<vmem_shared>>
        %dma_wait3A_153 = arith.constant 0 : i32
        %dma_wait3A_154 = tpu.memref_slice %arg11[%add3A_134, %dma_wait3A_153] : memref<10240x128xf32, #tpu.memory_space<vmem_shared>> -> memref<128x128xf32, #tpu.memory_space<vmem_shared>>
        tpu.wait_dma2 semaphore(%run_scoped3A : memref<!tpu.dma_semaphore, #tpu.memory_space<semaphore_mem>>) src(%dma_wait3A_154 : memref<128x128xf32, #tpu.memory_space<vmem_shared>>) dst(%arg9 : memref<128x128xf32, #tpu.memory_space<vmem>>)
        tpu.yield
      }) : () -> ()
      %mul3A_135 = arith.constant 640 : i32
      %mul3A_136 = arith.muli %arg1, %mul3A_135 : i32
      %add3A_137 = arith.constant 384 : i32
      %add3A_138 = arith.addi %mul3A_136, %add3A_137 : i32
      "tpu.region"() ({
        %run_scoped3A = tpu.sem_alloc : memref<!tpu.dma_semaphore, #tpu.memory_space<semaphore_mem>>
        %dma_start3A_147 = arith.constant 0 : i32
        %dma_start3A_148 = tpu.memref_slice %arg4[%add3A_138, %dma_start3A_147] : memref<10240x128xf32, #tpu.memory_space<hbm>> -> memref<128x128xf32, #tpu.memory_space<hbm>>
        %dma_start3A_149 = arith.constant 0 : i32
        %dma_start3A_150 = tpu.memref_slice %arg4[%add3A_138, %dma_start3A_149] : memref<10240x128xf32, #tpu.memory_space<hbm>> -> memref<128x128xf32, #tpu.memory_space<hbm>>
        tpu.enqueue_dma source(%arg9 : memref<128x128xf32, #tpu.memory_space<vmem>>) target(%dma_start3A_150 : memref<128x128xf32, #tpu.memory_space<hbm>>) target_semaphore(%run_scoped3A : memref<!tpu.dma_semaphore, #tpu.memory_space<semaphore_mem>>)
        %dma_wait3A_151 = arith.constant 0 : i32
        %dma_wait3A_152 = tpu.memref_slice %arg4[%add3A_138, %dma_wait3A_151] : memref<10240x128xf32, #tpu.memory_space<hbm>> -> memref<128x128xf32, #tpu.memory_space<hbm>>
        %dma_wait3A_153 = arith.constant 0 : i32
        %dma_wait3A_154 = tpu.memref_slice %arg4[%add3A_138, %dma_wait3A_153] : memref<10240x128xf32, #tpu.memory_space<hbm>> -> memref<128x128xf32, #tpu.memory_space<hbm>>
        tpu.wait_dma2 semaphore(%run_scoped3A : memref<!tpu.dma_semaphore, #tpu.memory_space<semaphore_mem>>) src(%arg9 : memref<128x128xf32, #tpu.memory_space<vmem>>) dst(%dma_wait3A_154 : memref<128x128xf32, #tpu.memory_space<hbm>>)
        tpu.yield
      }) : () -> ()
      %mul3A_139 = arith.constant 640 : i32
      %mul3A_140 = arith.muli %arg1, %mul3A_139 : i32
      %add3A_141 = arith.constant 512 : i32
      %add3A_142 = arith.addi %mul3A_140, %add3A_141 : i32
      "tpu.region"() ({
        %run_scoped3A = tpu.sem_alloc : memref<!tpu.dma_semaphore, #tpu.memory_space<semaphore_mem>>
        %dma_start3A_147 = arith.constant 0 : i32
        %dma_start3A_148 = tpu.memref_slice %arg11[%add3A_142, %dma_start3A_147] : memref<10240x128xf32, #tpu.memory_space<vmem_shared>> -> memref<128x128xf32, #tpu.memory_space<vmem_shared>>
        %dma_start3A_149 = arith.constant 0 : i32
        %dma_start3A_150 = tpu.memref_slice %arg11[%add3A_142, %dma_start3A_149] : memref<10240x128xf32, #tpu.memory_space<vmem_shared>> -> memref<128x128xf32, #tpu.memory_space<vmem_shared>>
        tpu.enqueue_dma source(%dma_start3A_150 : memref<128x128xf32, #tpu.memory_space<vmem_shared>>) target(%arg9 : memref<128x128xf32, #tpu.memory_space<vmem>>) target_semaphore(%run_scoped3A : memref<!tpu.dma_semaphore, #tpu.memory_space<semaphore_mem>>)
        %dma_wait3A_151 = arith.constant 0 : i32
        %dma_wait3A_152 = tpu.memref_slice %arg11[%add3A_142, %dma_wait3A_151] : memref<10240x128xf32, #tpu.memory_space<vmem_shared>> -> memref<128x128xf32, #tpu.memory_space<vmem_shared>>
        %dma_wait3A_153 = arith.constant 0 : i32
        %dma_wait3A_154 = tpu.memref_slice %arg11[%add3A_142, %dma_wait3A_153] : memref<10240x128xf32, #tpu.memory_space<vmem_shared>> -> memref<128x128xf32, #tpu.memory_space<vmem_shared>>
        tpu.wait_dma2 semaphore(%run_scoped3A : memref<!tpu.dma_semaphore, #tpu.memory_space<semaphore_mem>>) src(%dma_wait3A_154 : memref<128x128xf32, #tpu.memory_space<vmem_shared>>) dst(%arg9 : memref<128x128xf32, #tpu.memory_space<vmem>>)
        tpu.yield
      }) : () -> ()
      %mul3A_143 = arith.constant 640 : i32
      %mul3A_144 = arith.muli %arg1, %mul3A_143 : i32
      %add3A_145 = arith.constant 512 : i32
      %add3A_146 = arith.addi %mul3A_144, %add3A_145 : i32
      "tpu.region"() ({
        %run_scoped3A = tpu.sem_alloc : memref<!tpu.dma_semaphore, #tpu.memory_space<semaphore_mem>>
        %dma_start3A_147 = arith.constant 0 : i32
        %dma_start3A_148 = tpu.memref_slice %arg4[%add3A_146, %dma_start3A_147] : memref<10240x128xf32, #tpu.memory_space<hbm>> -> memref<128x128xf32, #tpu.memory_space<hbm>>
        %dma_start3A_149 = arith.constant 0 : i32
        %dma_start3A_150 = tpu.memref_slice %arg4[%add3A_146, %dma_start3A_149] : memref<10240x128xf32, #tpu.memory_space<hbm>> -> memref<128x128xf32, #tpu.memory_space<hbm>>
        tpu.enqueue_dma source(%arg9 : memref<128x128xf32, #tpu.memory_space<vmem>>) target(%dma_start3A_150 : memref<128x128xf32, #tpu.memory_space<hbm>>) target_semaphore(%run_scoped3A : memref<!tpu.dma_semaphore, #tpu.memory_space<semaphore_mem>>)
        %dma_wait3A_151 = arith.constant 0 : i32
        %dma_wait3A_152 = tpu.memref_slice %arg4[%add3A_146, %dma_wait3A_151] : memref<10240x128xf32, #tpu.memory_space<hbm>> -> memref<128x128xf32, #tpu.memory_space<hbm>>
        %dma_wait3A_153 = arith.constant 0 : i32
        %dma_wait3A_154 = tpu.memref_slice %arg4[%add3A_146, %dma_wait3A_153] : memref<10240x128xf32, #tpu.memory_space<hbm>> -> memref<128x128xf32, #tpu.memory_space<hbm>>
        tpu.wait_dma2 semaphore(%run_scoped3A : memref<!tpu.dma_semaphore, #tpu.memory_space<semaphore_mem>>) src(%arg9 : memref<128x128xf32, #tpu.memory_space<vmem>>) dst(%dma_wait3A_154 : memref<128x128xf32, #tpu.memory_space<hbm>>)
        tpu.yield
      }) : () -> ()
    } else {
    }
    return
  }
}

#map = affine_map<(d0, d1) -> (0)>
#map1 = affine_map<(d0, d1) -> (0, 0)>
#map2 = affine_map<(d0, d1) -> (0, 0, 0)>
module attributes {stable_mosaic.version = 14 : i64} {
  func.func @deg_kernel(%arg0: i32, %arg1: i32, %arg2: memref<327680xi32, #tpu.memory_space<hbm>>, %arg3: memref<128x16xf32, #tpu.memory_space<hbm>>, %arg4: memref<2x10240x16xf32, #tpu.memory_space<hbm>>, %arg5: memref<128xi32, #tpu.memory_space<vmem>>, %arg6: memref<128x16xf32, #tpu.memory_space<vmem>>, %arg7: memref<128x16xf32, #tpu.memory_space<vmem>>, %arg8: memref<10240x16xf32, #tpu.memory_space<vmem_shared>>, %arg9: memref<!tpu.dma_semaphore, #tpu.memory_space<semaphore_mem>>) attributes {dimension_semantics = [#tpu.dimension_semantics<core_parallel>, #tpu.dimension_semantics<subcore_parallel>], iteration_bounds = array<i64: 2, 16>, scalar_prefetch = 0 : i64, scratch_operands = 5 : i64, tpu.core_type = #tpu.core_type<sc_vector_subcore>, window_params = [{transform_indices = #map}, {transform_indices = #map1}, {transform_indices = #map2}]} {
    %mul3A = arith.constant 16 : i32
    %mul3A_0 = arith.muli %arg0, %mul3A : i32
    %add3A = arith.addi %mul3A_0, %arg1 : i32
    %broadcast_in_dim3A = arith.constant 0.000000e+00 : f32
    %broadcast_in_dim3A_1 = vector.broadcast %broadcast_in_dim3A : f32 to vector<16xf32>
    %scan3A = arith.constant 0 : i32
    %scan3A_2 = arith.constant 0 : i32
    %scan3A_3 = arith.constant 128 : i32
    %scan3A_4 = arith.addi %scan3A_2, %scan3A_3 : i32
    %scan3A_5 = arith.constant 1 : i32
    scf.for %scan3A_76 = %scan3A_2 to %scan3A_4 step %scan3A_5  : i32 {
      %swap3A = arith.index_cast %scan3A_76 : i32 to index
      %swap3A_77 = arith.constant 0 : index
      %swap3A_78 = tpu.vector_load %arg7[%swap3A, %swap3A_77] {strides = array<i32>} : memref<128x16xf32, #tpu.memory_space<vmem>>, vector<1x16xf32>,
      %swap3A_79 = vector.shape_cast %swap3A_78 : vector<1x16xf32> to vector<16xf32>
      %swap3A_80 = vector.shape_cast %broadcast_in_dim3A_1 : vector<16xf32> to vector<1x16xf32>
      tpu.vector_store %arg7[%swap3A, %swap3A_77], %swap3A_80 {strides = array<i32>} : memref<128x16xf32, #tpu.memory_space<vmem>>, vector<1x16xf32>,
    }
    %scan3A_6 = arith.constant 128 : i32
    %mul3A_7 = arith.constant 640 : i32
    %mul3A_8 = arith.muli %arg1, %mul3A_7 : i32
    %add3A_9 = arith.constant 0 : i32
    %add3A_10 = arith.addi %mul3A_8, %add3A_9 : i32
    "tpu.region"() ({
      %run_scoped3A = tpu.sem_alloc : memref<!tpu.dma_semaphore, #tpu.memory_space<semaphore_mem>>
      %dma_start3A = arith.constant 0 : i32
      %dma_start3A_76 = tpu.memref_slice %arg8[%add3A_10, %dma_start3A] : memref<10240x16xf32, #tpu.memory_space<vmem_shared>> -> memref<128x16xf32, #tpu.memory_space<vmem_shared>>
      %dma_start3A_77 = arith.constant 0 : i32
      %dma_start3A_78 = tpu.memref_slice %arg8[%add3A_10, %dma_start3A_77] : memref<10240x16xf32, #tpu.memory_space<vmem_shared>> -> memref<128x16xf32, #tpu.memory_space<vmem_shared>>
      tpu.enqueue_dma source(%arg7 : memref<128x16xf32, #tpu.memory_space<vmem>>) target(%dma_start3A_78 : memref<128x16xf32, #tpu.memory_space<vmem_shared>>) target_semaphore(%run_scoped3A : memref<!tpu.dma_semaphore, #tpu.memory_space<semaphore_mem>>)
      %dma_wait3A = arith.constant 0 : i32
      %dma_wait3A_79 = tpu.memref_slice %arg8[%add3A_10, %dma_wait3A] : memref<10240x16xf32, #tpu.memory_space<vmem_shared>> -> memref<128x16xf32, #tpu.memory_space<vmem_shared>>
      %dma_wait3A_80 = arith.constant 0 : i32
      %dma_wait3A_81 = tpu.memref_slice %arg8[%add3A_10, %dma_wait3A_80] : memref<10240x16xf32, #tpu.memory_space<vmem_shared>> -> memref<128x16xf32, #tpu.memory_space<vmem_shared>>
      tpu.wait_dma2 semaphore(%run_scoped3A : memref<!tpu.dma_semaphore, #tpu.memory_space<semaphore_mem>>) src(%arg7 : memref<128x16xf32, #tpu.memory_space<vmem>>) dst(%dma_wait3A_81 : memref<128x16xf32, #tpu.memory_space<vmem_shared>>)
      tpu.yield
    }) : () -> ()
    %mul3A_11 = arith.constant 640 : i32
    %mul3A_12 = arith.muli %arg1, %mul3A_11 : i32
    %add3A_13 = arith.constant 128 : i32
    %add3A_14 = arith.addi %mul3A_12, %add3A_13 : i32
    "tpu.region"() ({
      %run_scoped3A = tpu.sem_alloc : memref<!tpu.dma_semaphore, #tpu.memory_space<semaphore_mem>>
      %dma_start3A = arith.constant 0 : i32
      %dma_start3A_76 = tpu.memref_slice %arg8[%add3A_14, %dma_start3A] : memref<10240x16xf32, #tpu.memory_space<vmem_shared>> -> memref<128x16xf32, #tpu.memory_space<vmem_shared>>
      %dma_start3A_77 = arith.constant 0 : i32
      %dma_start3A_78 = tpu.memref_slice %arg8[%add3A_14, %dma_start3A_77] : memref<10240x16xf32, #tpu.memory_space<vmem_shared>> -> memref<128x16xf32, #tpu.memory_space<vmem_shared>>
      tpu.enqueue_dma source(%arg7 : memref<128x16xf32, #tpu.memory_space<vmem>>) target(%dma_start3A_78 : memref<128x16xf32, #tpu.memory_space<vmem_shared>>) target_semaphore(%run_scoped3A : memref<!tpu.dma_semaphore, #tpu.memory_space<semaphore_mem>>)
      %dma_wait3A = arith.constant 0 : i32
      %dma_wait3A_79 = tpu.memref_slice %arg8[%add3A_14, %dma_wait3A] : memref<10240x16xf32, #tpu.memory_space<vmem_shared>> -> memref<128x16xf32, #tpu.memory_space<vmem_shared>>
      %dma_wait3A_80 = arith.constant 0 : i32
      %dma_wait3A_81 = tpu.memref_slice %arg8[%add3A_14, %dma_wait3A_80] : memref<10240x16xf32, #tpu.memory_space<vmem_shared>> -> memref<128x16xf32, #tpu.memory_space<vmem_shared>>
      tpu.wait_dma2 semaphore(%run_scoped3A : memref<!tpu.dma_semaphore, #tpu.memory_space<semaphore_mem>>) src(%arg7 : memref<128x16xf32, #tpu.memory_space<vmem>>) dst(%dma_wait3A_81 : memref<128x16xf32, #tpu.memory_space<vmem_shared>>)
      tpu.yield
    }) : () -> ()
    %mul3A_15 = arith.constant 640 : i32
    %mul3A_16 = arith.muli %arg1, %mul3A_15 : i32
    %add3A_17 = arith.constant 256 : i32
    %add3A_18 = arith.addi %mul3A_16, %add3A_17 : i32
    "tpu.region"() ({
      %run_scoped3A = tpu.sem_alloc : memref<!tpu.dma_semaphore, #tpu.memory_space<semaphore_mem>>
      %dma_start3A = arith.constant 0 : i32
      %dma_start3A_76 = tpu.memref_slice %arg8[%add3A_18, %dma_start3A] : memref<10240x16xf32, #tpu.memory_space<vmem_shared>> -> memref<128x16xf32, #tpu.memory_space<vmem_shared>>
      %dma_start3A_77 = arith.constant 0 : i32
      %dma_start3A_78 = tpu.memref_slice %arg8[%add3A_18, %dma_start3A_77] : memref<10240x16xf32, #tpu.memory_space<vmem_shared>> -> memref<128x16xf32, #tpu.memory_space<vmem_shared>>
      tpu.enqueue_dma source(%arg7 : memref<128x16xf32, #tpu.memory_space<vmem>>) target(%dma_start3A_78 : memref<128x16xf32, #tpu.memory_space<vmem_shared>>) target_semaphore(%run_scoped3A : memref<!tpu.dma_semaphore, #tpu.memory_space<semaphore_mem>>)
      %dma_wait3A = arith.constant 0 : i32
      %dma_wait3A_79 = tpu.memref_slice %arg8[%add3A_18, %dma_wait3A] : memref<10240x16xf32, #tpu.memory_space<vmem_shared>> -> memref<128x16xf32, #tpu.memory_space<vmem_shared>>
      %dma_wait3A_80 = arith.constant 0 : i32
      %dma_wait3A_81 = tpu.memref_slice %arg8[%add3A_18, %dma_wait3A_80] : memref<10240x16xf32, #tpu.memory_space<vmem_shared>> -> memref<128x16xf32, #tpu.memory_space<vmem_shared>>
      tpu.wait_dma2 semaphore(%run_scoped3A : memref<!tpu.dma_semaphore, #tpu.memory_space<semaphore_mem>>) src(%arg7 : memref<128x16xf32, #tpu.memory_space<vmem>>) dst(%dma_wait3A_81 : memref<128x16xf32, #tpu.memory_space<vmem_shared>>)
      tpu.yield
    }) : () -> ()
    %mul3A_19 = arith.constant 640 : i32
    %mul3A_20 = arith.muli %arg1, %mul3A_19 : i32
    %add3A_21 = arith.constant 384 : i32
    %add3A_22 = arith.addi %mul3A_20, %add3A_21 : i32
    "tpu.region"() ({
      %run_scoped3A = tpu.sem_alloc : memref<!tpu.dma_semaphore, #tpu.memory_space<semaphore_mem>>
      %dma_start3A = arith.constant 0 : i32
      %dma_start3A_76 = tpu.memref_slice %arg8[%add3A_22, %dma_start3A] : memref<10240x16xf32, #tpu.memory_space<vmem_shared>> -> memref<128x16xf32, #tpu.memory_space<vmem_shared>>
      %dma_start3A_77 = arith.constant 0 : i32
      %dma_start3A_78 = tpu.memref_slice %arg8[%add3A_22, %dma_start3A_77] : memref<10240x16xf32, #tpu.memory_space<vmem_shared>> -> memref<128x16xf32, #tpu.memory_space<vmem_shared>>
      tpu.enqueue_dma source(%arg7 : memref<128x16xf32, #tpu.memory_space<vmem>>) target(%dma_start3A_78 : memref<128x16xf32, #tpu.memory_space<vmem_shared>>) target_semaphore(%run_scoped3A : memref<!tpu.dma_semaphore, #tpu.memory_space<semaphore_mem>>)
      %dma_wait3A = arith.constant 0 : i32
      %dma_wait3A_79 = tpu.memref_slice %arg8[%add3A_22, %dma_wait3A] : memref<10240x16xf32, #tpu.memory_space<vmem_shared>> -> memref<128x16xf32, #tpu.memory_space<vmem_shared>>
      %dma_wait3A_80 = arith.constant 0 : i32
      %dma_wait3A_81 = tpu.memref_slice %arg8[%add3A_22, %dma_wait3A_80] : memref<10240x16xf32, #tpu.memory_space<vmem_shared>> -> memref<128x16xf32, #tpu.memory_space<vmem_shared>>
      tpu.wait_dma2 semaphore(%run_scoped3A : memref<!tpu.dma_semaphore, #tpu.memory_space<semaphore_mem>>) src(%arg7 : memref<128x16xf32, #tpu.memory_space<vmem>>) dst(%dma_wait3A_81 : memref<128x16xf32, #tpu.memory_space<vmem_shared>>)
      tpu.yield
    }) : () -> ()
    %mul3A_23 = arith.constant 640 : i32
    %mul3A_24 = arith.muli %arg1, %mul3A_23 : i32
    %add3A_25 = arith.constant 512 : i32
    %add3A_26 = arith.addi %mul3A_24, %add3A_25 : i32
    "tpu.region"() ({
      %run_scoped3A = tpu.sem_alloc : memref<!tpu.dma_semaphore, #tpu.memory_space<semaphore_mem>>
      %dma_start3A = arith.constant 0 : i32
      %dma_start3A_76 = tpu.memref_slice %arg8[%add3A_26, %dma_start3A] : memref<10240x16xf32, #tpu.memory_space<vmem_shared>> -> memref<128x16xf32, #tpu.memory_space<vmem_shared>>
      %dma_start3A_77 = arith.constant 0 : i32
      %dma_start3A_78 = tpu.memref_slice %arg8[%add3A_26, %dma_start3A_77] : memref<10240x16xf32, #tpu.memory_space<vmem_shared>> -> memref<128x16xf32, #tpu.memory_space<vmem_shared>>
      tpu.enqueue_dma source(%arg7 : memref<128x16xf32, #tpu.memory_space<vmem>>) target(%dma_start3A_78 : memref<128x16xf32, #tpu.memory_space<vmem_shared>>) target_semaphore(%run_scoped3A : memref<!tpu.dma_semaphore, #tpu.memory_space<semaphore_mem>>)
      %dma_wait3A = arith.constant 0 : i32
      %dma_wait3A_79 = tpu.memref_slice %arg8[%add3A_26, %dma_wait3A] : memref<10240x16xf32, #tpu.memory_space<vmem_shared>> -> memref<128x16xf32, #tpu.memory_space<vmem_shared>>
      %dma_wait3A_80 = arith.constant 0 : i32
      %dma_wait3A_81 = tpu.memref_slice %arg8[%add3A_26, %dma_wait3A_80] : memref<10240x16xf32, #tpu.memory_space<vmem_shared>> -> memref<128x16xf32, #tpu.memory_space<vmem_shared>>
      tpu.wait_dma2 semaphore(%run_scoped3A : memref<!tpu.dma_semaphore, #tpu.memory_space<semaphore_mem>>) src(%arg7 : memref<128x16xf32, #tpu.memory_space<vmem>>) dst(%dma_wait3A_81 : memref<128x16xf32, #tpu.memory_space<vmem_shared>>)
      tpu.yield
    }) : () -> ()
    "tpu.region"() ({
      %run_scoped3A = tpu.sem_alloc : memref<!tpu.dma_semaphore, #tpu.memory_space<semaphore_mem>>
      tpu.enqueue_dma source(%arg3 : memref<128x16xf32, #tpu.memory_space<hbm>>) target(%arg6 : memref<128x16xf32, #tpu.memory_space<vmem>>) target_semaphore(%run_scoped3A : memref<!tpu.dma_semaphore, #tpu.memory_space<semaphore_mem>>)
      tpu.wait_dma2 semaphore(%run_scoped3A : memref<!tpu.dma_semaphore, #tpu.memory_space<semaphore_mem>>) src(%arg3 : memref<128x16xf32, #tpu.memory_space<hbm>>) dst(%arg6 : memref<128x16xf32, #tpu.memory_space<vmem>>)
      tpu.yield
    }) : () -> ()
    %barrier3A = arith.constant 0 : index
    tpu.barrier barrier_id(%barrier3A)
    %mul3A_27 = arith.constant 10240 : i32
    %mul3A_28 = arith.muli %add3A, %mul3A_27 : i32
    %scan3A_29 = arith.constant 0 : i32
    %scan3A_30 = arith.constant 0 : i32
    %scan3A_31 = arith.constant 80 : i32
    %scan3A_32 = arith.addi %scan3A_30, %scan3A_31 : i32
    %scan3A_33 = arith.constant 1 : i32
    scf.for %scan3A_76 = %scan3A_30 to %scan3A_32 step %scan3A_33  : i32 {
      %mul3A_77 = arith.constant 128 : i32
      %mul3A_78 = arith.muli %scan3A_76, %mul3A_77 : i32
      %add3A_79 = arith.addi %mul3A_28, %mul3A_78 : i32
      "tpu.region"() ({
        %run_scoped3A = tpu.sem_alloc : memref<!tpu.dma_semaphore, #tpu.memory_space<semaphore_mem>>
        %dma_start3A = tpu.memref_slice %arg2[%add3A_79] : memref<327680xi32, #tpu.memory_space<hbm>> -> memref<128xi32, #tpu.memory_space<hbm>>
        %dma_start3A_80 = tpu.memref_slice %arg2[%add3A_79] : memref<327680xi32, #tpu.memory_space<hbm>> -> memref<128xi32, #tpu.memory_space<hbm>>
        tpu.enqueue_dma source(%dma_start3A_80 : memref<128xi32, #tpu.memory_space<hbm>>) target(%arg5 : memref<128xi32, #tpu.memory_space<vmem>>) target_semaphore(%run_scoped3A : memref<!tpu.dma_semaphore, #tpu.memory_space<semaphore_mem>>)
        %dma_wait3A = tpu.memref_slice %arg2[%add3A_79] : memref<327680xi32, #tpu.memory_space<hbm>> -> memref<128xi32, #tpu.memory_space<hbm>>
        %dma_wait3A_81 = tpu.memref_slice %arg2[%add3A_79] : memref<327680xi32, #tpu.memory_space<hbm>> -> memref<128xi32, #tpu.memory_space<hbm>>
        tpu.wait_dma2 semaphore(%run_scoped3A : memref<!tpu.dma_semaphore, #tpu.memory_space<semaphore_mem>>) src(%dma_wait3A_81 : memref<128xi32, #tpu.memory_space<hbm>>) dst(%arg5 : memref<128xi32, #tpu.memory_space<vmem>>)
        tpu.yield
      }) : () -> ()
      "tpu.region"() ({
        %run_scoped3A = tpu.sem_alloc : memref<!tpu.dma_semaphore, #tpu.memory_space<semaphore_mem>>
        %dma_start3A = arith.constant 0 : i32
        %dma_start3A_80 = arith.constant 0 : i32
        %dma_start3A_81 = tpu.memref_slice %arg8[%dma_start3A, %dma_start3A_80] : memref<10240x16xf32, #tpu.memory_space<vmem_shared>> -> memref<10240x16xf32, #tpu.memory_space<vmem_shared>>
        tpu.enqueue_indirect_dma source(%arg6 : memref<128x16xf32, #tpu.memory_space<vmem>>) target(%dma_start3A_81 : memref<10240x16xf32, #tpu.memory_space<vmem_shared>>) offsets(%arg5 : memref<128xi32, #tpu.memory_space<vmem>>) semaphore(%run_scoped3A : memref<!tpu.dma_semaphore, #tpu.memory_space<semaphore_mem>>) {add = true}
        %dma_wait3A = arith.constant 0 : i32
        %dma_wait3A_82 = arith.constant 0 : i32
        %dma_wait3A_83 = tpu.memref_slice %arg8[%dma_wait3A, %dma_wait3A_82] : memref<10240x16xf32, #tpu.memory_space<vmem_shared>> -> memref<10240x16xf32, #tpu.memory_space<vmem_shared>>
        tpu.wait_indirect_dma semaphore(%run_scoped3A : memref<!tpu.dma_semaphore, #tpu.memory_space<semaphore_mem>>) src(%arg6 : memref<128x16xf32, #tpu.memory_space<vmem>>) dst(%dma_wait3A_83 : memref<10240x16xf32, #tpu.memory_space<vmem_shared>>)
        tpu.yield
      }) : () -> ()
    }
    %scan3A_34 = arith.constant 80 : i32
    %barrier3A_35 = arith.constant 0 : index
    tpu.barrier barrier_id(%barrier3A_35)
    %mul3A_36 = arith.constant 640 : i32
    %mul3A_37 = arith.muli %arg1, %mul3A_36 : i32
    %add3A_38 = arith.constant 0 : i32
    %add3A_39 = arith.addi %mul3A_37, %add3A_38 : i32
    "tpu.region"() ({
      %run_scoped3A = tpu.sem_alloc : memref<!tpu.dma_semaphore, #tpu.memory_space<semaphore_mem>>
      %dma_start3A = arith.constant 0 : i32
      %dma_start3A_76 = tpu.memref_slice %arg8[%add3A_39, %dma_start3A] : memref<10240x16xf32, #tpu.memory_space<vmem_shared>> -> memref<128x16xf32, #tpu.memory_space<vmem_shared>>
      %dma_start3A_77 = arith.constant 0 : i32
      %dma_start3A_78 = tpu.memref_slice %arg8[%add3A_39, %dma_start3A_77] : memref<10240x16xf32, #tpu.memory_space<vmem_shared>> -> memref<128x16xf32, #tpu.memory_space<vmem_shared>>
      tpu.enqueue_dma source(%dma_start3A_78 : memref<128x16xf32, #tpu.memory_space<vmem_shared>>) target(%arg6 : memref<128x16xf32, #tpu.memory_space<vmem>>) target_semaphore(%run_scoped3A : memref<!tpu.dma_semaphore, #tpu.memory_space<semaphore_mem>>)
      %dma_wait3A = arith.constant 0 : i32
      %dma_wait3A_79 = tpu.memref_slice %arg8[%add3A_39, %dma_wait3A] : memref<10240x16xf32, #tpu.memory_space<vmem_shared>> -> memref<128x16xf32, #tpu.memory_space<vmem_shared>>
      %dma_wait3A_80 = arith.constant 0 : i32
      %dma_wait3A_81 = tpu.memref_slice %arg8[%add3A_39, %dma_wait3A_80] : memref<10240x16xf32, #tpu.memory_space<vmem_shared>> -> memref<128x16xf32, #tpu.memory_space<vmem_shared>>
      tpu.wait_dma2 semaphore(%run_scoped3A : memref<!tpu.dma_semaphore, #tpu.memory_space<semaphore_mem>>) src(%dma_wait3A_81 : memref<128x16xf32, #tpu.memory_space<vmem_shared>>) dst(%arg6 : memref<128x16xf32, #tpu.memory_space<vmem>>)
      tpu.yield
    }) : () -> ()
    %mul3A_40 = arith.constant 640 : i32
    %mul3A_41 = arith.muli %arg1, %mul3A_40 : i32
    %add3A_42 = arith.constant 0 : i32
    %add3A_43 = arith.addi %mul3A_41, %add3A_42 : i32
    "tpu.region"() ({
      %run_scoped3A = tpu.sem_alloc : memref<!tpu.dma_semaphore, #tpu.memory_space<semaphore_mem>>
      %dma_start3A = arith.constant 0 : i32
      %dma_start3A_76 = arith.constant 0 : i32
      %dma_start3A_77 = tpu.memref_slice %arg4[%arg0, %dma_start3A, %dma_start3A_76] : memref<2x10240x16xf32, #tpu.memory_space<hbm>> -> memref<1x10240x16xf32, #tpu.memory_space<hbm>>
      %dma_start3A_78 = tpu.memref_squeeze %dma_start3A_77 : memref<1x10240x16xf32, #tpu.memory_space<hbm>> -> memref<10240x16xf32, #tpu.memory_space<hbm>>
      %dma_start3A_79 = arith.constant 0 : i32
      %dma_start3A_80 = tpu.memref_slice %dma_start3A_78[%add3A_43, %dma_start3A_79] : memref<10240x16xf32, #tpu.memory_space<hbm>> -> memref<128x16xf32, #tpu.memory_space<hbm>>
      %dma_start3A_81 = arith.constant 0 : i32
      %dma_start3A_82 = arith.constant 0 : i32
      %dma_start3A_83 = tpu.memref_slice %arg4[%arg0, %dma_start3A_81, %dma_start3A_82] : memref<2x10240x16xf32, #tpu.memory_space<hbm>> -> memref<1x10240x16xf32, #tpu.memory_space<hbm>>
      %dma_start3A_84 = tpu.memref_squeeze %dma_start3A_83 : memref<1x10240x16xf32, #tpu.memory_space<hbm>> -> memref<10240x16xf32, #tpu.memory_space<hbm>>
      %dma_start3A_85 = arith.constant 0 : i32
      %dma_start3A_86 = tpu.memref_slice %dma_start3A_84[%add3A_43, %dma_start3A_85] : memref<10240x16xf32, #tpu.memory_space<hbm>> -> memref<128x16xf32, #tpu.memory_space<hbm>>
      tpu.enqueue_dma source(%arg6 : memref<128x16xf32, #tpu.memory_space<vmem>>) target(%dma_start3A_86 : memref<128x16xf32, #tpu.memory_space<hbm>>) target_semaphore(%run_scoped3A : memref<!tpu.dma_semaphore, #tpu.memory_space<semaphore_mem>>)
      %dma_wait3A = arith.constant 0 : i32
      %dma_wait3A_87 = arith.constant 0 : i32
      %dma_wait3A_88 = tpu.memref_slice %arg4[%arg0, %dma_wait3A, %dma_wait3A_87] : memref<2x10240x16xf32, #tpu.memory_space<hbm>> -> memref<1x10240x16xf32, #tpu.memory_space<hbm>>
      %dma_wait3A_89 = tpu.memref_squeeze %dma_wait3A_88 : memref<1x10240x16xf32, #tpu.memory_space<hbm>> -> memref<10240x16xf32, #tpu.memory_space<hbm>>
      %dma_wait3A_90 = arith.constant 0 : i32
      %dma_wait3A_91 = tpu.memref_slice %dma_wait3A_89[%add3A_43, %dma_wait3A_90] : memref<10240x16xf32, #tpu.memory_space<hbm>> -> memref<128x16xf32, #tpu.memory_space<hbm>>
      %dma_wait3A_92 = arith.constant 0 : i32
      %dma_wait3A_93 = arith.constant 0 : i32
      %dma_wait3A_94 = tpu.memref_slice %arg4[%arg0, %dma_wait3A_92, %dma_wait3A_93] : memref<2x10240x16xf32, #tpu.memory_space<hbm>> -> memref<1x10240x16xf32, #tpu.memory_space<hbm>>
      %dma_wait3A_95 = tpu.memref_squeeze %dma_wait3A_94 : memref<1x10240x16xf32, #tpu.memory_space<hbm>> -> memref<10240x16xf32, #tpu.memory_space<hbm>>
      %dma_wait3A_96 = arith.constant 0 : i32
      %dma_wait3A_97 = tpu.memref_slice %dma_wait3A_95[%add3A_43, %dma_wait3A_96] : memref<10240x16xf32, #tpu.memory_space<hbm>> -> memref<128x16xf32, #tpu.memory_space<hbm>>
      tpu.wait_dma2 semaphore(%run_scoped3A : memref<!tpu.dma_semaphore, #tpu.memory_space<semaphore_mem>>) src(%arg6 : memref<128x16xf32, #tpu.memory_space<vmem>>) dst(%dma_wait3A_97 : memref<128x16xf32, #tpu.memory_space<hbm>>)
      tpu.yield
    }) : () -> ()
    %mul3A_44 = arith.constant 640 : i32
    %mul3A_45 = arith.muli %arg1, %mul3A_44 : i32
    %add3A_46 = arith.constant 128 : i32
    %add3A_47 = arith.addi %mul3A_45, %add3A_46 : i32
    "tpu.region"() ({
      %run_scoped3A = tpu.sem_alloc : memref<!tpu.dma_semaphore, #tpu.memory_space<semaphore_mem>>
      %dma_start3A = arith.constant 0 : i32
      %dma_start3A_76 = tpu.memref_slice %arg8[%add3A_47, %dma_start3A] : memref<10240x16xf32, #tpu.memory_space<vmem_shared>> -> memref<128x16xf32, #tpu.memory_space<vmem_shared>>
      %dma_start3A_77 = arith.constant 0 : i32
      %dma_start3A_78 = tpu.memref_slice %arg8[%add3A_47, %dma_start3A_77] : memref<10240x16xf32, #tpu.memory_space<vmem_shared>> -> memref<128x16xf32, #tpu.memory_space<vmem_shared>>
      tpu.enqueue_dma source(%dma_start3A_78 : memref<128x16xf32, #tpu.memory_space<vmem_shared>>) target(%arg6 : memref<128x16xf32, #tpu.memory_space<vmem>>) target_semaphore(%run_scoped3A : memref<!tpu.dma_semaphore, #tpu.memory_space<semaphore_mem>>)
      %dma_wait3A = arith.constant 0 : i32
      %dma_wait3A_79 = tpu.memref_slice %arg8[%add3A_47, %dma_wait3A] : memref<10240x16xf32, #tpu.memory_space<vmem_shared>> -> memref<128x16xf32, #tpu.memory_space<vmem_shared>>
      %dma_wait3A_80 = arith.constant 0 : i32
      %dma_wait3A_81 = tpu.memref_slice %arg8[%add3A_47, %dma_wait3A_80] : memref<10240x16xf32, #tpu.memory_space<vmem_shared>> -> memref<128x16xf32, #tpu.memory_space<vmem_shared>>
      tpu.wait_dma2 semaphore(%run_scoped3A : memref<!tpu.dma_semaphore, #tpu.memory_space<semaphore_mem>>) src(%dma_wait3A_81 : memref<128x16xf32, #tpu.memory_space<vmem_shared>>) dst(%arg6 : memref<128x16xf32, #tpu.memory_space<vmem>>)
      tpu.yield
    }) : () -> ()
    %mul3A_48 = arith.constant 640 : i32
    %mul3A_49 = arith.muli %arg1, %mul3A_48 : i32
    %add3A_50 = arith.constant 128 : i32
    %add3A_51 = arith.addi %mul3A_49, %add3A_50 : i32
    "tpu.region"() ({
      %run_scoped3A = tpu.sem_alloc : memref<!tpu.dma_semaphore, #tpu.memory_space<semaphore_mem>>
      %dma_start3A = arith.constant 0 : i32
      %dma_start3A_76 = arith.constant 0 : i32
      %dma_start3A_77 = tpu.memref_slice %arg4[%arg0, %dma_start3A, %dma_start3A_76] : memref<2x10240x16xf32, #tpu.memory_space<hbm>> -> memref<1x10240x16xf32, #tpu.memory_space<hbm>>
      %dma_start3A_78 = tpu.memref_squeeze %dma_start3A_77 : memref<1x10240x16xf32, #tpu.memory_space<hbm>> -> memref<10240x16xf32, #tpu.memory_space<hbm>>
      %dma_start3A_79 = arith.constant 0 : i32
      %dma_start3A_80 = tpu.memref_slice %dma_start3A_78[%add3A_51, %dma_start3A_79] : memref<10240x16xf32, #tpu.memory_space<hbm>> -> memref<128x16xf32, #tpu.memory_space<hbm>>
      %dma_start3A_81 = arith.constant 0 : i32
      %dma_start3A_82 = arith.constant 0 : i32
      %dma_start3A_83 = tpu.memref_slice %arg4[%arg0, %dma_start3A_81, %dma_start3A_82] : memref<2x10240x16xf32, #tpu.memory_space<hbm>> -> memref<1x10240x16xf32, #tpu.memory_space<hbm>>
      %dma_start3A_84 = tpu.memref_squeeze %dma_start3A_83 : memref<1x10240x16xf32, #tpu.memory_space<hbm>> -> memref<10240x16xf32, #tpu.memory_space<hbm>>
      %dma_start3A_85 = arith.constant 0 : i32
      %dma_start3A_86 = tpu.memref_slice %dma_start3A_84[%add3A_51, %dma_start3A_85] : memref<10240x16xf32, #tpu.memory_space<hbm>> -> memref<128x16xf32, #tpu.memory_space<hbm>>
      tpu.enqueue_dma source(%arg6 : memref<128x16xf32, #tpu.memory_space<vmem>>) target(%dma_start3A_86 : memref<128x16xf32, #tpu.memory_space<hbm>>) target_semaphore(%run_scoped3A : memref<!tpu.dma_semaphore, #tpu.memory_space<semaphore_mem>>)
      %dma_wait3A = arith.constant 0 : i32
      %dma_wait3A_87 = arith.constant 0 : i32
      %dma_wait3A_88 = tpu.memref_slice %arg4[%arg0, %dma_wait3A, %dma_wait3A_87] : memref<2x10240x16xf32, #tpu.memory_space<hbm>> -> memref<1x10240x16xf32, #tpu.memory_space<hbm>>
      %dma_wait3A_89 = tpu.memref_squeeze %dma_wait3A_88 : memref<1x10240x16xf32, #tpu.memory_space<hbm>> -> memref<10240x16xf32, #tpu.memory_space<hbm>>
      %dma_wait3A_90 = arith.constant 0 : i32
      %dma_wait3A_91 = tpu.memref_slice %dma_wait3A_89[%add3A_51, %dma_wait3A_90] : memref<10240x16xf32, #tpu.memory_space<hbm>> -> memref<128x16xf32, #tpu.memory_space<hbm>>
      %dma_wait3A_92 = arith.constant 0 : i32
      %dma_wait3A_93 = arith.constant 0 : i32
      %dma_wait3A_94 = tpu.memref_slice %arg4[%arg0, %dma_wait3A_92, %dma_wait3A_93] : memref<2x10240x16xf32, #tpu.memory_space<hbm>> -> memref<1x10240x16xf32, #tpu.memory_space<hbm>>
      %dma_wait3A_95 = tpu.memref_squeeze %dma_wait3A_94 : memref<1x10240x16xf32, #tpu.memory_space<hbm>> -> memref<10240x16xf32, #tpu.memory_space<hbm>>
      %dma_wait3A_96 = arith.constant 0 : i32
      %dma_wait3A_97 = tpu.memref_slice %dma_wait3A_95[%add3A_51, %dma_wait3A_96] : memref<10240x16xf32, #tpu.memory_space<hbm>> -> memref<128x16xf32, #tpu.memory_space<hbm>>
      tpu.wait_dma2 semaphore(%run_scoped3A : memref<!tpu.dma_semaphore, #tpu.memory_space<semaphore_mem>>) src(%arg6 : memref<128x16xf32, #tpu.memory_space<vmem>>) dst(%dma_wait3A_97 : memref<128x16xf32, #tpu.memory_space<hbm>>)
      tpu.yield
    }) : () -> ()
    %mul3A_52 = arith.constant 640 : i32
    %mul3A_53 = arith.muli %arg1, %mul3A_52 : i32
    %add3A_54 = arith.constant 256 : i32
    %add3A_55 = arith.addi %mul3A_53, %add3A_54 : i32
    "tpu.region"() ({
      %run_scoped3A = tpu.sem_alloc : memref<!tpu.dma_semaphore, #tpu.memory_space<semaphore_mem>>
      %dma_start3A = arith.constant 0 : i32
      %dma_start3A_76 = tpu.memref_slice %arg8[%add3A_55, %dma_start3A] : memref<10240x16xf32, #tpu.memory_space<vmem_shared>> -> memref<128x16xf32, #tpu.memory_space<vmem_shared>>
      %dma_start3A_77 = arith.constant 0 : i32
      %dma_start3A_78 = tpu.memref_slice %arg8[%add3A_55, %dma_start3A_77] : memref<10240x16xf32, #tpu.memory_space<vmem_shared>> -> memref<128x16xf32, #tpu.memory_space<vmem_shared>>
      tpu.enqueue_dma source(%dma_start3A_78 : memref<128x16xf32, #tpu.memory_space<vmem_shared>>) target(%arg6 : memref<128x16xf32, #tpu.memory_space<vmem>>) target_semaphore(%run_scoped3A : memref<!tpu.dma_semaphore, #tpu.memory_space<semaphore_mem>>)
      %dma_wait3A = arith.constant 0 : i32
      %dma_wait3A_79 = tpu.memref_slice %arg8[%add3A_55, %dma_wait3A] : memref<10240x16xf32, #tpu.memory_space<vmem_shared>> -> memref<128x16xf32, #tpu.memory_space<vmem_shared>>
      %dma_wait3A_80 = arith.constant 0 : i32
      %dma_wait3A_81 = tpu.memref_slice %arg8[%add3A_55, %dma_wait3A_80] : memref<10240x16xf32, #tpu.memory_space<vmem_shared>> -> memref<128x16xf32, #tpu.memory_space<vmem_shared>>
      tpu.wait_dma2 semaphore(%run_scoped3A : memref<!tpu.dma_semaphore, #tpu.memory_space<semaphore_mem>>) src(%dma_wait3A_81 : memref<128x16xf32, #tpu.memory_space<vmem_shared>>) dst(%arg6 : memref<128x16xf32, #tpu.memory_space<vmem>>)
      tpu.yield
    }) : () -> ()
    %mul3A_56 = arith.constant 640 : i32
    %mul3A_57 = arith.muli %arg1, %mul3A_56 : i32
    %add3A_58 = arith.constant 256 : i32
    %add3A_59 = arith.addi %mul3A_57, %add3A_58 : i32
    "tpu.region"() ({
      %run_scoped3A = tpu.sem_alloc : memref<!tpu.dma_semaphore, #tpu.memory_space<semaphore_mem>>
      %dma_start3A = arith.constant 0 : i32
      %dma_start3A_76 = arith.constant 0 : i32
      %dma_start3A_77 = tpu.memref_slice %arg4[%arg0, %dma_start3A, %dma_start3A_76] : memref<2x10240x16xf32, #tpu.memory_space<hbm>> -> memref<1x10240x16xf32, #tpu.memory_space<hbm>>
      %dma_start3A_78 = tpu.memref_squeeze %dma_start3A_77 : memref<1x10240x16xf32, #tpu.memory_space<hbm>> -> memref<10240x16xf32, #tpu.memory_space<hbm>>
      %dma_start3A_79 = arith.constant 0 : i32
      %dma_start3A_80 = tpu.memref_slice %dma_start3A_78[%add3A_59, %dma_start3A_79] : memref<10240x16xf32, #tpu.memory_space<hbm>> -> memref<128x16xf32, #tpu.memory_space<hbm>>
      %dma_start3A_81 = arith.constant 0 : i32
      %dma_start3A_82 = arith.constant 0 : i32
      %dma_start3A_83 = tpu.memref_slice %arg4[%arg0, %dma_start3A_81, %dma_start3A_82] : memref<2x10240x16xf32, #tpu.memory_space<hbm>> -> memref<1x10240x16xf32, #tpu.memory_space<hbm>>
      %dma_start3A_84 = tpu.memref_squeeze %dma_start3A_83 : memref<1x10240x16xf32, #tpu.memory_space<hbm>> -> memref<10240x16xf32, #tpu.memory_space<hbm>>
      %dma_start3A_85 = arith.constant 0 : i32
      %dma_start3A_86 = tpu.memref_slice %dma_start3A_84[%add3A_59, %dma_start3A_85] : memref<10240x16xf32, #tpu.memory_space<hbm>> -> memref<128x16xf32, #tpu.memory_space<hbm>>
      tpu.enqueue_dma source(%arg6 : memref<128x16xf32, #tpu.memory_space<vmem>>) target(%dma_start3A_86 : memref<128x16xf32, #tpu.memory_space<hbm>>) target_semaphore(%run_scoped3A : memref<!tpu.dma_semaphore, #tpu.memory_space<semaphore_mem>>)
      %dma_wait3A = arith.constant 0 : i32
      %dma_wait3A_87 = arith.constant 0 : i32
      %dma_wait3A_88 = tpu.memref_slice %arg4[%arg0, %dma_wait3A, %dma_wait3A_87] : memref<2x10240x16xf32, #tpu.memory_space<hbm>> -> memref<1x10240x16xf32, #tpu.memory_space<hbm>>
      %dma_wait3A_89 = tpu.memref_squeeze %dma_wait3A_88 : memref<1x10240x16xf32, #tpu.memory_space<hbm>> -> memref<10240x16xf32, #tpu.memory_space<hbm>>
      %dma_wait3A_90 = arith.constant 0 : i32
      %dma_wait3A_91 = tpu.memref_slice %dma_wait3A_89[%add3A_59, %dma_wait3A_90] : memref<10240x16xf32, #tpu.memory_space<hbm>> -> memref<128x16xf32, #tpu.memory_space<hbm>>
      %dma_wait3A_92 = arith.constant 0 : i32
      %dma_wait3A_93 = arith.constant 0 : i32
      %dma_wait3A_94 = tpu.memref_slice %arg4[%arg0, %dma_wait3A_92, %dma_wait3A_93] : memref<2x10240x16xf32, #tpu.memory_space<hbm>> -> memref<1x10240x16xf32, #tpu.memory_space<hbm>>
      %dma_wait3A_95 = tpu.memref_squeeze %dma_wait3A_94 : memref<1x10240x16xf32, #tpu.memory_space<hbm>> -> memref<10240x16xf32, #tpu.memory_space<hbm>>
      %dma_wait3A_96 = arith.constant 0 : i32
      %dma_wait3A_97 = tpu.memref_slice %dma_wait3A_95[%add3A_59, %dma_wait3A_96] : memref<10240x16xf32, #tpu.memory_space<hbm>> -> memref<128x16xf32, #tpu.memory_space<hbm>>
      tpu.wait_dma2 semaphore(%run_scoped3A : memref<!tpu.dma_semaphore, #tpu.memory_space<semaphore_mem>>) src(%arg6 : memref<128x16xf32, #tpu.memory_space<vmem>>) dst(%dma_wait3A_97 : memref<128x16xf32, #tpu.memory_space<hbm>>)
      tpu.yield
    }) : () -> ()
    %mul3A_60 = arith.constant 640 : i32
    %mul3A_61 = arith.muli %arg1, %mul3A_60 : i32
    %add3A_62 = arith.constant 384 : i32
    %add3A_63 = arith.addi %mul3A_61, %add3A_62 : i32
    "tpu.region"() ({
      %run_scoped3A = tpu.sem_alloc : memref<!tpu.dma_semaphore, #tpu.memory_space<semaphore_mem>>
      %dma_start3A = arith.constant 0 : i32
      %dma_start3A_76 = tpu.memref_slice %arg8[%add3A_63, %dma_start3A] : memref<10240x16xf32, #tpu.memory_space<vmem_shared>> -> memref<128x16xf32, #tpu.memory_space<vmem_shared>>
      %dma_start3A_77 = arith.constant 0 : i32
      %dma_start3A_78 = tpu.memref_slice %arg8[%add3A_63, %dma_start3A_77] : memref<10240x16xf32, #tpu.memory_space<vmem_shared>> -> memref<128x16xf32, #tpu.memory_space<vmem_shared>>
      tpu.enqueue_dma source(%dma_start3A_78 : memref<128x16xf32, #tpu.memory_space<vmem_shared>>) target(%arg6 : memref<128x16xf32, #tpu.memory_space<vmem>>) target_semaphore(%run_scoped3A : memref<!tpu.dma_semaphore, #tpu.memory_space<semaphore_mem>>)
      %dma_wait3A = arith.constant 0 : i32
      %dma_wait3A_79 = tpu.memref_slice %arg8[%add3A_63, %dma_wait3A] : memref<10240x16xf32, #tpu.memory_space<vmem_shared>> -> memref<128x16xf32, #tpu.memory_space<vmem_shared>>
      %dma_wait3A_80 = arith.constant 0 : i32
      %dma_wait3A_81 = tpu.memref_slice %arg8[%add3A_63, %dma_wait3A_80] : memref<10240x16xf32, #tpu.memory_space<vmem_shared>> -> memref<128x16xf32, #tpu.memory_space<vmem_shared>>
      tpu.wait_dma2 semaphore(%run_scoped3A : memref<!tpu.dma_semaphore, #tpu.memory_space<semaphore_mem>>) src(%dma_wait3A_81 : memref<128x16xf32, #tpu.memory_space<vmem_shared>>) dst(%arg6 : memref<128x16xf32, #tpu.memory_space<vmem>>)
      tpu.yield
    }) : () -> ()
    %mul3A_64 = arith.constant 640 : i32
    %mul3A_65 = arith.muli %arg1, %mul3A_64 : i32
    %add3A_66 = arith.constant 384 : i32
    %add3A_67 = arith.addi %mul3A_65, %add3A_66 : i32
    "tpu.region"() ({
      %run_scoped3A = tpu.sem_alloc : memref<!tpu.dma_semaphore, #tpu.memory_space<semaphore_mem>>
      %dma_start3A = arith.constant 0 : i32
      %dma_start3A_76 = arith.constant 0 : i32
      %dma_start3A_77 = tpu.memref_slice %arg4[%arg0, %dma_start3A, %dma_start3A_76] : memref<2x10240x16xf32, #tpu.memory_space<hbm>> -> memref<1x10240x16xf32, #tpu.memory_space<hbm>>
      %dma_start3A_78 = tpu.memref_squeeze %dma_start3A_77 : memref<1x10240x16xf32, #tpu.memory_space<hbm>> -> memref<10240x16xf32, #tpu.memory_space<hbm>>
      %dma_start3A_79 = arith.constant 0 : i32
      %dma_start3A_80 = tpu.memref_slice %dma_start3A_78[%add3A_67, %dma_start3A_79] : memref<10240x16xf32, #tpu.memory_space<hbm>> -> memref<128x16xf32, #tpu.memory_space<hbm>>
      %dma_start3A_81 = arith.constant 0 : i32
      %dma_start3A_82 = arith.constant 0 : i32
      %dma_start3A_83 = tpu.memref_slice %arg4[%arg0, %dma_start3A_81, %dma_start3A_82] : memref<2x10240x16xf32, #tpu.memory_space<hbm>> -> memref<1x10240x16xf32, #tpu.memory_space<hbm>>
      %dma_start3A_84 = tpu.memref_squeeze %dma_start3A_83 : memref<1x10240x16xf32, #tpu.memory_space<hbm>> -> memref<10240x16xf32, #tpu.memory_space<hbm>>
      %dma_start3A_85 = arith.constant 0 : i32
      %dma_start3A_86 = tpu.memref_slice %dma_start3A_84[%add3A_67, %dma_start3A_85] : memref<10240x16xf32, #tpu.memory_space<hbm>> -> memref<128x16xf32, #tpu.memory_space<hbm>>
      tpu.enqueue_dma source(%arg6 : memref<128x16xf32, #tpu.memory_space<vmem>>) target(%dma_start3A_86 : memref<128x16xf32, #tpu.memory_space<hbm>>) target_semaphore(%run_scoped3A : memref<!tpu.dma_semaphore, #tpu.memory_space<semaphore_mem>>)
      %dma_wait3A = arith.constant 0 : i32
      %dma_wait3A_87 = arith.constant 0 : i32
      %dma_wait3A_88 = tpu.memref_slice %arg4[%arg0, %dma_wait3A, %dma_wait3A_87] : memref<2x10240x16xf32, #tpu.memory_space<hbm>> -> memref<1x10240x16xf32, #tpu.memory_space<hbm>>
      %dma_wait3A_89 = tpu.memref_squeeze %dma_wait3A_88 : memref<1x10240x16xf32, #tpu.memory_space<hbm>> -> memref<10240x16xf32, #tpu.memory_space<hbm>>
      %dma_wait3A_90 = arith.constant 0 : i32
      %dma_wait3A_91 = tpu.memref_slice %dma_wait3A_89[%add3A_67, %dma_wait3A_90] : memref<10240x16xf32, #tpu.memory_space<hbm>> -> memref<128x16xf32, #tpu.memory_space<hbm>>
      %dma_wait3A_92 = arith.constant 0 : i32
      %dma_wait3A_93 = arith.constant 0 : i32
      %dma_wait3A_94 = tpu.memref_slice %arg4[%arg0, %dma_wait3A_92, %dma_wait3A_93] : memref<2x10240x16xf32, #tpu.memory_space<hbm>> -> memref<1x10240x16xf32, #tpu.memory_space<hbm>>
      %dma_wait3A_95 = tpu.memref_squeeze %dma_wait3A_94 : memref<1x10240x16xf32, #tpu.memory_space<hbm>> -> memref<10240x16xf32, #tpu.memory_space<hbm>>
      %dma_wait3A_96 = arith.constant 0 : i32
      %dma_wait3A_97 = tpu.memref_slice %dma_wait3A_95[%add3A_67, %dma_wait3A_96] : memref<10240x16xf32, #tpu.memory_space<hbm>> -> memref<128x16xf32, #tpu.memory_space<hbm>>
      tpu.wait_dma2 semaphore(%run_scoped3A : memref<!tpu.dma_semaphore, #tpu.memory_space<semaphore_mem>>) src(%arg6 : memref<128x16xf32, #tpu.memory_space<vmem>>) dst(%dma_wait3A_97 : memref<128x16xf32, #tpu.memory_space<hbm>>)
      tpu.yield
    }) : () -> ()
    %mul3A_68 = arith.constant 640 : i32
    %mul3A_69 = arith.muli %arg1, %mul3A_68 : i32
    %add3A_70 = arith.constant 512 : i32
    %add3A_71 = arith.addi %mul3A_69, %add3A_70 : i32
    "tpu.region"() ({
      %run_scoped3A = tpu.sem_alloc : memref<!tpu.dma_semaphore, #tpu.memory_space<semaphore_mem>>
      %dma_start3A = arith.constant 0 : i32
      %dma_start3A_76 = tpu.memref_slice %arg8[%add3A_71, %dma_start3A] : memref<10240x16xf32, #tpu.memory_space<vmem_shared>> -> memref<128x16xf32, #tpu.memory_space<vmem_shared>>
      %dma_start3A_77 = arith.constant 0 : i32
      %dma_start3A_78 = tpu.memref_slice %arg8[%add3A_71, %dma_start3A_77] : memref<10240x16xf32, #tpu.memory_space<vmem_shared>> -> memref<128x16xf32, #tpu.memory_space<vmem_shared>>
      tpu.enqueue_dma source(%dma_start3A_78 : memref<128x16xf32, #tpu.memory_space<vmem_shared>>) target(%arg6 : memref<128x16xf32, #tpu.memory_space<vmem>>) target_semaphore(%run_scoped3A : memref<!tpu.dma_semaphore, #tpu.memory_space<semaphore_mem>>)
      %dma_wait3A = arith.constant 0 : i32
      %dma_wait3A_79 = tpu.memref_slice %arg8[%add3A_71, %dma_wait3A] : memref<10240x16xf32, #tpu.memory_space<vmem_shared>> -> memref<128x16xf32, #tpu.memory_space<vmem_shared>>
      %dma_wait3A_80 = arith.constant 0 : i32
      %dma_wait3A_81 = tpu.memref_slice %arg8[%add3A_71, %dma_wait3A_80] : memref<10240x16xf32, #tpu.memory_space<vmem_shared>> -> memref<128x16xf32, #tpu.memory_space<vmem_shared>>
      tpu.wait_dma2 semaphore(%run_scoped3A : memref<!tpu.dma_semaphore, #tpu.memory_space<semaphore_mem>>) src(%dma_wait3A_81 : memref<128x16xf32, #tpu.memory_space<vmem_shared>>) dst(%arg6 : memref<128x16xf32, #tpu.memory_space<vmem>>)
      tpu.yield
    }) : () -> ()
    %mul3A_72 = arith.constant 640 : i32
    %mul3A_73 = arith.muli %arg1, %mul3A_72 : i32
    %add3A_74 = arith.constant 512 : i32
    %add3A_75 = arith.addi %mul3A_73, %add3A_74 : i32
    "tpu.region"() ({
      %run_scoped3A = tpu.sem_alloc : memref<!tpu.dma_semaphore, #tpu.memory_space<semaphore_mem>>
      %dma_start3A = arith.constant 0 : i32
      %dma_start3A_76 = arith.constant 0 : i32
      %dma_start3A_77 = tpu.memref_slice %arg4[%arg0, %dma_start3A, %dma_start3A_76] : memref<2x10240x16xf32, #tpu.memory_space<hbm>> -> memref<1x10240x16xf32, #tpu.memory_space<hbm>>
      %dma_start3A_78 = tpu.memref_squeeze %dma_start3A_77 : memref<1x10240x16xf32, #tpu.memory_space<hbm>> -> memref<10240x16xf32, #tpu.memory_space<hbm>>
      %dma_start3A_79 = arith.constant 0 : i32
      %dma_start3A_80 = tpu.memref_slice %dma_start3A_78[%add3A_75, %dma_start3A_79] : memref<10240x16xf32, #tpu.memory_space<hbm>> -> memref<128x16xf32, #tpu.memory_space<hbm>>
      %dma_start3A_81 = arith.constant 0 : i32
      %dma_start3A_82 = arith.constant 0 : i32
      %dma_start3A_83 = tpu.memref_slice %arg4[%arg0, %dma_start3A_81, %dma_start3A_82] : memref<2x10240x16xf32, #tpu.memory_space<hbm>> -> memref<1x10240x16xf32, #tpu.memory_space<hbm>>
      %dma_start3A_84 = tpu.memref_squeeze %dma_start3A_83 : memref<1x10240x16xf32, #tpu.memory_space<hbm>> -> memref<10240x16xf32, #tpu.memory_space<hbm>>
      %dma_start3A_85 = arith.constant 0 : i32
      %dma_start3A_86 = tpu.memref_slice %dma_start3A_84[%add3A_75, %dma_start3A_85] : memref<10240x16xf32, #tpu.memory_space<hbm>> -> memref<128x16xf32, #tpu.memory_space<hbm>>
      tpu.enqueue_dma source(%arg6 : memref<128x16xf32, #tpu.memory_space<vmem>>) target(%dma_start3A_86 : memref<128x16xf32, #tpu.memory_space<hbm>>) target_semaphore(%run_scoped3A : memref<!tpu.dma_semaphore, #tpu.memory_space<semaphore_mem>>)
      %dma_wait3A = arith.constant 0 : i32
      %dma_wait3A_87 = arith.constant 0 : i32
      %dma_wait3A_88 = tpu.memref_slice %arg4[%arg0, %dma_wait3A, %dma_wait3A_87] : memref<2x10240x16xf32, #tpu.memory_space<hbm>> -> memref<1x10240x16xf32, #tpu.memory_space<hbm>>
      %dma_wait3A_89 = tpu.memref_squeeze %dma_wait3A_88 : memref<1x10240x16xf32, #tpu.memory_space<hbm>> -> memref<10240x16xf32, #tpu.memory_space<hbm>>
      %dma_wait3A_90 = arith.constant 0 : i32
      %dma_wait3A_91 = tpu.memref_slice %dma_wait3A_89[%add3A_75, %dma_wait3A_90] : memref<10240x16xf32, #tpu.memory_space<hbm>> -> memref<128x16xf32, #tpu.memory_space<hbm>>
      %dma_wait3A_92 = arith.constant 0 : i32
      %dma_wait3A_93 = arith.constant 0 : i32
      %dma_wait3A_94 = tpu.memref_slice %arg4[%arg0, %dma_wait3A_92, %dma_wait3A_93] : memref<2x10240x16xf32, #tpu.memory_space<hbm>> -> memref<1x10240x16xf32, #tpu.memory_space<hbm>>
      %dma_wait3A_95 = tpu.memref_squeeze %dma_wait3A_94 : memref<1x10240x16xf32, #tpu.memory_space<hbm>> -> memref<10240x16xf32, #tpu.memory_space<hbm>>
      %dma_wait3A_96 = arith.constant 0 : i32
      %dma_wait3A_97 = tpu.memref_slice %dma_wait3A_95[%add3A_75, %dma_wait3A_96] : memref<10240x16xf32, #tpu.memory_space<hbm>> -> memref<128x16xf32, #tpu.memory_space<hbm>>
      tpu.wait_dma2 semaphore(%run_scoped3A : memref<!tpu.dma_semaphore, #tpu.memory_space<semaphore_mem>>) src(%arg6 : memref<128x16xf32, #tpu.memory_space<vmem>>) dst(%dma_wait3A_97 : memref<128x16xf32, #tpu.memory_space<hbm>>)
      tpu.yield
    }) : () -> ()
    return
  }
}

#map = affine_map<(d0, d1) -> (0, 0)>
#map1 = affine_map<(d0, d1) -> (0, 0, 0)>
module attributes {stable_mosaic.version = 14 : i64} {
  func.func @prop_kernel(%arg0: i32, %arg1: i32, %arg2: memref<10240x48xf32, #tpu.memory_space<hbm>>, %arg3: memref<2560x2x128xi32, #tpu.memory_space<hbm>>, %arg4: memref<10240x48xf32, #tpu.memory_space<hbm>>, %arg5: memref<2x128xi32, #tpu.memory_space<vmem>>, %arg6: memref<2x128xi32, #tpu.memory_space<vmem>>, %arg7: memref<2x128xi32, #tpu.memory_space<vmem>>, %arg8: memref<2x128xi32, #tpu.memory_space<vmem>>, %arg9: memref<128x48xf32, #tpu.memory_space<vmem>>, %arg10: memref<128x48xf32, #tpu.memory_space<vmem>>, %arg11: memref<10240x48xf32, #tpu.memory_space<vmem_shared>>, %arg12: memref<!tpu.dma_semaphore, #tpu.memory_space<semaphore_mem>>, %arg13: memref<!tpu.dma_semaphore, #tpu.memory_space<semaphore_mem>>, %arg14: memref<!tpu.dma_semaphore, #tpu.memory_space<semaphore_mem>>, %arg15: memref<!tpu.dma_semaphore, #tpu.memory_space<semaphore_mem>>, %arg16: memref<!tpu.dma_semaphore, #tpu.memory_space<semaphore_mem>>, %arg17: memref<!tpu.dma_semaphore, #tpu.memory_space<semaphore_mem>>) attributes {dimension_semantics = [#tpu.dimension_semantics<core_parallel>, #tpu.dimension_semantics<subcore_parallel>], iteration_bounds = array<i64: 2, 16>, scalar_prefetch = 0 : i64, scratch_operands = 13 : i64, tpu.core_type = #tpu.core_type<sc_vector_subcore>, window_params = [{transform_indices = #map}, {transform_indices = #map1}, {transform_indices = #map}]} {
    %mul3A = arith.constant 160 : i32
    %mul3A_0 = arith.muli %arg1, %mul3A : i32
    %eq3A = arith.constant 0 : i32
    %eq3A_1 = arith.cmpi eq, %arg0, %eq3A : i32
    %convert_element_type3A = arith.extui %eq3A_1 : i1 to i32
    %cond3A = arith.constant 0 : i32
    %cond3A_2 = arith.cmpi ne, %convert_element_type3A, %cond3A : i32
    scf.if %cond3A_2 {
      %broadcast_in_dim3A = arith.constant 0.000000e+00 : f32
      %broadcast_in_dim3A_3 = vector.broadcast %broadcast_in_dim3A : f32 to vector<16xf32>
      %scan3A = arith.constant 0 : i32
      %scan3A_4 = arith.constant 0 : i32
      %scan3A_5 = arith.constant 128 : i32
      %scan3A_6 = arith.addi %scan3A_4, %scan3A_5 : i32
      %scan3A_7 = arith.constant 1 : i32
      scf.for %scan3A_147 = %scan3A_4 to %scan3A_6 step %scan3A_7  : i32 {
        %swap3A = arith.index_cast %scan3A_147 : i32 to index
        %swap3A_148 = arith.constant 0 : index
        %swap3A_149 = tpu.vector_load %arg9[%swap3A, %swap3A_148] {strides = array<i32>} : memref<128x48xf32, #tpu.memory_space<vmem>>, vector<1x16xf32>,
        %swap3A_150 = vector.shape_cast %swap3A_149 : vector<1x16xf32> to vector<16xf32>
        %swap3A_151 = vector.shape_cast %broadcast_in_dim3A_3 : vector<16xf32> to vector<1x16xf32>
        tpu.vector_store %arg9[%swap3A, %swap3A_148], %swap3A_151 {strides = array<i32>} : memref<128x48xf32, #tpu.memory_space<vmem>>, vector<1x16xf32>,
        %swap3A_152 = arith.index_cast %scan3A_147 : i32 to index
        %swap3A_153 = arith.constant 16 : index
        %swap3A_154 = tpu.vector_load %arg9[%swap3A_152, %swap3A_153] {strides = array<i32>} : memref<128x48xf32, #tpu.memory_space<vmem>>, vector<1x16xf32>,
        %swap3A_155 = vector.shape_cast %swap3A_154 : vector<1x16xf32> to vector<16xf32>
        %swap3A_156 = vector.shape_cast %broadcast_in_dim3A_3 : vector<16xf32> to vector<1x16xf32>
        tpu.vector_store %arg9[%swap3A_152, %swap3A_153], %swap3A_156 {strides = array<i32>} : memref<128x48xf32, #tpu.memory_space<vmem>>, vector<1x16xf32>,
        %swap3A_157 = arith.index_cast %scan3A_147 : i32 to index
        %swap3A_158 = arith.constant 32 : index
        %swap3A_159 = tpu.vector_load %arg9[%swap3A_157, %swap3A_158] {strides = array<i32>} : memref<128x48xf32, #tpu.memory_space<vmem>>, vector<1x16xf32>,
        %swap3A_160 = vector.shape_cast %swap3A_159 : vector<1x16xf32> to vector<16xf32>
        %swap3A_161 = vector.shape_cast %broadcast_in_dim3A_3 : vector<16xf32> to vector<1x16xf32>
        tpu.vector_store %arg9[%swap3A_157, %swap3A_158], %swap3A_161 {strides = array<i32>} : memref<128x48xf32, #tpu.memory_space<vmem>>, vector<1x16xf32>,
      }
      %scan3A_8 = arith.constant 128 : i32
      %mul3A_9 = arith.constant 640 : i32
      %mul3A_10 = arith.muli %arg1, %mul3A_9 : i32
      %add3A = arith.constant 0 : i32
      %add3A_11 = arith.addi %mul3A_10, %add3A : i32
      "tpu.region"() ({
        %run_scoped3A = tpu.sem_alloc : memref<!tpu.dma_semaphore, #tpu.memory_space<semaphore_mem>>
        %dma_start3A_147 = arith.constant 0 : i32
        %dma_start3A_148 = tpu.memref_slice %arg11[%add3A_11, %dma_start3A_147] : memref<10240x48xf32, #tpu.memory_space<vmem_shared>> -> memref<128x48xf32, #tpu.memory_space<vmem_shared>>
        %dma_start3A_149 = arith.constant 0 : i32
        %dma_start3A_150 = tpu.memref_slice %arg11[%add3A_11, %dma_start3A_149] : memref<10240x48xf32, #tpu.memory_space<vmem_shared>> -> memref<128x48xf32, #tpu.memory_space<vmem_shared>>
        tpu.enqueue_dma source(%arg9 : memref<128x48xf32, #tpu.memory_space<vmem>>) target(%dma_start3A_150 : memref<128x48xf32, #tpu.memory_space<vmem_shared>>) target_semaphore(%run_scoped3A : memref<!tpu.dma_semaphore, #tpu.memory_space<semaphore_mem>>)
        %dma_wait3A_151 = arith.constant 0 : i32
        %dma_wait3A_152 = tpu.memref_slice %arg11[%add3A_11, %dma_wait3A_151] : memref<10240x48xf32, #tpu.memory_space<vmem_shared>> -> memref<128x48xf32, #tpu.memory_space<vmem_shared>>
        %dma_wait3A_153 = arith.constant 0 : i32
        %dma_wait3A_154 = tpu.memref_slice %arg11[%add3A_11, %dma_wait3A_153] : memref<10240x48xf32, #tpu.memory_space<vmem_shared>> -> memref<128x48xf32, #tpu.memory_space<vmem_shared>>
        tpu.wait_dma2 semaphore(%run_scoped3A : memref<!tpu.dma_semaphore, #tpu.memory_space<semaphore_mem>>) src(%arg9 : memref<128x48xf32, #tpu.memory_space<vmem>>) dst(%dma_wait3A_154 : memref<128x48xf32, #tpu.memory_space<vmem_shared>>)
        tpu.yield
      }) : () -> ()
      %mul3A_12 = arith.constant 640 : i32
      %mul3A_13 = arith.muli %arg1, %mul3A_12 : i32
      %add3A_14 = arith.constant 128 : i32
      %add3A_15 = arith.addi %mul3A_13, %add3A_14 : i32
      "tpu.region"() ({
        %run_scoped3A = tpu.sem_alloc : memref<!tpu.dma_semaphore, #tpu.memory_space<semaphore_mem>>
        %dma_start3A_147 = arith.constant 0 : i32
        %dma_start3A_148 = tpu.memref_slice %arg11[%add3A_15, %dma_start3A_147] : memref<10240x48xf32, #tpu.memory_space<vmem_shared>> -> memref<128x48xf32, #tpu.memory_space<vmem_shared>>
        %dma_start3A_149 = arith.constant 0 : i32
        %dma_start3A_150 = tpu.memref_slice %arg11[%add3A_15, %dma_start3A_149] : memref<10240x48xf32, #tpu.memory_space<vmem_shared>> -> memref<128x48xf32, #tpu.memory_space<vmem_shared>>
        tpu.enqueue_dma source(%arg9 : memref<128x48xf32, #tpu.memory_space<vmem>>) target(%dma_start3A_150 : memref<128x48xf32, #tpu.memory_space<vmem_shared>>) target_semaphore(%run_scoped3A : memref<!tpu.dma_semaphore, #tpu.memory_space<semaphore_mem>>)
        %dma_wait3A_151 = arith.constant 0 : i32
        %dma_wait3A_152 = tpu.memref_slice %arg11[%add3A_15, %dma_wait3A_151] : memref<10240x48xf32, #tpu.memory_space<vmem_shared>> -> memref<128x48xf32, #tpu.memory_space<vmem_shared>>
        %dma_wait3A_153 = arith.constant 0 : i32
        %dma_wait3A_154 = tpu.memref_slice %arg11[%add3A_15, %dma_wait3A_153] : memref<10240x48xf32, #tpu.memory_space<vmem_shared>> -> memref<128x48xf32, #tpu.memory_space<vmem_shared>>
        tpu.wait_dma2 semaphore(%run_scoped3A : memref<!tpu.dma_semaphore, #tpu.memory_space<semaphore_mem>>) src(%arg9 : memref<128x48xf32, #tpu.memory_space<vmem>>) dst(%dma_wait3A_154 : memref<128x48xf32, #tpu.memory_space<vmem_shared>>)
        tpu.yield
      }) : () -> ()
      %mul3A_16 = arith.constant 640 : i32
      %mul3A_17 = arith.muli %arg1, %mul3A_16 : i32
      %add3A_18 = arith.constant 256 : i32
      %add3A_19 = arith.addi %mul3A_17, %add3A_18 : i32
      "tpu.region"() ({
        %run_scoped3A = tpu.sem_alloc : memref<!tpu.dma_semaphore, #tpu.memory_space<semaphore_mem>>
        %dma_start3A_147 = arith.constant 0 : i32
        %dma_start3A_148 = tpu.memref_slice %arg11[%add3A_19, %dma_start3A_147] : memref<10240x48xf32, #tpu.memory_space<vmem_shared>> -> memref<128x48xf32, #tpu.memory_space<vmem_shared>>
        %dma_start3A_149 = arith.constant 0 : i32
        %dma_start3A_150 = tpu.memref_slice %arg11[%add3A_19, %dma_start3A_149] : memref<10240x48xf32, #tpu.memory_space<vmem_shared>> -> memref<128x48xf32, #tpu.memory_space<vmem_shared>>
        tpu.enqueue_dma source(%arg9 : memref<128x48xf32, #tpu.memory_space<vmem>>) target(%dma_start3A_150 : memref<128x48xf32, #tpu.memory_space<vmem_shared>>) target_semaphore(%run_scoped3A : memref<!tpu.dma_semaphore, #tpu.memory_space<semaphore_mem>>)
        %dma_wait3A_151 = arith.constant 0 : i32
        %dma_wait3A_152 = tpu.memref_slice %arg11[%add3A_19, %dma_wait3A_151] : memref<10240x48xf32, #tpu.memory_space<vmem_shared>> -> memref<128x48xf32, #tpu.memory_space<vmem_shared>>
        %dma_wait3A_153 = arith.constant 0 : i32
        %dma_wait3A_154 = tpu.memref_slice %arg11[%add3A_19, %dma_wait3A_153] : memref<10240x48xf32, #tpu.memory_space<vmem_shared>> -> memref<128x48xf32, #tpu.memory_space<vmem_shared>>
        tpu.wait_dma2 semaphore(%run_scoped3A : memref<!tpu.dma_semaphore, #tpu.memory_space<semaphore_mem>>) src(%arg9 : memref<128x48xf32, #tpu.memory_space<vmem>>) dst(%dma_wait3A_154 : memref<128x48xf32, #tpu.memory_space<vmem_shared>>)
        tpu.yield
      }) : () -> ()
      %mul3A_20 = arith.constant 640 : i32
      %mul3A_21 = arith.muli %arg1, %mul3A_20 : i32
      %add3A_22 = arith.constant 384 : i32
      %add3A_23 = arith.addi %mul3A_21, %add3A_22 : i32
      "tpu.region"() ({
        %run_scoped3A = tpu.sem_alloc : memref<!tpu.dma_semaphore, #tpu.memory_space<semaphore_mem>>
        %dma_start3A_147 = arith.constant 0 : i32
        %dma_start3A_148 = tpu.memref_slice %arg11[%add3A_23, %dma_start3A_147] : memref<10240x48xf32, #tpu.memory_space<vmem_shared>> -> memref<128x48xf32, #tpu.memory_space<vmem_shared>>
        %dma_start3A_149 = arith.constant 0 : i32
        %dma_start3A_150 = tpu.memref_slice %arg11[%add3A_23, %dma_start3A_149] : memref<10240x48xf32, #tpu.memory_space<vmem_shared>> -> memref<128x48xf32, #tpu.memory_space<vmem_shared>>
        tpu.enqueue_dma source(%arg9 : memref<128x48xf32, #tpu.memory_space<vmem>>) target(%dma_start3A_150 : memref<128x48xf32, #tpu.memory_space<vmem_shared>>) target_semaphore(%run_scoped3A : memref<!tpu.dma_semaphore, #tpu.memory_space<semaphore_mem>>)
        %dma_wait3A_151 = arith.constant 0 : i32
        %dma_wait3A_152 = tpu.memref_slice %arg11[%add3A_23, %dma_wait3A_151] : memref<10240x48xf32, #tpu.memory_space<vmem_shared>> -> memref<128x48xf32, #tpu.memory_space<vmem_shared>>
        %dma_wait3A_153 = arith.constant 0 : i32
        %dma_wait3A_154 = tpu.memref_slice %arg11[%add3A_23, %dma_wait3A_153] : memref<10240x48xf32, #tpu.memory_space<vmem_shared>> -> memref<128x48xf32, #tpu.memory_space<vmem_shared>>
        tpu.wait_dma2 semaphore(%run_scoped3A : memref<!tpu.dma_semaphore, #tpu.memory_space<semaphore_mem>>) src(%arg9 : memref<128x48xf32, #tpu.memory_space<vmem>>) dst(%dma_wait3A_154 : memref<128x48xf32, #tpu.memory_space<vmem_shared>>)
        tpu.yield
      }) : () -> ()
      %mul3A_24 = arith.constant 640 : i32
      %mul3A_25 = arith.muli %arg1, %mul3A_24 : i32
      %add3A_26 = arith.constant 512 : i32
      %add3A_27 = arith.addi %mul3A_25, %add3A_26 : i32
      "tpu.region"() ({
        %run_scoped3A = tpu.sem_alloc : memref<!tpu.dma_semaphore, #tpu.memory_space<semaphore_mem>>
        %dma_start3A_147 = arith.constant 0 : i32
        %dma_start3A_148 = tpu.memref_slice %arg11[%add3A_27, %dma_start3A_147] : memref<10240x48xf32, #tpu.memory_space<vmem_shared>> -> memref<128x48xf32, #tpu.memory_space<vmem_shared>>
        %dma_start3A_149 = arith.constant 0 : i32
        %dma_start3A_150 = tpu.memref_slice %arg11[%add3A_27, %dma_start3A_149] : memref<10240x48xf32, #tpu.memory_space<vmem_shared>> -> memref<128x48xf32, #tpu.memory_space<vmem_shared>>
        tpu.enqueue_dma source(%arg9 : memref<128x48xf32, #tpu.memory_space<vmem>>) target(%dma_start3A_150 : memref<128x48xf32, #tpu.memory_space<vmem_shared>>) target_semaphore(%run_scoped3A : memref<!tpu.dma_semaphore, #tpu.memory_space<semaphore_mem>>)
        %dma_wait3A_151 = arith.constant 0 : i32
        %dma_wait3A_152 = tpu.memref_slice %arg11[%add3A_27, %dma_wait3A_151] : memref<10240x48xf32, #tpu.memory_space<vmem_shared>> -> memref<128x48xf32, #tpu.memory_space<vmem_shared>>
        %dma_wait3A_153 = arith.constant 0 : i32
        %dma_wait3A_154 = tpu.memref_slice %arg11[%add3A_27, %dma_wait3A_153] : memref<10240x48xf32, #tpu.memory_space<vmem_shared>> -> memref<128x48xf32, #tpu.memory_space<vmem_shared>>
        tpu.wait_dma2 semaphore(%run_scoped3A : memref<!tpu.dma_semaphore, #tpu.memory_space<semaphore_mem>>) src(%arg9 : memref<128x48xf32, #tpu.memory_space<vmem>>) dst(%dma_wait3A_154 : memref<128x48xf32, #tpu.memory_space<vmem_shared>>)
        tpu.yield
      }) : () -> ()
      %barrier3A = arith.constant 0 : index
      tpu.barrier barrier_id(%barrier3A)
      %add3A_28 = arith.constant 0 : i32
      %add3A_29 = arith.addi %mul3A_0, %add3A_28 : i32
      %dma_start3A = arith.constant 0 : i32
      %dma_start3A_30 = arith.constant 0 : i32
      %dma_start3A_31 = tpu.memref_slice %arg3[%add3A_29, %dma_start3A, %dma_start3A_30] : memref<2560x2x128xi32, #tpu.memory_space<hbm>> -> memref<1x2x128xi32, #tpu.memory_space<hbm>>
      %dma_start3A_32 = tpu.memref_squeeze %dma_start3A_31 : memref<1x2x128xi32, #tpu.memory_space<hbm>> -> memref<2x128xi32, #tpu.memory_space<hbm>>
      %dma_start3A_33 = arith.constant 0 : i32
      %dma_start3A_34 = arith.constant 0 : i32
      %dma_start3A_35 = tpu.memref_slice %arg3[%add3A_29, %dma_start3A_33, %dma_start3A_34] : memref<2560x2x128xi32, #tpu.memory_space<hbm>> -> memref<1x2x128xi32, #tpu.memory_space<hbm>>
      %dma_start3A_36 = tpu.memref_squeeze %dma_start3A_35 : memref<1x2x128xi32, #tpu.memory_space<hbm>> -> memref<2x128xi32, #tpu.memory_space<hbm>>
      tpu.enqueue_dma source(%dma_start3A_36 : memref<2x128xi32, #tpu.memory_space<hbm>>) target(%arg5 : memref<2x128xi32, #tpu.memory_space<vmem>>) target_semaphore(%arg12 : memref<!tpu.dma_semaphore, #tpu.memory_space<semaphore_mem>>)
      %add3A_37 = arith.constant 1 : i32
      %add3A_38 = arith.addi %mul3A_0, %add3A_37 : i32
      %dma_start3A_39 = arith.constant 0 : i32
      %dma_start3A_40 = arith.constant 0 : i32
      %dma_start3A_41 = tpu.memref_slice %arg3[%add3A_38, %dma_start3A_39, %dma_start3A_40] : memref<2560x2x128xi32, #tpu.memory_space<hbm>> -> memref<1x2x128xi32, #tpu.memory_space<hbm>>
      %dma_start3A_42 = tpu.memref_squeeze %dma_start3A_41 : memref<1x2x128xi32, #tpu.memory_space<hbm>> -> memref<2x128xi32, #tpu.memory_space<hbm>>
      %dma_start3A_43 = arith.constant 0 : i32
      %dma_start3A_44 = arith.constant 0 : i32
      %dma_start3A_45 = tpu.memref_slice %arg3[%add3A_38, %dma_start3A_43, %dma_start3A_44] : memref<2560x2x128xi32, #tpu.memory_space<hbm>> -> memref<1x2x128xi32, #tpu.memory_space<hbm>>
      %dma_start3A_46 = tpu.memref_squeeze %dma_start3A_45 : memref<1x2x128xi32, #tpu.memory_space<hbm>> -> memref<2x128xi32, #tpu.memory_space<hbm>>
      tpu.enqueue_dma source(%dma_start3A_46 : memref<2x128xi32, #tpu.memory_space<hbm>>) target(%arg6 : memref<2x128xi32, #tpu.memory_space<vmem>>) target_semaphore(%arg13 : memref<!tpu.dma_semaphore, #tpu.memory_space<semaphore_mem>>)
      %add3A_47 = arith.constant 2 : i32
      %add3A_48 = arith.addi %mul3A_0, %add3A_47 : i32
      %dma_start3A_49 = arith.constant 0 : i32
      %dma_start3A_50 = arith.constant 0 : i32
      %dma_start3A_51 = tpu.memref_slice %arg3[%add3A_48, %dma_start3A_49, %dma_start3A_50] : memref<2560x2x128xi32, #tpu.memory_space<hbm>> -> memref<1x2x128xi32, #tpu.memory_space<hbm>>
      %dma_start3A_52 = tpu.memref_squeeze %dma_start3A_51 : memref<1x2x128xi32, #tpu.memory_space<hbm>> -> memref<2x128xi32, #tpu.memory_space<hbm>>
      %dma_start3A_53 = arith.constant 0 : i32
      %dma_start3A_54 = arith.constant 0 : i32
      %dma_start3A_55 = tpu.memref_slice %arg3[%add3A_48, %dma_start3A_53, %dma_start3A_54] : memref<2560x2x128xi32, #tpu.memory_space<hbm>> -> memref<1x2x128xi32, #tpu.memory_space<hbm>>
      %dma_start3A_56 = tpu.memref_squeeze %dma_start3A_55 : memref<1x2x128xi32, #tpu.memory_space<hbm>> -> memref<2x128xi32, #tpu.memory_space<hbm>>
      tpu.enqueue_dma source(%dma_start3A_56 : memref<2x128xi32, #tpu.memory_space<hbm>>) target(%arg7 : memref<2x128xi32, #tpu.memory_space<vmem>>) target_semaphore(%arg14 : memref<!tpu.dma_semaphore, #tpu.memory_space<semaphore_mem>>)
      %add3A_57 = arith.constant 3 : i32
      %add3A_58 = arith.addi %mul3A_0, %add3A_57 : i32
      %dma_start3A_59 = arith.constant 0 : i32
      %dma_start3A_60 = arith.constant 0 : i32
      %dma_start3A_61 = tpu.memref_slice %arg3[%add3A_58, %dma_start3A_59, %dma_start3A_60] : memref<2560x2x128xi32, #tpu.memory_space<hbm>> -> memref<1x2x128xi32, #tpu.memory_space<hbm>>
      %dma_start3A_62 = tpu.memref_squeeze %dma_start3A_61 : memref<1x2x128xi32, #tpu.memory_space<hbm>> -> memref<2x128xi32, #tpu.memory_space<hbm>>
      %dma_start3A_63 = arith.constant 0 : i32
      %dma_start3A_64 = arith.constant 0 : i32
      %dma_start3A_65 = tpu.memref_slice %arg3[%add3A_58, %dma_start3A_63, %dma_start3A_64] : memref<2560x2x128xi32, #tpu.memory_space<hbm>> -> memref<1x2x128xi32, #tpu.memory_space<hbm>>
      %dma_start3A_66 = tpu.memref_squeeze %dma_start3A_65 : memref<1x2x128xi32, #tpu.memory_space<hbm>> -> memref<2x128xi32, #tpu.memory_space<hbm>>
      tpu.enqueue_dma source(%dma_start3A_66 : memref<2x128xi32, #tpu.memory_space<hbm>>) target(%arg8 : memref<2x128xi32, #tpu.memory_space<vmem>>) target_semaphore(%arg15 : memref<!tpu.dma_semaphore, #tpu.memory_space<semaphore_mem>>)
      %add3A_67 = arith.constant 0 : i32
      %add3A_68 = arith.addi %mul3A_0, %add3A_67 : i32
      %dma_wait3A = arith.constant 0 : i32
      %dma_wait3A_69 = arith.constant 0 : i32
      %dma_wait3A_70 = tpu.memref_slice %arg3[%add3A_68, %dma_wait3A, %dma_wait3A_69] : memref<2560x2x128xi32, #tpu.memory_space<hbm>> -> memref<1x2x128xi32, #tpu.memory_space<hbm>>
      %dma_wait3A_71 = tpu.memref_squeeze %dma_wait3A_70 : memref<1x2x128xi32, #tpu.memory_space<hbm>> -> memref<2x128xi32, #tpu.memory_space<hbm>>
      %dma_wait3A_72 = arith.constant 0 : i32
      %dma_wait3A_73 = arith.constant 0 : i32
      %dma_wait3A_74 = tpu.memref_slice %arg3[%add3A_68, %dma_wait3A_72, %dma_wait3A_73] : memref<2560x2x128xi32, #tpu.memory_space<hbm>> -> memref<1x2x128xi32, #tpu.memory_space<hbm>>
      %dma_wait3A_75 = tpu.memref_squeeze %dma_wait3A_74 : memref<1x2x128xi32, #tpu.memory_space<hbm>> -> memref<2x128xi32, #tpu.memory_space<hbm>>
      tpu.wait_dma2 semaphore(%arg12 : memref<!tpu.dma_semaphore, #tpu.memory_space<semaphore_mem>>) src(%dma_wait3A_75 : memref<2x128xi32, #tpu.memory_space<hbm>>) dst(%arg5 : memref<2x128xi32, #tpu.memory_space<vmem>>)
      %dma_start3A_76 = arith.constant 0 : i32
      %dma_start3A_77 = arith.constant 0 : i32
      %dma_start3A_78 = tpu.memref_slice %arg5[%dma_start3A_76, %dma_start3A_77] : memref<2x128xi32, #tpu.memory_space<vmem>> -> memref<1x128xi32, #tpu.memory_space<vmem>>
      %dma_start3A_79 = tpu.memref_squeeze %dma_start3A_78 : memref<1x128xi32, #tpu.memory_space<vmem>> -> memref<128xi32, #tpu.memory_space<vmem>>
      %dma_start3A_80 = arith.constant 0 : i32
      %dma_start3A_81 = arith.constant 0 : i32
      %dma_start3A_82 = tpu.memref_slice %arg2[%dma_start3A_80, %dma_start3A_81] : memref<10240x48xf32, #tpu.memory_space<hbm>> -> memref<10240x48xf32, #tpu.memory_space<hbm>>
      tpu.enqueue_indirect_dma source(%dma_start3A_82 : memref<10240x48xf32, #tpu.memory_space<hbm>>) target(%arg9 : memref<128x48xf32, #tpu.memory_space<vmem>>) offsets(%dma_start3A_79 : memref<128xi32, #tpu.memory_space<vmem>>) semaphore(%arg16 : memref<!tpu.dma_semaphore, #tpu.memory_space<semaphore_mem>>)
      %add3A_83 = arith.constant 1 : i32
      %add3A_84 = arith.addi %mul3A_0, %add3A_83 : i32
      %dma_wait3A_85 = arith.constant 0 : i32
      %dma_wait3A_86 = arith.constant 0 : i32
      %dma_wait3A_87 = tpu.memref_slice %arg3[%add3A_84, %dma_wait3A_85, %dma_wait3A_86] : memref<2560x2x128xi32, #tpu.memory_space<hbm>> -> memref<1x2x128xi32, #tpu.memory_space<hbm>>
      %dma_wait3A_88 = tpu.memref_squeeze %dma_wait3A_87 : memref<1x2x128xi32, #tpu.memory_space<hbm>> -> memref<2x128xi32, #tpu.memory_space<hbm>>
      %dma_wait3A_89 = arith.constant 0 : i32
      %dma_wait3A_90 = arith.constant 0 : i32
      %dma_wait3A_91 = tpu.memref_slice %arg3[%add3A_84, %dma_wait3A_89, %dma_wait3A_90] : memref<2560x2x128xi32, #tpu.memory_space<hbm>> -> memref<1x2x128xi32, #tpu.memory_space<hbm>>
      %dma_wait3A_92 = tpu.memref_squeeze %dma_wait3A_91 : memref<1x2x128xi32, #tpu.memory_space<hbm>> -> memref<2x128xi32, #tpu.memory_space<hbm>>
      tpu.wait_dma2 semaphore(%arg13 : memref<!tpu.dma_semaphore, #tpu.memory_space<semaphore_mem>>) src(%dma_wait3A_92 : memref<2x128xi32, #tpu.memory_space<hbm>>) dst(%arg6 : memref<2x128xi32, #tpu.memory_space<vmem>>)
      %dma_start3A_93 = arith.constant 0 : i32
      %dma_start3A_94 = arith.constant 0 : i32
      %dma_start3A_95 = tpu.memref_slice %arg6[%dma_start3A_93, %dma_start3A_94] : memref<2x128xi32, #tpu.memory_space<vmem>> -> memref<1x128xi32, #tpu.memory_space<vmem>>
      %dma_start3A_96 = tpu.memref_squeeze %dma_start3A_95 : memref<1x128xi32, #tpu.memory_space<vmem>> -> memref<128xi32, #tpu.memory_space<vmem>>
      %dma_start3A_97 = arith.constant 0 : i32
      %dma_start3A_98 = arith.constant 0 : i32
      %dma_start3A_99 = tpu.memref_slice %arg2[%dma_start3A_97, %dma_start3A_98] : memref<10240x48xf32, #tpu.memory_space<hbm>> -> memref<10240x48xf32, #tpu.memory_space<hbm>>
      tpu.enqueue_indirect_dma source(%dma_start3A_99 : memref<10240x48xf32, #tpu.memory_space<hbm>>) target(%arg10 : memref<128x48xf32, #tpu.memory_space<vmem>>) offsets(%dma_start3A_96 : memref<128xi32, #tpu.memory_space<vmem>>) semaphore(%arg17 : memref<!tpu.dma_semaphore, #tpu.memory_space<semaphore_mem>>)
      %scan3A_100 = arith.constant 0 : i32
      %scan3A_101 = arith.constant 0 : i32
      %scan3A_102 = arith.constant 40 : i32
      %scan3A_103 = arith.addi %scan3A_101, %scan3A_102 : i32
      %scan3A_104 = arith.constant 1 : i32
      scf.for %scan3A_147 = %scan3A_101 to %scan3A_103 step %scan3A_104  : i32 {
        %mul3A_148 = arith.constant 4 : i32
        %mul3A_149 = arith.muli %mul3A_148, %scan3A_147 : i32
        %add3A_150 = arith.constant 0 : i32
        %add3A_151 = arith.addi %mul3A_149, %add3A_150 : i32
        %dma_wait3A_152 = arith.constant 0 : i32
        %dma_wait3A_153 = arith.constant 0 : i32
        %dma_wait3A_154 = tpu.memref_slice %arg5[%dma_wait3A_152, %dma_wait3A_153] : memref<2x128xi32, #tpu.memory_space<vmem>> -> memref<1x128xi32, #tpu.memory_space<vmem>>
        %dma_wait3A_155 = tpu.memref_squeeze %dma_wait3A_154 : memref<1x128xi32, #tpu.memory_space<vmem>> -> memref<128xi32, #tpu.memory_space<vmem>>
        %dma_wait3A_156 = arith.constant 0 : i32
        %dma_wait3A_157 = arith.constant 0 : i32
        %dma_wait3A_158 = tpu.memref_slice %arg2[%dma_wait3A_156, %dma_wait3A_157] : memref<10240x48xf32, #tpu.memory_space<hbm>> -> memref<10240x48xf32, #tpu.memory_space<hbm>>
        tpu.wait_indirect_dma semaphore(%arg16 : memref<!tpu.dma_semaphore, #tpu.memory_space<semaphore_mem>>) src(%dma_wait3A_158 : memref<10240x48xf32, #tpu.memory_space<hbm>>) dst(%arg9 : memref<128x48xf32, #tpu.memory_space<vmem>>)
        %run_scoped3A = arith.constant 1 : i32
        "tpu.region"() ({
          %run_scoped3A_250 = tpu.sem_alloc : memref<!tpu.dma_semaphore, #tpu.memory_space<semaphore_mem>>
          %dma_start3A_251 = arith.constant 0 : i32
          %dma_start3A_252 = tpu.memref_slice %arg5[%run_scoped3A, %dma_start3A_251] : memref<2x128xi32, #tpu.memory_space<vmem>> -> memref<1x128xi32, #tpu.memory_space<vmem>>
          %dma_start3A_253 = tpu.memref_squeeze %dma_start3A_252 : memref<1x128xi32, #tpu.memory_space<vmem>> -> memref<128xi32, #tpu.memory_space<vmem>>
          %dma_start3A_254 = arith.constant 0 : i32
          %dma_start3A_255 = arith.constant 0 : i32
          %dma_start3A_256 = tpu.memref_slice %arg11[%dma_start3A_254, %dma_start3A_255] : memref<10240x48xf32, #tpu.memory_space<vmem_shared>> -> memref<10240x48xf32, #tpu.memory_space<vmem_shared>>
          tpu.enqueue_indirect_dma source(%arg9 : memref<128x48xf32, #tpu.memory_space<vmem>>) target(%dma_start3A_256 : memref<10240x48xf32, #tpu.memory_space<vmem_shared>>) offsets(%dma_start3A_253 : memref<128xi32, #tpu.memory_space<vmem>>) semaphore(%run_scoped3A_250 : memref<!tpu.dma_semaphore, #tpu.memory_space<semaphore_mem>>) {add = true}
          %dma_wait3A_257 = arith.constant 0 : i32
          %dma_wait3A_258 = tpu.memref_slice %arg5[%run_scoped3A, %dma_wait3A_257] : memref<2x128xi32, #tpu.memory_space<vmem>> -> memref<1x128xi32, #tpu.memory_space<vmem>>
          %dma_wait3A_259 = tpu.memref_squeeze %dma_wait3A_258 : memref<1x128xi32, #tpu.memory_space<vmem>> -> memref<128xi32, #tpu.memory_space<vmem>>
          %dma_wait3A_260 = arith.constant 0 : i32
          %dma_wait3A_261 = arith.constant 0 : i32
          %dma_wait3A_262 = tpu.memref_slice %arg11[%dma_wait3A_260, %dma_wait3A_261] : memref<10240x48xf32, #tpu.memory_space<vmem_shared>> -> memref<10240x48xf32, #tpu.memory_space<vmem_shared>>
          tpu.wait_indirect_dma semaphore(%run_scoped3A_250 : memref<!tpu.dma_semaphore, #tpu.memory_space<semaphore_mem>>) src(%arg9 : memref<128x48xf32, #tpu.memory_space<vmem>>) dst(%dma_wait3A_262 : memref<10240x48xf32, #tpu.memory_space<vmem_shared>>)
          tpu.yield
        }) : () -> ()
        %add3A_159 = arith.constant 4 : i32
        %add3A_160 = arith.addi %add3A_151, %add3A_159 : i32
        %lt3A = arith.constant 160 : i32
        %lt3A_161 = arith.cmpi slt, %add3A_160, %lt3A : i32
        %convert_element_type3A_162 = arith.extui %lt3A_161 : i1 to i32
        %cond3A_163 = arith.constant 0 : i32
        %cond3A_164 = arith.cmpi ne, %convert_element_type3A_162, %cond3A_163 : i32
        scf.if %cond3A_164 {
          %add3A_250 = arith.constant 4 : i32
          %add3A_251 = arith.addi %add3A_151, %add3A_250 : i32
          %add3A_252 = arith.addi %mul3A_0, %add3A_251 : i32
          %dma_start3A_253 = arith.constant 0 : i32
          %dma_start3A_254 = arith.constant 0 : i32
          %dma_start3A_255 = tpu.memref_slice %arg3[%add3A_252, %dma_start3A_253, %dma_start3A_254] : memref<2560x2x128xi32, #tpu.memory_space<hbm>> -> memref<1x2x128xi32, #tpu.memory_space<hbm>>
          %dma_start3A_256 = tpu.memref_squeeze %dma_start3A_255 : memref<1x2x128xi32, #tpu.memory_space<hbm>> -> memref<2x128xi32, #tpu.memory_space<hbm>>
          %dma_start3A_257 = arith.constant 0 : i32
          %dma_start3A_258 = arith.constant 0 : i32
          %dma_start3A_259 = tpu.memref_slice %arg3[%add3A_252, %dma_start3A_257, %dma_start3A_258] : memref<2560x2x128xi32, #tpu.memory_space<hbm>> -> memref<1x2x128xi32, #tpu.memory_space<hbm>>
          %dma_start3A_260 = tpu.memref_squeeze %dma_start3A_259 : memref<1x2x128xi32, #tpu.memory_space<hbm>> -> memref<2x128xi32, #tpu.memory_space<hbm>>
          tpu.enqueue_dma source(%dma_start3A_260 : memref<2x128xi32, #tpu.memory_space<hbm>>) target(%arg5 : memref<2x128xi32, #tpu.memory_space<vmem>>) target_semaphore(%arg12 : memref<!tpu.dma_semaphore, #tpu.memory_space<semaphore_mem>>)
        } else {
        }
        %add3A_165 = arith.constant 2 : i32
        %add3A_166 = arith.addi %add3A_151, %add3A_165 : i32
        %lt3A_167 = arith.constant 160 : i32
        %lt3A_168 = arith.cmpi slt, %add3A_166, %lt3A_167 : i32
        %convert_element_type3A_169 = arith.extui %lt3A_168 : i1 to i32
        %cond3A_170 = arith.constant 0 : i32
        %cond3A_171 = arith.cmpi ne, %convert_element_type3A_169, %cond3A_170 : i32
        scf.if %cond3A_171 {
          %add3A_250 = arith.constant 2 : i32
          %add3A_251 = arith.addi %add3A_151, %add3A_250 : i32
          %add3A_252 = arith.addi %mul3A_0, %add3A_251 : i32
          %dma_wait3A_253 = arith.constant 0 : i32
          %dma_wait3A_254 = arith.constant 0 : i32
          %dma_wait3A_255 = tpu.memref_slice %arg3[%add3A_252, %dma_wait3A_253, %dma_wait3A_254] : memref<2560x2x128xi32, #tpu.memory_space<hbm>> -> memref<1x2x128xi32, #tpu.memory_space<hbm>>
          %dma_wait3A_256 = tpu.memref_squeeze %dma_wait3A_255 : memref<1x2x128xi32, #tpu.memory_space<hbm>> -> memref<2x128xi32, #tpu.memory_space<hbm>>
          %dma_wait3A_257 = arith.constant 0 : i32
          %dma_wait3A_258 = arith.constant 0 : i32
          %dma_wait3A_259 = tpu.memref_slice %arg3[%add3A_252, %dma_wait3A_257, %dma_wait3A_258] : memref<2560x2x128xi32, #tpu.memory_space<hbm>> -> memref<1x2x128xi32, #tpu.memory_space<hbm>>
          %dma_wait3A_260 = tpu.memref_squeeze %dma_wait3A_259 : memref<1x2x128xi32, #tpu.memory_space<hbm>> -> memref<2x128xi32, #tpu.memory_space<hbm>>
          tpu.wait_dma2 semaphore(%arg14 : memref<!tpu.dma_semaphore, #tpu.memory_space<semaphore_mem>>) src(%dma_wait3A_260 : memref<2x128xi32, #tpu.memory_space<hbm>>) dst(%arg7 : memref<2x128xi32, #tpu.memory_space<vmem>>)
          %dma_start3A_261 = arith.constant 0 : i32
          %dma_start3A_262 = arith.constant 0 : i32
          %dma_start3A_263 = tpu.memref_slice %arg7[%dma_start3A_261, %dma_start3A_262] : memref<2x128xi32, #tpu.memory_space<vmem>> -> memref<1x128xi32, #tpu.memory_space<vmem>>
          %dma_start3A_264 = tpu.memref_squeeze %dma_start3A_263 : memref<1x128xi32, #tpu.memory_space<vmem>> -> memref<128xi32, #tpu.memory_space<vmem>>
          %dma_start3A_265 = arith.constant 0 : i32
          %dma_start3A_266 = arith.constant 0 : i32
          %dma_start3A_267 = tpu.memref_slice %arg2[%dma_start3A_265, %dma_start3A_266] : memref<10240x48xf32, #tpu.memory_space<hbm>> -> memref<10240x48xf32, #tpu.memory_space<hbm>>
          tpu.enqueue_indirect_dma source(%dma_start3A_267 : memref<10240x48xf32, #tpu.memory_space<hbm>>) target(%arg9 : memref<128x48xf32, #tpu.memory_space<vmem>>) offsets(%dma_start3A_264 : memref<128xi32, #tpu.memory_space<vmem>>) semaphore(%arg16 : memref<!tpu.dma_semaphore, #tpu.memory_space<semaphore_mem>>)
        } else {
        }
        %mul3A_172 = arith.constant 4 : i32
        %mul3A_173 = arith.muli %mul3A_172, %scan3A_147 : i32
        %add3A_174 = arith.constant 1 : i32
        %add3A_175 = arith.addi %mul3A_173, %add3A_174 : i32
        %dma_wait3A_176 = arith.constant 0 : i32
        %dma_wait3A_177 = arith.constant 0 : i32
        %dma_wait3A_178 = tpu.memref_slice %arg6[%dma_wait3A_176, %dma_wait3A_177] : memref<2x128xi32, #tpu.memory_space<vmem>> -> memref<1x128xi32, #tpu.memory_space<vmem>>
        %dma_wait3A_179 = tpu.memref_squeeze %dma_wait3A_178 : memref<1x128xi32, #tpu.memory_space<vmem>> -> memref<128xi32, #tpu.memory_space<vmem>>
        %dma_wait3A_180 = arith.constant 0 : i32
        %dma_wait3A_181 = arith.constant 0 : i32
        %dma_wait3A_182 = tpu.memref_slice %arg2[%dma_wait3A_180, %dma_wait3A_181] : memref<10240x48xf32, #tpu.memory_space<hbm>> -> memref<10240x48xf32, #tpu.memory_space<hbm>>
        tpu.wait_indirect_dma semaphore(%arg17 : memref<!tpu.dma_semaphore, #tpu.memory_space<semaphore_mem>>) src(%dma_wait3A_182 : memref<10240x48xf32, #tpu.memory_space<hbm>>) dst(%arg10 : memref<128x48xf32, #tpu.memory_space<vmem>>)
        %run_scoped3A_183 = arith.constant 1 : i32
        "tpu.region"() ({
          %run_scoped3A_250 = tpu.sem_alloc : memref<!tpu.dma_semaphore, #tpu.memory_space<semaphore_mem>>
          %dma_start3A_251 = arith.constant 0 : i32
          %dma_start3A_252 = tpu.memref_slice %arg6[%run_scoped3A_183, %dma_start3A_251] : memref<2x128xi32, #tpu.memory_space<vmem>> -> memref<1x128xi32, #tpu.memory_space<vmem>>
          %dma_start3A_253 = tpu.memref_squeeze %dma_start3A_252 : memref<1x128xi32, #tpu.memory_space<vmem>> -> memref<128xi32, #tpu.memory_space<vmem>>
          %dma_start3A_254 = arith.constant 0 : i32
          %dma_start3A_255 = arith.constant 0 : i32
          %dma_start3A_256 = tpu.memref_slice %arg11[%dma_start3A_254, %dma_start3A_255] : memref<10240x48xf32, #tpu.memory_space<vmem_shared>> -> memref<10240x48xf32, #tpu.memory_space<vmem_shared>>
          tpu.enqueue_indirect_dma source(%arg10 : memref<128x48xf32, #tpu.memory_space<vmem>>) target(%dma_start3A_256 : memref<10240x48xf32, #tpu.memory_space<vmem_shared>>) offsets(%dma_start3A_253 : memref<128xi32, #tpu.memory_space<vmem>>) semaphore(%run_scoped3A_250 : memref<!tpu.dma_semaphore, #tpu.memory_space<semaphore_mem>>) {add = true}
          %dma_wait3A_257 = arith.constant 0 : i32
          %dma_wait3A_258 = tpu.memref_slice %arg6[%run_scoped3A_183, %dma_wait3A_257] : memref<2x128xi32, #tpu.memory_space<vmem>> -> memref<1x128xi32, #tpu.memory_space<vmem>>
          %dma_wait3A_259 = tpu.memref_squeeze %dma_wait3A_258 : memref<1x128xi32, #tpu.memory_space<vmem>> -> memref<128xi32, #tpu.memory_space<vmem>>
          %dma_wait3A_260 = arith.constant 0 : i32
          %dma_wait3A_261 = arith.constant 0 : i32
          %dma_wait3A_262 = tpu.memref_slice %arg11[%dma_wait3A_260, %dma_wait3A_261] : memref<10240x48xf32, #tpu.memory_space<vmem_shared>> -> memref<10240x48xf32, #tpu.memory_space<vmem_shared>>
          tpu.wait_indirect_dma semaphore(%run_scoped3A_250 : memref<!tpu.dma_semaphore, #tpu.memory_space<semaphore_mem>>) src(%arg10 : memref<128x48xf32, #tpu.memory_space<vmem>>) dst(%dma_wait3A_262 : memref<10240x48xf32, #tpu.memory_space<vmem_shared>>)
          tpu.yield
        }) : () -> ()
        %add3A_184 = arith.constant 4 : i32
        %add3A_185 = arith.addi %add3A_175, %add3A_184 : i32
        %lt3A_186 = arith.constant 160 : i32
        %lt3A_187 = arith.cmpi slt, %add3A_185, %lt3A_186 : i32
        %convert_element_type3A_188 = arith.extui %lt3A_187 : i1 to i32
        %cond3A_189 = arith.constant 0 : i32
        %cond3A_190 = arith.cmpi ne, %convert_element_type3A_188, %cond3A_189 : i32
        scf.if %cond3A_190 {
          %add3A_250 = arith.constant 4 : i32
          %add3A_251 = arith.addi %add3A_175, %add3A_250 : i32
          %add3A_252 = arith.addi %mul3A_0, %add3A_251 : i32
          %dma_start3A_253 = arith.constant 0 : i32
          %dma_start3A_254 = arith.constant 0 : i32
          %dma_start3A_255 = tpu.memref_slice %arg3[%add3A_252, %dma_start3A_253, %dma_start3A_254] : memref<2560x2x128xi32, #tpu.memory_space<hbm>> -> memref<1x2x128xi32, #tpu.memory_space<hbm>>
          %dma_start3A_256 = tpu.memref_squeeze %dma_start3A_255 : memref<1x2x128xi32, #tpu.memory_space<hbm>> -> memref<2x128xi32, #tpu.memory_space<hbm>>
          %dma_start3A_257 = arith.constant 0 : i32
          %dma_start3A_258 = arith.constant 0 : i32
          %dma_start3A_259 = tpu.memref_slice %arg3[%add3A_252, %dma_start3A_257, %dma_start3A_258] : memref<2560x2x128xi32, #tpu.memory_space<hbm>> -> memref<1x2x128xi32, #tpu.memory_space<hbm>>
          %dma_start3A_260 = tpu.memref_squeeze %dma_start3A_259 : memref<1x2x128xi32, #tpu.memory_space<hbm>> -> memref<2x128xi32, #tpu.memory_space<hbm>>
          tpu.enqueue_dma source(%dma_start3A_260 : memref<2x128xi32, #tpu.memory_space<hbm>>) target(%arg6 : memref<2x128xi32, #tpu.memory_space<vmem>>) target_semaphore(%arg13 : memref<!tpu.dma_semaphore, #tpu.memory_space<semaphore_mem>>)
        } else {
        }
        %add3A_191 = arith.constant 2 : i32
        %add3A_192 = arith.addi %add3A_175, %add3A_191 : i32
        %lt3A_193 = arith.constant 160 : i32
        %lt3A_194 = arith.cmpi slt, %add3A_192, %lt3A_193 : i32
        %convert_element_type3A_195 = arith.extui %lt3A_194 : i1 to i32
        %cond3A_196 = arith.constant 0 : i32
        %cond3A_197 = arith.cmpi ne, %convert_element_type3A_195, %cond3A_196 : i32
        scf.if %cond3A_197 {
          %add3A_250 = arith.constant 2 : i32
          %add3A_251 = arith.addi %add3A_175, %add3A_250 : i32
          %add3A_252 = arith.addi %mul3A_0, %add3A_251 : i32
          %dma_wait3A_253 = arith.constant 0 : i32
          %dma_wait3A_254 = arith.constant 0 : i32
          %dma_wait3A_255 = tpu.memref_slice %arg3[%add3A_252, %dma_wait3A_253, %dma_wait3A_254] : memref<2560x2x128xi32, #tpu.memory_space<hbm>> -> memref<1x2x128xi32, #tpu.memory_space<hbm>>
          %dma_wait3A_256 = tpu.memref_squeeze %dma_wait3A_255 : memref<1x2x128xi32, #tpu.memory_space<hbm>> -> memref<2x128xi32, #tpu.memory_space<hbm>>
          %dma_wait3A_257 = arith.constant 0 : i32
          %dma_wait3A_258 = arith.constant 0 : i32
          %dma_wait3A_259 = tpu.memref_slice %arg3[%add3A_252, %dma_wait3A_257, %dma_wait3A_258] : memref<2560x2x128xi32, #tpu.memory_space<hbm>> -> memref<1x2x128xi32, #tpu.memory_space<hbm>>
          %dma_wait3A_260 = tpu.memref_squeeze %dma_wait3A_259 : memref<1x2x128xi32, #tpu.memory_space<hbm>> -> memref<2x128xi32, #tpu.memory_space<hbm>>
          tpu.wait_dma2 semaphore(%arg15 : memref<!tpu.dma_semaphore, #tpu.memory_space<semaphore_mem>>) src(%dma_wait3A_260 : memref<2x128xi32, #tpu.memory_space<hbm>>) dst(%arg8 : memref<2x128xi32, #tpu.memory_space<vmem>>)
          %dma_start3A_261 = arith.constant 0 : i32
          %dma_start3A_262 = arith.constant 0 : i32
          %dma_start3A_263 = tpu.memref_slice %arg8[%dma_start3A_261, %dma_start3A_262] : memref<2x128xi32, #tpu.memory_space<vmem>> -> memref<1x128xi32, #tpu.memory_space<vmem>>
          %dma_start3A_264 = tpu.memref_squeeze %dma_start3A_263 : memref<1x128xi32, #tpu.memory_space<vmem>> -> memref<128xi32, #tpu.memory_space<vmem>>
          %dma_start3A_265 = arith.constant 0 : i32
          %dma_start3A_266 = arith.constant 0 : i32
          %dma_start3A_267 = tpu.memref_slice %arg2[%dma_start3A_265, %dma_start3A_266] : memref<10240x48xf32, #tpu.memory_space<hbm>> -> memref<10240x48xf32, #tpu.memory_space<hbm>>
          tpu.enqueue_indirect_dma source(%dma_start3A_267 : memref<10240x48xf32, #tpu.memory_space<hbm>>) target(%arg10 : memref<128x48xf32, #tpu.memory_space<vmem>>) offsets(%dma_start3A_264 : memref<128xi32, #tpu.memory_space<vmem>>) semaphore(%arg17 : memref<!tpu.dma_semaphore, #tpu.memory_space<semaphore_mem>>)
        } else {
        }
        %mul3A_198 = arith.constant 4 : i32
        %mul3A_199 = arith.muli %mul3A_198, %scan3A_147 : i32
        %add3A_200 = arith.constant 2 : i32
        %add3A_201 = arith.addi %mul3A_199, %add3A_200 : i32
        %dma_wait3A_202 = arith.constant 0 : i32
        %dma_wait3A_203 = arith.constant 0 : i32
        %dma_wait3A_204 = tpu.memref_slice %arg7[%dma_wait3A_202, %dma_wait3A_203] : memref<2x128xi32, #tpu.memory_space<vmem>> -> memref<1x128xi32, #tpu.memory_space<vmem>>
        %dma_wait3A_205 = tpu.memref_squeeze %dma_wait3A_204 : memref<1x128xi32, #tpu.memory_space<vmem>> -> memref<128xi32, #tpu.memory_space<vmem>>
        %dma_wait3A_206 = arith.constant 0 : i32
        %dma_wait3A_207 = arith.constant 0 : i32
        %dma_wait3A_208 = tpu.memref_slice %arg2[%dma_wait3A_206, %dma_wait3A_207] : memref<10240x48xf32, #tpu.memory_space<hbm>> -> memref<10240x48xf32, #tpu.memory_space<hbm>>
        tpu.wait_indirect_dma semaphore(%arg16 : memref<!tpu.dma_semaphore, #tpu.memory_space<semaphore_mem>>) src(%dma_wait3A_208 : memref<10240x48xf32, #tpu.memory_space<hbm>>) dst(%arg9 : memref<128x48xf32, #tpu.memory_space<vmem>>)
        %run_scoped3A_209 = arith.constant 1 : i32
        "tpu.region"() ({
          %run_scoped3A_250 = tpu.sem_alloc : memref<!tpu.dma_semaphore, #tpu.memory_space<semaphore_mem>>
          %dma_start3A_251 = arith.constant 0 : i32
          %dma_start3A_252 = tpu.memref_slice %arg7[%run_scoped3A_209, %dma_start3A_251] : memref<2x128xi32, #tpu.memory_space<vmem>> -> memref<1x128xi32, #tpu.memory_space<vmem>>
          %dma_start3A_253 = tpu.memref_squeeze %dma_start3A_252 : memref<1x128xi32, #tpu.memory_space<vmem>> -> memref<128xi32, #tpu.memory_space<vmem>>
          %dma_start3A_254 = arith.constant 0 : i32
          %dma_start3A_255 = arith.constant 0 : i32
          %dma_start3A_256 = tpu.memref_slice %arg11[%dma_start3A_254, %dma_start3A_255] : memref<10240x48xf32, #tpu.memory_space<vmem_shared>> -> memref<10240x48xf32, #tpu.memory_space<vmem_shared>>
          tpu.enqueue_indirect_dma source(%arg9 : memref<128x48xf32, #tpu.memory_space<vmem>>) target(%dma_start3A_256 : memref<10240x48xf32, #tpu.memory_space<vmem_shared>>) offsets(%dma_start3A_253 : memref<128xi32, #tpu.memory_space<vmem>>) semaphore(%run_scoped3A_250 : memref<!tpu.dma_semaphore, #tpu.memory_space<semaphore_mem>>) {add = true}
          %dma_wait3A_257 = arith.constant 0 : i32
          %dma_wait3A_258 = tpu.memref_slice %arg7[%run_scoped3A_209, %dma_wait3A_257] : memref<2x128xi32, #tpu.memory_space<vmem>> -> memref<1x128xi32, #tpu.memory_space<vmem>>
          %dma_wait3A_259 = tpu.memref_squeeze %dma_wait3A_258 : memref<1x128xi32, #tpu.memory_space<vmem>> -> memref<128xi32, #tpu.memory_space<vmem>>
          %dma_wait3A_260 = arith.constant 0 : i32
          %dma_wait3A_261 = arith.constant 0 : i32
          %dma_wait3A_262 = tpu.memref_slice %arg11[%dma_wait3A_260, %dma_wait3A_261] : memref<10240x48xf32, #tpu.memory_space<vmem_shared>> -> memref<10240x48xf32, #tpu.memory_space<vmem_shared>>
          tpu.wait_indirect_dma semaphore(%run_scoped3A_250 : memref<!tpu.dma_semaphore, #tpu.memory_space<semaphore_mem>>) src(%arg9 : memref<128x48xf32, #tpu.memory_space<vmem>>) dst(%dma_wait3A_262 : memref<10240x48xf32, #tpu.memory_space<vmem_shared>>)
          tpu.yield
        }) : () -> ()
        %add3A_210 = arith.constant 4 : i32
        %add3A_211 = arith.addi %add3A_201, %add3A_210 : i32
        %lt3A_212 = arith.constant 160 : i32
        %lt3A_213 = arith.cmpi slt, %add3A_211, %lt3A_212 : i32
        %convert_element_type3A_214 = arith.extui %lt3A_213 : i1 to i32
        %cond3A_215 = arith.constant 0 : i32
        %cond3A_216 = arith.cmpi ne, %convert_element_type3A_214, %cond3A_215 : i32
        scf.if %cond3A_216 {
          %add3A_250 = arith.constant 4 : i32
          %add3A_251 = arith.addi %add3A_201, %add3A_250 : i32
          %add3A_252 = arith.addi %mul3A_0, %add3A_251 : i32
          %dma_start3A_253 = arith.constant 0 : i32
          %dma_start3A_254 = arith.constant 0 : i32
          %dma_start3A_255 = tpu.memref_slice %arg3[%add3A_252, %dma_start3A_253, %dma_start3A_254] : memref<2560x2x128xi32, #tpu.memory_space<hbm>> -> memref<1x2x128xi32, #tpu.memory_space<hbm>>
          %dma_start3A_256 = tpu.memref_squeeze %dma_start3A_255 : memref<1x2x128xi32, #tpu.memory_space<hbm>> -> memref<2x128xi32, #tpu.memory_space<hbm>>
          %dma_start3A_257 = arith.constant 0 : i32
          %dma_start3A_258 = arith.constant 0 : i32
          %dma_start3A_259 = tpu.memref_slice %arg3[%add3A_252, %dma_start3A_257, %dma_start3A_258] : memref<2560x2x128xi32, #tpu.memory_space<hbm>> -> memref<1x2x128xi32, #tpu.memory_space<hbm>>
          %dma_start3A_260 = tpu.memref_squeeze %dma_start3A_259 : memref<1x2x128xi32, #tpu.memory_space<hbm>> -> memref<2x128xi32, #tpu.memory_space<hbm>>
          tpu.enqueue_dma source(%dma_start3A_260 : memref<2x128xi32, #tpu.memory_space<hbm>>) target(%arg7 : memref<2x128xi32, #tpu.memory_space<vmem>>) target_semaphore(%arg14 : memref<!tpu.dma_semaphore, #tpu.memory_space<semaphore_mem>>)
        } else {
        }
        %add3A_217 = arith.constant 2 : i32
        %add3A_218 = arith.addi %add3A_201, %add3A_217 : i32
        %lt3A_219 = arith.constant 160 : i32
        %lt3A_220 = arith.cmpi slt, %add3A_218, %lt3A_219 : i32
        %convert_element_type3A_221 = arith.extui %lt3A_220 : i1 to i32
        %cond3A_222 = arith.constant 0 : i32
        %cond3A_223 = arith.cmpi ne, %convert_element_type3A_221, %cond3A_222 : i32
        scf.if %cond3A_223 {
          %add3A_250 = arith.constant 2 : i32
          %add3A_251 = arith.addi %add3A_201, %add3A_250 : i32
          %add3A_252 = arith.addi %mul3A_0, %add3A_251 : i32
          %dma_wait3A_253 = arith.constant 0 : i32
          %dma_wait3A_254 = arith.constant 0 : i32
          %dma_wait3A_255 = tpu.memref_slice %arg3[%add3A_252, %dma_wait3A_253, %dma_wait3A_254] : memref<2560x2x128xi32, #tpu.memory_space<hbm>> -> memref<1x2x128xi32, #tpu.memory_space<hbm>>
          %dma_wait3A_256 = tpu.memref_squeeze %dma_wait3A_255 : memref<1x2x128xi32, #tpu.memory_space<hbm>> -> memref<2x128xi32, #tpu.memory_space<hbm>>
          %dma_wait3A_257 = arith.constant 0 : i32
          %dma_wait3A_258 = arith.constant 0 : i32
          %dma_wait3A_259 = tpu.memref_slice %arg3[%add3A_252, %dma_wait3A_257, %dma_wait3A_258] : memref<2560x2x128xi32, #tpu.memory_space<hbm>> -> memref<1x2x128xi32, #tpu.memory_space<hbm>>
          %dma_wait3A_260 = tpu.memref_squeeze %dma_wait3A_259 : memref<1x2x128xi32, #tpu.memory_space<hbm>> -> memref<2x128xi32, #tpu.memory_space<hbm>>
          tpu.wait_dma2 semaphore(%arg12 : memref<!tpu.dma_semaphore, #tpu.memory_space<semaphore_mem>>) src(%dma_wait3A_260 : memref<2x128xi32, #tpu.memory_space<hbm>>) dst(%arg5 : memref<2x128xi32, #tpu.memory_space<vmem>>)
          %dma_start3A_261 = arith.constant 0 : i32
          %dma_start3A_262 = arith.constant 0 : i32
          %dma_start3A_263 = tpu.memref_slice %arg5[%dma_start3A_261, %dma_start3A_262] : memref<2x128xi32, #tpu.memory_space<vmem>> -> memref<1x128xi32, #tpu.memory_space<vmem>>
          %dma_start3A_264 = tpu.memref_squeeze %dma_start3A_263 : memref<1x128xi32, #tpu.memory_space<vmem>> -> memref<128xi32, #tpu.memory_space<vmem>>
          %dma_start3A_265 = arith.constant 0 : i32
          %dma_start3A_266 = arith.constant 0 : i32
          %dma_start3A_267 = tpu.memref_slice %arg2[%dma_start3A_265, %dma_start3A_266] : memref<10240x48xf32, #tpu.memory_space<hbm>> -> memref<10240x48xf32, #tpu.memory_space<hbm>>
          tpu.enqueue_indirect_dma source(%dma_start3A_267 : memref<10240x48xf32, #tpu.memory_space<hbm>>) target(%arg9 : memref<128x48xf32, #tpu.memory_space<vmem>>) offsets(%dma_start3A_264 : memref<128xi32, #tpu.memory_space<vmem>>) semaphore(%arg16 : memref<!tpu.dma_semaphore, #tpu.memory_space<semaphore_mem>>)
        } else {
        }
        %mul3A_224 = arith.constant 4 : i32
        %mul3A_225 = arith.muli %mul3A_224, %scan3A_147 : i32
        %add3A_226 = arith.constant 3 : i32
        %add3A_227 = arith.addi %mul3A_225, %add3A_226 : i32
        %dma_wait3A_228 = arith.constant 0 : i32
        %dma_wait3A_229 = arith.constant 0 : i32
        %dma_wait3A_230 = tpu.memref_slice %arg8[%dma_wait3A_228, %dma_wait3A_229] : memref<2x128xi32, #tpu.memory_space<vmem>> -> memref<1x128xi32, #tpu.memory_space<vmem>>
        %dma_wait3A_231 = tpu.memref_squeeze %dma_wait3A_230 : memref<1x128xi32, #tpu.memory_space<vmem>> -> memref<128xi32, #tpu.memory_space<vmem>>
        %dma_wait3A_232 = arith.constant 0 : i32
        %dma_wait3A_233 = arith.constant 0 : i32
        %dma_wait3A_234 = tpu.memref_slice %arg2[%dma_wait3A_232, %dma_wait3A_233] : memref<10240x48xf32, #tpu.memory_space<hbm>> -> memref<10240x48xf32, #tpu.memory_space<hbm>>
        tpu.wait_indirect_dma semaphore(%arg17 : memref<!tpu.dma_semaphore, #tpu.memory_space<semaphore_mem>>) src(%dma_wait3A_234 : memref<10240x48xf32, #tpu.memory_space<hbm>>) dst(%arg10 : memref<128x48xf32, #tpu.memory_space<vmem>>)
        %run_scoped3A_235 = arith.constant 1 : i32
        "tpu.region"() ({
          %run_scoped3A_250 = tpu.sem_alloc : memref<!tpu.dma_semaphore, #tpu.memory_space<semaphore_mem>>
          %dma_start3A_251 = arith.constant 0 : i32
          %dma_start3A_252 = tpu.memref_slice %arg8[%run_scoped3A_235, %dma_start3A_251] : memref<2x128xi32, #tpu.memory_space<vmem>> -> memref<1x128xi32, #tpu.memory_space<vmem>>
          %dma_start3A_253 = tpu.memref_squeeze %dma_start3A_252 : memref<1x128xi32, #tpu.memory_space<vmem>> -> memref<128xi32, #tpu.memory_space<vmem>>
          %dma_start3A_254 = arith.constant 0 : i32
          %dma_start3A_255 = arith.constant 0 : i32
          %dma_start3A_256 = tpu.memref_slice %arg11[%dma_start3A_254, %dma_start3A_255] : memref<10240x48xf32, #tpu.memory_space<vmem_shared>> -> memref<10240x48xf32, #tpu.memory_space<vmem_shared>>
          tpu.enqueue_indirect_dma source(%arg10 : memref<128x48xf32, #tpu.memory_space<vmem>>) target(%dma_start3A_256 : memref<10240x48xf32, #tpu.memory_space<vmem_shared>>) offsets(%dma_start3A_253 : memref<128xi32, #tpu.memory_space<vmem>>) semaphore(%run_scoped3A_250 : memref<!tpu.dma_semaphore, #tpu.memory_space<semaphore_mem>>) {add = true}
          %dma_wait3A_257 = arith.constant 0 : i32
          %dma_wait3A_258 = tpu.memref_slice %arg8[%run_scoped3A_235, %dma_wait3A_257] : memref<2x128xi32, #tpu.memory_space<vmem>> -> memref<1x128xi32, #tpu.memory_space<vmem>>
          %dma_wait3A_259 = tpu.memref_squeeze %dma_wait3A_258 : memref<1x128xi32, #tpu.memory_space<vmem>> -> memref<128xi32, #tpu.memory_space<vmem>>
          %dma_wait3A_260 = arith.constant 0 : i32
          %dma_wait3A_261 = arith.constant 0 : i32
          %dma_wait3A_262 = tpu.memref_slice %arg11[%dma_wait3A_260, %dma_wait3A_261] : memref<10240x48xf32, #tpu.memory_space<vmem_shared>> -> memref<10240x48xf32, #tpu.memory_space<vmem_shared>>
          tpu.wait_indirect_dma semaphore(%run_scoped3A_250 : memref<!tpu.dma_semaphore, #tpu.memory_space<semaphore_mem>>) src(%arg10 : memref<128x48xf32, #tpu.memory_space<vmem>>) dst(%dma_wait3A_262 : memref<10240x48xf32, #tpu.memory_space<vmem_shared>>)
          tpu.yield
        }) : () -> ()
        %add3A_236 = arith.constant 4 : i32
        %add3A_237 = arith.addi %add3A_227, %add3A_236 : i32
        %lt3A_238 = arith.constant 160 : i32
        %lt3A_239 = arith.cmpi slt, %add3A_237, %lt3A_238 : i32
        %convert_element_type3A_240 = arith.extui %lt3A_239 : i1 to i32
        %cond3A_241 = arith.constant 0 : i32
        %cond3A_242 = arith.cmpi ne, %convert_element_type3A_240, %cond3A_241 : i32
        scf.if %cond3A_242 {
          %add3A_250 = arith.constant 4 : i32
          %add3A_251 = arith.addi %add3A_227, %add3A_250 : i32
          %add3A_252 = arith.addi %mul3A_0, %add3A_251 : i32
          %dma_start3A_253 = arith.constant 0 : i32
          %dma_start3A_254 = arith.constant 0 : i32
          %dma_start3A_255 = tpu.memref_slice %arg3[%add3A_252, %dma_start3A_253, %dma_start3A_254] : memref<2560x2x128xi32, #tpu.memory_space<hbm>> -> memref<1x2x128xi32, #tpu.memory_space<hbm>>
          %dma_start3A_256 = tpu.memref_squeeze %dma_start3A_255 : memref<1x2x128xi32, #tpu.memory_space<hbm>> -> memref<2x128xi32, #tpu.memory_space<hbm>>
          %dma_start3A_257 = arith.constant 0 : i32
          %dma_start3A_258 = arith.constant 0 : i32
          %dma_start3A_259 = tpu.memref_slice %arg3[%add3A_252, %dma_start3A_257, %dma_start3A_258] : memref<2560x2x128xi32, #tpu.memory_space<hbm>> -> memref<1x2x128xi32, #tpu.memory_space<hbm>>
          %dma_start3A_260 = tpu.memref_squeeze %dma_start3A_259 : memref<1x2x128xi32, #tpu.memory_space<hbm>> -> memref<2x128xi32, #tpu.memory_space<hbm>>
          tpu.enqueue_dma source(%dma_start3A_260 : memref<2x128xi32, #tpu.memory_space<hbm>>) target(%arg8 : memref<2x128xi32, #tpu.memory_space<vmem>>) target_semaphore(%arg15 : memref<!tpu.dma_semaphore, #tpu.memory_space<semaphore_mem>>)
        } else {
        }
        %add3A_243 = arith.constant 2 : i32
        %add3A_244 = arith.addi %add3A_227, %add3A_243 : i32
        %lt3A_245 = arith.constant 160 : i32
        %lt3A_246 = arith.cmpi slt, %add3A_244, %lt3A_245 : i32
        %convert_element_type3A_247 = arith.extui %lt3A_246 : i1 to i32
        %cond3A_248 = arith.constant 0 : i32
        %cond3A_249 = arith.cmpi ne, %convert_element_type3A_247, %cond3A_248 : i32
        scf.if %cond3A_249 {
          %add3A_250 = arith.constant 2 : i32
          %add3A_251 = arith.addi %add3A_227, %add3A_250 : i32
          %add3A_252 = arith.addi %mul3A_0, %add3A_251 : i32
          %dma_wait3A_253 = arith.constant 0 : i32
          %dma_wait3A_254 = arith.constant 0 : i32
          %dma_wait3A_255 = tpu.memref_slice %arg3[%add3A_252, %dma_wait3A_253, %dma_wait3A_254] : memref<2560x2x128xi32, #tpu.memory_space<hbm>> -> memref<1x2x128xi32, #tpu.memory_space<hbm>>
          %dma_wait3A_256 = tpu.memref_squeeze %dma_wait3A_255 : memref<1x2x128xi32, #tpu.memory_space<hbm>> -> memref<2x128xi32, #tpu.memory_space<hbm>>
          %dma_wait3A_257 = arith.constant 0 : i32
          %dma_wait3A_258 = arith.constant 0 : i32
          %dma_wait3A_259 = tpu.memref_slice %arg3[%add3A_252, %dma_wait3A_257, %dma_wait3A_258] : memref<2560x2x128xi32, #tpu.memory_space<hbm>> -> memref<1x2x128xi32, #tpu.memory_space<hbm>>
          %dma_wait3A_260 = tpu.memref_squeeze %dma_wait3A_259 : memref<1x2x128xi32, #tpu.memory_space<hbm>> -> memref<2x128xi32, #tpu.memory_space<hbm>>
          tpu.wait_dma2 semaphore(%arg13 : memref<!tpu.dma_semaphore, #tpu.memory_space<semaphore_mem>>) src(%dma_wait3A_260 : memref<2x128xi32, #tpu.memory_space<hbm>>) dst(%arg6 : memref<2x128xi32, #tpu.memory_space<vmem>>)
          %dma_start3A_261 = arith.constant 0 : i32
          %dma_start3A_262 = arith.constant 0 : i32
          %dma_start3A_263 = tpu.memref_slice %arg6[%dma_start3A_261, %dma_start3A_262] : memref<2x128xi32, #tpu.memory_space<vmem>> -> memref<1x128xi32, #tpu.memory_space<vmem>>
          %dma_start3A_264 = tpu.memref_squeeze %dma_start3A_263 : memref<1x128xi32, #tpu.memory_space<vmem>> -> memref<128xi32, #tpu.memory_space<vmem>>
          %dma_start3A_265 = arith.constant 0 : i32
          %dma_start3A_266 = arith.constant 0 : i32
          %dma_start3A_267 = tpu.memref_slice %arg2[%dma_start3A_265, %dma_start3A_266] : memref<10240x48xf32, #tpu.memory_space<hbm>> -> memref<10240x48xf32, #tpu.memory_space<hbm>>
          tpu.enqueue_indirect_dma source(%dma_start3A_267 : memref<10240x48xf32, #tpu.memory_space<hbm>>) target(%arg10 : memref<128x48xf32, #tpu.memory_space<vmem>>) offsets(%dma_start3A_264 : memref<128xi32, #tpu.memory_space<vmem>>) semaphore(%arg17 : memref<!tpu.dma_semaphore, #tpu.memory_space<semaphore_mem>>)
        } else {
        }
      }
      %scan3A_105 = arith.constant 40 : i32
      %barrier3A_106 = arith.constant 0 : index
      tpu.barrier barrier_id(%barrier3A_106)
      %mul3A_107 = arith.constant 640 : i32
      %mul3A_108 = arith.muli %arg1, %mul3A_107 : i32
      %add3A_109 = arith.constant 0 : i32
      %add3A_110 = arith.addi %mul3A_108, %add3A_109 : i32
      "tpu.region"() ({
        %run_scoped3A = tpu.sem_alloc : memref<!tpu.dma_semaphore, #tpu.memory_space<semaphore_mem>>
        %dma_start3A_147 = arith.constant 0 : i32
        %dma_start3A_148 = tpu.memref_slice %arg11[%add3A_110, %dma_start3A_147] : memref<10240x48xf32, #tpu.memory_space<vmem_shared>> -> memref<128x48xf32, #tpu.memory_space<vmem_shared>>
        %dma_start3A_149 = arith.constant 0 : i32
        %dma_start3A_150 = tpu.memref_slice %arg11[%add3A_110, %dma_start3A_149] : memref<10240x48xf32, #tpu.memory_space<vmem_shared>> -> memref<128x48xf32, #tpu.memory_space<vmem_shared>>
        tpu.enqueue_dma source(%dma_start3A_150 : memref<128x48xf32, #tpu.memory_space<vmem_shared>>) target(%arg9 : memref<128x48xf32, #tpu.memory_space<vmem>>) target_semaphore(%run_scoped3A : memref<!tpu.dma_semaphore, #tpu.memory_space<semaphore_mem>>)
        %dma_wait3A_151 = arith.constant 0 : i32
        %dma_wait3A_152 = tpu.memref_slice %arg11[%add3A_110, %dma_wait3A_151] : memref<10240x48xf32, #tpu.memory_space<vmem_shared>> -> memref<128x48xf32, #tpu.memory_space<vmem_shared>>
        %dma_wait3A_153 = arith.constant 0 : i32
        %dma_wait3A_154 = tpu.memref_slice %arg11[%add3A_110, %dma_wait3A_153] : memref<10240x48xf32, #tpu.memory_space<vmem_shared>> -> memref<128x48xf32, #tpu.memory_space<vmem_shared>>
        tpu.wait_dma2 semaphore(%run_scoped3A : memref<!tpu.dma_semaphore, #tpu.memory_space<semaphore_mem>>) src(%dma_wait3A_154 : memref<128x48xf32, #tpu.memory_space<vmem_shared>>) dst(%arg9 : memref<128x48xf32, #tpu.memory_space<vmem>>)
        tpu.yield
      }) : () -> ()
      %mul3A_111 = arith.constant 640 : i32
      %mul3A_112 = arith.muli %arg1, %mul3A_111 : i32
      %add3A_113 = arith.constant 0 : i32
      %add3A_114 = arith.addi %mul3A_112, %add3A_113 : i32
      "tpu.region"() ({
        %run_scoped3A = tpu.sem_alloc : memref<!tpu.dma_semaphore, #tpu.memory_space<semaphore_mem>>
        %dma_start3A_147 = arith.constant 0 : i32
        %dma_start3A_148 = tpu.memref_slice %arg4[%add3A_114, %dma_start3A_147] : memref<10240x48xf32, #tpu.memory_space<hbm>> -> memref<128x48xf32, #tpu.memory_space<hbm>>
        %dma_start3A_149 = arith.constant 0 : i32
        %dma_start3A_150 = tpu.memref_slice %arg4[%add3A_114, %dma_start3A_149] : memref<10240x48xf32, #tpu.memory_space<hbm>> -> memref<128x48xf32, #tpu.memory_space<hbm>>
        tpu.enqueue_dma source(%arg9 : memref<128x48xf32, #tpu.memory_space<vmem>>) target(%dma_start3A_150 : memref<128x48xf32, #tpu.memory_space<hbm>>) target_semaphore(%run_scoped3A : memref<!tpu.dma_semaphore, #tpu.memory_space<semaphore_mem>>)
        %dma_wait3A_151 = arith.constant 0 : i32
        %dma_wait3A_152 = tpu.memref_slice %arg4[%add3A_114, %dma_wait3A_151] : memref<10240x48xf32, #tpu.memory_space<hbm>> -> memref<128x48xf32, #tpu.memory_space<hbm>>
        %dma_wait3A_153 = arith.constant 0 : i32
        %dma_wait3A_154 = tpu.memref_slice %arg4[%add3A_114, %dma_wait3A_153] : memref<10240x48xf32, #tpu.memory_space<hbm>> -> memref<128x48xf32, #tpu.memory_space<hbm>>
        tpu.wait_dma2 semaphore(%run_scoped3A : memref<!tpu.dma_semaphore, #tpu.memory_space<semaphore_mem>>) src(%arg9 : memref<128x48xf32, #tpu.memory_space<vmem>>) dst(%dma_wait3A_154 : memref<128x48xf32, #tpu.memory_space<hbm>>)
        tpu.yield
      }) : () -> ()
      %mul3A_115 = arith.constant 640 : i32
      %mul3A_116 = arith.muli %arg1, %mul3A_115 : i32
      %add3A_117 = arith.constant 128 : i32
      %add3A_118 = arith.addi %mul3A_116, %add3A_117 : i32
      "tpu.region"() ({
        %run_scoped3A = tpu.sem_alloc : memref<!tpu.dma_semaphore, #tpu.memory_space<semaphore_mem>>
        %dma_start3A_147 = arith.constant 0 : i32
        %dma_start3A_148 = tpu.memref_slice %arg11[%add3A_118, %dma_start3A_147] : memref<10240x48xf32, #tpu.memory_space<vmem_shared>> -> memref<128x48xf32, #tpu.memory_space<vmem_shared>>
        %dma_start3A_149 = arith.constant 0 : i32
        %dma_start3A_150 = tpu.memref_slice %arg11[%add3A_118, %dma_start3A_149] : memref<10240x48xf32, #tpu.memory_space<vmem_shared>> -> memref<128x48xf32, #tpu.memory_space<vmem_shared>>
        tpu.enqueue_dma source(%dma_start3A_150 : memref<128x48xf32, #tpu.memory_space<vmem_shared>>) target(%arg9 : memref<128x48xf32, #tpu.memory_space<vmem>>) target_semaphore(%run_scoped3A : memref<!tpu.dma_semaphore, #tpu.memory_space<semaphore_mem>>)
        %dma_wait3A_151 = arith.constant 0 : i32
        %dma_wait3A_152 = tpu.memref_slice %arg11[%add3A_118, %dma_wait3A_151] : memref<10240x48xf32, #tpu.memory_space<vmem_shared>> -> memref<128x48xf32, #tpu.memory_space<vmem_shared>>
        %dma_wait3A_153 = arith.constant 0 : i32
        %dma_wait3A_154 = tpu.memref_slice %arg11[%add3A_118, %dma_wait3A_153] : memref<10240x48xf32, #tpu.memory_space<vmem_shared>> -> memref<128x48xf32, #tpu.memory_space<vmem_shared>>
        tpu.wait_dma2 semaphore(%run_scoped3A : memref<!tpu.dma_semaphore, #tpu.memory_space<semaphore_mem>>) src(%dma_wait3A_154 : memref<128x48xf32, #tpu.memory_space<vmem_shared>>) dst(%arg9 : memref<128x48xf32, #tpu.memory_space<vmem>>)
        tpu.yield
      }) : () -> ()
      %mul3A_119 = arith.constant 640 : i32
      %mul3A_120 = arith.muli %arg1, %mul3A_119 : i32
      %add3A_121 = arith.constant 128 : i32
      %add3A_122 = arith.addi %mul3A_120, %add3A_121 : i32
      "tpu.region"() ({
        %run_scoped3A = tpu.sem_alloc : memref<!tpu.dma_semaphore, #tpu.memory_space<semaphore_mem>>
        %dma_start3A_147 = arith.constant 0 : i32
        %dma_start3A_148 = tpu.memref_slice %arg4[%add3A_122, %dma_start3A_147] : memref<10240x48xf32, #tpu.memory_space<hbm>> -> memref<128x48xf32, #tpu.memory_space<hbm>>
        %dma_start3A_149 = arith.constant 0 : i32
        %dma_start3A_150 = tpu.memref_slice %arg4[%add3A_122, %dma_start3A_149] : memref<10240x48xf32, #tpu.memory_space<hbm>> -> memref<128x48xf32, #tpu.memory_space<hbm>>
        tpu.enqueue_dma source(%arg9 : memref<128x48xf32, #tpu.memory_space<vmem>>) target(%dma_start3A_150 : memref<128x48xf32, #tpu.memory_space<hbm>>) target_semaphore(%run_scoped3A : memref<!tpu.dma_semaphore, #tpu.memory_space<semaphore_mem>>)
        %dma_wait3A_151 = arith.constant 0 : i32
        %dma_wait3A_152 = tpu.memref_slice %arg4[%add3A_122, %dma_wait3A_151] : memref<10240x48xf32, #tpu.memory_space<hbm>> -> memref<128x48xf32, #tpu.memory_space<hbm>>
        %dma_wait3A_153 = arith.constant 0 : i32
        %dma_wait3A_154 = tpu.memref_slice %arg4[%add3A_122, %dma_wait3A_153] : memref<10240x48xf32, #tpu.memory_space<hbm>> -> memref<128x48xf32, #tpu.memory_space<hbm>>
        tpu.wait_dma2 semaphore(%run_scoped3A : memref<!tpu.dma_semaphore, #tpu.memory_space<semaphore_mem>>) src(%arg9 : memref<128x48xf32, #tpu.memory_space<vmem>>) dst(%dma_wait3A_154 : memref<128x48xf32, #tpu.memory_space<hbm>>)
        tpu.yield
      }) : () -> ()
      %mul3A_123 = arith.constant 640 : i32
      %mul3A_124 = arith.muli %arg1, %mul3A_123 : i32
      %add3A_125 = arith.constant 256 : i32
      %add3A_126 = arith.addi %mul3A_124, %add3A_125 : i32
      "tpu.region"() ({
        %run_scoped3A = tpu.sem_alloc : memref<!tpu.dma_semaphore, #tpu.memory_space<semaphore_mem>>
        %dma_start3A_147 = arith.constant 0 : i32
        %dma_start3A_148 = tpu.memref_slice %arg11[%add3A_126, %dma_start3A_147] : memref<10240x48xf32, #tpu.memory_space<vmem_shared>> -> memref<128x48xf32, #tpu.memory_space<vmem_shared>>
        %dma_start3A_149 = arith.constant 0 : i32
        %dma_start3A_150 = tpu.memref_slice %arg11[%add3A_126, %dma_start3A_149] : memref<10240x48xf32, #tpu.memory_space<vmem_shared>> -> memref<128x48xf32, #tpu.memory_space<vmem_shared>>
        tpu.enqueue_dma source(%dma_start3A_150 : memref<128x48xf32, #tpu.memory_space<vmem_shared>>) target(%arg9 : memref<128x48xf32, #tpu.memory_space<vmem>>) target_semaphore(%run_scoped3A : memref<!tpu.dma_semaphore, #tpu.memory_space<semaphore_mem>>)
        %dma_wait3A_151 = arith.constant 0 : i32
        %dma_wait3A_152 = tpu.memref_slice %arg11[%add3A_126, %dma_wait3A_151] : memref<10240x48xf32, #tpu.memory_space<vmem_shared>> -> memref<128x48xf32, #tpu.memory_space<vmem_shared>>
        %dma_wait3A_153 = arith.constant 0 : i32
        %dma_wait3A_154 = tpu.memref_slice %arg11[%add3A_126, %dma_wait3A_153] : memref<10240x48xf32, #tpu.memory_space<vmem_shared>> -> memref<128x48xf32, #tpu.memory_space<vmem_shared>>
        tpu.wait_dma2 semaphore(%run_scoped3A : memref<!tpu.dma_semaphore, #tpu.memory_space<semaphore_mem>>) src(%dma_wait3A_154 : memref<128x48xf32, #tpu.memory_space<vmem_shared>>) dst(%arg9 : memref<128x48xf32, #tpu.memory_space<vmem>>)
        tpu.yield
      }) : () -> ()
      %mul3A_127 = arith.constant 640 : i32
      %mul3A_128 = arith.muli %arg1, %mul3A_127 : i32
      %add3A_129 = arith.constant 256 : i32
      %add3A_130 = arith.addi %mul3A_128, %add3A_129 : i32
      "tpu.region"() ({
        %run_scoped3A = tpu.sem_alloc : memref<!tpu.dma_semaphore, #tpu.memory_space<semaphore_mem>>
        %dma_start3A_147 = arith.constant 0 : i32
        %dma_start3A_148 = tpu.memref_slice %arg4[%add3A_130, %dma_start3A_147] : memref<10240x48xf32, #tpu.memory_space<hbm>> -> memref<128x48xf32, #tpu.memory_space<hbm>>
        %dma_start3A_149 = arith.constant 0 : i32
        %dma_start3A_150 = tpu.memref_slice %arg4[%add3A_130, %dma_start3A_149] : memref<10240x48xf32, #tpu.memory_space<hbm>> -> memref<128x48xf32, #tpu.memory_space<hbm>>
        tpu.enqueue_dma source(%arg9 : memref<128x48xf32, #tpu.memory_space<vmem>>) target(%dma_start3A_150 : memref<128x48xf32, #tpu.memory_space<hbm>>) target_semaphore(%run_scoped3A : memref<!tpu.dma_semaphore, #tpu.memory_space<semaphore_mem>>)
        %dma_wait3A_151 = arith.constant 0 : i32
        %dma_wait3A_152 = tpu.memref_slice %arg4[%add3A_130, %dma_wait3A_151] : memref<10240x48xf32, #tpu.memory_space<hbm>> -> memref<128x48xf32, #tpu.memory_space<hbm>>
        %dma_wait3A_153 = arith.constant 0 : i32
        %dma_wait3A_154 = tpu.memref_slice %arg4[%add3A_130, %dma_wait3A_153] : memref<10240x48xf32, #tpu.memory_space<hbm>> -> memref<128x48xf32, #tpu.memory_space<hbm>>
        tpu.wait_dma2 semaphore(%run_scoped3A : memref<!tpu.dma_semaphore, #tpu.memory_space<semaphore_mem>>) src(%arg9 : memref<128x48xf32, #tpu.memory_space<vmem>>) dst(%dma_wait3A_154 : memref<128x48xf32, #tpu.memory_space<hbm>>)
        tpu.yield
      }) : () -> ()
      %mul3A_131 = arith.constant 640 : i32
      %mul3A_132 = arith.muli %arg1, %mul3A_131 : i32
      %add3A_133 = arith.constant 384 : i32
      %add3A_134 = arith.addi %mul3A_132, %add3A_133 : i32
      "tpu.region"() ({
        %run_scoped3A = tpu.sem_alloc : memref<!tpu.dma_semaphore, #tpu.memory_space<semaphore_mem>>
        %dma_start3A_147 = arith.constant 0 : i32
        %dma_start3A_148 = tpu.memref_slice %arg11[%add3A_134, %dma_start3A_147] : memref<10240x48xf32, #tpu.memory_space<vmem_shared>> -> memref<128x48xf32, #tpu.memory_space<vmem_shared>>
        %dma_start3A_149 = arith.constant 0 : i32
        %dma_start3A_150 = tpu.memref_slice %arg11[%add3A_134, %dma_start3A_149] : memref<10240x48xf32, #tpu.memory_space<vmem_shared>> -> memref<128x48xf32, #tpu.memory_space<vmem_shared>>
        tpu.enqueue_dma source(%dma_start3A_150 : memref<128x48xf32, #tpu.memory_space<vmem_shared>>) target(%arg9 : memref<128x48xf32, #tpu.memory_space<vmem>>) target_semaphore(%run_scoped3A : memref<!tpu.dma_semaphore, #tpu.memory_space<semaphore_mem>>)
        %dma_wait3A_151 = arith.constant 0 : i32
        %dma_wait3A_152 = tpu.memref_slice %arg11[%add3A_134, %dma_wait3A_151] : memref<10240x48xf32, #tpu.memory_space<vmem_shared>> -> memref<128x48xf32, #tpu.memory_space<vmem_shared>>
        %dma_wait3A_153 = arith.constant 0 : i32
        %dma_wait3A_154 = tpu.memref_slice %arg11[%add3A_134, %dma_wait3A_153] : memref<10240x48xf32, #tpu.memory_space<vmem_shared>> -> memref<128x48xf32, #tpu.memory_space<vmem_shared>>
        tpu.wait_dma2 semaphore(%run_scoped3A : memref<!tpu.dma_semaphore, #tpu.memory_space<semaphore_mem>>) src(%dma_wait3A_154 : memref<128x48xf32, #tpu.memory_space<vmem_shared>>) dst(%arg9 : memref<128x48xf32, #tpu.memory_space<vmem>>)
        tpu.yield
      }) : () -> ()
      %mul3A_135 = arith.constant 640 : i32
      %mul3A_136 = arith.muli %arg1, %mul3A_135 : i32
      %add3A_137 = arith.constant 384 : i32
      %add3A_138 = arith.addi %mul3A_136, %add3A_137 : i32
      "tpu.region"() ({
        %run_scoped3A = tpu.sem_alloc : memref<!tpu.dma_semaphore, #tpu.memory_space<semaphore_mem>>
        %dma_start3A_147 = arith.constant 0 : i32
        %dma_start3A_148 = tpu.memref_slice %arg4[%add3A_138, %dma_start3A_147] : memref<10240x48xf32, #tpu.memory_space<hbm>> -> memref<128x48xf32, #tpu.memory_space<hbm>>
        %dma_start3A_149 = arith.constant 0 : i32
        %dma_start3A_150 = tpu.memref_slice %arg4[%add3A_138, %dma_start3A_149] : memref<10240x48xf32, #tpu.memory_space<hbm>> -> memref<128x48xf32, #tpu.memory_space<hbm>>
        tpu.enqueue_dma source(%arg9 : memref<128x48xf32, #tpu.memory_space<vmem>>) target(%dma_start3A_150 : memref<128x48xf32, #tpu.memory_space<hbm>>) target_semaphore(%run_scoped3A : memref<!tpu.dma_semaphore, #tpu.memory_space<semaphore_mem>>)
        %dma_wait3A_151 = arith.constant 0 : i32
        %dma_wait3A_152 = tpu.memref_slice %arg4[%add3A_138, %dma_wait3A_151] : memref<10240x48xf32, #tpu.memory_space<hbm>> -> memref<128x48xf32, #tpu.memory_space<hbm>>
        %dma_wait3A_153 = arith.constant 0 : i32
        %dma_wait3A_154 = tpu.memref_slice %arg4[%add3A_138, %dma_wait3A_153] : memref<10240x48xf32, #tpu.memory_space<hbm>> -> memref<128x48xf32, #tpu.memory_space<hbm>>
        tpu.wait_dma2 semaphore(%run_scoped3A : memref<!tpu.dma_semaphore, #tpu.memory_space<semaphore_mem>>) src(%arg9 : memref<128x48xf32, #tpu.memory_space<vmem>>) dst(%dma_wait3A_154 : memref<128x48xf32, #tpu.memory_space<hbm>>)
        tpu.yield
      }) : () -> ()
      %mul3A_139 = arith.constant 640 : i32
      %mul3A_140 = arith.muli %arg1, %mul3A_139 : i32
      %add3A_141 = arith.constant 512 : i32
      %add3A_142 = arith.addi %mul3A_140, %add3A_141 : i32
      "tpu.region"() ({
        %run_scoped3A = tpu.sem_alloc : memref<!tpu.dma_semaphore, #tpu.memory_space<semaphore_mem>>
        %dma_start3A_147 = arith.constant 0 : i32
        %dma_start3A_148 = tpu.memref_slice %arg11[%add3A_142, %dma_start3A_147] : memref<10240x48xf32, #tpu.memory_space<vmem_shared>> -> memref<128x48xf32, #tpu.memory_space<vmem_shared>>
        %dma_start3A_149 = arith.constant 0 : i32
        %dma_start3A_150 = tpu.memref_slice %arg11[%add3A_142, %dma_start3A_149] : memref<10240x48xf32, #tpu.memory_space<vmem_shared>> -> memref<128x48xf32, #tpu.memory_space<vmem_shared>>
        tpu.enqueue_dma source(%dma_start3A_150 : memref<128x48xf32, #tpu.memory_space<vmem_shared>>) target(%arg9 : memref<128x48xf32, #tpu.memory_space<vmem>>) target_semaphore(%run_scoped3A : memref<!tpu.dma_semaphore, #tpu.memory_space<semaphore_mem>>)
        %dma_wait3A_151 = arith.constant 0 : i32
        %dma_wait3A_152 = tpu.memref_slice %arg11[%add3A_142, %dma_wait3A_151] : memref<10240x48xf32, #tpu.memory_space<vmem_shared>> -> memref<128x48xf32, #tpu.memory_space<vmem_shared>>
        %dma_wait3A_153 = arith.constant 0 : i32
        %dma_wait3A_154 = tpu.memref_slice %arg11[%add3A_142, %dma_wait3A_153] : memref<10240x48xf32, #tpu.memory_space<vmem_shared>> -> memref<128x48xf32, #tpu.memory_space<vmem_shared>>
        tpu.wait_dma2 semaphore(%run_scoped3A : memref<!tpu.dma_semaphore, #tpu.memory_space<semaphore_mem>>) src(%dma_wait3A_154 : memref<128x48xf32, #tpu.memory_space<vmem_shared>>) dst(%arg9 : memref<128x48xf32, #tpu.memory_space<vmem>>)
        tpu.yield
      }) : () -> ()
      %mul3A_143 = arith.constant 640 : i32
      %mul3A_144 = arith.muli %arg1, %mul3A_143 : i32
      %add3A_145 = arith.constant 512 : i32
      %add3A_146 = arith.addi %mul3A_144, %add3A_145 : i32
      "tpu.region"() ({
        %run_scoped3A = tpu.sem_alloc : memref<!tpu.dma_semaphore, #tpu.memory_space<semaphore_mem>>
        %dma_start3A_147 = arith.constant 0 : i32
        %dma_start3A_148 = tpu.memref_slice %arg4[%add3A_146, %dma_start3A_147] : memref<10240x48xf32, #tpu.memory_space<hbm>> -> memref<128x48xf32, #tpu.memory_space<hbm>>
        %dma_start3A_149 = arith.constant 0 : i32
        %dma_start3A_150 = tpu.memref_slice %arg4[%add3A_146, %dma_start3A_149] : memref<10240x48xf32, #tpu.memory_space<hbm>> -> memref<128x48xf32, #tpu.memory_space<hbm>>
        tpu.enqueue_dma source(%arg9 : memref<128x48xf32, #tpu.memory_space<vmem>>) target(%dma_start3A_150 : memref<128x48xf32, #tpu.memory_space<hbm>>) target_semaphore(%run_scoped3A : memref<!tpu.dma_semaphore, #tpu.memory_space<semaphore_mem>>)
        %dma_wait3A_151 = arith.constant 0 : i32
        %dma_wait3A_152 = tpu.memref_slice %arg4[%add3A_146, %dma_wait3A_151] : memref<10240x48xf32, #tpu.memory_space<hbm>> -> memref<128x48xf32, #tpu.memory_space<hbm>>
        %dma_wait3A_153 = arith.constant 0 : i32
        %dma_wait3A_154 = tpu.memref_slice %arg4[%add3A_146, %dma_wait3A_153] : memref<10240x48xf32, #tpu.memory_space<hbm>> -> memref<128x48xf32, #tpu.memory_space<hbm>>
        tpu.wait_dma2 semaphore(%run_scoped3A : memref<!tpu.dma_semaphore, #tpu.memory_space<semaphore_mem>>) src(%arg9 : memref<128x48xf32, #tpu.memory_space<vmem>>) dst(%dma_wait3A_154 : memref<128x48xf32, #tpu.memory_space<hbm>>)
        tpu.yield
      }) : () -> ()
    } else {
    }
    return
  }
}

module attributes {stable_mosaic.version = 14 : i64} {
  func.func @_mat1_body(%arg0: i32, %arg1: memref<2048x128xf32, #tpu.memory_space<vmem>>, %arg2: memref<128x128xf32, #tpu.memory_space<vmem>>, %arg3: memref<2x2048x16xf32, #tpu.memory_space<vmem>>, %arg4: memref<2048x128xf32, #tpu.memory_space<vmem>>) attributes {dimension_semantics = [#tpu.dimension_semantics<arbitrary>], iteration_bounds = array<i64: 5>, scalar_prefetch = 0 : i64, scratch_operands = 0 : i64, tpu.core_type = #tpu.core_type<tc>, window_params = [{transform_indices = @transform_0, window_bounds = array<i64: 2048, 128>}, {pipeline_mode = #tpu.pipeline_mode<synchronous>, transform_indices = @transform_1, window_bounds = array<i64: 128, 128>}, {transform_indices = @transform_2, window_bounds = array<i64: 2, 2048, 16>}, {transform_indices = @transform_3, window_bounds = array<i64: 2048, 128>}]} {
    %get3A = arith.constant 0 : index
    %get3A_0 = arith.constant 0 : index
    %get3A_1 = arith.constant 0 : index
    %get3A_2 = vector.load %arg3[%get3A, %get3A_0, %get3A_1] : memref<2x2048x16xf32, #tpu.memory_space<vmem>>, vector<2x2048x16xf32>
    %slice3A = vector.extract_strided_slice %get3A_2 {offsets = [0, 0, 0], sizes = [1, 2048, 1], strides = [1, 1, 1]} : vector<2x2048x16xf32> to vector<1x2048x1xf32>
    %squeeze3A = vector.shape_cast %slice3A : vector<1x2048x1xf32> to vector<2048xf32>
    %slice3A_3 = vector.extract_strided_slice %get3A_2 {offsets = [1, 0, 0], sizes = [1, 2048, 1], strides = [1, 1, 1]} : vector<2x2048x16xf32> to vector<1x2048x1xf32>
    %squeeze3A_4 = vector.shape_cast %slice3A_3 : vector<1x2048x1xf32> to vector<2048xf32>
    %add3A = arith.addf %squeeze3A, %squeeze3A_4 : vector<2048xf32>
    %add3A_5 = arith.constant 1.000000e+00 : f32
    %add3A_6 = vector.broadcast %add3A_5 : f32 to vector<2048xf32>
    %add3A_7 = arith.addf %add3A, %add3A_6 : vector<2048xf32>
    %rsqrt3A = math.rsqrt %add3A_7 : vector<2048xf32>
    %get3A_8 = arith.constant 0 : index
    %get3A_9 = arith.constant 0 : index
    %get3A_10 = vector.load %arg1[%get3A_8, %get3A_9] : memref<2048x128xf32, #tpu.memory_space<vmem>>, vector<2048x128xf32>
    %get3A_11 = arith.constant 0 : index
    %get3A_12 = arith.constant 0 : index
    %get3A_13 = vector.load %arg2[%get3A_11, %get3A_12] : memref<128x128xf32, #tpu.memory_space<vmem>>, vector<128x128xf32>
    %dot_general3A = arith.constant dense<0.000000e+00> : vector<2048x128xf32>
    %dot_general3A_14 = tpu.matmul %get3A_10, %get3A_13, %dot_general3A {dimension_numbers = #tpu.dot_dimension_numbers<[1], [0], [0], [1], [0, 0, 1, 1], [], []>, transpose_lhs_hint = false} : vector<2048x128xf32>, vector<128x128xf32>, vector<2048x128xf32> -> vector<2048x128xf32>
    %broadcast_in_dim3A = vector.shape_cast %rsqrt3A : vector<2048xf32> to vector<2048x1xf32>
    %mul3A = vector.broadcast %broadcast_in_dim3A : vector<2048x1xf32> to vector<2048x128xf32>
    %mul3A_15 = arith.mulf %mul3A, %dot_general3A_14 : vector<2048x128xf32>
    %swap3A = arith.constant 0 : index
    %swap3A_16 = arith.constant 0 : index
    %swap3A_17 = vector.load %arg4[%swap3A, %swap3A_16] : memref<2048x128xf32, #tpu.memory_space<vmem>>, vector<2048x128xf32>
    tpu.vector_store %arg4[%swap3A, %swap3A_16], %mul3A_15 {strides = array<i32>} : memref<2048x128xf32, #tpu.memory_space<vmem>>, vector<2048x128xf32>,
    return
  }
  func.func @transform_0(%arg0: i32) -> (i32, i32) {
    %c0_i32 = arith.constant 0 : i32
    %c0_i32_0 = arith.constant 0 : i32
    return %arg0, %c0_i32 : i32, i32
  }
  func.func @transform_1(%arg0: i32) -> (i32, i32) {
    %c0_i32 = arith.constant 0 : i32
    %c0_i32_0 = arith.constant 0 : i32
    %c0_i32_1 = arith.constant 0 : i32
    return %c0_i32, %c0_i32_0 : i32, i32
  }
  func.func @transform_2(%arg0: i32) -> (i32, i32, i32) {
    %c0_i32 = arith.constant 0 : i32
    %c0_i32_0 = arith.constant 0 : i32
    %c0_i32_1 = arith.constant 0 : i32
    return %c0_i32, %arg0, %c0_i32_0 : i32, i32, i32
  }
  func.func @transform_3(%arg0: i32) -> (i32, i32) {
    %c0_i32 = arith.constant 0 : i32
    %c0_i32_0 = arith.constant 0 : i32
    return %arg0, %c0_i32 : i32, i32
  }
}

module attributes {stable_mosaic.version = 14 : i64} {
  func.func @_ep_mat_body(%arg0: i32, %arg1: memref<2048x128xf32, #tpu.memory_space<vmem>>, %arg2: memref<2048x128xf32, #tpu.memory_space<vmem>>, %arg3: memref<2x2048x16xf32, #tpu.memory_space<vmem>>, %arg4: memref<1x128xf32, #tpu.memory_space<vmem>>, %arg5: memref<128x128xf32, #tpu.memory_space<vmem>>, %arg6: memref<2048x128xf32, #tpu.memory_space<vmem>>) attributes {dimension_semantics = [#tpu.dimension_semantics<arbitrary>], iteration_bounds = array<i64: 5>, scalar_prefetch = 0 : i64, scratch_operands = 0 : i64, tpu.core_type = #tpu.core_type<tc>, window_params = [{transform_indices = @transform_0, window_bounds = array<i64: 2048, 128>}, {transform_indices = @transform_1, window_bounds = array<i64: 2048, 128>}, {transform_indices = @transform_2, window_bounds = array<i64: 2, 2048, 16>}, {pipeline_mode = #tpu.pipeline_mode<synchronous>, transform_indices = @transform_3, window_bounds = array<i64: 1, 128>}, {pipeline_mode = #tpu.pipeline_mode<synchronous>, transform_indices = @transform_4, window_bounds = array<i64: 128, 128>}, {transform_indices = @transform_5, window_bounds = array<i64: 2048, 128>}]} {
    %get3A = arith.constant 0 : index
    %get3A_0 = arith.constant 0 : index
    %get3A_1 = arith.constant 0 : index
    %get3A_2 = vector.load %arg3[%get3A, %get3A_0, %get3A_1] : memref<2x2048x16xf32, #tpu.memory_space<vmem>>, vector<2x2048x16xf32>
    %slice3A = vector.extract_strided_slice %get3A_2 {offsets = [0, 0, 0], sizes = [1, 2048, 1], strides = [1, 1, 1]} : vector<2x2048x16xf32> to vector<1x2048x1xf32>
    %squeeze3A = vector.shape_cast %slice3A : vector<1x2048x1xf32> to vector<2048xf32>
    %slice3A_3 = vector.extract_strided_slice %get3A_2 {offsets = [1, 0, 0], sizes = [1, 2048, 1], strides = [1, 1, 1]} : vector<2x2048x16xf32> to vector<1x2048x1xf32>
    %squeeze3A_4 = vector.shape_cast %slice3A_3 : vector<1x2048x1xf32> to vector<2048xf32>
    %add3A = arith.addf %squeeze3A, %squeeze3A_4 : vector<2048xf32>
    %add3A_5 = arith.constant 1.000000e+00 : f32
    %add3A_6 = vector.broadcast %add3A_5 : f32 to vector<2048xf32>
    %add3A_7 = arith.addf %add3A, %add3A_6 : vector<2048xf32>
    %rsqrt3A = math.rsqrt %add3A_7 : vector<2048xf32>
    %broadcast_in_dim3A = vector.shape_cast %rsqrt3A : vector<2048xf32> to vector<2048x1xf32>
    %get3A_8 = arith.constant 0 : index
    %get3A_9 = arith.constant 0 : index
    %get3A_10 = vector.load %arg1[%get3A_8, %get3A_9] : memref<2048x128xf32, #tpu.memory_space<vmem>>, vector<2048x128xf32>
    %get3A_11 = arith.constant 0 : index
    %get3A_12 = arith.constant 0 : index
    %get3A_13 = vector.load %arg2[%get3A_11, %get3A_12] : memref<2048x128xf32, #tpu.memory_space<vmem>>, vector<2048x128xf32>
    %add3A_14 = arith.addf %get3A_10, %get3A_13 : vector<2048x128xf32>
    %mul3A = vector.broadcast %broadcast_in_dim3A : vector<2048x1xf32> to vector<2048x128xf32>
    %mul3A_15 = arith.mulf %mul3A, %add3A_14 : vector<2048x128xf32>
    %get3A_16 = arith.constant 0 : index
    %get3A_17 = arith.constant 0 : index
    %get3A_18 = vector.load %arg4[%get3A_16, %get3A_17] : memref<1x128xf32, #tpu.memory_space<vmem>>, vector<1x128xf32>
    %add3A_19 = vector.broadcast %get3A_18 : vector<1x128xf32> to vector<2048x128xf32>
    %add3A_20 = arith.addf %mul3A_15, %add3A_19 : vector<2048x128xf32>
    %max3A = arith.constant 0.000000e+00 : f32
    %max3A_21 = vector.broadcast %max3A : f32 to vector<2048x128xf32>
    %max3A_22 = arith.maximumf %add3A_20, %max3A_21 : vector<2048x128xf32>
    %broadcast_in_dim3A_23 = vector.shape_cast %rsqrt3A : vector<2048xf32> to vector<2048x1xf32>
    %get3A_24 = arith.constant 0 : index
    %get3A_25 = arith.constant 0 : index
    %get3A_26 = vector.load %arg5[%get3A_24, %get3A_25] : memref<128x128xf32, #tpu.memory_space<vmem>>, vector<128x128xf32>
    %dot_general3A = arith.constant dense<0.000000e+00> : vector<2048x128xf32>
    %dot_general3A_27 = tpu.matmul %max3A_22, %get3A_26, %dot_general3A {dimension_numbers = #tpu.dot_dimension_numbers<[1], [0], [0], [1], [0, 0, 1, 1], [], []>, transpose_lhs_hint = false} : vector<2048x128xf32>, vector<128x128xf32>, vector<2048x128xf32> -> vector<2048x128xf32>
    %mul3A_28 = vector.broadcast %broadcast_in_dim3A_23 : vector<2048x1xf32> to vector<2048x128xf32>
    %mul3A_29 = arith.mulf %mul3A_28, %dot_general3A_27 : vector<2048x128xf32>
    %swap3A = arith.constant 0 : index
    %swap3A_30 = arith.constant 0 : index
    %swap3A_31 = vector.load %arg6[%swap3A, %swap3A_30] : memref<2048x128xf32, #tpu.memory_space<vmem>>, vector<2048x128xf32>
    tpu.vector_store %arg6[%swap3A, %swap3A_30], %mul3A_29 {strides = array<i32>} : memref<2048x128xf32, #tpu.memory_space<vmem>>, vector<2048x128xf32>,
    return
  }
  func.func @transform_0(%arg0: i32) -> (i32, i32) {
    %c0_i32 = arith.constant 0 : i32
    %c0_i32_0 = arith.constant 0 : i32
    return %arg0, %c0_i32 : i32, i32
  }
  func.func @transform_1(%arg0: i32) -> (i32, i32) {
    %c0_i32 = arith.constant 0 : i32
    %c0_i32_0 = arith.constant 0 : i32
    return %arg0, %c0_i32 : i32, i32
  }
  func.func @transform_2(%arg0: i32) -> (i32, i32, i32) {
    %c0_i32 = arith.constant 0 : i32
    %c0_i32_0 = arith.constant 0 : i32
    %c0_i32_1 = arith.constant 0 : i32
    return %c0_i32, %arg0, %c0_i32_0 : i32, i32, i32
  }
  func.func @transform_3(%arg0: i32) -> (i32, i32) {
    %c0_i32 = arith.constant 0 : i32
    %c0_i32_0 = arith.constant 0 : i32
    %c0_i32_1 = arith.constant 0 : i32
    return %c0_i32, %c0_i32_0 : i32, i32
  }
  func.func @transform_4(%arg0: i32) -> (i32, i32) {
    %c0_i32 = arith.constant 0 : i32
    %c0_i32_0 = arith.constant 0 : i32
    %c0_i32_1 = arith.constant 0 : i32
    return %c0_i32, %c0_i32_0 : i32, i32
  }
  func.func @transform_5(%arg0: i32) -> (i32, i32) {
    %c0_i32 = arith.constant 0 : i32
    %c0_i32_0 = arith.constant 0 : i32
    return %arg0, %c0_i32 : i32, i32
  }
}

module attributes {stable_mosaic.version = 14 : i64} {
  func.func @_ep_mat_body(%arg0: i32, %arg1: memref<2048x128xf32, #tpu.memory_space<vmem>>, %arg2: memref<2048x128xf32, #tpu.memory_space<vmem>>, %arg3: memref<2x2048x16xf32, #tpu.memory_space<vmem>>, %arg4: memref<1x128xf32, #tpu.memory_space<vmem>>, %arg5: memref<128x48xf32, #tpu.memory_space<vmem>>, %arg6: memref<2048x48xf32, #tpu.memory_space<vmem>>) attributes {dimension_semantics = [#tpu.dimension_semantics<arbitrary>], iteration_bounds = array<i64: 5>, scalar_prefetch = 0 : i64, scratch_operands = 0 : i64, tpu.core_type = #tpu.core_type<tc>, window_params = [{transform_indices = @transform_0, window_bounds = array<i64: 2048, 128>}, {transform_indices = @transform_1, window_bounds = array<i64: 2048, 128>}, {transform_indices = @transform_2, window_bounds = array<i64: 2, 2048, 16>}, {pipeline_mode = #tpu.pipeline_mode<synchronous>, transform_indices = @transform_3, window_bounds = array<i64: 1, 128>}, {pipeline_mode = #tpu.pipeline_mode<synchronous>, transform_indices = @transform_4, window_bounds = array<i64: 128, 48>}, {transform_indices = @transform_5, window_bounds = array<i64: 2048, 48>}]} {
    %get3A = arith.constant 0 : index
    %get3A_0 = arith.constant 0 : index
    %get3A_1 = arith.constant 0 : index
    %get3A_2 = vector.load %arg3[%get3A, %get3A_0, %get3A_1] : memref<2x2048x16xf32, #tpu.memory_space<vmem>>, vector<2x2048x16xf32>
    %slice3A = vector.extract_strided_slice %get3A_2 {offsets = [0, 0, 0], sizes = [1, 2048, 1], strides = [1, 1, 1]} : vector<2x2048x16xf32> to vector<1x2048x1xf32>
    %squeeze3A = vector.shape_cast %slice3A : vector<1x2048x1xf32> to vector<2048xf32>
    %slice3A_3 = vector.extract_strided_slice %get3A_2 {offsets = [1, 0, 0], sizes = [1, 2048, 1], strides = [1, 1, 1]} : vector<2x2048x16xf32> to vector<1x2048x1xf32>
    %squeeze3A_4 = vector.shape_cast %slice3A_3 : vector<1x2048x1xf32> to vector<2048xf32>
    %add3A = arith.addf %squeeze3A, %squeeze3A_4 : vector<2048xf32>
    %add3A_5 = arith.constant 1.000000e+00 : f32
    %add3A_6 = vector.broadcast %add3A_5 : f32 to vector<2048xf32>
    %add3A_7 = arith.addf %add3A, %add3A_6 : vector<2048xf32>
    %rsqrt3A = math.rsqrt %add3A_7 : vector<2048xf32>
    %broadcast_in_dim3A = vector.shape_cast %rsqrt3A : vector<2048xf32> to vector<2048x1xf32>
    %get3A_8 = arith.constant 0 : index
    %get3A_9 = arith.constant 0 : index
    %get3A_10 = vector.load %arg1[%get3A_8, %get3A_9] : memref<2048x128xf32, #tpu.memory_space<vmem>>, vector<2048x128xf32>
    %get3A_11 = arith.constant 0 : index
    %get3A_12 = arith.constant 0 : index
    %get3A_13 = vector.load %arg2[%get3A_11, %get3A_12] : memref<2048x128xf32, #tpu.memory_space<vmem>>, vector<2048x128xf32>
    %add3A_14 = arith.addf %get3A_10, %get3A_13 : vector<2048x128xf32>
    %mul3A = vector.broadcast %broadcast_in_dim3A : vector<2048x1xf32> to vector<2048x128xf32>
    %mul3A_15 = arith.mulf %mul3A, %add3A_14 : vector<2048x128xf32>
    %get3A_16 = arith.constant 0 : index
    %get3A_17 = arith.constant 0 : index
    %get3A_18 = vector.load %arg4[%get3A_16, %get3A_17] : memref<1x128xf32, #tpu.memory_space<vmem>>, vector<1x128xf32>
    %add3A_19 = vector.broadcast %get3A_18 : vector<1x128xf32> to vector<2048x128xf32>
    %add3A_20 = arith.addf %mul3A_15, %add3A_19 : vector<2048x128xf32>
    %max3A = arith.constant 0.000000e+00 : f32
    %max3A_21 = vector.broadcast %max3A : f32 to vector<2048x128xf32>
    %max3A_22 = arith.maximumf %add3A_20, %max3A_21 : vector<2048x128xf32>
    %broadcast_in_dim3A_23 = vector.shape_cast %rsqrt3A : vector<2048xf32> to vector<2048x1xf32>
    %get3A_24 = arith.constant 0 : index
    %get3A_25 = arith.constant 0 : index
    %get3A_26 = vector.load %arg5[%get3A_24, %get3A_25] : memref<128x48xf32, #tpu.memory_space<vmem>>, vector<128x48xf32>
    %dot_general3A = arith.constant dense<0.000000e+00> : vector<2048x48xf32>
    %dot_general3A_27 = tpu.matmul %max3A_22, %get3A_26, %dot_general3A {dimension_numbers = #tpu.dot_dimension_numbers<[1], [0], [0], [1], [0, 0, 1, 1], [], []>, transpose_lhs_hint = false} : vector<2048x128xf32>, vector<128x48xf32>, vector<2048x48xf32> -> vector<2048x48xf32>
    %mul3A_28 = vector.broadcast %broadcast_in_dim3A_23 : vector<2048x1xf32> to vector<2048x48xf32>
    %mul3A_29 = arith.mulf %mul3A_28, %dot_general3A_27 : vector<2048x48xf32>
    %swap3A = arith.constant 0 : index
    %swap3A_30 = arith.constant 0 : index
    %swap3A_31 = vector.load %arg6[%swap3A, %swap3A_30] : memref<2048x48xf32, #tpu.memory_space<vmem>>, vector<2048x48xf32>
    tpu.vector_store %arg6[%swap3A, %swap3A_30], %mul3A_29 {strides = array<i32>} : memref<2048x48xf32, #tpu.memory_space<vmem>>, vector<2048x48xf32>,
    return
  }
  func.func @transform_0(%arg0: i32) -> (i32, i32) {
    %c0_i32 = arith.constant 0 : i32
    %c0_i32_0 = arith.constant 0 : i32
    return %arg0, %c0_i32 : i32, i32
  }
  func.func @transform_1(%arg0: i32) -> (i32, i32) {
    %c0_i32 = arith.constant 0 : i32
    %c0_i32_0 = arith.constant 0 : i32
    return %arg0, %c0_i32 : i32, i32
  }
  func.func @transform_2(%arg0: i32) -> (i32, i32, i32) {
    %c0_i32 = arith.constant 0 : i32
    %c0_i32_0 = arith.constant 0 : i32
    %c0_i32_1 = arith.constant 0 : i32
    return %c0_i32, %arg0, %c0_i32_0 : i32, i32, i32
  }
  func.func @transform_3(%arg0: i32) -> (i32, i32) {
    %c0_i32 = arith.constant 0 : i32
    %c0_i32_0 = arith.constant 0 : i32
    %c0_i32_1 = arith.constant 0 : i32
    return %c0_i32, %c0_i32_0 : i32, i32
  }
  func.func @transform_4(%arg0: i32) -> (i32, i32) {
    %c0_i32 = arith.constant 0 : i32
    %c0_i32_0 = arith.constant 0 : i32
    %c0_i32_1 = arith.constant 0 : i32
    return %c0_i32, %c0_i32_0 : i32, i32
  }
  func.func @transform_5(%arg0: i32) -> (i32, i32) {
    %c0_i32 = arith.constant 0 : i32
    %c0_i32_0 = arith.constant 0 : i32
    return %arg0, %c0_i32 : i32, i32
  }
}

module attributes {stable_mosaic.version = 14 : i64} {
  func.func @_final_body(%arg0: i32, %arg1: memref<2048x48xf32, #tpu.memory_space<vmem>>, %arg2: memref<2048x48xf32, #tpu.memory_space<vmem>>, %arg3: memref<2x2048x16xf32, #tpu.memory_space<vmem>>, %arg4: memref<1x48xf32, #tpu.memory_space<vmem>>, %arg5: memref<2048x40xf32, #tpu.memory_space<vmem>>) attributes {dimension_semantics = [#tpu.dimension_semantics<arbitrary>], iteration_bounds = array<i64: 5>, scalar_prefetch = 0 : i64, scratch_operands = 0 : i64, tpu.core_type = #tpu.core_type<tc>, window_params = [{transform_indices = @transform_0, window_bounds = array<i64: 2048, 48>}, {transform_indices = @transform_1, window_bounds = array<i64: 2048, 48>}, {transform_indices = @transform_2, window_bounds = array<i64: 2, 2048, 16>}, {pipeline_mode = #tpu.pipeline_mode<synchronous>, transform_indices = @transform_3, window_bounds = array<i64: 1, 48>}, {transform_indices = @transform_4, window_bounds = array<i64: 2048, 40>}]} {
    %get3A = arith.constant 0 : index
    %get3A_0 = arith.constant 0 : index
    %get3A_1 = arith.constant 0 : index
    %get3A_2 = vector.load %arg3[%get3A, %get3A_0, %get3A_1] : memref<2x2048x16xf32, #tpu.memory_space<vmem>>, vector<2x2048x16xf32>
    %slice3A = vector.extract_strided_slice %get3A_2 {offsets = [0, 0, 0], sizes = [1, 2048, 1], strides = [1, 1, 1]} : vector<2x2048x16xf32> to vector<1x2048x1xf32>
    %squeeze3A = vector.shape_cast %slice3A : vector<1x2048x1xf32> to vector<2048xf32>
    %slice3A_3 = vector.extract_strided_slice %get3A_2 {offsets = [1, 0, 0], sizes = [1, 2048, 1], strides = [1, 1, 1]} : vector<2x2048x16xf32> to vector<1x2048x1xf32>
    %squeeze3A_4 = vector.shape_cast %slice3A_3 : vector<1x2048x1xf32> to vector<2048xf32>
    %add3A = arith.addf %squeeze3A, %squeeze3A_4 : vector<2048xf32>
    %add3A_5 = arith.constant 1.000000e+00 : f32
    %add3A_6 = vector.broadcast %add3A_5 : f32 to vector<2048xf32>
    %add3A_7 = arith.addf %add3A, %add3A_6 : vector<2048xf32>
    %rsqrt3A = math.rsqrt %add3A_7 : vector<2048xf32>
    %broadcast_in_dim3A = vector.shape_cast %rsqrt3A : vector<2048xf32> to vector<2048x1xf32>
    %get3A_8 = arith.constant 0 : index
    %get3A_9 = arith.constant 0 : index
    %get3A_10 = vector.load %arg1[%get3A_8, %get3A_9] : memref<2048x48xf32, #tpu.memory_space<vmem>>, vector<2048x48xf32>
    %get3A_11 = arith.constant 0 : index
    %get3A_12 = arith.constant 0 : index
    %get3A_13 = vector.load %arg2[%get3A_11, %get3A_12] : memref<2048x48xf32, #tpu.memory_space<vmem>>, vector<2048x48xf32>
    %add3A_14 = arith.addf %get3A_10, %get3A_13 : vector<2048x48xf32>
    %mul3A = vector.broadcast %broadcast_in_dim3A : vector<2048x1xf32> to vector<2048x48xf32>
    %mul3A_15 = arith.mulf %mul3A, %add3A_14 : vector<2048x48xf32>
    %get3A_16 = arith.constant 0 : index
    %get3A_17 = arith.constant 0 : index
    %get3A_18 = vector.load %arg4[%get3A_16, %get3A_17] : memref<1x48xf32, #tpu.memory_space<vmem>>, vector<1x48xf32>
    %add3A_19 = vector.broadcast %get3A_18 : vector<1x48xf32> to vector<2048x48xf32>
    %add3A_20 = arith.addf %mul3A_15, %add3A_19 : vector<2048x48xf32>
    %reduce_max3A = arith.constant dense<0xFF800000> : vector<2048xf32>
    %reduce_max3A_21 = vector.multi_reduction <maximumf>, %add3A_20, %reduce_max3A [1] : vector<2048x48xf32> to vector<2048xf32>
    %broadcast_in_dim3A_22 = vector.shape_cast %reduce_max3A_21 : vector<2048xf32> to vector<2048x1xf32>
    %sub3A = vector.broadcast %broadcast_in_dim3A_22 : vector<2048x1xf32> to vector<2048x48xf32>
    %sub3A_23 = arith.subf %add3A_20, %sub3A : vector<2048x48xf32>
    %exp3A = math.exp %sub3A_23 : vector<2048x48xf32>
    %reduce_sum3A = arith.constant dense<0.000000e+00> : vector<2048xf32>
    %reduce_sum3A_24 = vector.multi_reduction <add>, %exp3A, %reduce_sum3A [1] : vector<2048x48xf32> to vector<2048xf32>
    %broadcast_in_dim3A_25 = vector.shape_cast %reduce_sum3A_24 : vector<2048xf32> to vector<2048x1xf32>
    %log3A = math.log %broadcast_in_dim3A_25 : vector<2048x1xf32>
    %add3A_26 = arith.addf %log3A, %broadcast_in_dim3A_22 : vector<2048x1xf32>
    %sub3A_27 = vector.broadcast %add3A_26 : vector<2048x1xf32> to vector<2048x48xf32>
    %sub3A_28 = arith.subf %add3A_20, %sub3A_27 : vector<2048x48xf32>
    %slice3A_29 = vector.extract_strided_slice %sub3A_28 {offsets = [0, 0], sizes = [2048, 40], strides = [1, 1]} : vector<2048x48xf32> to vector<2048x40xf32>
    %swap3A = arith.constant 0 : index
    %swap3A_30 = arith.constant 0 : index
    %swap3A_31 = vector.load %arg5[%swap3A, %swap3A_30] : memref<2048x40xf32, #tpu.memory_space<vmem>>, vector<2048x40xf32>
    tpu.vector_store %arg5[%swap3A, %swap3A_30], %slice3A_29 {strides = array<i32>} : memref<2048x40xf32, #tpu.memory_space<vmem>>, vector<2048x40xf32>,
    return
  }
  func.func @transform_0(%arg0: i32) -> (i32, i32) {
    %c0_i32 = arith.constant 0 : i32
    %c0_i32_0 = arith.constant 0 : i32
    return %arg0, %c0_i32 : i32, i32
  }
  func.func @transform_1(%arg0: i32) -> (i32, i32) {
    %c0_i32 = arith.constant 0 : i32
    %c0_i32_0 = arith.constant 0 : i32
    return %arg0, %c0_i32 : i32, i32
  }
  func.func @transform_2(%arg0: i32) -> (i32, i32, i32) {
    %c0_i32 = arith.constant 0 : i32
    %c0_i32_0 = arith.constant 0 : i32
    %c0_i32_1 = arith.constant 0 : i32
    return %c0_i32, %arg0, %c0_i32_0 : i32, i32, i32
  }
  func.func @transform_3(%arg0: i32) -> (i32, i32) {
    %c0_i32 = arith.constant 0 : i32
    %c0_i32_0 = arith.constant 0 : i32
    %c0_i32_1 = arith.constant 0 : i32
    return %c0_i32, %c0_i32_0 : i32, i32
  }
  func.func @transform_4(%arg0: i32) -> (i32, i32) {
    %c0_i32 = arith.constant 0 : i32
    %c0_i32_0 = arith.constant 0 : i32
    return %arg0, %c0_i32 : i32, i32
  }
}

</mosaic_0001>

<sc_bundles>
// kernel: kernel.10.cloned.1.call-start
scs
__scs_entry_jumppad:
0x0: {  	(pc) =	sbr.rel $0x88, $3  }
0x1: {  	(tag) =	ssettag $0x0;
	lr =	simm.s32 $0x1  }
0x2: {  	[smem:$0x3F99] =	sst lr;
	_ =	strace $0xD0000000  }
0x3: {  	_ = 	snop  }
0x4: {  	_ = 	snop  }
0x5: {  	_ = 	snop  }
0x6: {  	_ = 	snop  }
0x7: {  	_ = 	snop  }
__scs_overlays_trampoline_lowered:
0x8: {  	[smem:$0x3FA8] =	sst s0  }
0x9: {  	[smem:$0x3FA9] =	sst s1  }
0xa: {  	[smem:$0x3FAA] =	sst s2  }
0xb: {  	[smem:$0x3FAB] =	sst s3  }
0xc: {  	[smem:$0x3FAC] =	sst s4  }
0xd: {  	[smem:$0x3FAD] =	sst s5  }
0xe: {  	[smem:$0x3FAE] =	sst s6  }
0xf: {  	[smem:$0x3FAF] =	sst s7  }
0x10: {  	[smem:$0x3FB0] =	sst s8  }
0x11: {  	[smem:$0x3FB1] =	sst s9;
	s0 =	simm.s32 @!p0 $0x0  }
0x12: {  	s1 =	sld [smem:$0x3F97];
	s0 =	simm.s32 @p0 $0x1  }
0x13: {  	[smem:$0x3FB2] =	sst s0;
	s0 =	simm.s32 @!p1 $0x0  }
0x14: {  	s2 =	sld [smem:$0x3F96];
	s0 =	simm.s32 @p1 $0x1  }
0x15: {  	[smem:$0x3FB3] =	sst s0;
	s0 =	simm.s32 @!p2 $0x0  }
0x16: {  	s3 =	sld [smem:$0x3FDB];
	s0 =	simm.s32 @p2 $0x1  }
0x17: {  	s4 =	simm.s32 $0x1BF5;
	[smem:$0x3FB5] =	sst s0  }
0x18: {  	s0 =	sld [smem:$0x3F98];
	_ =	swait.ge [sflag:s4], $0x0  }
0x19: {  	s7 =	sld [smem:$0x3F99]  }
0x1a: {  	s8 =	sadd.s32 $0xFFFFE003, lr  }
0x1b: {  	s9 =	sadd.s32 $0xFFFFFEF7, lr;
	s5 =	simm.s32 $0xFFFFFFFF;
	p2 =	slt.u32 s8, $0xFFFFF086  }
0x1c: {  	p1 =	slt.u32 s9, $0xF7A;
	s5 =	simm.s32 @!p2 $0x0  }
0x1d: {  	s5 =	simm.s32 @p1 $0x1;
	p0 =	seq.s32 s7, s2  }
0x1e: {  	s7 =	smul.u32 @!p0 $0xF7A, s2;
	p2 =	seq.s32 @!p0 s5, $0x0  }
0x1f: {  	s9 =	smul.u32 $0xF7A, s1;
	s8 =	simm.s32 @!p0 $0x1BF5;
	p2 =	por !p2, p0  }
0x20: {  	[sflag:s8] =	ssyncset.s32 @!p0 $0xFFFFF086;
	s6 =	sadd.s32 @!p0 s3, s7;
	s7 =	simm.s32 @!p0 $0x108  }
0x21: {  	s3 =	sadd.s32 s3, s9;
	s6 =	sadd.s32 @!p0 $0x88, s6;
	s7 =	simm.s32 @p2 $0x1082  }
0x22: {  	[simem:s7], [sflag:s8] =	dma.local @!p0 [hbm:s6], $0xF7A  }
0x23: {  	s9 =	sor.u32 $0xD0000000, s2;
	s6 =	simm.s32 $0x108;
	_ =	swait.ge @!p0 [sflag:s8], $0x0  }
0x24: {  	s3 =	sadd.s32 $0x88, s3;
	s6 =	simm.s32 @!p1 $0x1082;
	[sflag:s4] =	ssyncset.s32 $0xFFFFF086  }
0x25: {  	[simem:s6], [sflag:s4] =	dma.local [hbm:s3], $0xF7A  }
0x26: {  	[smem:$0x3F99] =	sst s1;
	(tag) =	ssettag s2;
	_ =	strace s9  }
0x27: {  	s1 =	sld [smem:$0x3FA9]  }
0x28: {  	s2 =	sld [smem:$0x3FAA]  }
0x29: {  	s4 =	sld [smem:$0x3FAC]  }
0x2a: {  	p0 =	seq.s32 s5, $0x0;
	s5 =	sld [smem:$0x3FAD]  }
0x2b: {  	s6 =	sld [smem:$0x3FAE]  }
0x2c: {  	s7 =	sld [smem:$0x3FAF]  }
0x2d: {  	s3 =	simm.s32 $0x108;
	s8 =	sld [smem:$0x3FB0]  }
0x2e: {  	s3 =	simm.s32 @!p0 $0x1082;
	s9 =	sld [smem:$0x3FB1]  }
0x2f: {  	lr =	sadd.s32 s0, s3;
	s0 =	sld [smem:$0x3FA8]  }
0x30: {  	s3 =	sld [smem:$0x3FAB]  }
0x31: {  	[smem:$0x3FB4] =	sst s10  }
0x32: {  	s10 =	sld [smem:$0x3FB2];
	_ =	sdelay $0x3  }
0x33: {  	p0 =	seq.s32 s10, $0x1;
	s10 =	sld [smem:$0x3FB4];
	_ =	sdelay $0x3  }
0x34: {  	[smem:$0x3FB4] =	sst s10  }
0x35: {  	s10 =	sld [smem:$0x3FB3];
	_ =	sdelay $0x3  }
0x36: {  	p1 =	seq.s32 s10, $0x1;
	s10 =	sld [smem:$0x3FB4];
	_ =	sdelay $0x3  }
0x37: {  	[smem:$0x3FB4] =	sst s10  }
0x38: {  	s10 =	sld [smem:$0x3FB5]  }
0x39: {  	_ = 	snop;
	(pc) =	sbr.ind lr, $3  }
0x3a: {  	_ = 	snop  }
0x3b: {  	_ = 	snop  }
0x3c: {  	p2 =	seq.s32 s10, $0x1;
	s10 =	sld [smem:$0x3FB4]  }
0x3d: {  	_ =	shalt  }
0x3e: {  	_ =	shalt  }
0x3f: {  	_ =	shalt  }
0x40: {  	_ =	shalt  }
0x41: {  	_ =	shalt  }
0x42: {  	_ =	shalt  }
0x43: {  	_ =	shalt  }
0x44: {  	_ =	shalt  }
0x45: {  	_ =	shalt  }
0x46: {  	_ =	shalt  }
0x47: {  	_ =	shalt  }
0x48: {  	_ =	shalt  }
0x49: {  	_ =	shalt  }
0x4a: {  	_ =	shalt  }
0x4b: {  	_ =	shalt  }
0x4c: {  	_ =	shalt  }
0x4d: {  	_ =	shalt  }
0x4e: {  	_ =	shalt  }
0x4f: {  	_ =	shalt  }
0x50: {  	_ =	shalt  }
0x51: {  	_ =	shalt  }
0x52: {  	_ =	shalt  }
0x53: {  	_ =	shalt  }
0x54: {  	_ =	shalt  }
0x55: {  	_ =	shalt  }
0x56: {  	_ =	shalt  }
0x57: {  	_ =	shalt  }
0x58: {  	_ =	shalt  }
0x59: {  	_ =	shalt  }
0x5a: {  	_ =	shalt  }
0x5b: {  	_ =	shalt  }
0x5c: {  	_ =	shalt  }
0x5d: {  	_ =	shalt  }
0x5e: {  	_ =	shalt  }
0x5f: {  	_ =	shalt  }
0x60: {  	_ =	shalt  }
0x61: {  	_ =	shalt  }
0x62: {  	_ =	shalt  }
0x63: {  	_ =	shalt  }
0x64: {  	_ =	shalt  }
0x65: {  	_ =	shalt  }
0x66: {  	_ =	shalt  }
0x67: {  	_ =	shalt  }
0x68: {  	_ =	shalt  }
0x69: {  	_ =	shalt  }
0x6a: {  	_ =	shalt  }
0x6b: {  	_ =	shalt  }
0x6c: {  	_ =	shalt  }
0x6d: {  	_ =	shalt  }
0x6e: {  	_ =	shalt  }
0x6f: {  	_ =	shalt  }
0x70: {  	_ =	shalt  }
0x71: {  	_ =	shalt  }
0x72: {  	_ =	shalt  }
0x73: {  	_ =	shalt  }
0x74: {  	_ =	shalt  }
0x75: {  	_ =	shalt  }
0x76: {  	_ =	shalt  }
0x77: {  	_ =	shalt  }
0x78: {  	_ =	shalt  }
0x79: {  	_ =	shalt  }
0x7a: {  	_ =	shalt  }
0x7b: {  	_ =	shalt  }
0x7c: {  	_ =	shalt  }
0x7d: {  	_ =	shalt  }
0x7e: {  	_ =	shalt  }
0x7f: {  	_ =	shalt  }
0x80: {  	_ =	shalt  }
0x81: {  	_ =	shalt  }
0x82: {  	_ =	shalt  }
0x83: {  	_ =	shalt  }
0x84: {  	_ =	shalt  }
0x85: {  	_ =	shalt  }
0x86: {  	_ =	shalt  }
0x87: {  	_ =	shalt  }
.Lfunc_end0:
.L_simem_size_0:
called_computation_lowered:
.L_overlay_start_0:
0x88: {  	s2 =	sld [smem:$0x3FD9]  }
0x89: {  	s3 =	sld [smem:$0x3FFE];
	_ =	sdelay $0x1  }
0x8a: {  	s1 =	srdreg.scid  }
0x8b: {  	s0 =	sand.u32 $0x1, s1  }
0x8c: {  	s17 =	sshll.u32 s0, $0xA;
	s2 =	sadd.s32 s3, s2  }
0x8d: {  	s2 =	sadd.s32 s2, s17  }
0x8e: {  	[smem:$0x3FC0] =	sst s2  }
0x8f: {  	_ = 	snop  }
0x90: {  	s2 =	sld [smem:$0x3FD0];
	(tm) =	ssettm $0x1  }
0x91: {  	s18 =	sld [smem:$0x3FFB];
	_ =	sdelay $0x3  }
0x92: {  	_ =	strace s18  }
0x93: {  	s3 =	sld [smem:$0x3FFC];
	_ =	sdelay $0x3  }
0x94: {  	_ =	strace s3  }
0x95: {  	s3 =	sld [smem:$0x3FFD];
	_ =	sdelay $0x3  }
0x96: {  	_ =	strace s3  }
0x97: {  	_ =	strace $0x8FFFFFFF  }
0x98: {  	s19 =	sld [smem:$0x3FDB];
	_ =	sdelay $0x1  }
0x99: {  	s4 =	simm.s32 $_scs_section_size  }
0x9a: {  	s5 =	simm.s32 $_size__tile_overlayer_lowered;
	s6 =	simm.s32 $_tile_overlayer_lowered  }
0x9b: {  	s22 =	simm.s32 $0x1BFF;
	s21 =	sshll.u32 s6, $0x1;
	s3 =	sadd.s32 s4, s19  }
0x9c: {  	s7 =	simm.s32 $0x0;
	s20 =	sshll.u32 s5, $0x1;
	s5 =	sadd.s32 s21, s3  }
0x9d: {  	[timem:s7], [sflag:s22] =	dma.local [hbm:s5], s20  }
0x9e: {  	_ =	swait.ge [sflag:s22], s20  }
0x9f: {  	s4 =	ssub.s32 $0x0, s20;
	[sflag:s22] =	ssyncset.done $0x0  }
0xa0: {  	[sflag:s22] =	ssyncadd.s32 s4;
	_ =	sdelay $0x1  }
0xa1: {  	s23 =	simm.s32 $0x1B8B  }
0xa2: {  	_ =	swait.ge [sflag:s23], $0x1  }
0xa3: {  	[sflag:s23] =	ssyncset.done $0x0  }
0xa4: {  	s25 =	simm.s32 $0x1B8E;
	s24 =	sld [smem:$0x3FFE];
	[sflag:s23] =	ssyncadd.s32 $0xFFFFFFFF  }
0xa5: {  	s26 =	simm.s32 $execute0_lowered;
	[smem:$0x3FD2] =	sst s25  }
0xa6: {  	s5 =	sshll.u32 s26, $0x1;
	_ =	strace $0x80000046;
	[dreg:$0x1] =	wrdreg $0xFFFFFFFF  }
0xa7: {  	s28 =	simm.s32 $_size_execute0_lowered;
	s3 =	sadd.s32 s3, s5;
	[dreg:$0x0] =	wrdreg $0x0  }
0xa8: {  	s5 =	sshll.u32 s28, $0x1;
	[dreg:$0x2] =	wrdreg s3  }
0xa9: {  	[dreg:$0x3] =	wrdreg s5  }
0xaa: {  	[dreg:$0x4] =	wrdreg $0xC0  }
0xab: {  	_ =	task [dreg:s7], $0x5FFFF  }
0xac: {  	[dreg:$0x1] =	wrdreg $0xFFFFFFFF  }
0xad: {  	[dreg:$0x0] =	wrdreg $0x60  }
0xae: {  	[dreg:$0x2] =	wrdreg s2  }
0xaf: {  	[dreg:$0x3] =	wrdreg s24  }
0xb0: {  	[dreg:$0x4] =	wrdreg $0x10800  }
0xb1: {  	[dreg:$0x5] =	wrdreg $0x9  }
0xb2: {  	_ =	task.clear_ibuf [dreg:s7], $0x6FFFF;
	_ =	strace $0x90000046  }
0xb3: {  	s29 =	simm.s32 $0x9;
	_ =	strace $0x80000048  }
0xb4: {  	_ =	swait.ge [sflag:s29], $0x1  }
0xb5: {  	[sflag:s29] =	ssyncadd.s32 $0xFFFFFFFF  }
0xb6: {  	_ =	strace $0x90000048  }
0xb7: {  	_ =	sfence  }
0xb8: {  	s30 =	sld [smem:$0x0];
	_ =	sdelay $0x2  }
0xb9: {  	s31 =	sshll.u32 s1, $0xD;
	s1 =	sshrl.u32 s1, $0x2  }
0xba: {  	s3 =	sand.u32 $0x4000, s31;
	s1 =	sadd.s32 s1, s30  }
0xbb: {  	s0 =	sor.u32 s3, s0;
	s1 =	sshll.u32 s1, $0x11  }
0xbc: {  	s0 =	sor.u32 s1, s0  }
0xbd: {  	s0 =	sadd.s32 $0x8F2B, s0  }
0xbe: {  	[sflag:s0] =	ssyncadd.remote.s32 $0x1  }
0xbf: {  	_ =	sfence.sel $0xFFFF  }
0xc0: {  	[dreg:$0x0] =	wrdreg $0xFFFFFFFF;
	(pc) =	sbr.abs _section_cstart, $3  }
0xc1: {  	[dreg:$0x1] =	wrdreg $0xFFFFFFFF  }
0xc2: {  	_ =	task.clear_ibuf [dreg:s7], $0x2FFFF;
	_ =	strace $0x9FFFFFFF  }
0xc3: {  	(tm) =	ssettm $0x7FFFFFFF  }
tec
execute0_lowered:
.L_overlay_start_1:
0x0: {  	(tag) =	ssettag $0x1  }
0x1: {  	s11 =	rddreg [dreg:$0x0]  }
0x2: {  	s5 =	rddreg [dreg:$0x1]  }
0x3: {  	s1 =	rddreg [dreg:$0x2]  }
0x4: {  	s0 =	rddreg [dreg:$0x3];
	s2 =	simm.s32 $0x0;
	s3 =	srdreg.scid  }
0x5: {  	[smem:$0x7FF] =	sst s2;
	s8 =	sand.u32 $0x1, s3  }
0x6: {  	s3 =	stileid.u32;
	s6 =	smul.u32 $0x5000, s8  }
0x7: {  	s4 =	sadd.s32 $0x3400, s5;
	s7 =	ssub.s32 $0x2, s8;
	s10 =	smul.u32 $0x2800, s3  }
0x8: {  	_ =	strace $0x80000047;
	s18 =	smul.u32 $0x28000, s8;
	s29 =	sshrl.u32 s7, $0x1  }
0x9: {  	s12 =	sadd.s32 s6, s5;
	s13 =	ssub.s32 s7, s29;
	s14 =	sadd.s32 $0x800, s10  }
0xa: {  	s15 =	sadd.s32 $0x1000, s10;
	s5 =	sadd.s32 s10, s1;
	s16 =	sadd.s32 $0x1800, s10  }
0xb: {  	s17 =	sadd.s32 $0x2000, s10;
	s20 =	sshrl.u32 s10, $0x3;
	s10 =	sadd.s32 s10, s18  }
0xc: {  	s6 =	sadd.s32 s14, s1;
	s7 =	sadd.s32 s15, s1;
	s8 =	sadd.s32 s16, s1  }
0xd: {  	s9 =	sadd.s32 s17, s1;
	s19 =	sadd.s32 $0x3600, s12;
	s21 =	sshrl.u32 s14, $0x3  }
0xe: {  	s30 =	sshrl.u32 s15, $0x3;
	s22 =	sshrl.u32 s16, $0x3;
	s31 =	sshrl.u32 s10, $0x3  }
0xf: {  	s23 =	sshrl.u32 s17, $0x3;
	s10 =	smax.u32 s13, $0x1;
	s12 =	simm.s32 $0x880  }
0x10: {  	s13 =	simm.s32 $0x1;
	s14 =	simm.s32 $0x80;
	s11 =	sadd.s32 s31, s11  }
0x11: {  	s15 =	sadd.s32 s20, s19;
	s16 =	sadd.s32 s21, s19;
	s17 =	sadd.s32 s30, s19  }
0x12: {  	v0 =	vimm.f32 $0.0e+00;
	s18 =	sadd.s32 s22, s19;
	s19 =	sadd.s32 s23, s19;
	s20 =	simm.s32 $0x0  }
.LBB2_1:
0x13: {  	s21 =	simm.s32 $0x40;
	s22 =	simm.s32 $0x0  }
.LBB2_2:
0x14: {  	p0 =	sne.s32 s21, $0x1FC0;
	[tilespmem:s22+$0x880] =	vst v0;
	s22 =	smov.u32 s21;
	s21 =	sadd.s32 $0x40, s21  }
.Ltmp0:
0x15: {  	(pc) =	sbr.rel @p0 .LBB2_2-.Ltmp0, $2  }
0x16: {  	_ =	sdelay $0x2  }
0x17: {  	s22 =	sshra.s32 s22, $0x2  }
0x18: {  	[tilespmem:s22+$0x880] =	vst v0  }
0x19: {  	[spmem:s5] =	stream.linear.scatter [tilespmem:s12], [sflag:$0x1], $0x800, $0x38;
	[tilespmem:$0x3880] =	vst v63  }
0x1a: {  	_ =	swait.ge [sflag:s13], $0x800  }
0x1b: {  	[sflag:s13] =	ssyncset.done $0x0  }
0x1c: {  	[sflag:s13] =	ssyncadd.s32 $0xFFFFF800  }
0x1d: {  	[spmem:s6] =	stream.linear.scatter [tilespmem:s12], [sflag:$0x1], $0x800, $0x38;
	[tilespmem:$0x3880] =	vst v63  }
0x1e: {  	_ =	swait.ge [sflag:s13], $0x800  }
0x1f: {  	[sflag:s13] =	ssyncset.done $0x0  }
0x20: {  	[sflag:s13] =	ssyncadd.s32 $0xFFFFF800  }
0x21: {  	[spmem:s7] =	stream.linear.scatter [tilespmem:s12], [sflag:$0x1], $0x800, $0x38;
	[tilespmem:$0x3880] =	vst v63  }
0x22: {  	_ =	swait.ge [sflag:s13], $0x800  }
0x23: {  	[sflag:s13] =	ssyncset.done $0x0  }
0x24: {  	[sflag:s13] =	ssyncadd.s32 $0xFFFFF800  }
0x25: {  	[spmem:s8] =	stream.linear.scatter [tilespmem:s12], [sflag:$0x1], $0x800, $0x38;
	[tilespmem:$0x3880] =	vst v63  }
0x26: {  	_ =	swait.ge [sflag:s13], $0x800  }
0x27: {  	[sflag:s13] =	ssyncset.done $0x0  }
0x28: {  	[sflag:s13] =	ssyncadd.s32 $0xFFFFF800  }
0x29: {  	[spmem:s9] =	stream.linear.scatter [tilespmem:s12], [sflag:$0x1], $0x800, $0x38;
	[tilespmem:$0x3880] =	vst v63  }
0x2a: {  	_ =	swait.ge [sflag:s13], $0x800  }
0x2b: {  	[sflag:s13] =	ssyncset.done $0x0  }
0x2c: {  	s21 =	simm.s32 $0x0;
	[sflag:s13] =	ssyncadd.s32 $0xFFFFF800  }
0x2d: {  	[tilespmem:s14], [sflag:$0x1] =	stream.linear.gather [hbm4b:s4+s21], $0x800, $0x38;
	[tilespmem:$0x3880] =	vst v63  }
0x2e: {  	_ =	swait.ge [sflag:s13], $0x800  }
0x2f: {  	[sflag:s13] =	ssyncset.done $0x0  }
0x30: {  	[sflag:s13] =	ssyncadd.s32 $0xFFFFF800  }
0x31: {  	s31 =	sadd.s32 $0x0, s11;
	[bflag:$0x0] =	sbarrier.arrive $0xFFFF  }
0x32: {  	[tilespmem:s2], [sflag:$0x1] =	stream.linear.gather [hbm4b:s31+s2], $0x80, $0x38;
	[tilespmem:$0x3880] =	vst v63  }
0x33: {  	_ =	swait.ge [sflag:s13], $0x80  }
0x34: {  	[sflag:s13] =	ssyncset.done $0x0  }
0x35: {  	[sflag:s13] =	ssyncadd.s32 $0xFFFFFF80  }
0x36: {  	[spmem:s1] =	stream.indirect.scatter.add.f32 [tilespmem:s14], [sflag:$0x1], $0x10, s2, s14, $0xb8;
	[tilespmem:$0x3880] =	vst v63  }
0x37: {  	_ =	swait.ge [sflag:s13], $0x800  }
0x38: {  	s22 =	simm.s32 $0x20;
	s21 =	simm.s32 $0x10;
	[sflag:s13] =	ssyncset.done $0x0  }
.LBB2_4:
0x39: {  	s23 =	sadd.s32 s21, s11  }
0x3a: {  	[sflag:s13] =	ssyncadd.s32 $0xFFFFF800;
	s21 =	smov.u32 s22;
	s24 =	sadd.s32 $0x10, s22  }
0x3b: {  	[tilespmem:s2], [sflag:$0x1] =	stream.linear.gather [hbm4b:s23+s2], $0x80, $0x38;
	[tilespmem:$0x3880] =	vst v63  }
0x3c: {  	p0 =	sne.s32 s22, $0x4F0;
	_ =	swait.ge [sflag:s13], $0x80  }
.Ltmp1:
0x3d: {  	[sflag:s13] =	ssyncset.done $0x0;
	(pc) =	sbr.rel @p0 .LBB2_4-.Ltmp1, $4  }
0x3e: {  	[sflag:s13] =	ssyncadd.s32 $0xFFFFFF80  }
0x3f: {  	[spmem:s1] =	stream.indirect.scatter.add.f32 [tilespmem:s14], [sflag:$0x1], $0x10, s2, s14, $0xb8;
	[tilespmem:$0x3880] =	vst v63  }
0x40: {  	_ =	swait.ge [sflag:s13], $0x800  }
0x41: {  	s22 =	smov.u32 s24;
	[sflag:s13] =	ssyncset.done $0x0  }
0x42: {  	s21 =	sadd.s32 s21, s11;
	[sflag:s13] =	ssyncadd.s32 $0xFFFFF800  }
0x43: {  	[tilespmem:s2], [sflag:$0x1] =	stream.linear.gather [hbm4b:s21+s2], $0x80, $0x38;
	[tilespmem:$0x3880] =	vst v63  }
0x44: {  	_ =	swait.ge [sflag:s13], $0x80  }
0x45: {  	[sflag:s13] =	ssyncset.done $0x0  }
0x46: {  	[sflag:s13] =	ssyncadd.s32 $0xFFFFFF80  }
0x47: {  	[spmem:s1] =	stream.indirect.scatter.add.f32 [tilespmem:s14], [sflag:$0x1], $0x10, s2, s14, $0xb8;
	[tilespmem:$0x3880] =	vst v63  }
0x48: {  	_ =	swait.ge [sflag:s13], $0x800  }
0x49: {  	[sflag:s13] =	ssyncset.done $0x0  }
0x4a: {  	[sflag:s13] =	ssyncadd.s32 $0xFFFFF800  }
0x4b: {  	[bflag:$0x0] =	sbarrier.arrive $0xFFFF  }
0x4c: {  	[tilespmem:s14], [sflag:$0x1] =	stream.linear.gather [spmem:s5], $0x800, $0x38;
	[tilespmem:$0x3880] =	vst v63  }
0x4d: {  	_ =	swait.ge [sflag:s13], $0x800  }
0x4e: {  	[sflag:s13] =	ssyncset.done $0x0  }
0x4f: {  	[sflag:s13] =	ssyncadd.s32 $0xFFFFF800  }
0x50: {  	[hbm4b:s15+s2] =	stream.linear.scatter [tilespmem:s14], [sflag:$0x1], $0x800, $0x38;
	[tilespmem:$0x3880] =	vst v63  }
0x51: {  	_ =	swait.ge [sflag:s13], $0x800  }
0x52: {  	[sflag:s13] =	ssyncset.done $0x0  }
0x53: {  	[sflag:s13] =	ssyncadd.s32 $0xFFFFF800  }
0x54: {  	[tilespmem:s14], [sflag:$0x1] =	stream.linear.gather [spmem:s6], $0x800, $0x38;
	[tilespmem:$0x3880] =	vst v63  }
0x55: {  	_ =	swait.ge [sflag:s13], $0x800  }
0x56: {  	[sflag:s13] =	ssyncset.done $0x0  }
0x57: {  	[sflag:s13] =	ssyncadd.s32 $0xFFFFF800  }
0x58: {  	[hbm4b:s16+s2] =	stream.linear.scatter [tilespmem:s14], [sflag:$0x1], $0x800, $0x38;
	[tilespmem:$0x3880] =	vst v63  }
0x59: {  	_ =	swait.ge [sflag:s13], $0x800  }
0x5a: {  	[sflag:s13] =	ssyncset.done $0x0  }
0x5b: {  	[sflag:s13] =	ssyncadd.s32 $0xFFFFF800  }
0x5c: {  	[tilespmem:s14], [sflag:$0x1] =	stream.linear.gather [spmem:s7], $0x800, $0x38;
	[tilespmem:$0x3880] =	vst v63  }
0x5d: {  	_ =	swait.ge [sflag:s13], $0x800  }
0x5e: {  	[sflag:s13] =	ssyncset.done $0x0  }
0x5f: {  	[sflag:s13] =	ssyncadd.s32 $0xFFFFF800  }
0x60: {  	[hbm4b:s17+s2] =	stream.linear.scatter [tilespmem:s14], [sflag:$0x1], $0x800, $0x38;
	[tilespmem:$0x3880] =	vst v63  }
0x61: {  	_ =	swait.ge [sflag:s13], $0x800  }
0x62: {  	[sflag:s13] =	ssyncset.done $0x0  }
0x63: {  	[sflag:s13] =	ssyncadd.s32 $0xFFFFF800  }
0x64: {  	[tilespmem:s14], [sflag:$0x1] =	stream.linear.gather [spmem:s8], $0x800, $0x38;
	[tilespmem:$0x3880] =	vst v63  }
0x65: {  	_ =	swait.ge [sflag:s13], $0x800  }
0x66: {  	[sflag:s13] =	ssyncset.done $0x0  }
0x67: {  	[sflag:s13] =	ssyncadd.s32 $0xFFFFF800  }
0x68: {  	[hbm4b:s18+s2] =	stream.linear.scatter [tilespmem:s14], [sflag:$0x1], $0x800, $0x38;
	[tilespmem:$0x3880] =	vst v63  }
0x69: {  	_ =	swait.ge [sflag:s13], $0x800  }
0x6a: {  	[sflag:s13] =	ssyncset.done $0x0  }
0x6b: {  	[sflag:s13] =	ssyncadd.s32 $0xFFFFF800  }
0x6c: {  	[tilespmem:s14], [sflag:$0x1] =	stream.linear.gather [spmem:s9], $0x800, $0x38;
	[tilespmem:$0x3880] =	vst v63  }
0x6d: {  	s20 =	sadd.s32 $0x1, s20;
	_ =	swait.ge [sflag:s13], $0x800  }
0x6e: {  	p0 =	sne.s32 s20, s10;
	[sflag:s13] =	ssyncset.done $0x0  }
.Ltmp2:
0x6f: {  	[sflag:s13] =	ssyncadd.s32 $0xFFFFF800;
	(pc) =	sbr.rel @p0 .LBB2_1-.Ltmp2, $4  }
0x70: {  	[hbm4b:s19+s2] =	stream.linear.scatter [tilespmem:s14], [sflag:$0x1], $0x800, $0x38;
	[tilespmem:$0x3880] =	vst v63  }
0x71: {  	_ =	swait.ge [sflag:s13], $0x800  }
0x72: {  	[sflag:s13] =	ssyncset.done $0x0  }
0x73: {  	[sflag:s13] =	ssyncadd.s32 $0xFFFFF800  }
0x74: {  	_ =	sfence.sel $0x180000  }
0x75: {  	[bflag:$0x0] =	sbarrier.arrive $0xFFFF  }
0x76: {  	p0 =	sne.s32 s3, $0x0;
	_ =	strace $0x90000047  }
0x77: {  	s0 =	sadd.s32 @!p0 $0x100000, s0;
	[bflag:$0x2] =	sbarrier.arrive $0xFFFF  }
0x78: {  	[sflag:s0] =	ssyncadd.tile.s32 @!p0 $0x1;
	_ =	shalt  }
.Lfunc_end2:
_tile_overlayer_lowered:
.L_overlay_start_2:
0x79: {  	(tag) =	ssettag $0x2  }
0x7a: {  	s0 =	rddreg [dreg:$0x0];
	s2 =	stileid.u32  }
0x7b: {  	s1 =	rddreg [dreg:$0x1];
	p0 =	sne.s32 s2, $0x0  }
0x7c: {  	s3 =	rddreg [dreg:$0x2];
	[bflag:$0x3] =	sbarrier.arrive $0xFFFF;
	s2 =	simm.s32 @!p0 $0x1C01  }
0x7d: {  	[timem:s3], [sflag:s2] =	dma.local @!p0 [hbm:s0], s1  }
0x7e: {  	s0 =	simm.s32 @!p0 $0x1  }
0x7f: {  	_ =	swait.ge @!p0 [sflag:s0], s1  }
0x80: {  	s1 =	ssub.s32 @!p0 $0x0, s1;
	[sflag:s0] =	ssyncset.done @!p0 $0x0  }
0x81: {  	[sflag:s0] =	ssyncadd.s32 @!p0 s1  }
0x82: {  	[bflag:$0x3] =	sbarrier.arrive $0xFFFF  }
0x83: {  	_ =	shalt  }

// kernel: kernel.13.cloned.1.call-start
scs
__scs_entry_jumppad:
0x0: {  	(pc) =	sbr.rel $0x88, $3  }
0x1: {  	(tag) =	ssettag $0x0;
	lr =	simm.s32 $0x1  }
0x2: {  	[smem:$0x3F99] =	sst lr;
	_ =	strace $0xD0000000  }
0x3: {  	_ = 	snop  }
0x4: {  	_ = 	snop  }
0x5: {  	_ = 	snop  }
0x6: {  	_ = 	snop  }
0x7: {  	_ = 	snop  }
__scs_overlays_trampoline_lowered:
0x8: {  	[smem:$0x3FA8] =	sst s0  }
0x9: {  	[smem:$0x3FA9] =	sst s1  }
0xa: {  	[smem:$0x3FAA] =	sst s2  }
0xb: {  	[smem:$0x3FAB] =	sst s3  }
0xc: {  	[smem:$0x3FAC] =	sst s4  }
0xd: {  	[smem:$0x3FAD] =	sst s5  }
0xe: {  	[smem:$0x3FAE] =	sst s6  }
0xf: {  	[smem:$0x3FAF] =	sst s7  }
0x10: {  	[smem:$0x3FB0] =	sst s8  }
0x11: {  	[smem:$0x3FB1] =	sst s9;
	s0 =	simm.s32 @!p0 $0x0  }
0x12: {  	s1 =	sld [smem:$0x3F97];
	s0 =	simm.s32 @p0 $0x1  }
0x13: {  	[smem:$0x3FB2] =	sst s0;
	s0 =	simm.s32 @!p1 $0x0  }
0x14: {  	s2 =	sld [smem:$0x3F96];
	s0 =	simm.s32 @p1 $0x1  }
0x15: {  	[smem:$0x3FB3] =	sst s0;
	s0 =	simm.s32 @!p2 $0x0  }
0x16: {  	s3 =	sld [smem:$0x3FDB];
	s0 =	simm.s32 @p2 $0x1  }
0x17: {  	s4 =	simm.s32 $0x1BF5;
	[smem:$0x3FB5] =	sst s0  }
0x18: {  	s0 =	sld [smem:$0x3F98];
	_ =	swait.ge [sflag:s4], $0x0  }
0x19: {  	s7 =	sld [smem:$0x3F99]  }
0x1a: {  	s8 =	sadd.s32 $0xFFFFE003, lr  }
0x1b: {  	s9 =	sadd.s32 $0xFFFFFEF7, lr;
	s5 =	simm.s32 $0xFFFFFFFF;
	p2 =	slt.u32 s8, $0xFFFFF086  }
0x1c: {  	p1 =	slt.u32 s9, $0xF7A;
	s5 =	simm.s32 @!p2 $0x0  }
0x1d: {  	s5 =	simm.s32 @p1 $0x1;
	p0 =	seq.s32 s7, s2  }
0x1e: {  	s7 =	smul.u32 @!p0 $0xF7A, s2;
	p2 =	seq.s32 @!p0 s5, $0x0  }
0x1f: {  	s9 =	smul.u32 $0xF7A, s1;
	s8 =	simm.s32 @!p0 $0x1BF5;
	p2 =	por !p2, p0  }
0x20: {  	[sflag:s8] =	ssyncset.s32 @!p0 $0xFFFFF086;
	s6 =	sadd.s32 @!p0 s3, s7;
	s7 =	simm.s32 @!p0 $0x108  }
0x21: {  	s3 =	sadd.s32 s3, s9;
	s6 =	sadd.s32 @!p0 $0x88, s6;
	s7 =	simm.s32 @p2 $0x1082  }
0x22: {  	[simem:s7], [sflag:s8] =	dma.local @!p0 [hbm:s6], $0xF7A  }
0x23: {  	s9 =	sor.u32 $0xD0000000, s2;
	s6 =	simm.s32 $0x108;
	_ =	swait.ge @!p0 [sflag:s8], $0x0  }
0x24: {  	s3 =	sadd.s32 $0x88, s3;
	s6 =	simm.s32 @!p1 $0x1082;
	[sflag:s4] =	ssyncset.s32 $0xFFFFF086  }
0x25: {  	[simem:s6], [sflag:s4] =	dma.local [hbm:s3], $0xF7A  }
0x26: {  	[smem:$0x3F99] =	sst s1;
	(tag) =	ssettag s2;
	_ =	strace s9  }
0x27: {  	s1 =	sld [smem:$0x3FA9]  }
0x28: {  	s2 =	sld [smem:$0x3FAA]  }
0x29: {  	s4 =	sld [smem:$0x3FAC]  }
0x2a: {  	p0 =	seq.s32 s5, $0x0;
	s5 =	sld [smem:$0x3FAD]  }
0x2b: {  	s6 =	sld [smem:$0x3FAE]  }
0x2c: {  	s7 =	sld [smem:$0x3FAF]  }
0x2d: {  	s3 =	simm.s32 $0x108;
	s8 =	sld [smem:$0x3FB0]  }
0x2e: {  	s3 =	simm.s32 @!p0 $0x1082;
	s9 =	sld [smem:$0x3FB1]  }
0x2f: {  	lr =	sadd.s32 s0, s3;
	s0 =	sld [smem:$0x3FA8]  }
0x30: {  	s3 =	sld [smem:$0x3FAB]  }
0x31: {  	[smem:$0x3FB4] =	sst s10  }
0x32: {  	s10 =	sld [smem:$0x3FB2];
	_ =	sdelay $0x3  }
0x33: {  	p0 =	seq.s32 s10, $0x1;
	s10 =	sld [smem:$0x3FB4];
	_ =	sdelay $0x3  }
0x34: {  	[smem:$0x3FB4] =	sst s10  }
0x35: {  	s10 =	sld [smem:$0x3FB3];
	_ =	sdelay $0x3  }
0x36: {  	p1 =	seq.s32 s10, $0x1;
	s10 =	sld [smem:$0x3FB4];
	_ =	sdelay $0x3  }
0x37: {  	[smem:$0x3FB4] =	sst s10  }
0x38: {  	s10 =	sld [smem:$0x3FB5]  }
0x39: {  	_ = 	snop;
	(pc) =	sbr.ind lr, $3  }
0x3a: {  	_ = 	snop  }
0x3b: {  	_ = 	snop  }
0x3c: {  	p2 =	seq.s32 s10, $0x1;
	s10 =	sld [smem:$0x3FB4]  }
0x3d: {  	_ =	shalt  }
0x3e: {  	_ =	shalt  }
0x3f: {  	_ =	shalt  }
0x40: {  	_ =	shalt  }
0x41: {  	_ =	shalt  }
0x42: {  	_ =	shalt  }
0x43: {  	_ =	shalt  }
0x44: {  	_ =	shalt  }
0x45: {  	_ =	shalt  }
0x46: {  	_ =	shalt  }
0x47: {  	_ =	shalt  }
0x48: {  	_ =	shalt  }
0x49: {  	_ =	shalt  }
0x4a: {  	_ =	shalt  }
0x4b: {  	_ =	shalt  }
0x4c: {  	_ =	shalt  }
0x4d: {  	_ =	shalt  }
0x4e: {  	_ =	shalt  }
0x4f: {  	_ =	shalt  }
0x50: {  	_ =	shalt  }
0x51: {  	_ =	shalt  }
0x52: {  	_ =	shalt  }
0x53: {  	_ =	shalt  }
0x54: {  	_ =	shalt  }
0x55: {  	_ =	shalt  }
0x56: {  	_ =	shalt  }
0x57: {  	_ =	shalt  }
0x58: {  	_ =	shalt  }
0x59: {  	_ =	shalt  }
0x5a: {  	_ =	shalt  }
0x5b: {  	_ =	shalt  }
0x5c: {  	_ =	shalt  }
0x5d: {  	_ =	shalt  }
0x5e: {  	_ =	shalt  }
0x5f: {  	_ =	shalt  }
0x60: {  	_ =	shalt  }
0x61: {  	_ =	shalt  }
0x62: {  	_ =	shalt  }
0x63: {  	_ =	shalt  }
0x64: {  	_ =	shalt  }
0x65: {  	_ =	shalt  }
0x66: {  	_ =	shalt  }
0x67: {  	_ =	shalt  }
0x68: {  	_ =	shalt  }
0x69: {  	_ =	shalt  }
0x6a: {  	_ =	shalt  }
0x6b: {  	_ =	shalt  }
0x6c: {  	_ =	shalt  }
0x6d: {  	_ =	shalt  }
0x6e: {  	_ =	shalt  }
0x6f: {  	_ =	shalt  }
0x70: {  	_ =	shalt  }
0x71: {  	_ =	shalt  }
0x72: {  	_ =	shalt  }
0x73: {  	_ =	shalt  }
0x74: {  	_ =	shalt  }
0x75: {  	_ =	shalt  }
0x76: {  	_ =	shalt  }
0x77: {  	_ =	shalt  }
0x78: {  	_ =	shalt  }
0x79: {  	_ =	shalt  }
0x7a: {  	_ =	shalt  }
0x7b: {  	_ =	shalt  }
0x7c: {  	_ =	shalt  }
0x7d: {  	_ =	shalt  }
0x7e: {  	_ =	shalt  }
0x7f: {  	_ =	shalt  }
0x80: {  	_ =	shalt  }
0x81: {  	_ =	shalt  }
0x82: {  	_ =	shalt  }
0x83: {  	_ =	shalt  }
0x84: {  	_ =	shalt  }
0x85: {  	_ =	shalt  }
0x86: {  	_ =	shalt  }
0x87: {  	_ =	shalt  }
.Lfunc_end0:
.L_simem_size_0:
called_computation.1_lowered:
.L_overlay_start_0:
0x88: {  	s2 =	sld [smem:$0x3FD9]  }
0x89: {  	s3 =	sld [smem:$0x3FFE];
	_ =	sdelay $0x1  }
0x8a: {  	s1 =	srdreg.scid  }
0x8b: {  	s0 =	sand.u32 $0x1, s1  }
0x8c: {  	s16 =	sshll.u32 s0, $0xA;
	s2 =	sadd.s32 s3, s2  }
0x8d: {  	s2 =	sadd.s32 s2, s16  }
0x8e: {  	[smem:$0x3FC0] =	sst s2  }
0x8f: {  	_ = 	snop  }
0x90: {  	(tm) =	ssettm $0x1  }
0x91: {  	s17 =	sld [smem:$0x3FFB];
	_ =	sdelay $0x3  }
0x92: {  	_ =	strace s17  }
0x93: {  	s2 =	sld [smem:$0x3FFC];
	_ =	sdelay $0x3  }
0x94: {  	_ =	strace s2  }
0x95: {  	s2 =	sld [smem:$0x3FFD];
	_ =	sdelay $0x3  }
0x96: {  	_ =	strace s2  }
0x97: {  	_ =	strace $0x8FFFFFFF  }
0x98: {  	s18 =	sld [smem:$0x3FDB];
	_ =	sdelay $0x1  }
0x99: {  	s19 =	simm.s32 $_scs_section_size  }
0x9a: {  	s4 =	simm.s32 $_size__tile_overlayer_lowered;
	s5 =	simm.s32 $_tile_overlayer_lowered  }
0x9b: {  	s22 =	simm.s32 $0x1BFF;
	s21 =	sshll.u32 s5, $0x1;
	s2 =	sadd.s32 s19, s18  }
0x9c: {  	s6 =	simm.s32 $0x0;
	s20 =	sshll.u32 s4, $0x1;
	s4 =	sadd.s32 s21, s2  }
0x9d: {  	[timem:s6], [sflag:s22] =	dma.local [hbm:s4], s20  }
0x9e: {  	_ =	swait.ge [sflag:s22], s20  }
0x9f: {  	s3 =	ssub.s32 $0x0, s20;
	[sflag:s22] =	ssyncset.done $0x0  }
0xa0: {  	[sflag:s22] =	ssyncadd.s32 s3;
	_ =	sdelay $0x1  }
0xa1: {  	s23 =	simm.s32 $0x1B8B  }
0xa2: {  	_ =	swait.ge [sflag:s23], $0x1  }
0xa3: {  	[sflag:s23] =	ssyncset.done $0x0  }
0xa4: {  	s25 =	simm.s32 $0x1B8E;
	s24 =	sld [smem:$0x3FFE];
	[sflag:s23] =	ssyncadd.s32 $0xFFFFFFFF  }
0xa5: {  	s26 =	simm.s32 $execute0_lowered;
	[smem:$0x3FD2] =	sst s25  }
0xa6: {  	s4 =	sshll.u32 s26, $0x1;
	_ =	strace $0x80000049;
	[dreg:$0x1] =	wrdreg $0xFFFFFFFF  }
0xa7: {  	s28 =	simm.s32 $_size_execute0_lowered;
	s2 =	sadd.s32 s2, s4;
	[dreg:$0x0] =	wrdreg $0x0  }
0xa8: {  	s4 =	sshll.u32 s28, $0x1;
	[dreg:$0x2] =	wrdreg s2  }
0xa9: {  	[dreg:$0x3] =	wrdreg s4  }
0xaa: {  	[dreg:$0x4] =	wrdreg $0xC0  }
0xab: {  	_ =	task [dreg:s6], $0x5FFFF  }
0xac: {  	[dreg:$0x1] =	wrdreg $0xFFFFFFFF  }
0xad: {  	[dreg:$0x0] =	wrdreg $0x60  }
0xae: {  	[dreg:$0x2] =	wrdreg s24  }
0xaf: {  	[dreg:$0x3] =	wrdreg $0x84000  }
0xb0: {  	[dreg:$0x4] =	wrdreg $0x9  }
0xb1: {  	_ =	task.clear_ibuf [dreg:s6], $0x5FFFF;
	_ =	strace $0x90000049  }
0xb2: {  	s29 =	simm.s32 $0x9;
	_ =	strace $0x8000004B  }
0xb3: {  	_ =	swait.ge [sflag:s29], $0x1  }
0xb4: {  	[sflag:s29] =	ssyncadd.s32 $0xFFFFFFFF  }
0xb5: {  	_ =	strace $0x9000004B  }
0xb6: {  	_ =	sfence  }
0xb7: {  	s30 =	sld [smem:$0x0];
	_ =	sdelay $0x2  }
0xb8: {  	s31 =	sshll.u32 s1, $0xD;
	s1 =	sshrl.u32 s1, $0x2  }
0xb9: {  	s3 =	sand.u32 $0x4000, s31;
	s1 =	sadd.s32 s1, s30  }
0xba: {  	s0 =	sor.u32 s3, s0;
	s1 =	sshll.u32 s1, $0x11  }
0xbb: {  	s0 =	sor.u32 s1, s0  }
0xbc: {  	s0 =	sadd.s32 $0x8F2B, s0  }
0xbd: {  	[sflag:s0] =	ssyncadd.remote.s32 $0x1  }
0xbe: {  	_ =	sfence.sel $0xFFFF  }
0xbf: {  	[dreg:$0x0] =	wrdreg $0xFFFFFFFF;
	(pc) =	sbr.abs _section_cstart, $3  }
0xc0: {  	[dreg:$0x1] =	wrdreg $0xFFFFFFFF  }
0xc1: {  	_ =	task.clear_ibuf [dreg:s6], $0x2FFFF;
	_ =	strace $0x9FFFFFFF  }
0xc2: {  	(tm) =	ssettm $0x7FFFFFFF  }
0xc3: {  	_ =	shalt  }
tec
execute0_lowered:
.L_overlay_start_1:
0x0: {  	(tag) =	ssettag $0x1  }
0x1: {  	s1 =	srdreg.scid  }
0x2: {  	s1 =	sand.u32 $0x1, s1  }
0x3: {  	p0 =	seq.s32 s1, $0x1  }
.Ltmp0:
0x4: {  	_ = 	snop;
	(pc) =	sbr.rel @p0 .LBB2_7-.Ltmp0, $4  }
0x5: {  	s0 =	rddreg [dreg:$0x0]  }
0x6: {  	s6 =	rddreg [dreg:$0x1];
	s2 =	simm.s32 $0x0  }
0x7: {  	[smem:$0x7FF] =	sst s2  }
0x8: {  	s3 =	rddreg [dreg:$0x2];
	_ =	strace $0x8000004A;
	s1 =	stileid.u32  }
0x9: {  	s4 =	smul.u32 $0x14000, s1  }
0xa: {  	s13 =	sadd.s32 $0x71600, s0;
	s16 =	sadd.s32 $0xD600, s0;
	s25 =	sadd.s32 $0x99600, s0  }
0xb: {  	s17 =	smul.u32 $0x1400, s1;
	s10 =	sadd.s32 s4, s6;
	s7 =	sadd.s32 $0x4000, s4  }
0xc: {  	s9 =	sadd.s32 $0x8000, s4;
	s14 =	sadd.s32 $0xC000, s4;
	s15 =	sadd.s32 $0x10000, s4  }
0xd: {  	s19 =	sadd.s32 s16, s17;
	s4 =	sshrl.u32 s4, $0x3;
	s8 =	sadd.s32 s7, s6  }
0xe: {  	s5 =	sadd.s32 s9, s6;
	s3 =	sadd.s32 s14, s6;
	s2 =	sadd.s32 s15, s6  }
0xf: {  	s20 =	sadd.s32 $0x20, s19;
	s21 =	sadd.s32 $0x40, s19;
	s26 =	sshrl.u32 s7, $0x3  }
0x10: {  	s12 =	sadd.s32 s25, s4;
	s29 =	sshrl.u32 s14, $0x3;
	s4 =	sadd.s32 s25, s26  }
0x11: {  	s31 =	sshrl.u32 s15, $0x3;
	s30 =	sadd.s32 s25, s29;
	[dreg:$0x6] =	wrdreg s4  }
0x12: {  	s28 =	sshrl.u32 s9, $0x3;
	s0 =	sadd.s32 s25, s31;
	[dreg:$0x4] =	wrdreg s30  }
0x13: {  	s22 =	sadd.s32 $0x60, s19;
	s4 =	sadd.s32 s25, s28;
	[dreg:$0x3] =	wrdreg s0  }
0x14: {  	v0 =	vimm.f32 $0.0e+00;
	s0 =	simm.s32 $0x0;
	[dreg:$0x5] =	wrdreg s4;
	s4 =	simm.s32 $0x200  }
.LBB2_2:
0x15: {  	p0 =	sne.s32 s4, $0xFE00;
	[tilespmem:s0+$0x470] =	vst v0  }
0x16: {  	[tilespmem:s0+$0x400] =	vst v0  }
0x17: {  	[tilespmem:s0+$0x410] =	vst v0  }
.Ltmp1:
0x18: {  	[tilespmem:s0+$0x420] =	vst v0;
	(pc) =	sbr.rel @p0 .LBB2_2-.Ltmp1, $4  }
0x19: {  	[tilespmem:s0+$0x430] =	vst v0  }
0x1a: {  	[tilespmem:s0+$0x440] =	vst v0  }
0x1b: {  	[tilespmem:s0+$0x450] =	vst v0  }
0x1c: {  	[tilespmem:s0+$0x460] =	vst v0;
	s0 =	sshra.s32 s4, $0x2;
	s4 =	sadd.s32 $0x200, s4  }
0x1d: {  	[tilespmem:s0+$0x470] =	vst v0  }
0x1e: {  	[tilespmem:s0+$0x400] =	vst v0  }
0x1f: {  	[tilespmem:s0+$0x410] =	vst v0  }
0x20: {  	[tilespmem:s0+$0x420] =	vst v0  }
0x21: {  	[tilespmem:s0+$0x430] =	vst v0  }
0x22: {  	[tilespmem:s0+$0x440] =	vst v0  }
0x23: {  	[tilespmem:s0+$0x450] =	vst v0  }
0x24: {  	[tilespmem:s0+$0x460] =	vst v0;
	s14 =	simm.s32 $0x400;
	s15 =	simm.s32 $0x7  }
0x25: {  	[spmem:s10] =	stream.linear.scatter [tilespmem:s14], [sflag:$0x7], $0x4000, $0x38;
	[tilespmem:$0x1C400] =	vst v63  }
0x26: {  	_ =	swait.ge [sflag:s15], $0x4000  }
0x27: {  	[sflag:s15] =	ssyncset.done $0x0  }
0x28: {  	[sflag:s15] =	ssyncadd.s32 $0xFFFFC000  }
0x29: {  	[spmem:s8] =	stream.linear.scatter [tilespmem:s14], [sflag:$0x7], $0x4000, $0x38;
	[tilespmem:$0x1C400] =	vst v63  }
0x2a: {  	_ =	swait.ge [sflag:s15], $0x4000  }
0x2b: {  	[sflag:s15] =	ssyncset.done $0x0  }
0x2c: {  	[sflag:s15] =	ssyncadd.s32 $0xFFFFC000  }
0x2d: {  	[spmem:s5] =	stream.linear.scatter [tilespmem:s14], [sflag:$0x7], $0x4000, $0x38;
	[tilespmem:$0x1C400] =	vst v63  }
0x2e: {  	_ =	swait.ge [sflag:s15], $0x4000  }
0x2f: {  	[sflag:s15] =	ssyncset.done $0x0  }
0x30: {  	[sflag:s15] =	ssyncadd.s32 $0xFFFFC000  }
0x31: {  	[spmem:s3] =	stream.linear.scatter [tilespmem:s14], [sflag:$0x7], $0x4000, $0x38;
	[tilespmem:$0x1C400] =	vst v63  }
0x32: {  	_ =	swait.ge [sflag:s15], $0x4000  }
0x33: {  	[sflag:s15] =	ssyncset.done $0x0  }
0x34: {  	[sflag:s15] =	ssyncadd.s32 $0xFFFFC000  }
0x35: {  	[spmem:s2] =	stream.linear.scatter [tilespmem:s14], [sflag:$0x7], $0x4000, $0x38;
	[tilespmem:$0x1C400] =	vst v63  }
0x36: {  	_ =	swait.ge [sflag:s15], $0x4000  }
0x37: {  	[sflag:s15] =	ssyncset.done $0x0  }
0x38: {  	[sflag:s15] =	ssyncadd.s32 $0xFFFFC000  }
0x39: {  	s18 =	simm.s32 $0x0;
	[bflag:$0x0] =	sbarrier.arrive $0xFFFF  }
0x3a: {  	[tilespmem:s18], [sflag:$0x1] =	stream.linear.gather [hbm4b:s19+s18], $0x100, $0x38;
	[tilespmem:$0x1C400] =	vst v63  }
0x3b: {  	s19 =	simm.s32 $0x100  }
0x3c: {  	[tilespmem:s19], [sflag:$0x2] =	stream.linear.gather [hbm4b:s20+s18], $0x100, $0x38;
	[tilespmem:$0x1C400] =	vst v63  }
0x3d: {  	s20 =	simm.s32 $0x200  }
0x3e: {  	[tilespmem:s20], [sflag:$0x3] =	stream.linear.gather [hbm4b:s21+s18], $0x100, $0x38;
	[tilespmem:$0x1C400] =	vst v63  }
0x3f: {  	s21 =	simm.s32 $0x300  }
0x40: {  	[tilespmem:s21], [sflag:$0x4] =	stream.linear.gather [hbm4b:s22+s18], $0x100, $0x38;
	[tilespmem:$0x1C400] =	vst v63  }
0x41: {  	s22 =	simm.s32 $0x1  }
0x42: {  	s23 =	simm.s32 $0x80;
	s24 =	simm.s32 $0x2;
	_ =	swait.ge [sflag:s22], $0x100  }
0x43: {  	s25 =	simm.s32 $0x4400;
	s16 =	sadd.s32 s17, s16;
	[sflag:s22] =	ssyncset.done $0x0  }
0x44: {  	s17 =	simm.s32 $0xFFFFEC80;
	s26 =	simm.s32 $0x5;
	[sflag:s22] =	ssyncadd.s32 $0xFFFFFF00  }
0x45: {  	[tilespmem:s14], [sflag:$0x5] =	stream.indirect.gather [hbm4b:s13+s23], $0x80, s18, s23, $0xb8;
	[tilespmem:$0x1C400] =	vst v63  }
0x46: {  	s28 =	simm.s32 $0x3;
	s29 =	simm.s32 $0x6;
	_ =	swait.ge [sflag:s24], $0x100  }
0x47: {  	s30 =	simm.s32 $0x180;
	s31 =	simm.s32 $0x4;
	[sflag:s24] =	ssyncset.done $0x0  }
0x48: {  	s0 =	simm.s32 $0x280;
	s4 =	simm.s32 $0x380;
	[sflag:s24] =	ssyncadd.s32 $0xFFFFFF00  }
0x49: {  	[tilespmem:s25], [sflag:$0x6] =	stream.indirect.gather [hbm4b:s13+s23], $0x80, s19, s23, $0xb8;
	[tilespmem:$0x1C400] =	vst v63  }
.LBB2_4:
0x4a: {  	_ =	swait.ge [sflag:s26], $0x4000  }
0x4b: {  	[sflag:s26] =	ssyncset.done $0x0  }
0x4c: {  	[sflag:s26] =	ssyncadd.s32 $0xFFFFC000  }
0x4d: {  	[spmem:s6] =	stream.indirect.scatter.add.f32 [tilespmem:s14], [sflag:$0x7], $0x80, s23, s23, $0xb8;
	[tilespmem:$0x1C400] =	vst v63  }
0x4e: {  	p0 =	seq.s32 s17, $0x0;
	_ =	swait.ge [sflag:s15], $0x4000  }
0x4f: {  	s7 =	sadd.s32 @!p0 s17, s16;
	[sflag:s15] =	ssyncset.done $0x0  }
0x50: {  	s11 =	simm.s32 @!p0 $0x0;
	s9 =	sadd.s32 @!p0 $0x1400, s7;
	[sflag:s15] =	ssyncadd.s32 $0xFFFFC000  }
0x51: {  	[tilespmem:s11], [sflag:$0x1] =	stream.linear.gather @!p0 [hbm4b:s9+s11], $0x100, $0x38;
	[tilespmem:$0x1C400] =	vst v63  }
0x52: {  	_ =	swait.ge [sflag:s28], $0x100  }
0x53: {  	[sflag:s28] =	ssyncset.done $0x0  }
0x54: {  	[sflag:s28] =	ssyncadd.s32 $0xFFFFFF00  }
0x55: {  	[tilespmem:s14], [sflag:$0x5] =	stream.indirect.gather [hbm4b:s13+s23], $0x80, s20, s23, $0xb8;
	[tilespmem:$0x1C400] =	vst v63  }
0x56: {  	_ =	swait.ge [sflag:s29], $0x4000  }
0x57: {  	[sflag:s29] =	ssyncset.done $0x0  }
0x58: {  	[sflag:s29] =	ssyncadd.s32 $0xFFFFC000  }
0x59: {  	[spmem:s6] =	stream.indirect.scatter.add.f32 [tilespmem:s25], [sflag:$0x7], $0x80, s30, s23, $0xb8;
	[tilespmem:$0x1C400] =	vst v63  }
0x5a: {  	_ =	swait.ge [sflag:s15], $0x4000  }
0x5b: {  	[sflag:s15] =	ssyncset.done $0x0  }
0x5c: {  	s7 =	sadd.s32 @!p0 $0x1420, s7;
	s9 =	simm.s32 @!p0 $0x100;
	[sflag:s15] =	ssyncadd.s32 $0xFFFFC000  }
0x5d: {  	[tilespmem:s9], [sflag:$0x2] =	stream.linear.gather @!p0 [hbm4b:s7+s11], $0x100, $0x38;
	[tilespmem:$0x1C400] =	vst v63  }
0x5e: {  	_ =	swait.ge [sflag:s31], $0x100  }
0x5f: {  	[sflag:s31] =	ssyncset.done $0x0  }
0x60: {  	[sflag:s31] =	ssyncadd.s32 $0xFFFFFF00  }
0x61: {  	[tilespmem:s25], [sflag:$0x6] =	stream.indirect.gather [hbm4b:s13+s23], $0x80, s21, s23, $0xb8;
	[tilespmem:$0x1C400] =	vst v63  }
0x62: {  	_ =	swait.ge [sflag:s26], $0x4000  }
0x63: {  	[sflag:s26] =	ssyncset.done $0x0  }
.Ltmp2:
0x64: {  	[sflag:s26] =	ssyncadd.s32 $0xFFFFC000;
	(pc) =	sbr.rel @p0 .LBB2_6-.Ltmp2, $4  }
0x65: {  	[spmem:s6] =	stream.indirect.scatter.add.f32 [tilespmem:s14], [sflag:$0x7], $0x80, s0, s23, $0xb8;
	[tilespmem:$0x1C400] =	vst v63  }
0x66: {  	_ =	swait.ge [sflag:s15], $0x4000  }
0x67: {  	[sflag:s15] =	ssyncset.done $0x0  }
0x68: {  	[sflag:s15] =	ssyncadd.s32 $0xFFFFC000  }
0x69: {  	s7 =	sadd.s32 s17, s16  }
0x6a: {  	s9 =	sadd.s32 $0x1440, s7  }
0x6b: {  	[tilespmem:s20], [sflag:$0x3] =	stream.linear.gather [hbm4b:s9+s18], $0x100, $0x38;
	[tilespmem:$0x1C400] =	vst v63  }
0x6c: {  	_ =	swait.ge [sflag:s22], $0x100  }
0x6d: {  	[sflag:s22] =	ssyncset.done $0x0  }
0x6e: {  	[sflag:s22] =	ssyncadd.s32 $0xFFFFFF00  }
0x6f: {  	[tilespmem:s14], [sflag:$0x5] =	stream.indirect.gather [hbm4b:s13+s23], $0x80, s18, s23, $0xb8;
	[tilespmem:$0x1C400] =	vst v63  }
0x70: {  	_ =	swait.ge [sflag:s29], $0x4000  }
0x71: {  	[sflag:s29] =	ssyncset.done $0x0  }
0x72: {  	[sflag:s29] =	ssyncadd.s32 $0xFFFFC000  }
0x73: {  	[spmem:s6] =	stream.indirect.scatter.add.f32 [tilespmem:s25], [sflag:$0x7], $0x80, s4, s23, $0xb8;
	[tilespmem:$0x1C400] =	vst v63  }
0x74: {  	_ =	swait.ge [sflag:s15], $0x4000  }
0x75: {  	[sflag:s15] =	ssyncset.done $0x0  }
0x76: {  	s7 =	sadd.s32 $0x1460, s7;
	[sflag:s15] =	ssyncadd.s32 $0xFFFFC000  }
0x77: {  	[tilespmem:s21], [sflag:$0x4] =	stream.linear.gather [hbm4b:s7+s18], $0x100, $0x38;
	[tilespmem:$0x1C400] =	vst v63  }
.Ltmp3:
0x78: {  	_ = 	snop;
	(pc) =	sbr.rel .LBB2_4-.Ltmp3, $4  }
0x79: {  	_ =	swait.ge [sflag:s24], $0x100  }
0x7a: {  	[sflag:s24] =	ssyncset.done $0x0  }
0x7b: {  	s17 =	sadd.s32 $0x80, s17;
	[sflag:s24] =	ssyncadd.s32 $0xFFFFFF00  }
0x7c: {  	[tilespmem:s25], [sflag:$0x6] =	stream.indirect.gather [hbm4b:s13+s23], $0x80, s19, s23, $0xb8;
	[tilespmem:$0x1C400] =	vst v63  }
.LBB2_6:
0x7d: {  	s0 =	simm.s32 $0x6  }
0x7e: {  	_ =	swait.ge [sflag:s0], $0x4000  }
0x7f: {  	s23 =	simm.s32 $0x80;
	s4 =	simm.s32 $0x380;
	[sflag:s0] =	ssyncset.done $0x0  }
0x80: {  	s7 =	simm.s32 $0x4400;
	s24 =	simm.s32 $0x7;
	[sflag:s0] =	ssyncadd.s32 $0xFFFFC000  }
0x81: {  	[spmem:s6] =	stream.indirect.scatter.add.f32 [tilespmem:s7], [sflag:$0x7], $0x80, s4, s23, $0xb8;
	[tilespmem:$0x1C400] =	vst v63  }
0x82: {  	_ =	swait.ge [sflag:s24], $0x4000  }
0x83: {  	[sflag:s24] =	ssyncset.done $0x0  }
0x84: {  	[sflag:s24] =	ssyncadd.s32 $0xFFFFC000  }
0x85: {  	s25 =	simm.s32 $0x400;
	[bflag:$0x0] =	sbarrier.arrive $0xFFFF  }
0x86: {  	[tilespmem:s25], [sflag:$0x7] =	stream.linear.gather [spmem:s10], $0x4000, $0x38;
	[tilespmem:$0x1C400] =	vst v63  }
0x87: {  	_ =	swait.ge [sflag:s24], $0x4000  }
0x88: {  	[sflag:s24] =	ssyncset.done $0x0  }
0x89: {  	s26 =	simm.s32 $0x0;
	[sflag:s24] =	ssyncadd.s32 $0xFFFFC000  }
0x8a: {  	[hbm4b:s12+s26] =	stream.linear.scatter [tilespmem:s25], [sflag:$0x7], $0x4000, $0x38;
	[tilespmem:$0x1C400] =	vst v63  }
0x8b: {  	_ =	swait.ge [sflag:s24], $0x4000  }
0x8c: {  	[sflag:s24] =	ssyncset.done $0x0  }
0x8d: {  	[sflag:s24] =	ssyncadd.s32 $0xFFFFC000  }
0x8e: {  	[tilespmem:s25], [sflag:$0x7] =	stream.linear.gather [spmem:s8], $0x4000, $0x38;
	[tilespmem:$0x1C400] =	vst v63  }
0x8f: {  	_ =	swait.ge [sflag:s24], $0x4000  }
0x90: {  	[sflag:s24] =	ssyncset.done $0x0  }
0x91: {  	s28 =	rddreg [dreg:$0x6];
	[sflag:s24] =	ssyncadd.s32 $0xFFFFC000  }
0x92: {  	[hbm4b:s28+s26] =	stream.linear.scatter [tilespmem:s25], [sflag:$0x7], $0x4000, $0x38;
	[tilespmem:$0x1C400] =	vst v63  }
0x93: {  	_ =	swait.ge [sflag:s24], $0x4000  }
0x94: {  	[sflag:s24] =	ssyncset.done $0x0  }
0x95: {  	[sflag:s24] =	ssyncadd.s32 $0xFFFFC000  }
0x96: {  	[tilespmem:s25], [sflag:$0x7] =	stream.linear.gather [spmem:s5], $0x4000, $0x38;
	[tilespmem:$0x1C400] =	vst v63  }
0x97: {  	_ =	swait.ge [sflag:s24], $0x4000  }
0x98: {  	[sflag:s24] =	ssyncset.done $0x0  }
0x99: {  	s29 =	rddreg [dreg:$0x5];
	[sflag:s24] =	ssyncadd.s32 $0xFFFFC000  }
0x9a: {  	[hbm4b:s29+s26] =	stream.linear.scatter [tilespmem:s25], [sflag:$0x7], $0x4000, $0x38;
	[tilespmem:$0x1C400] =	vst v63  }
0x9b: {  	_ =	swait.ge [sflag:s24], $0x4000  }
0x9c: {  	[sflag:s24] =	ssyncset.done $0x0  }
0x9d: {  	[sflag:s24] =	ssyncadd.s32 $0xFFFFC000  }
0x9e: {  	[tilespmem:s25], [sflag:$0x7] =	stream.linear.gather [spmem:s3], $0x4000, $0x38;
	[tilespmem:$0x1C400] =	vst v63  }
0x9f: {  	_ =	swait.ge [sflag:s24], $0x4000  }
0xa0: {  	[sflag:s24] =	ssyncset.done $0x0  }
0xa1: {  	s30 =	rddreg [dreg:$0x4];
	[sflag:s24] =	ssyncadd.s32 $0xFFFFC000  }
0xa2: {  	[hbm4b:s30+s26] =	stream.linear.scatter [tilespmem:s25], [sflag:$0x7], $0x4000, $0x38;
	[tilespmem:$0x1C400] =	vst v63  }
0xa3: {  	_ =	swait.ge [sflag:s24], $0x4000  }
0xa4: {  	[sflag:s24] =	ssyncset.done $0x0  }
0xa5: {  	[sflag:s24] =	ssyncadd.s32 $0xFFFFC000  }
0xa6: {  	[tilespmem:s25], [sflag:$0x7] =	stream.linear.gather [spmem:s2], $0x4000, $0x38;
	[tilespmem:$0x1C400] =	vst v63  }
0xa7: {  	_ =	swait.ge [sflag:s24], $0x4000  }
0xa8: {  	[sflag:s24] =	ssyncset.done $0x0  }
0xa9: {  	s31 =	rddreg [dreg:$0x3];
	[sflag:s24] =	ssyncadd.s32 $0xFFFFC000  }
0xaa: {  	[hbm4b:s31+s26] =	stream.linear.scatter [tilespmem:s25], [sflag:$0x7], $0x4000, $0x38;
	[tilespmem:$0x1C400] =	vst v63  }
0xab: {  	_ =	swait.ge [sflag:s24], $0x4000  }
0xac: {  	[sflag:s24] =	ssyncset.done $0x0  }
0xad: {  	[sflag:s24] =	ssyncadd.s32 $0xFFFFC000  }
0xae: {  	s3 =	rddreg [dreg:$0x2]  }
.LBB2_7:
0xaf: {  	_ =	sfence.sel $0x180000  }
0xb0: {  	[bflag:$0x0] =	sbarrier.arrive $0xFFFF  }
0xb1: {  	p0 =	sne.s32 s1, $0x0;
	_ =	strace $0x9000004A  }
0xb2: {  	s0 =	sadd.s32 @!p0 $0x100000, s3;
	[bflag:$0x2] =	sbarrier.arrive $0xFFFF  }
0xb3: {  	[sflag:s0] =	ssyncadd.tile.s32 @!p0 $0x1;
	_ =	shalt  }
.Lfunc_end2:
_tile_overlayer_lowered:
.L_overlay_start_2:
0xb4: {  	(tag) =	ssettag $0x2  }
0xb5: {  	s0 =	rddreg [dreg:$0x0];
	s2 =	stileid.u32  }
0xb6: {  	s1 =	rddreg [dreg:$0x1];
	p0 =	sne.s32 s2, $0x0  }
0xb7: {  	s3 =	rddreg [dreg:$0x2];
	[bflag:$0x3] =	sbarrier.arrive $0xFFFF;
	s2 =	simm.s32 @!p0 $0x1C07  }
0xb8: {  	[timem:s3], [sflag:s2] =	dma.local @!p0 [hbm:s0], s1  }
0xb9: {  	s0 =	simm.s32 @!p0 $0x7  }
0xba: {  	_ =	swait.ge @!p0 [sflag:s0], s1  }
0xbb: {  	s1 =	ssub.s32 @!p0 $0x0, s1;
	[sflag:s0] =	ssyncset.done @!p0 $0x0  }
0xbc: {  	[sflag:s0] =	ssyncadd.s32 @!p0 s1  }
0xbd: {  	[bflag:$0x3] =	sbarrier.arrive $0xFFFF  }
0xbe: {  	_ =	shalt  }

// kernel: kernel.16.cloned.1.call-start
scs
__scs_entry_jumppad:
0x0: {  	(pc) =	sbr.rel $0x88, $3  }
0x1: {  	(tag) =	ssettag $0x0;
	lr =	simm.s32 $0x1  }
0x2: {  	[smem:$0x3F99] =	sst lr;
	_ =	strace $0xD0000000  }
0x3: {  	_ = 	snop  }
0x4: {  	_ = 	snop  }
0x5: {  	_ = 	snop  }
0x6: {  	_ = 	snop  }
0x7: {  	_ = 	snop  }
__scs_overlays_trampoline_lowered:
0x8: {  	[smem:$0x3FA8] =	sst s0  }
0x9: {  	[smem:$0x3FA9] =	sst s1  }
0xa: {  	[smem:$0x3FAA] =	sst s2  }
0xb: {  	[smem:$0x3FAB] =	sst s3  }
0xc: {  	[smem:$0x3FAC] =	sst s4  }
0xd: {  	[smem:$0x3FAD] =	sst s5  }
0xe: {  	[smem:$0x3FAE] =	sst s6  }
0xf: {  	[smem:$0x3FAF] =	sst s7  }
0x10: {  	[smem:$0x3FB0] =	sst s8  }
0x11: {  	[smem:$0x3FB1] =	sst s9;
	s0 =	simm.s32 @!p0 $0x0  }
0x12: {  	s1 =	sld [smem:$0x3F97];
	s0 =	simm.s32 @p0 $0x1  }
0x13: {  	[smem:$0x3FB2] =	sst s0;
	s0 =	simm.s32 @!p1 $0x0  }
0x14: {  	s2 =	sld [smem:$0x3F96];
	s0 =	simm.s32 @p1 $0x1  }
0x15: {  	[smem:$0x3FB3] =	sst s0;
	s0 =	simm.s32 @!p2 $0x0  }
0x16: {  	s3 =	sld [smem:$0x3FDB];
	s0 =	simm.s32 @p2 $0x1  }
0x17: {  	s4 =	simm.s32 $0x1BF5;
	[smem:$0x3FB5] =	sst s0  }
0x18: {  	s0 =	sld [smem:$0x3F98];
	_ =	swait.ge [sflag:s4], $0x0  }
0x19: {  	s7 =	sld [smem:$0x3F99]  }
0x1a: {  	s8 =	sadd.s32 $0xFFFFE003, lr  }
0x1b: {  	s9 =	sadd.s32 $0xFFFFFEF7, lr;
	s5 =	simm.s32 $0xFFFFFFFF;
	p2 =	slt.u32 s8, $0xFFFFF086  }
0x1c: {  	p1 =	slt.u32 s9, $0xF7A;
	s5 =	simm.s32 @!p2 $0x0  }
0x1d: {  	s5 =	simm.s32 @p1 $0x1;
	p0 =	seq.s32 s7, s2  }
0x1e: {  	s7 =	smul.u32 @!p0 $0xF7A, s2;
	p2 =	seq.s32 @!p0 s5, $0x0  }
0x1f: {  	s9 =	smul.u32 $0xF7A, s1;
	s8 =	simm.s32 @!p0 $0x1BF5;
	p2 =	por !p2, p0  }
0x20: {  	[sflag:s8] =	ssyncset.s32 @!p0 $0xFFFFF086;
	s6 =	sadd.s32 @!p0 s3, s7;
	s7 =	simm.s32 @!p0 $0x108  }
0x21: {  	s3 =	sadd.s32 s3, s9;
	s6 =	sadd.s32 @!p0 $0x88, s6;
	s7 =	simm.s32 @p2 $0x1082  }
0x22: {  	[simem:s7], [sflag:s8] =	dma.local @!p0 [hbm:s6], $0xF7A  }
0x23: {  	s9 =	sor.u32 $0xD0000000, s2;
	s6 =	simm.s32 $0x108;
	_ =	swait.ge @!p0 [sflag:s8], $0x0  }
0x24: {  	s3 =	sadd.s32 $0x88, s3;
	s6 =	simm.s32 @!p1 $0x1082;
	[sflag:s4] =	ssyncset.s32 $0xFFFFF086  }
0x25: {  	[simem:s6], [sflag:s4] =	dma.local [hbm:s3], $0xF7A  }
0x26: {  	[smem:$0x3F99] =	sst s1;
	(tag) =	ssettag s2;
	_ =	strace s9  }
0x27: {  	s1 =	sld [smem:$0x3FA9]  }
0x28: {  	s2 =	sld [smem:$0x3FAA]  }
0x29: {  	s4 =	sld [smem:$0x3FAC]  }
0x2a: {  	p0 =	seq.s32 s5, $0x0;
	s5 =	sld [smem:$0x3FAD]  }
0x2b: {  	s6 =	sld [smem:$0x3FAE]  }
0x2c: {  	s7 =	sld [smem:$0x3FAF]  }
0x2d: {  	s3 =	simm.s32 $0x108;
	s8 =	sld [smem:$0x3FB0]  }
0x2e: {  	s3 =	simm.s32 @!p0 $0x1082;
	s9 =	sld [smem:$0x3FB1]  }
0x2f: {  	lr =	sadd.s32 s0, s3;
	s0 =	sld [smem:$0x3FA8]  }
0x30: {  	s3 =	sld [smem:$0x3FAB]  }
0x31: {  	[smem:$0x3FB4] =	sst s10  }
0x32: {  	s10 =	sld [smem:$0x3FB2];
	_ =	sdelay $0x3  }
0x33: {  	p0 =	seq.s32 s10, $0x1;
	s10 =	sld [smem:$0x3FB4];
	_ =	sdelay $0x3  }
0x34: {  	[smem:$0x3FB4] =	sst s10  }
0x35: {  	s10 =	sld [smem:$0x3FB3];
	_ =	sdelay $0x3  }
0x36: {  	p1 =	seq.s32 s10, $0x1;
	s10 =	sld [smem:$0x3FB4];
	_ =	sdelay $0x3  }
0x37: {  	[smem:$0x3FB4] =	sst s10  }
0x38: {  	s10 =	sld [smem:$0x3FB5]  }
0x39: {  	_ = 	snop;
	(pc) =	sbr.ind lr, $3  }
0x3a: {  	_ = 	snop  }
0x3b: {  	_ = 	snop  }
0x3c: {  	p2 =	seq.s32 s10, $0x1;
	s10 =	sld [smem:$0x3FB4]  }
0x3d: {  	_ =	shalt  }
0x3e: {  	_ =	shalt  }
0x3f: {  	_ =	shalt  }
0x40: {  	_ =	shalt  }
0x41: {  	_ =	shalt  }
0x42: {  	_ =	shalt  }
0x43: {  	_ =	shalt  }
0x44: {  	_ =	shalt  }
0x45: {  	_ =	shalt  }
0x46: {  	_ =	shalt  }
0x47: {  	_ =	shalt  }
0x48: {  	_ =	shalt  }
0x49: {  	_ =	shalt  }
0x4a: {  	_ =	shalt  }
0x4b: {  	_ =	shalt  }
0x4c: {  	_ =	shalt  }
0x4d: {  	_ =	shalt  }
0x4e: {  	_ =	shalt  }
0x4f: {  	_ =	shalt  }
0x50: {  	_ =	shalt  }
0x51: {  	_ =	shalt  }
0x52: {  	_ =	shalt  }
0x53: {  	_ =	shalt  }
0x54: {  	_ =	shalt  }
0x55: {  	_ =	shalt  }
0x56: {  	_ =	shalt  }
0x57: {  	_ =	shalt  }
0x58: {  	_ =	shalt  }
0x59: {  	_ =	shalt  }
0x5a: {  	_ =	shalt  }
0x5b: {  	_ =	shalt  }
0x5c: {  	_ =	shalt  }
0x5d: {  	_ =	shalt  }
0x5e: {  	_ =	shalt  }
0x5f: {  	_ =	shalt  }
0x60: {  	_ =	shalt  }
0x61: {  	_ =	shalt  }
0x62: {  	_ =	shalt  }
0x63: {  	_ =	shalt  }
0x64: {  	_ =	shalt  }
0x65: {  	_ =	shalt  }
0x66: {  	_ =	shalt  }
0x67: {  	_ =	shalt  }
0x68: {  	_ =	shalt  }
0x69: {  	_ =	shalt  }
0x6a: {  	_ =	shalt  }
0x6b: {  	_ =	shalt  }
0x6c: {  	_ =	shalt  }
0x6d: {  	_ =	shalt  }
0x6e: {  	_ =	shalt  }
0x6f: {  	_ =	shalt  }
0x70: {  	_ =	shalt  }
0x71: {  	_ =	shalt  }
0x72: {  	_ =	shalt  }
0x73: {  	_ =	shalt  }
0x74: {  	_ =	shalt  }
0x75: {  	_ =	shalt  }
0x76: {  	_ =	shalt  }
0x77: {  	_ =	shalt  }
0x78: {  	_ =	shalt  }
0x79: {  	_ =	shalt  }
0x7a: {  	_ =	shalt  }
0x7b: {  	_ =	shalt  }
0x7c: {  	_ =	shalt  }
0x7d: {  	_ =	shalt  }
0x7e: {  	_ =	shalt  }
0x7f: {  	_ =	shalt  }
0x80: {  	_ =	shalt  }
0x81: {  	_ =	shalt  }
0x82: {  	_ =	shalt  }
0x83: {  	_ =	shalt  }
0x84: {  	_ =	shalt  }
0x85: {  	_ =	shalt  }
0x86: {  	_ =	shalt  }
0x87: {  	_ =	shalt  }
.Lfunc_end0:
.L_simem_size_0:
called_computation.2_lowered:
.L_overlay_start_0:
0x88: {  	s2 =	sld [smem:$0x3FD9]  }
0x89: {  	s3 =	sld [smem:$0x3FFE];
	_ =	sdelay $0x1  }
0x8a: {  	s1 =	srdreg.scid  }
0x8b: {  	s0 =	sand.u32 $0x1, s1  }
0x8c: {  	s16 =	sshll.u32 s0, $0xA;
	s2 =	sadd.s32 s3, s2  }
0x8d: {  	s2 =	sadd.s32 s2, s16  }
0x8e: {  	[smem:$0x3FC0] =	sst s2  }
0x8f: {  	_ = 	snop  }
0x90: {  	(tm) =	ssettm $0x1  }
0x91: {  	s17 =	sld [smem:$0x3FFB];
	_ =	sdelay $0x3  }
0x92: {  	_ =	strace s17  }
0x93: {  	s2 =	sld [smem:$0x3FFC];
	_ =	sdelay $0x3  }
0x94: {  	_ =	strace s2  }
0x95: {  	s2 =	sld [smem:$0x3FFD];
	_ =	sdelay $0x3  }
0x96: {  	_ =	strace s2  }
0x97: {  	_ =	strace $0x8FFFFFFF  }
0x98: {  	s18 =	sld [smem:$0x3FDB];
	_ =	sdelay $0x1  }
0x99: {  	s19 =	simm.s32 $_scs_section_size  }
0x9a: {  	s4 =	simm.s32 $_size__tile_overlayer_lowered;
	s5 =	simm.s32 $_tile_overlayer_lowered  }
0x9b: {  	s22 =	simm.s32 $0x1BFF;
	s21 =	sshll.u32 s5, $0x1;
	s2 =	sadd.s32 s19, s18  }
0x9c: {  	s6 =	simm.s32 $0x0;
	s20 =	sshll.u32 s4, $0x1;
	s4 =	sadd.s32 s21, s2  }
0x9d: {  	[timem:s6], [sflag:s22] =	dma.local [hbm:s4], s20  }
0x9e: {  	_ =	swait.ge [sflag:s22], s20  }
0x9f: {  	s3 =	ssub.s32 $0x0, s20;
	[sflag:s22] =	ssyncset.done $0x0  }
0xa0: {  	[sflag:s22] =	ssyncadd.s32 s3;
	_ =	sdelay $0x1  }
0xa1: {  	s23 =	simm.s32 $0x1B8B  }
0xa2: {  	_ =	swait.ge [sflag:s23], $0x1  }
0xa3: {  	[sflag:s23] =	ssyncset.done $0x0  }
0xa4: {  	s25 =	simm.s32 $0x1B8E;
	s24 =	sld [smem:$0x3FFE];
	[sflag:s23] =	ssyncadd.s32 $0xFFFFFFFF  }
0xa5: {  	s26 =	simm.s32 $execute0_lowered;
	[smem:$0x3FD2] =	sst s25  }
0xa6: {  	s4 =	sshll.u32 s26, $0x1;
	_ =	strace $0x8000004C;
	[dreg:$0x1] =	wrdreg $0xFFFFFFFF  }
0xa7: {  	s28 =	simm.s32 $_size_execute0_lowered;
	s2 =	sadd.s32 s2, s4;
	[dreg:$0x0] =	wrdreg $0x0  }
0xa8: {  	s4 =	sshll.u32 s28, $0x1;
	[dreg:$0x2] =	wrdreg s2  }
0xa9: {  	[dreg:$0x3] =	wrdreg s4  }
0xaa: {  	[dreg:$0x4] =	wrdreg $0xC0  }
0xab: {  	_ =	task [dreg:s6], $0x5FFFF  }
0xac: {  	[dreg:$0x1] =	wrdreg $0xFFFFFFFF  }
0xad: {  	[dreg:$0x0] =	wrdreg $0x60  }
0xae: {  	[dreg:$0x2] =	wrdreg s24  }
0xaf: {  	[dreg:$0x3] =	wrdreg $0x84000  }
0xb0: {  	[dreg:$0x4] =	wrdreg $0x9  }
0xb1: {  	_ =	task.clear_ibuf [dreg:s6], $0x5FFFF;
	_ =	strace $0x9000004C  }
0xb2: {  	s29 =	simm.s32 $0x9;
	_ =	strace $0x8000004E  }
0xb3: {  	_ =	swait.ge [sflag:s29], $0x1  }
0xb4: {  	[sflag:s29] =	ssyncadd.s32 $0xFFFFFFFF  }
0xb5: {  	_ =	strace $0x9000004E  }
0xb6: {  	_ =	sfence  }
0xb7: {  	s30 =	sld [smem:$0x0];
	_ =	sdelay $0x2  }
0xb8: {  	s31 =	sshll.u32 s1, $0xD;
	s1 =	sshrl.u32 s1, $0x2  }
0xb9: {  	s3 =	sand.u32 $0x4000, s31;
	s1 =	sadd.s32 s1, s30  }
0xba: {  	s0 =	sor.u32 s3, s0;
	s1 =	sshll.u32 s1, $0x11  }
0xbb: {  	s0 =	sor.u32 s1, s0  }
0xbc: {  	s0 =	sadd.s32 $0x8F2B, s0  }
0xbd: {  	[sflag:s0] =	ssyncadd.remote.s32 $0x1  }
0xbe: {  	_ =	sfence.sel $0xFFFF  }
0xbf: {  	[dreg:$0x0] =	wrdreg $0xFFFFFFFF;
	(pc) =	sbr.abs _section_cstart, $3  }
0xc0: {  	[dreg:$0x1] =	wrdreg $0xFFFFFFFF  }
0xc1: {  	_ =	task.clear_ibuf [dreg:s6], $0x2FFFF;
	_ =	strace $0x9FFFFFFF  }
0xc2: {  	(tm) =	ssettm $0x7FFFFFFF  }
0xc3: {  	_ =	shalt  }
tec
execute0_lowered:
.L_overlay_start_1:
0x0: {  	(tag) =	ssettag $0x1  }
0x1: {  	s1 =	srdreg.scid  }
0x2: {  	s1 =	sand.u32 $0x1, s1  }
0x3: {  	p0 =	seq.s32 s1, $0x1  }
.Ltmp0:
0x4: {  	_ = 	snop;
	(pc) =	sbr.rel @p0 .LBB2_7-.Ltmp0, $4  }
0x5: {  	s0 =	rddreg [dreg:$0x0]  }
0x6: {  	s6 =	rddreg [dreg:$0x1];
	s2 =	simm.s32 $0x0  }
0x7: {  	[smem:$0x7FF] =	sst s2  }
0x8: {  	s3 =	rddreg [dreg:$0x2];
	_ =	strace $0x8000004D;
	s1 =	stileid.u32  }
0x9: {  	s4 =	smul.u32 $0x14000, s1  }
0xa: {  	s13 =	sadd.s32 $0x71600, s0;
	s16 =	sadd.s32 $0xD600, s0;
	s25 =	sadd.s32 $0x99600, s0  }
0xb: {  	s17 =	smul.u32 $0x1400, s1;
	s10 =	sadd.s32 s4, s6;
	s7 =	sadd.s32 $0x4000, s4  }
0xc: {  	s9 =	sadd.s32 $0x8000, s4;
	s14 =	sadd.s32 $0xC000, s4;
	s15 =	sadd.s32 $0x10000, s4  }
0xd: {  	s19 =	sadd.s32 s16, s17;
	s4 =	sshrl.u32 s4, $0x3;
	s8 =	sadd.s32 s7, s6  }
0xe: {  	s5 =	sadd.s32 s9, s6;
	s3 =	sadd.s32 s14, s6;
	s2 =	sadd.s32 s15, s6  }
0xf: {  	s20 =	sadd.s32 $0x20, s19;
	s21 =	sadd.s32 $0x40, s19;
	s26 =	sshrl.u32 s7, $0x3  }
0x10: {  	s12 =	sadd.s32 s25, s4;
	s29 =	sshrl.u32 s14, $0x3;
	s4 =	sadd.s32 s25, s26  }
0x11: {  	s31 =	sshrl.u32 s15, $0x3;
	s30 =	sadd.s32 s25, s29;
	[dreg:$0x6] =	wrdreg s4  }
0x12: {  	s28 =	sshrl.u32 s9, $0x3;
	s0 =	sadd.s32 s25, s31;
	[dreg:$0x4] =	wrdreg s30  }
0x13: {  	s22 =	sadd.s32 $0x60, s19;
	s4 =	sadd.s32 s25, s28;
	[dreg:$0x3] =	wrdreg s0  }
0x14: {  	v0 =	vimm.f32 $0.0e+00;
	s0 =	simm.s32 $0x0;
	[dreg:$0x5] =	wrdreg s4;
	s4 =	simm.s32 $0x200  }
.LBB2_2:
0x15: {  	p0 =	sne.s32 s4, $0xFE00;
	[tilespmem:s0+$0x470] =	vst v0  }
0x16: {  	[tilespmem:s0+$0x400] =	vst v0  }
0x17: {  	[tilespmem:s0+$0x410] =	vst v0  }
.Ltmp1:
0x18: {  	[tilespmem:s0+$0x420] =	vst v0;
	(pc) =	sbr.rel @p0 .LBB2_2-.Ltmp1, $4  }
0x19: {  	[tilespmem:s0+$0x430] =	vst v0  }
0x1a: {  	[tilespmem:s0+$0x440] =	vst v0  }
0x1b: {  	[tilespmem:s0+$0x450] =	vst v0  }
0x1c: {  	[tilespmem:s0+$0x460] =	vst v0;
	s0 =	sshra.s32 s4, $0x2;
	s4 =	sadd.s32 $0x200, s4  }
0x1d: {  	[tilespmem:s0+$0x470] =	vst v0  }
0x1e: {  	[tilespmem:s0+$0x400] =	vst v0  }
0x1f: {  	[tilespmem:s0+$0x410] =	vst v0  }
0x20: {  	[tilespmem:s0+$0x420] =	vst v0  }
0x21: {  	[tilespmem:s0+$0x430] =	vst v0  }
0x22: {  	[tilespmem:s0+$0x440] =	vst v0  }
0x23: {  	[tilespmem:s0+$0x450] =	vst v0  }
0x24: {  	[tilespmem:s0+$0x460] =	vst v0;
	s14 =	simm.s32 $0x400;
	s15 =	simm.s32 $0x7  }
0x25: {  	[spmem:s10] =	stream.linear.scatter [tilespmem:s14], [sflag:$0x7], $0x4000, $0x38;
	[tilespmem:$0x1C400] =	vst v63  }
0x26: {  	_ =	swait.ge [sflag:s15], $0x4000  }
0x27: {  	[sflag:s15] =	ssyncset.done $0x0  }
0x28: {  	[sflag:s15] =	ssyncadd.s32 $0xFFFFC000  }
0x29: {  	[spmem:s8] =	stream.linear.scatter [tilespmem:s14], [sflag:$0x7], $0x4000, $0x38;
	[tilespmem:$0x1C400] =	vst v63  }
0x2a: {  	_ =	swait.ge [sflag:s15], $0x4000  }
0x2b: {  	[sflag:s15] =	ssyncset.done $0x0  }
0x2c: {  	[sflag:s15] =	ssyncadd.s32 $0xFFFFC000  }
0x2d: {  	[spmem:s5] =	stream.linear.scatter [tilespmem:s14], [sflag:$0x7], $0x4000, $0x38;
	[tilespmem:$0x1C400] =	vst v63  }
0x2e: {  	_ =	swait.ge [sflag:s15], $0x4000  }
0x2f: {  	[sflag:s15] =	ssyncset.done $0x0  }
0x30: {  	[sflag:s15] =	ssyncadd.s32 $0xFFFFC000  }
0x31: {  	[spmem:s3] =	stream.linear.scatter [tilespmem:s14], [sflag:$0x7], $0x4000, $0x38;
	[tilespmem:$0x1C400] =	vst v63  }
0x32: {  	_ =	swait.ge [sflag:s15], $0x4000  }
0x33: {  	[sflag:s15] =	ssyncset.done $0x0  }
0x34: {  	[sflag:s15] =	ssyncadd.s32 $0xFFFFC000  }
0x35: {  	[spmem:s2] =	stream.linear.scatter [tilespmem:s14], [sflag:$0x7], $0x4000, $0x38;
	[tilespmem:$0x1C400] =	vst v63  }
0x36: {  	_ =	swait.ge [sflag:s15], $0x4000  }
0x37: {  	[sflag:s15] =	ssyncset.done $0x0  }
0x38: {  	[sflag:s15] =	ssyncadd.s32 $0xFFFFC000  }
0x39: {  	s18 =	simm.s32 $0x0;
	[bflag:$0x0] =	sbarrier.arrive $0xFFFF  }
0x3a: {  	[tilespmem:s18], [sflag:$0x1] =	stream.linear.gather [hbm4b:s19+s18], $0x100, $0x38;
	[tilespmem:$0x1C400] =	vst v63  }
0x3b: {  	s19 =	simm.s32 $0x100  }
0x3c: {  	[tilespmem:s19], [sflag:$0x2] =	stream.linear.gather [hbm4b:s20+s18], $0x100, $0x38;
	[tilespmem:$0x1C400] =	vst v63  }
0x3d: {  	s20 =	simm.s32 $0x200  }
0x3e: {  	[tilespmem:s20], [sflag:$0x3] =	stream.linear.gather [hbm4b:s21+s18], $0x100, $0x38;
	[tilespmem:$0x1C400] =	vst v63  }
0x3f: {  	s21 =	simm.s32 $0x300  }
0x40: {  	[tilespmem:s21], [sflag:$0x4] =	stream.linear.gather [hbm4b:s22+s18], $0x100, $0x38;
	[tilespmem:$0x1C400] =	vst v63  }
0x41: {  	s22 =	simm.s32 $0x1  }
0x42: {  	s23 =	simm.s32 $0x80;
	s24 =	simm.s32 $0x2;
	_ =	swait.ge [sflag:s22], $0x100  }
0x43: {  	s25 =	simm.s32 $0x4400;
	s16 =	sadd.s32 s17, s16;
	[sflag:s22] =	ssyncset.done $0x0  }
0x44: {  	s17 =	simm.s32 $0xFFFFEC80;
	s26 =	simm.s32 $0x5;
	[sflag:s22] =	ssyncadd.s32 $0xFFFFFF00  }
0x45: {  	[tilespmem:s14], [sflag:$0x5] =	stream.indirect.gather [hbm4b:s13+s23], $0x80, s18, s23, $0xb8;
	[tilespmem:$0x1C400] =	vst v63  }
0x46: {  	s28 =	simm.s32 $0x3;
	s29 =	simm.s32 $0x6;
	_ =	swait.ge [sflag:s24], $0x100  }
0x47: {  	s30 =	simm.s32 $0x180;
	s31 =	simm.s32 $0x4;
	[sflag:s24] =	ssyncset.done $0x0  }
0x48: {  	s0 =	simm.s32 $0x280;
	s4 =	simm.s32 $0x380;
	[sflag:s24] =	ssyncadd.s32 $0xFFFFFF00  }
0x49: {  	[tilespmem:s25], [sflag:$0x6] =	stream.indirect.gather [hbm4b:s13+s23], $0x80, s19, s23, $0xb8;
	[tilespmem:$0x1C400] =	vst v63  }
.LBB2_4:
0x4a: {  	_ =	swait.ge [sflag:s26], $0x4000  }
0x4b: {  	[sflag:s26] =	ssyncset.done $0x0  }
0x4c: {  	[sflag:s26] =	ssyncadd.s32 $0xFFFFC000  }
0x4d: {  	[spmem:s6] =	stream.indirect.scatter.add.f32 [tilespmem:s14], [sflag:$0x7], $0x80, s23, s23, $0xb8;
	[tilespmem:$0x1C400] =	vst v63  }
0x4e: {  	p0 =	seq.s32 s17, $0x0;
	_ =	swait.ge [sflag:s15], $0x4000  }
0x4f: {  	s7 =	sadd.s32 @!p0 s17, s16;
	[sflag:s15] =	ssyncset.done $0x0  }
0x50: {  	s11 =	simm.s32 @!p0 $0x0;
	s9 =	sadd.s32 @!p0 $0x1400, s7;
	[sflag:s15] =	ssyncadd.s32 $0xFFFFC000  }
0x51: {  	[tilespmem:s11], [sflag:$0x1] =	stream.linear.gather @!p0 [hbm4b:s9+s11], $0x100, $0x38;
	[tilespmem:$0x1C400] =	vst v63  }
0x52: {  	_ =	swait.ge [sflag:s28], $0x100  }
0x53: {  	[sflag:s28] =	ssyncset.done $0x0  }
0x54: {  	[sflag:s28] =	ssyncadd.s32 $0xFFFFFF00  }
0x55: {  	[tilespmem:s14], [sflag:$0x5] =	stream.indirect.gather [hbm4b:s13+s23], $0x80, s20, s23, $0xb8;
	[tilespmem:$0x1C400] =	vst v63  }
0x56: {  	_ =	swait.ge [sflag:s29], $0x4000  }
0x57: {  	[sflag:s29] =	ssyncset.done $0x0  }
0x58: {  	[sflag:s29] =	ssyncadd.s32 $0xFFFFC000  }
0x59: {  	[spmem:s6] =	stream.indirect.scatter.add.f32 [tilespmem:s25], [sflag:$0x7], $0x80, s30, s23, $0xb8;
	[tilespmem:$0x1C400] =	vst v63  }
0x5a: {  	_ =	swait.ge [sflag:s15], $0x4000  }
0x5b: {  	[sflag:s15] =	ssyncset.done $0x0  }
0x5c: {  	s7 =	sadd.s32 @!p0 $0x1420, s7;
	s9 =	simm.s32 @!p0 $0x100;
	[sflag:s15] =	ssyncadd.s32 $0xFFFFC000  }
0x5d: {  	[tilespmem:s9], [sflag:$0x2] =	stream.linear.gather @!p0 [hbm4b:s7+s11], $0x100, $0x38;
	[tilespmem:$0x1C400] =	vst v63  }
0x5e: {  	_ =	swait.ge [sflag:s31], $0x100  }
0x5f: {  	[sflag:s31] =	ssyncset.done $0x0  }
0x60: {  	[sflag:s31] =	ssyncadd.s32 $0xFFFFFF00  }
0x61: {  	[tilespmem:s25], [sflag:$0x6] =	stream.indirect.gather [hbm4b:s13+s23], $0x80, s21, s23, $0xb8;
	[tilespmem:$0x1C400] =	vst v63  }
0x62: {  	_ =	swait.ge [sflag:s26], $0x4000  }
0x63: {  	[sflag:s26] =	ssyncset.done $0x0  }
.Ltmp2:
0x64: {  	[sflag:s26] =	ssyncadd.s32 $0xFFFFC000;
	(pc) =	sbr.rel @p0 .LBB2_6-.Ltmp2, $4  }
0x65: {  	[spmem:s6] =	stream.indirect.scatter.add.f32 [tilespmem:s14], [sflag:$0x7], $0x80, s0, s23, $0xb8;
	[tilespmem:$0x1C400] =	vst v63  }
0x66: {  	_ =	swait.ge [sflag:s15], $0x4000  }
0x67: {  	[sflag:s15] =	ssyncset.done $0x0  }
0x68: {  	[sflag:s15] =	ssyncadd.s32 $0xFFFFC000  }
0x69: {  	s7 =	sadd.s32 s17, s16  }
0x6a: {  	s9 =	sadd.s32 $0x1440, s7  }
0x6b: {  	[tilespmem:s20], [sflag:$0x3] =	stream.linear.gather [hbm4b:s9+s18], $0x100, $0x38;
	[tilespmem:$0x1C400] =	vst v63  }
0x6c: {  	_ =	swait.ge [sflag:s22], $0x100  }
0x6d: {  	[sflag:s22] =	ssyncset.done $0x0  }
0x6e: {  	[sflag:s22] =	ssyncadd.s32 $0xFFFFFF00  }
0x6f: {  	[tilespmem:s14], [sflag:$0x5] =	stream.indirect.gather [hbm4b:s13+s23], $0x80, s18, s23, $0xb8;
	[tilespmem:$0x1C400] =	vst v63  }
0x70: {  	_ =	swait.ge [sflag:s29], $0x4000  }
0x71: {  	[sflag:s29] =	ssyncset.done $0x0  }
0x72: {  	[sflag:s29] =	ssyncadd.s32 $0xFFFFC000  }
0x73: {  	[spmem:s6] =	stream.indirect.scatter.add.f32 [tilespmem:s25], [sflag:$0x7], $0x80, s4, s23, $0xb8;
	[tilespmem:$0x1C400] =	vst v63  }
0x74: {  	_ =	swait.ge [sflag:s15], $0x4000  }
0x75: {  	[sflag:s15] =	ssyncset.done $0x0  }
0x76: {  	s7 =	sadd.s32 $0x1460, s7;
	[sflag:s15] =	ssyncadd.s32 $0xFFFFC000  }
0x77: {  	[tilespmem:s21], [sflag:$0x4] =	stream.linear.gather [hbm4b:s7+s18], $0x100, $0x38;
	[tilespmem:$0x1C400] =	vst v63  }
.Ltmp3:
0x78: {  	_ = 	snop;
	(pc) =	sbr.rel .LBB2_4-.Ltmp3, $4  }
0x79: {  	_ =	swait.ge [sflag:s24], $0x100  }
0x7a: {  	[sflag:s24] =	ssyncset.done $0x0  }
0x7b: {  	s17 =	sadd.s32 $0x80, s17;
	[sflag:s24] =	ssyncadd.s32 $0xFFFFFF00  }
0x7c: {  	[tilespmem:s25], [sflag:$0x6] =	stream.indirect.gather [hbm4b:s13+s23], $0x80, s19, s23, $0xb8;
	[tilespmem:$0x1C400] =	vst v63  }
.LBB2_6:
0x7d: {  	s0 =	simm.s32 $0x6  }
0x7e: {  	_ =	swait.ge [sflag:s0], $0x4000  }
0x7f: {  	s23 =	simm.s32 $0x80;
	s4 =	simm.s32 $0x380;
	[sflag:s0] =	ssyncset.done $0x0  }
0x80: {  	s7 =	simm.s32 $0x4400;
	s24 =	simm.s32 $0x7;
	[sflag:s0] =	ssyncadd.s32 $0xFFFFC000  }
0x81: {  	[spmem:s6] =	stream.indirect.scatter.add.f32 [tilespmem:s7], [sflag:$0x7], $0x80, s4, s23, $0xb8;
	[tilespmem:$0x1C400] =	vst v63  }
0x82: {  	_ =	swait.ge [sflag:s24], $0x4000  }
0x83: {  	[sflag:s24] =	ssyncset.done $0x0  }
0x84: {  	[sflag:s24] =	ssyncadd.s32 $0xFFFFC000  }
0x85: {  	s25 =	simm.s32 $0x400;
	[bflag:$0x0] =	sbarrier.arrive $0xFFFF  }
0x86: {  	[tilespmem:s25], [sflag:$0x7] =	stream.linear.gather [spmem:s10], $0x4000, $0x38;
	[tilespmem:$0x1C400] =	vst v63  }
0x87: {  	_ =	swait.ge [sflag:s24], $0x4000  }
0x88: {  	[sflag:s24] =	ssyncset.done $0x0  }
0x89: {  	s26 =	simm.s32 $0x0;
	[sflag:s24] =	ssyncadd.s32 $0xFFFFC000  }
0x8a: {  	[hbm4b:s12+s26] =	stream.linear.scatter [tilespmem:s25], [sflag:$0x7], $0x4000, $0x38;
	[tilespmem:$0x1C400] =	vst v63  }
0x8b: {  	_ =	swait.ge [sflag:s24], $0x4000  }
0x8c: {  	[sflag:s24] =	ssyncset.done $0x0  }
0x8d: {  	[sflag:s24] =	ssyncadd.s32 $0xFFFFC000  }
0x8e: {  	[tilespmem:s25], [sflag:$0x7] =	stream.linear.gather [spmem:s8], $0x4000, $0x38;
	[tilespmem:$0x1C400] =	vst v63  }
0x8f: {  	_ =	swait.ge [sflag:s24], $0x4000  }
0x90: {  	[sflag:s24] =	ssyncset.done $0x0  }
0x91: {  	s28 =	rddreg [dreg:$0x6];
	[sflag:s24] =	ssyncadd.s32 $0xFFFFC000  }
0x92: {  	[hbm4b:s28+s26] =	stream.linear.scatter [tilespmem:s25], [sflag:$0x7], $0x4000, $0x38;
	[tilespmem:$0x1C400] =	vst v63  }
0x93: {  	_ =	swait.ge [sflag:s24], $0x4000  }
0x94: {  	[sflag:s24] =	ssyncset.done $0x0  }
0x95: {  	[sflag:s24] =	ssyncadd.s32 $0xFFFFC000  }
0x96: {  	[tilespmem:s25], [sflag:$0x7] =	stream.linear.gather [spmem:s5], $0x4000, $0x38;
	[tilespmem:$0x1C400] =	vst v63  }
0x97: {  	_ =	swait.ge [sflag:s24], $0x4000  }
0x98: {  	[sflag:s24] =	ssyncset.done $0x0  }
0x99: {  	s29 =	rddreg [dreg:$0x5];
	[sflag:s24] =	ssyncadd.s32 $0xFFFFC000  }
0x9a: {  	[hbm4b:s29+s26] =	stream.linear.scatter [tilespmem:s25], [sflag:$0x7], $0x4000, $0x38;
	[tilespmem:$0x1C400] =	vst v63  }
0x9b: {  	_ =	swait.ge [sflag:s24], $0x4000  }
0x9c: {  	[sflag:s24] =	ssyncset.done $0x0  }
0x9d: {  	[sflag:s24] =	ssyncadd.s32 $0xFFFFC000  }
0x9e: {  	[tilespmem:s25], [sflag:$0x7] =	stream.linear.gather [spmem:s3], $0x4000, $0x38;
	[tilespmem:$0x1C400] =	vst v63  }
0x9f: {  	_ =	swait.ge [sflag:s24], $0x4000  }
0xa0: {  	[sflag:s24] =	ssyncset.done $0x0  }
0xa1: {  	s30 =	rddreg [dreg:$0x4];
	[sflag:s24] =	ssyncadd.s32 $0xFFFFC000  }
0xa2: {  	[hbm4b:s30+s26] =	stream.linear.scatter [tilespmem:s25], [sflag:$0x7], $0x4000, $0x38;
	[tilespmem:$0x1C400] =	vst v63  }
0xa3: {  	_ =	swait.ge [sflag:s24], $0x4000  }
0xa4: {  	[sflag:s24] =	ssyncset.done $0x0  }
0xa5: {  	[sflag:s24] =	ssyncadd.s32 $0xFFFFC000  }
0xa6: {  	[tilespmem:s25], [sflag:$0x7] =	stream.linear.gather [spmem:s2], $0x4000, $0x38;
	[tilespmem:$0x1C400] =	vst v63  }
0xa7: {  	_ =	swait.ge [sflag:s24], $0x4000  }
0xa8: {  	[sflag:s24] =	ssyncset.done $0x0  }
0xa9: {  	s31 =	rddreg [dreg:$0x3];
	[sflag:s24] =	ssyncadd.s32 $0xFFFFC000  }
0xaa: {  	[hbm4b:s31+s26] =	stream.linear.scatter [tilespmem:s25], [sflag:$0x7], $0x4000, $0x38;
	[tilespmem:$0x1C400] =	vst v63  }
0xab: {  	_ =	swait.ge [sflag:s24], $0x4000  }
0xac: {  	[sflag:s24] =	ssyncset.done $0x0  }
0xad: {  	[sflag:s24] =	ssyncadd.s32 $0xFFFFC000  }
0xae: {  	s3 =	rddreg [dreg:$0x2]  }
.LBB2_7:
0xaf: {  	_ =	sfence.sel $0x180000  }
0xb0: {  	[bflag:$0x0] =	sbarrier.arrive $0xFFFF  }
0xb1: {  	p0 =	sne.s32 s1, $0x0;
	_ =	strace $0x9000004D  }
0xb2: {  	s0 =	sadd.s32 @!p0 $0x100000, s3;
	[bflag:$0x2] =	sbarrier.arrive $0xFFFF  }
0xb3: {  	[sflag:s0] =	ssyncadd.tile.s32 @!p0 $0x1;
	_ =	shalt  }
.Lfunc_end2:
_tile_overlayer_lowered:
.L_overlay_start_2:
0xb4: {  	(tag) =	ssettag $0x2  }
0xb5: {  	s0 =	rddreg [dreg:$0x0];
	s2 =	stileid.u32  }
0xb6: {  	s1 =	rddreg [dreg:$0x1];
	p0 =	sne.s32 s2, $0x0  }
0xb7: {  	s3 =	rddreg [dreg:$0x2];
	[bflag:$0x3] =	sbarrier.arrive $0xFFFF;
	s2 =	simm.s32 @!p0 $0x1C07  }
0xb8: {  	[timem:s3], [sflag:s2] =	dma.local @!p0 [hbm:s0], s1  }
0xb9: {  	s0 =	simm.s32 @!p0 $0x7  }
0xba: {  	_ =	swait.ge @!p0 [sflag:s0], s1  }
0xbb: {  	s1 =	ssub.s32 @!p0 $0x0, s1;
	[sflag:s0] =	ssyncset.done @!p0 $0x0  }
0xbc: {  	[sflag:s0] =	ssyncadd.s32 @!p0 s1  }
0xbd: {  	[bflag:$0x3] =	sbarrier.arrive $0xFFFF  }
0xbe: {  	_ =	shalt  }

// kernel: kernel.19.cloned.1.call-start
scs
__scs_entry_jumppad:
0x0: {  	(pc) =	sbr.rel $0x88, $3  }
0x1: {  	(tag) =	ssettag $0x0;
	lr =	simm.s32 $0x1  }
0x2: {  	[smem:$0x3F99] =	sst lr;
	_ =	strace $0xD0000000  }
0x3: {  	_ = 	snop  }
0x4: {  	_ = 	snop  }
0x5: {  	_ = 	snop  }
0x6: {  	_ = 	snop  }
0x7: {  	_ = 	snop  }
__scs_overlays_trampoline_lowered:
0x8: {  	[smem:$0x3FA8] =	sst s0  }
0x9: {  	[smem:$0x3FA9] =	sst s1  }
0xa: {  	[smem:$0x3FAA] =	sst s2  }
0xb: {  	[smem:$0x3FAB] =	sst s3  }
0xc: {  	[smem:$0x3FAC] =	sst s4  }
0xd: {  	[smem:$0x3FAD] =	sst s5  }
0xe: {  	[smem:$0x3FAE] =	sst s6  }
0xf: {  	[smem:$0x3FAF] =	sst s7  }
0x10: {  	[smem:$0x3FB0] =	sst s8  }
0x11: {  	[smem:$0x3FB1] =	sst s9;
	s0 =	simm.s32 @!p0 $0x0  }
0x12: {  	s1 =	sld [smem:$0x3F97];
	s0 =	simm.s32 @p0 $0x1  }
0x13: {  	[smem:$0x3FB2] =	sst s0;
	s0 =	simm.s32 @!p1 $0x0  }
0x14: {  	s2 =	sld [smem:$0x3F96];
	s0 =	simm.s32 @p1 $0x1  }
0x15: {  	[smem:$0x3FB3] =	sst s0;
	s0 =	simm.s32 @!p2 $0x0  }
0x16: {  	s3 =	sld [smem:$0x3FDB];
	s0 =	simm.s32 @p2 $0x1  }
0x17: {  	s4 =	simm.s32 $0x1BF5;
	[smem:$0x3FB5] =	sst s0  }
0x18: {  	s0 =	sld [smem:$0x3F98];
	_ =	swait.ge [sflag:s4], $0x0  }
0x19: {  	s7 =	sld [smem:$0x3F99]  }
0x1a: {  	s8 =	sadd.s32 $0xFFFFE003, lr  }
0x1b: {  	s9 =	sadd.s32 $0xFFFFFEF7, lr;
	s5 =	simm.s32 $0xFFFFFFFF;
	p2 =	slt.u32 s8, $0xFFFFF086  }
0x1c: {  	p1 =	slt.u32 s9, $0xF7A;
	s5 =	simm.s32 @!p2 $0x0  }
0x1d: {  	s5 =	simm.s32 @p1 $0x1;
	p0 =	seq.s32 s7, s2  }
0x1e: {  	s7 =	smul.u32 @!p0 $0xF7A, s2;
	p2 =	seq.s32 @!p0 s5, $0x0  }
0x1f: {  	s9 =	smul.u32 $0xF7A, s1;
	s8 =	simm.s32 @!p0 $0x1BF5;
	p2 =	por !p2, p0  }
0x20: {  	[sflag:s8] =	ssyncset.s32 @!p0 $0xFFFFF086;
	s6 =	sadd.s32 @!p0 s3, s7;
	s7 =	simm.s32 @!p0 $0x108  }
0x21: {  	s3 =	sadd.s32 s3, s9;
	s6 =	sadd.s32 @!p0 $0x88, s6;
	s7 =	simm.s32 @p2 $0x1082  }
0x22: {  	[simem:s7], [sflag:s8] =	dma.local @!p0 [hbm:s6], $0xF7A  }
0x23: {  	s9 =	sor.u32 $0xD0000000, s2;
	s6 =	simm.s32 $0x108;
	_ =	swait.ge @!p0 [sflag:s8], $0x0  }
0x24: {  	s3 =	sadd.s32 $0x88, s3;
	s6 =	simm.s32 @!p1 $0x1082;
	[sflag:s4] =	ssyncset.s32 $0xFFFFF086  }
0x25: {  	[simem:s6], [sflag:s4] =	dma.local [hbm:s3], $0xF7A  }
0x26: {  	[smem:$0x3F99] =	sst s1;
	(tag) =	ssettag s2;
	_ =	strace s9  }
0x27: {  	s1 =	sld [smem:$0x3FA9]  }
0x28: {  	s2 =	sld [smem:$0x3FAA]  }
0x29: {  	s4 =	sld [smem:$0x3FAC]  }
0x2a: {  	p0 =	seq.s32 s5, $0x0;
	s5 =	sld [smem:$0x3FAD]  }
0x2b: {  	s6 =	sld [smem:$0x3FAE]  }
0x2c: {  	s7 =	sld [smem:$0x3FAF]  }
0x2d: {  	s3 =	simm.s32 $0x108;
	s8 =	sld [smem:$0x3FB0]  }
0x2e: {  	s3 =	simm.s32 @!p0 $0x1082;
	s9 =	sld [smem:$0x3FB1]  }
0x2f: {  	lr =	sadd.s32 s0, s3;
	s0 =	sld [smem:$0x3FA8]  }
0x30: {  	s3 =	sld [smem:$0x3FAB]  }
0x31: {  	[smem:$0x3FB4] =	sst s10  }
0x32: {  	s10 =	sld [smem:$0x3FB2];
	_ =	sdelay $0x3  }
0x33: {  	p0 =	seq.s32 s10, $0x1;
	s10 =	sld [smem:$0x3FB4];
	_ =	sdelay $0x3  }
0x34: {  	[smem:$0x3FB4] =	sst s10  }
0x35: {  	s10 =	sld [smem:$0x3FB3];
	_ =	sdelay $0x3  }
0x36: {  	p1 =	seq.s32 s10, $0x1;
	s10 =	sld [smem:$0x3FB4];
	_ =	sdelay $0x3  }
0x37: {  	[smem:$0x3FB4] =	sst s10  }
0x38: {  	s10 =	sld [smem:$0x3FB5]  }
0x39: {  	_ = 	snop;
	(pc) =	sbr.ind lr, $3  }
0x3a: {  	_ = 	snop  }
0x3b: {  	_ = 	snop  }
0x3c: {  	p2 =	seq.s32 s10, $0x1;
	s10 =	sld [smem:$0x3FB4]  }
0x3d: {  	_ =	shalt  }
0x3e: {  	_ =	shalt  }
0x3f: {  	_ =	shalt  }
0x40: {  	_ =	shalt  }
0x41: {  	_ =	shalt  }
0x42: {  	_ =	shalt  }
0x43: {  	_ =	shalt  }
0x44: {  	_ =	shalt  }
0x45: {  	_ =	shalt  }
0x46: {  	_ =	shalt  }
0x47: {  	_ =	shalt  }
0x48: {  	_ =	shalt  }
0x49: {  	_ =	shalt  }
0x4a: {  	_ =	shalt  }
0x4b: {  	_ =	shalt  }
0x4c: {  	_ =	shalt  }
0x4d: {  	_ =	shalt  }
0x4e: {  	_ =	shalt  }
0x4f: {  	_ =	shalt  }
0x50: {  	_ =	shalt  }
0x51: {  	_ =	shalt  }
0x52: {  	_ =	shalt  }
0x53: {  	_ =	shalt  }
0x54: {  	_ =	shalt  }
0x55: {  	_ =	shalt  }
0x56: {  	_ =	shalt  }
0x57: {  	_ =	shalt  }
0x58: {  	_ =	shalt  }
0x59: {  	_ =	shalt  }
0x5a: {  	_ =	shalt  }
0x5b: {  	_ =	shalt  }
0x5c: {  	_ =	shalt  }
0x5d: {  	_ =	shalt  }
0x5e: {  	_ =	shalt  }
0x5f: {  	_ =	shalt  }
0x60: {  	_ =	shalt  }
0x61: {  	_ =	shalt  }
0x62: {  	_ =	shalt  }
0x63: {  	_ =	shalt  }
0x64: {  	_ =	shalt  }
0x65: {  	_ =	shalt  }
0x66: {  	_ =	shalt  }
0x67: {  	_ =	shalt  }
0x68: {  	_ =	shalt  }
0x69: {  	_ =	shalt  }
0x6a: {  	_ =	shalt  }
0x6b: {  	_ =	shalt  }
0x6c: {  	_ =	shalt  }
0x6d: {  	_ =	shalt  }
0x6e: {  	_ =	shalt  }
0x6f: {  	_ =	shalt  }
0x70: {  	_ =	shalt  }
0x71: {  	_ =	shalt  }
0x72: {  	_ =	shalt  }
0x73: {  	_ =	shalt  }
0x74: {  	_ =	shalt  }
0x75: {  	_ =	shalt  }
0x76: {  	_ =	shalt  }
0x77: {  	_ =	shalt  }
0x78: {  	_ =	shalt  }
0x79: {  	_ =	shalt  }
0x7a: {  	_ =	shalt  }
0x7b: {  	_ =	shalt  }
0x7c: {  	_ =	shalt  }
0x7d: {  	_ =	shalt  }
0x7e: {  	_ =	shalt  }
0x7f: {  	_ =	shalt  }
0x80: {  	_ =	shalt  }
0x81: {  	_ =	shalt  }
0x82: {  	_ =	shalt  }
0x83: {  	_ =	shalt  }
0x84: {  	_ =	shalt  }
0x85: {  	_ =	shalt  }
0x86: {  	_ =	shalt  }
0x87: {  	_ =	shalt  }
.Lfunc_end0:
.L_simem_size_0:
called_computation.3_lowered:
.L_overlay_start_0:
0x88: {  	s2 =	sld [smem:$0x3FD9]  }
0x89: {  	s3 =	sld [smem:$0x3FFE];
	_ =	sdelay $0x1  }
0x8a: {  	s1 =	srdreg.scid  }
0x8b: {  	s0 =	sand.u32 $0x1, s1  }
0x8c: {  	s16 =	sshll.u32 s0, $0xA;
	s2 =	sadd.s32 s3, s2  }
0x8d: {  	s2 =	sadd.s32 s2, s16  }
0x8e: {  	[smem:$0x3FC0] =	sst s2  }
0x8f: {  	_ = 	snop  }
0x90: {  	(tm) =	ssettm $0x1  }
0x91: {  	s17 =	sld [smem:$0x3FFB];
	_ =	sdelay $0x3  }
0x92: {  	_ =	strace s17  }
0x93: {  	s2 =	sld [smem:$0x3FFC];
	_ =	sdelay $0x3  }
0x94: {  	_ =	strace s2  }
0x95: {  	s2 =	sld [smem:$0x3FFD];
	_ =	sdelay $0x3  }
0x96: {  	_ =	strace s2  }
0x97: {  	_ =	strace $0x8FFFFFFF  }
0x98: {  	s18 =	sld [smem:$0x3FDB];
	_ =	sdelay $0x1  }
0x99: {  	s19 =	simm.s32 $_scs_section_size  }
0x9a: {  	s4 =	simm.s32 $_size__tile_overlayer_lowered;
	s5 =	simm.s32 $_tile_overlayer_lowered  }
0x9b: {  	s22 =	simm.s32 $0x1BFF;
	s21 =	sshll.u32 s5, $0x1;
	s2 =	sadd.s32 s19, s18  }
0x9c: {  	s6 =	simm.s32 $0x0;
	s20 =	sshll.u32 s4, $0x1;
	s4 =	sadd.s32 s21, s2  }
0x9d: {  	[timem:s6], [sflag:s22] =	dma.local [hbm:s4], s20  }
0x9e: {  	_ =	swait.ge [sflag:s22], s20  }
0x9f: {  	s3 =	ssub.s32 $0x0, s20;
	[sflag:s22] =	ssyncset.done $0x0  }
0xa0: {  	[sflag:s22] =	ssyncadd.s32 s3;
	_ =	sdelay $0x1  }
0xa1: {  	s23 =	simm.s32 $0x1B8B  }
0xa2: {  	_ =	swait.ge [sflag:s23], $0x1  }
0xa3: {  	[sflag:s23] =	ssyncset.done $0x0  }
0xa4: {  	s25 =	simm.s32 $0x1B8E;
	s24 =	sld [smem:$0x3FFE];
	[sflag:s23] =	ssyncadd.s32 $0xFFFFFFFF  }
0xa5: {  	s26 =	simm.s32 $execute0_lowered;
	[smem:$0x3FD2] =	sst s25  }
0xa6: {  	s4 =	sshll.u32 s26, $0x1;
	_ =	strace $0x8000004F;
	[dreg:$0x1] =	wrdreg $0xFFFFFFFF  }
0xa7: {  	s28 =	simm.s32 $_size_execute0_lowered;
	s2 =	sadd.s32 s2, s4;
	[dreg:$0x0] =	wrdreg $0x0  }
0xa8: {  	s4 =	sshll.u32 s28, $0x1;
	[dreg:$0x2] =	wrdreg s2  }
0xa9: {  	[dreg:$0x3] =	wrdreg s4  }
0xaa: {  	[dreg:$0x4] =	wrdreg $0xC0  }
0xab: {  	_ =	task [dreg:s6], $0x5FFFF  }
0xac: {  	[dreg:$0x1] =	wrdreg $0xFFFFFFFF  }
0xad: {  	[dreg:$0x0] =	wrdreg $0x60  }
0xae: {  	[dreg:$0x2] =	wrdreg s24  }
0xaf: {  	[dreg:$0x3] =	wrdreg $0x34000  }
0xb0: {  	[dreg:$0x4] =	wrdreg $0x9  }
0xb1: {  	_ =	task.clear_ibuf [dreg:s6], $0x5FFFF;
	_ =	strace $0x9000004F  }
0xb2: {  	s29 =	simm.s32 $0x9;
	_ =	strace $0x80000051  }
0xb3: {  	_ =	swait.ge [sflag:s29], $0x1  }
0xb4: {  	[sflag:s29] =	ssyncadd.s32 $0xFFFFFFFF  }
0xb5: {  	_ =	strace $0x90000051  }
0xb6: {  	_ =	sfence  }
0xb7: {  	s30 =	sld [smem:$0x0];
	_ =	sdelay $0x2  }
0xb8: {  	s31 =	sshll.u32 s1, $0xD;
	s1 =	sshrl.u32 s1, $0x2  }
0xb9: {  	s3 =	sand.u32 $0x4000, s31;
	s1 =	sadd.s32 s1, s30  }
0xba: {  	s0 =	sor.u32 s3, s0;
	s1 =	sshll.u32 s1, $0x11  }
0xbb: {  	s0 =	sor.u32 s1, s0  }
0xbc: {  	s0 =	sadd.s32 $0x8F2B, s0  }
0xbd: {  	[sflag:s0] =	ssyncadd.remote.s32 $0x1  }
0xbe: {  	_ =	sfence.sel $0xFFFF  }
0xbf: {  	[dreg:$0x0] =	wrdreg $0xFFFFFFFF;
	(pc) =	sbr.abs _section_cstart, $3  }
0xc0: {  	[dreg:$0x1] =	wrdreg $0xFFFFFFFF  }
0xc1: {  	_ =	task.clear_ibuf [dreg:s6], $0x2FFFF;
	_ =	strace $0x9FFFFFFF  }
0xc2: {  	(tm) =	ssettm $0x7FFFFFFF  }
0xc3: {  	_ =	shalt  }
tec
execute0_lowered:
.L_overlay_start_1:
0x0: {  	(tag) =	ssettag $0x1  }
0x1: {  	s1 =	srdreg.scid  }
0x2: {  	s1 =	sand.u32 $0x1, s1  }
0x3: {  	p0 =	seq.s32 s1, $0x1  }
.Ltmp0:
0x4: {  	_ = 	snop;
	(pc) =	sbr.rel @p0 .LBB2_7-.Ltmp0, $4  }
0x5: {  	s0 =	rddreg [dreg:$0x0]  }
0x6: {  	s6 =	rddreg [dreg:$0x1];
	s2 =	simm.s32 $0x0  }
0x7: {  	[smem:$0x7FF] =	sst s2  }
0x8: {  	s3 =	rddreg [dreg:$0x2];
	_ =	strace $0x80000050;
	s1 =	stileid.u32  }
0x9: {  	s4 =	smul.u32 $0x7800, s1  }
0xa: {  	s13 =	sadd.s32 $0x71600, s0;
	s16 =	sadd.s32 $0xD600, s0;
	s14 =	sadd.s32 $0x80600, s0  }
0xb: {  	s20 =	smul.u32 $0x1400, s1;
	s10 =	sadd.s32 s4, s6;
	s7 =	sadd.s32 $0x1800, s4  }
0xc: {  	s9 =	sadd.s32 $0x3000, s4;
	s15 =	sadd.s32 $0x4800, s4;
	s17 =	sadd.s32 $0x6000, s4  }
0xd: {  	s18 =	sadd.s32 s16, s20;
	s11 =	sshrl.u32 s4, $0x3;
	s8 =	sadd.s32 s7, s6  }
0xe: {  	s5 =	sadd.s32 s9, s6;
	s3 =	sadd.s32 s15, s6;
	s2 =	sadd.s32 s17, s6  }
0xf: {  	s19 =	sadd.s32 $0x20, s18;
	s0 =	sadd.s32 $0x40, s18;
	s7 =	sshrl.u32 s7, $0x3  }
0x10: {  	s4 =	sadd.s32 $0x60, s18;
	s15 =	sshrl.u32 s15, $0x3;
	s7 =	sadd.s32 s14, s7  }
0x11: {  	s30 =	sshrl.u32 s17, $0x3;
	s29 =	sadd.s32 s14, s15;
	[dreg:$0x6] =	wrdreg s7  }
0x12: {  	s28 =	sshrl.u32 s9, $0x3;
	s31 =	sadd.s32 s14, s30;
	[dreg:$0x4] =	wrdreg s29  }
0x13: {  	s12 =	sadd.s32 s14, s11;
	s7 =	sadd.s32 s14, s28;
	[dreg:$0x3] =	wrdreg s31  }
0x14: {  	v0 =	vimm.f32 $0.0e+00;
	s15 =	simm.s32 $0x0;
	s14 =	simm.s32 $0xC0;
	[dreg:$0x5] =	wrdreg s7  }
.LBB2_2:
0x15: {  	p0 =	sne.s32 s14, $0x5F40;
	[tilespmem:s15+$0x420] =	vst v0;
	s17 =	smov.u32 s14;
	s14 =	sadd.s32 $0xC0, s14  }
.Ltmp1:
0x16: {  	[tilespmem:s15+$0x400] =	vst v0;
	(pc) =	sbr.rel @p0 .LBB2_2-.Ltmp1, $2  }
0x17: {  	[tilespmem:s15+$0x410] =	vst v0;
	_ =	sdelay $0x2  }
0x18: {  	s15 =	sshra.s32 s17, $0x2  }
0x19: {  	[tilespmem:s15+$0x420] =	vst v0  }
0x1a: {  	[tilespmem:s15+$0x400] =	vst v0  }
0x1b: {  	[tilespmem:s15+$0x410] =	vst v0;
	s14 =	simm.s32 $0x400;
	s15 =	simm.s32 $0x7  }
0x1c: {  	[spmem:s10] =	stream.linear.scatter [tilespmem:s14], [sflag:$0x7], $0x1800, $0x38;
	[tilespmem:$0xAC00] =	vst v63  }
0x1d: {  	_ =	swait.ge [sflag:s15], $0x1800  }
0x1e: {  	[sflag:s15] =	ssyncset.done $0x0  }
0x1f: {  	[sflag:s15] =	ssyncadd.s32 $0xFFFFE800  }
0x20: {  	[spmem:s8] =	stream.linear.scatter [tilespmem:s14], [sflag:$0x7], $0x1800, $0x38;
	[tilespmem:$0xAC00] =	vst v63  }
0x21: {  	_ =	swait.ge [sflag:s15], $0x1800  }
0x22: {  	[sflag:s15] =	ssyncset.done $0x0  }
0x23: {  	[sflag:s15] =	ssyncadd.s32 $0xFFFFE800  }
0x24: {  	[spmem:s5] =	stream.linear.scatter [tilespmem:s14], [sflag:$0x7], $0x1800, $0x38;
	[tilespmem:$0xAC00] =	vst v63  }
0x25: {  	_ =	swait.ge [sflag:s15], $0x1800  }
0x26: {  	[sflag:s15] =	ssyncset.done $0x0  }
0x27: {  	[sflag:s15] =	ssyncadd.s32 $0xFFFFE800  }
0x28: {  	[spmem:s3] =	stream.linear.scatter [tilespmem:s14], [sflag:$0x7], $0x1800, $0x38;
	[tilespmem:$0xAC00] =	vst v63  }
0x29: {  	_ =	swait.ge [sflag:s15], $0x1800  }
0x2a: {  	[sflag:s15] =	ssyncset.done $0x0  }
0x2b: {  	[sflag:s15] =	ssyncadd.s32 $0xFFFFE800  }
0x2c: {  	[spmem:s2] =	stream.linear.scatter [tilespmem:s14], [sflag:$0x7], $0x1800, $0x38;
	[tilespmem:$0xAC00] =	vst v63  }
0x2d: {  	_ =	swait.ge [sflag:s15], $0x1800  }
0x2e: {  	[sflag:s15] =	ssyncset.done $0x0  }
0x2f: {  	[sflag:s15] =	ssyncadd.s32 $0xFFFFE800  }
0x30: {  	s17 =	simm.s32 $0x0;
	[bflag:$0x0] =	sbarrier.arrive $0xFFFF  }
0x31: {  	[tilespmem:s17], [sflag:$0x1] =	stream.linear.gather [hbm4b:s18+s17], $0x100, $0x38;
	[tilespmem:$0xAC00] =	vst v63  }
0x32: {  	s18 =	simm.s32 $0x100  }
0x33: {  	[tilespmem:s18], [sflag:$0x2] =	stream.linear.gather [hbm4b:s19+s17], $0x100, $0x38;
	[tilespmem:$0xAC00] =	vst v63  }
0x34: {  	s19 =	simm.s32 $0x200  }
0x35: {  	[tilespmem:s19], [sflag:$0x3] =	stream.linear.gather [hbm4b:s0+s17], $0x100, $0x38;
	[tilespmem:$0xAC00] =	vst v63  }
0x36: {  	s21 =	simm.s32 $0x300;
	s22 =	simm.s32 $0x1  }
0x37: {  	[tilespmem:s21], [sflag:$0x4] =	stream.linear.gather [hbm4b:s4+s17], $0x100, $0x38;
	[tilespmem:$0xAC00] =	vst v63  }
0x38: {  	s23 =	simm.s32 $0x80;
	s24 =	simm.s32 $0x2;
	_ =	swait.ge [sflag:s22], $0x100  }
0x39: {  	s25 =	simm.s32 $0x1C00;
	s16 =	sadd.s32 s20, s16;
	[sflag:s22] =	ssyncset.done $0x0  }
0x3a: {  	s20 =	simm.s32 $0xFFFFEC80;
	s26 =	simm.s32 $0x5;
	[sflag:s22] =	ssyncadd.s32 $0xFFFFFF00  }
0x3b: {  	[tilespmem:s14], [sflag:$0x5] =	stream.indirect.gather [hbm4b:s13+s23], $0x30, s17, s23, $0xb8;
	[tilespmem:$0xAC00] =	vst v63  }
0x3c: {  	s28 =	simm.s32 $0x3;
	s29 =	simm.s32 $0x6;
	_ =	swait.ge [sflag:s24], $0x100  }
0x3d: {  	s30 =	simm.s32 $0x180;
	s31 =	simm.s32 $0x4;
	[sflag:s24] =	ssyncset.done $0x0  }
0x3e: {  	s0 =	simm.s32 $0x280;
	s4 =	simm.s32 $0x380;
	[sflag:s24] =	ssyncadd.s32 $0xFFFFFF00  }
0x3f: {  	[tilespmem:s25], [sflag:$0x6] =	stream.indirect.gather [hbm4b:s13+s23], $0x30, s18, s23, $0xb8;
	[tilespmem:$0xAC00] =	vst v63  }
.LBB2_4:
0x40: {  	_ =	swait.ge [sflag:s26], $0x1800  }
0x41: {  	[sflag:s26] =	ssyncset.done $0x0  }
0x42: {  	[sflag:s26] =	ssyncadd.s32 $0xFFFFE800  }
0x43: {  	[spmem:s6] =	stream.indirect.scatter.add.f32 [tilespmem:s14], [sflag:$0x7], $0x30, s23, s23, $0xb8;
	[tilespmem:$0xAC00] =	vst v63  }
0x44: {  	p0 =	seq.s32 s20, $0x0;
	_ =	swait.ge [sflag:s15], $0x1800  }
0x45: {  	s7 =	sadd.s32 @!p0 s20, s16;
	[sflag:s15] =	ssyncset.done $0x0  }
0x46: {  	s11 =	simm.s32 @!p0 $0x0;
	s9 =	sadd.s32 @!p0 $0x1400, s7;
	[sflag:s15] =	ssyncadd.s32 $0xFFFFE800  }
0x47: {  	[tilespmem:s11], [sflag:$0x1] =	stream.linear.gather @!p0 [hbm4b:s9+s11], $0x100, $0x38;
	[tilespmem:$0xAC00] =	vst v63  }
0x48: {  	_ =	swait.ge [sflag:s28], $0x100  }
0x49: {  	[sflag:s28] =	ssyncset.done $0x0  }
0x4a: {  	[sflag:s28] =	ssyncadd.s32 $0xFFFFFF00  }
0x4b: {  	[tilespmem:s14], [sflag:$0x5] =	stream.indirect.gather [hbm4b:s13+s23], $0x30, s19, s23, $0xb8;
	[tilespmem:$0xAC00] =	vst v63  }
0x4c: {  	_ =	swait.ge [sflag:s29], $0x1800  }
0x4d: {  	[sflag:s29] =	ssyncset.done $0x0  }
0x4e: {  	[sflag:s29] =	ssyncadd.s32 $0xFFFFE800  }
0x4f: {  	[spmem:s6] =	stream.indirect.scatter.add.f32 [tilespmem:s25], [sflag:$0x7], $0x30, s30, s23, $0xb8;
	[tilespmem:$0xAC00] =	vst v63  }
0x50: {  	_ =	swait.ge [sflag:s15], $0x1800  }
0x51: {  	[sflag:s15] =	ssyncset.done $0x0  }
0x52: {  	s7 =	sadd.s32 @!p0 $0x1420, s7;
	s9 =	simm.s32 @!p0 $0x100;
	[sflag:s15] =	ssyncadd.s32 $0xFFFFE800  }
0x53: {  	[tilespmem:s9], [sflag:$0x2] =	stream.linear.gather @!p0 [hbm4b:s7+s11], $0x100, $0x38;
	[tilespmem:$0xAC00] =	vst v63  }
0x54: {  	_ =	swait.ge [sflag:s31], $0x100  }
0x55: {  	[sflag:s31] =	ssyncset.done $0x0  }
0x56: {  	[sflag:s31] =	ssyncadd.s32 $0xFFFFFF00  }
0x57: {  	[tilespmem:s25], [sflag:$0x6] =	stream.indirect.gather [hbm4b:s13+s23], $0x30, s21, s23, $0xb8;
	[tilespmem:$0xAC00] =	vst v63  }
0x58: {  	_ =	swait.ge [sflag:s26], $0x1800  }
0x59: {  	[sflag:s26] =	ssyncset.done $0x0  }
.Ltmp2:
0x5a: {  	[sflag:s26] =	ssyncadd.s32 $0xFFFFE800;
	(pc) =	sbr.rel @p0 .LBB2_6-.Ltmp2, $4  }
0x5b: {  	[spmem:s6] =	stream.indirect.scatter.add.f32 [tilespmem:s14], [sflag:$0x7], $0x30, s0, s23, $0xb8;
	[tilespmem:$0xAC00] =	vst v63  }
0x5c: {  	_ =	swait.ge [sflag:s15], $0x1800  }
0x5d: {  	[sflag:s15] =	ssyncset.done $0x0  }
0x5e: {  	[sflag:s15] =	ssyncadd.s32 $0xFFFFE800  }
0x5f: {  	s7 =	sadd.s32 s20, s16  }
0x60: {  	s9 =	sadd.s32 $0x1440, s7  }
0x61: {  	[tilespmem:s19], [sflag:$0x3] =	stream.linear.gather [hbm4b:s9+s17], $0x100, $0x38;
	[tilespmem:$0xAC00] =	vst v63  }
0x62: {  	_ =	swait.ge [sflag:s22], $0x100  }
0x63: {  	[sflag:s22] =	ssyncset.done $0x0  }
0x64: {  	[sflag:s22] =	ssyncadd.s32 $0xFFFFFF00  }
0x65: {  	[tilespmem:s14], [sflag:$0x5] =	stream.indirect.gather [hbm4b:s13+s23], $0x30, s17, s23, $0xb8;
	[tilespmem:$0xAC00] =	vst v63  }
0x66: {  	_ =	swait.ge [sflag:s29], $0x1800  }
0x67: {  	[sflag:s29] =	ssyncset.done $0x0  }
0x68: {  	[sflag:s29] =	ssyncadd.s32 $0xFFFFE800  }
0x69: {  	[spmem:s6] =	stream.indirect.scatter.add.f32 [tilespmem:s25], [sflag:$0x7], $0x30, s4, s23, $0xb8;
	[tilespmem:$0xAC00] =	vst v63  }
0x6a: {  	_ =	swait.ge [sflag:s15], $0x1800  }
0x6b: {  	[sflag:s15] =	ssyncset.done $0x0  }
0x6c: {  	s7 =	sadd.s32 $0x1460, s7;
	[sflag:s15] =	ssyncadd.s32 $0xFFFFE800  }
0x6d: {  	[tilespmem:s21], [sflag:$0x4] =	stream.linear.gather [hbm4b:s7+s17], $0x100, $0x38;
	[tilespmem:$0xAC00] =	vst v63  }
.Ltmp3:
0x6e: {  	_ = 	snop;
	(pc) =	sbr.rel .LBB2_4-.Ltmp3, $4  }
0x6f: {  	_ =	swait.ge [sflag:s24], $0x100  }
0x70: {  	[sflag:s24] =	ssyncset.done $0x0  }
0x71: {  	s20 =	sadd.s32 $0x80, s20;
	[sflag:s24] =	ssyncadd.s32 $0xFFFFFF00  }
0x72: {  	[tilespmem:s25], [sflag:$0x6] =	stream.indirect.gather [hbm4b:s13+s23], $0x30, s18, s23, $0xb8;
	[tilespmem:$0xAC00] =	vst v63  }
.LBB2_6:
0x73: {  	s0 =	simm.s32 $0x6  }
0x74: {  	_ =	swait.ge [sflag:s0], $0x1800  }
0x75: {  	s23 =	simm.s32 $0x80;
	s4 =	simm.s32 $0x380;
	[sflag:s0] =	ssyncset.done $0x0  }
0x76: {  	s7 =	simm.s32 $0x1C00;
	s24 =	simm.s32 $0x7;
	[sflag:s0] =	ssyncadd.s32 $0xFFFFE800  }
0x77: {  	[spmem:s6] =	stream.indirect.scatter.add.f32 [tilespmem:s7], [sflag:$0x7], $0x30, s4, s23, $0xb8;
	[tilespmem:$0xAC00] =	vst v63  }
0x78: {  	_ =	swait.ge [sflag:s24], $0x1800  }
0x79: {  	[sflag:s24] =	ssyncset.done $0x0  }
0x7a: {  	[sflag:s24] =	ssyncadd.s32 $0xFFFFE800  }
0x7b: {  	s25 =	simm.s32 $0x400;
	[bflag:$0x0] =	sbarrier.arrive $0xFFFF  }
0x7c: {  	[tilespmem:s25], [sflag:$0x7] =	stream.linear.gather [spmem:s10], $0x1800, $0x38;
	[tilespmem:$0xAC00] =	vst v63  }
0x7d: {  	_ =	swait.ge [sflag:s24], $0x1800  }
0x7e: {  	[sflag:s24] =	ssyncset.done $0x0  }
0x7f: {  	s26 =	simm.s32 $0x0;
	[sflag:s24] =	ssyncadd.s32 $0xFFFFE800  }
0x80: {  	[hbm4b:s12+s26] =	stream.linear.scatter [tilespmem:s25], [sflag:$0x7], $0x1800, $0x38;
	[tilespmem:$0xAC00] =	vst v63  }
0x81: {  	_ =	swait.ge [sflag:s24], $0x1800  }
0x82: {  	[sflag:s24] =	ssyncset.done $0x0  }
0x83: {  	[sflag:s24] =	ssyncadd.s32 $0xFFFFE800  }
0x84: {  	[tilespmem:s25], [sflag:$0x7] =	stream.linear.gather [spmem:s8], $0x1800, $0x38;
	[tilespmem:$0xAC00] =	vst v63  }
0x85: {  	_ =	swait.ge [sflag:s24], $0x1800  }
0x86: {  	[sflag:s24] =	ssyncset.done $0x0  }
0x87: {  	s28 =	rddreg [dreg:$0x6];
	[sflag:s24] =	ssyncadd.s32 $0xFFFFE800  }
0x88: {  	[hbm4b:s28+s26] =	stream.linear.scatter [tilespmem:s25], [sflag:$0x7], $0x1800, $0x38;
	[tilespmem:$0xAC00] =	vst v63  }
0x89: {  	_ =	swait.ge [sflag:s24], $0x1800  }
0x8a: {  	[sflag:s24] =	ssyncset.done $0x0  }
0x8b: {  	[sflag:s24] =	ssyncadd.s32 $0xFFFFE800  }
0x8c: {  	[tilespmem:s25], [sflag:$0x7] =	stream.linear.gather [spmem:s5], $0x1800, $0x38;
	[tilespmem:$0xAC00] =	vst v63  }
0x8d: {  	_ =	swait.ge [sflag:s24], $0x1800  }
0x8e: {  	[sflag:s24] =	ssyncset.done $0x0  }
0x8f: {  	s29 =	rddreg [dreg:$0x5];
	[sflag:s24] =	ssyncadd.s32 $0xFFFFE800  }
0x90: {  	[hbm4b:s29+s26] =	stream.linear.scatter [tilespmem:s25], [sflag:$0x7], $0x1800, $0x38;
	[tilespmem:$0xAC00] =	vst v63  }
0x91: {  	_ =	swait.ge [sflag:s24], $0x1800  }
0x92: {  	[sflag:s24] =	ssyncset.done $0x0  }
0x93: {  	[sflag:s24] =	ssyncadd.s32 $0xFFFFE800  }
0x94: {  	[tilespmem:s25], [sflag:$0x7] =	stream.linear.gather [spmem:s3], $0x1800, $0x38;
	[tilespmem:$0xAC00] =	vst v63  }
0x95: {  	_ =	swait.ge [sflag:s24], $0x1800  }
0x96: {  	[sflag:s24] =	ssyncset.done $0x0  }
0x97: {  	s30 =	rddreg [dreg:$0x4];
	[sflag:s24] =	ssyncadd.s32 $0xFFFFE800  }
0x98: {  	[hbm4b:s30+s26] =	stream.linear.scatter [tilespmem:s25], [sflag:$0x7], $0x1800, $0x38;
	[tilespmem:$0xAC00] =	vst v63  }
0x99: {  	_ =	swait.ge [sflag:s24], $0x1800  }
0x9a: {  	[sflag:s24] =	ssyncset.done $0x0  }
0x9b: {  	[sflag:s24] =	ssyncadd.s32 $0xFFFFE800  }
0x9c: {  	[tilespmem:s25], [sflag:$0x7] =	stream.linear.gather [spmem:s2], $0x1800, $0x38;
	[tilespmem:$0xAC00] =	vst v63  }
0x9d: {  	_ =	swait.ge [sflag:s24], $0x1800  }
0x9e: {  	[sflag:s24] =	ssyncset.done $0x0  }
0x9f: {  	s31 =	rddreg [dreg:$0x3];
	[sflag:s24] =	ssyncadd.s32 $0xFFFFE800  }
0xa0: {  	[hbm4b:s31+s26] =	stream.linear.scatter [tilespmem:s25], [sflag:$0x7], $0x1800, $0x38;
	[tilespmem:$0xAC00] =	vst v63  }
0xa1: {  	_ =	swait.ge [sflag:s24], $0x1800  }
0xa2: {  	[sflag:s24] =	ssyncset.done $0x0  }
0xa3: {  	[sflag:s24] =	ssyncadd.s32 $0xFFFFE800  }
0xa4: {  	s3 =	rddreg [dreg:$0x2]  }
.LBB2_7:
0xa5: {  	_ =	sfence.sel $0x180000  }
0xa6: {  	[bflag:$0x0] =	sbarrier.arrive $0xFFFF  }
0xa7: {  	p0 =	sne.s32 s1, $0x0;
	_ =	strace $0x90000050  }
0xa8: {  	s0 =	sadd.s32 @!p0 $0x100000, s3;
	[bflag:$0x2] =	sbarrier.arrive $0xFFFF  }
0xa9: {  	[sflag:s0] =	ssyncadd.tile.s32 @!p0 $0x1;
	_ =	shalt  }
.Lfunc_end2:
_tile_overlayer_lowered:
.L_overlay_start_2:
0xaa: {  	(tag) =	ssettag $0x2  }
0xab: {  	s0 =	rddreg [dreg:$0x0];
	s2 =	stileid.u32  }
0xac: {  	s1 =	rddreg [dreg:$0x1];
	p0 =	sne.s32 s2, $0x0  }
0xad: {  	s3 =	rddreg [dreg:$0x2];
	[bflag:$0x3] =	sbarrier.arrive $0xFFFF;
	s2 =	simm.s32 @!p0 $0x1C07  }
0xae: {  	[timem:s3], [sflag:s2] =	dma.local @!p0 [hbm:s0], s1  }
0xaf: {  	s0 =	simm.s32 @!p0 $0x7  }
0xb0: {  	_ =	swait.ge @!p0 [sflag:s0], s1  }
0xb1: {  	s1 =	ssub.s32 @!p0 $0x0, s1;
	[sflag:s0] =	ssyncset.done @!p0 $0x0  }
0xb2: {  	[sflag:s0] =	ssyncadd.s32 @!p0 s1  }
0xb3: {  	[bflag:$0x3] =	sbarrier.arrive $0xFFFF  }
0xb4: {  	_ =	shalt  }

</sc_bundles>
